<compile_context>
chip_gen: v7x
topology: tpu7x:2x2x1
jax: 0.10.2.dev20260603
libtpu: 0.0.44.dev20260713+nightly
codegen_flags: <defaults>
</compile_context>

<pallas_src>
import jax
import jax.numpy as jnp
from jax import lax
from jax.experimental import pallas as pl
from jax.experimental.pallas import tpu as pltpu
from jax.experimental.pallas import tpu_sc as plsc

B = 4
N = 4096
NKEEP = 2048
K = 5
D = 64
TILE = 256
KTILE = 512
IDXPAD = 16


def _gravity_body(cin_ref, cout_ref):
    ct = cin_ref[0]
    for _ in range(3):
        s = jnp.sum(ct, axis=1, keepdims=True)
        cen = s / jnp.float32(N)
        d = cen - ct
        d0 = d[0:1, :]
        d1 = d[1:2, :]
        d2c = d[2:3, :]
        sq = (d0 * d0 + d1 * d1) + d2c * d2c
        dist = jnp.sqrt(jnp.maximum(sq, 1e-24))
        d = d / dist
        ct = ct + (0.5 * (dist - 1.0)) * d
    cout_ref[0] = ct


def _gravity_pallas(coordinates):
    cT = jnp.transpose(coordinates, (0, 2, 1))
    outT = pl.pallas_call(
        _gravity_body,
        grid=(B,),
        in_specs=[pl.BlockSpec((1, 3, N), lambda b: (b, 0, 0))],
        out_specs=pl.BlockSpec((1, 3, N), lambda b: (b, 0, 0)),
        out_shape=jax.ShapeDtypeStruct((B, 3, N), jnp.float32),
        compiler_params=pltpu.CompilerParams(
            dimension_semantics=("arbitrary",)),
    )(cT)
    return outT


def _knn_body(xr_ref, xcT_ref, idx_ref):
    b = pl.program_id(0)
    xr = xr_ref[0]
    x0 = xr[:, 0:1]
    x1 = xr[:, 1:2]
    x2 = xr[:, 2:3]
    c0 = xcT_ref[0, 0:1, :]
    c1 = xcT_ref[0, 1:2, :]
    c2 = xcT_ref[0, 2:3, :]
    sqr = (x0 * x0 + x1 * x1) + x2 * x2
    sqc = (c0 * c0 + c1 * c1) + c2 * c2
    dot = jnp.dot(xr[:, 0:3], xcT_ref[0], preferred_element_type=jnp.float32)
    d2 = (sqr + sqc) - 2.0 * dot
    dist = jnp.sqrt(jnp.maximum(d2, 1e-24))
    col = lax.broadcasted_iota(jnp.int32, (KTILE, N), 1)
    d = dist
    for k in range(K):
        m = jnp.min(d, axis=1, keepdims=True)
        ik = jnp.min(jnp.where(d == m, col, N), axis=1, keepdims=True)
        idx_ref[0, :, k : k + 1] = ik + b * N
        if k + 1 < K:
            d = jnp.where(col == ik, jnp.float32(jnp.inf), d)


def _dens_body(n0_ref, n1_ref, n2_ref, n3_ref, n4_ref, dens_ref):
    refs = (n0_ref, n1_ref, n2_ref, n3_ref, n4_ref)
    nbr = []
    for a in range(K):
        t = refs[a][0]
        nbr.append((t[:, 0:1], t[:, 1:2], t[:, 2:3]))
    acc = None
    for a in range(K):
        for bb in range(K):
            dx = nbr[a][0] - nbr[bb][0]
            dy = nbr[a][1] - nbr[bb][1]
            dz = nbr[a][2] - nbr[bb][2]
            s = (dx * dx + dy * dy) + dz * dz
            dm = jnp.sqrt(jnp.maximum(s, 1e-24))
            acc = dm if acc is None else acc + dm
    dens_ref[0, :, 0:1] = acc


def _ngat_sc_body(nbrkT_hbm, crd_hbm, ngat_hbm, nk_v, buf, sem):
    c = lax.axis_index("c")
    s = lax.axis_index("s")
    wid = s * 2 + c
    vper = (B * N) // NW
    base = wid * vper
    for k in range(K):
        pltpu.sync_copy(nbrkT_hbm.at[pl.ds(k * (B * N) + base, vper)],
                        nk_v.at[pl.ds(k * vper, vper)])
    for k in range(K):
        pltpu.async_copy(crd_hbm.at[nk_v.at[pl.ds(k * vper, vper)]],
                         buf, sem).wait()
        pltpu.sync_copy(buf, ngat_hbm.at[pl.ds(k * (B * N) + base, vper)])


def _rank_body(dvec_ref, dall_ref, rank_ref):
    t = pl.program_id(1)
    di = dvec_ref[0, :, 0:1]
    dall = dall_ref[0, 0:1, :]
    col = lax.broadcasted_iota(jnp.int32, (TILE, N), 1)
    row = lax.broadcasted_iota(jnp.int32, (TILE, 1), 0) + t * TILE
    lt = (dall < di).astype(jnp.int32)
    eq = ((dall == di) & (col < row)).astype(jnp.int32)
    rank_ref[0, :, 0:1] = jnp.sum(lt + eq, axis=1, keepdims=True)


def _order_body(rall_ref, idxT_ref, crdT_ref, nbr_ref, pcrd_ref):
    t = pl.program_id(1)
    rall = rall_ref[0, 0:1, :]
    col = lax.broadcasted_iota(jnp.int32, (TILE, N), 1)
    prow = lax.broadcasted_iota(jnp.int32, (TILE, 1), 0) + t * TILE
    oh = rall == prow
    for k in range(K):
        nb = jnp.sum(jnp.where(oh, idxT_ref[0, k : k + 1, :], 0),
                     axis=1, keepdims=True)
        nbr_ref[0, :, k : k + 1] = nb
    for comp in range(3):
        pc = jnp.sum(jnp.where(oh, crdT_ref[0, comp : comp + 1, :], 0.0),
                     axis=1, keepdims=True)
        pcrd_ref[0, :, comp : comp + 1] = pc


NW = 32
PER_W = (B * NKEEP) // NW
CHUNKS = PER_W // 16


def _pool_sc_body(nbrk_hbm, sig_hbm, osig_hbm, nk_v, sbuf, obuf, sem, sem2):
    c = lax.axis_index("c")
    s = lax.axis_index("s")
    wid = s * 2 + c
    base = wid * PER_W
    for k in range(K):
        pltpu.sync_copy(nbrk_hbm.at[pl.ds(k * (B * NKEEP) + base, PER_W)],
                        nk_v.at[pl.ds(k * PER_W, PER_W)])

    def chunk(ci, carry):
        handles = []
        for k in range(K):
            handles.append(pltpu.async_copy(
                sig_hbm.at[nk_v.at[pl.ds(k * PER_W + ci * 16, 16)]],
                sbuf.at[pl.ds(k * 16, 16)], sem2))
        for h in handles:
            h.wait()
        for r in range(16):
            for cc in range(4):
                v = sbuf[r, pl.ds(cc * 16, 16)]
                v = v + sbuf[16 + r, pl.ds(cc * 16, 16)]
                v = v + sbuf[32 + r, pl.ds(cc * 16, 16)]
                v = v + sbuf[48 + r, pl.ds(cc * 16, 16)]
                v = v + sbuf[64 + r, pl.ds(cc * 16, 16)]
                obuf[r, pl.ds(cc * 16, 16)] = v / 5.0
        pltpu.sync_copy(obuf, osig_hbm.at[pl.ds(base + ci * 16, 16)])
        return carry

    lax.fori_loop(0, CHUNKS, chunk, 0)


def kernel(coordinates, signal):
    coordsT = _gravity_pallas(coordinates)
    coords = jnp.transpose(coordsT, (0, 2, 1))

    idx = pl.pallas_call(
        _knn_body,
        grid=(B, N // KTILE),
        in_specs=[
            pl.BlockSpec((1, KTILE, 3), lambda b, t: (b, t, 0)),
            pl.BlockSpec((1, 3, N), lambda b, t: (b, 0, 0)),
        ],
        out_specs=pl.BlockSpec((1, KTILE, IDXPAD), lambda b, t: (b, t, 0)),
        out_shape=jax.ShapeDtypeStruct((B, N, IDXPAD), jnp.int32),
        compiler_params=pltpu.CompilerParams(
            dimension_semantics=("parallel", "arbitrary")),
    )(coords, coordsT)

    nbrkT_all = jnp.transpose(idx[:, :, :K], (2, 0, 1)).reshape(K * B * N)
    crd_pad = jnp.pad(coords.reshape(B * N, 3), ((0, 0), (0, 13)))
    mesh = plsc.VectorSubcoreMesh(core_axis_name="c", subcore_axis_name="s")
    ngat = pl.kernel(
        _ngat_sc_body,
        mesh=mesh,
        out_type=jax.ShapeDtypeStruct((K * B * N, 16), jnp.float32),
        scratch_types=[
            pltpu.VMEM((K * ((B * N) // NW),), jnp.int32),
            pltpu.VMEM(((B * N) // NW, 16), jnp.float32),
            pltpu.SemaphoreType.DMA,
        ],
        compiler_params=pltpu.CompilerParams(use_tc_tiling_on_sc=False),
    )(nbrkT_all, crd_pad)
    ngatk = [ngat[k * B * N:(k + 1) * B * N].reshape(B, N, 16) for k in range(K)]

    dens = pl.pallas_call(
        _dens_body,
        grid=(B, N // TILE),
        in_specs=[pl.BlockSpec((1, TILE, 16), lambda b, t: (b, t, 0))
                  for _ in range(K)],
        out_specs=pl.BlockSpec((1, TILE, 8), lambda b, t: (b, t, 0)),
        out_shape=jax.ShapeDtypeStruct((B, N, 8), jnp.float32),
        compiler_params=pltpu.CompilerParams(
            dimension_semantics=("parallel", "arbitrary")),
    )(*ngatk)

    densT = dens[:, :, 0].reshape(B, 1, N)

    ranks = pl.pallas_call(
        _rank_body,
        grid=(B, N // TILE),
        in_specs=[
            pl.BlockSpec((1, TILE, 8), lambda b, t: (b, t, 0)),
            pl.BlockSpec((1, 1, N), lambda b, t: (b, 0, 0)),
        ],
        out_specs=pl.BlockSpec((1, TILE, 8), lambda b, t: (b, t, 0)),
        out_shape=jax.ShapeDtypeStruct((B, N, 8), jnp.int32),
        compiler_params=pltpu.CompilerParams(
            dimension_semantics=("parallel", "arbitrary")),
    )(dens, densT)

    ranksT = ranks[:, :, 0].reshape(B, 1, N)
    idxT = jnp.transpose(idx, (0, 2, 1))[:, :8, :]

    nbrs, pcrd = pl.pallas_call(
        _order_body,
        grid=(B, NKEEP // TILE),
        in_specs=[
            pl.BlockSpec((1, 1, N), lambda b, t: (b, 0, 0)),
            pl.BlockSpec((1, 8, N), lambda b, t: (b, 0, 0)),
            pl.BlockSpec((1, 3, N), lambda b, t: (b, 0, 0)),
        ],
        out_specs=[
            pl.BlockSpec((1, TILE, 8), lambda b, t: (b, t, 0)),
            pl.BlockSpec((1, TILE, 8), lambda b, t: (b, t, 0)),
        ],
        out_shape=[
            jax.ShapeDtypeStruct((B, NKEEP, 8), jnp.int32),
            jax.ShapeDtypeStruct((B, NKEEP, 8), jnp.float32),
        ],
        compiler_params=pltpu.CompilerParams(
            dimension_semantics=("parallel", "arbitrary")),
    )(ranksT, idxT, coordsT)

    nbrk_flat = jnp.transpose(nbrs[:, :, :K], (2, 0, 1)).reshape(K * B * NKEEP)
    sig_flat = signal.reshape(B * N, D)

    psig = pl.kernel(
        _pool_sc_body,
        mesh=mesh,
        out_type=jax.ShapeDtypeStruct((B * NKEEP, D), jnp.float32),
        scratch_types=[
            pltpu.VMEM((K * PER_W,), jnp.int32),
            pltpu.VMEM((K * 16, D), jnp.float32),
            pltpu.VMEM((16, D), jnp.float32),
            pltpu.SemaphoreType.DMA,
            pltpu.SemaphoreType.DMA,
        ],
        compiler_params=pltpu.CompilerParams(use_tc_tiling_on_sc=False),
    )(nbrk_flat, sig_flat)

    new_signal = psig.reshape(B, NKEEP, D)
    new_coords = pcrd[:, :, :3]
    return new_coords, new_signal

# --- scband reference (transcript-rebuilt; emitter-appended) ---
"""Pipeline reference for scband-gravity-pooling-49675591745656 (READ-ONLY COPY).

The authoritative reference and input builder live on the scoring server;
editing this copy changes nothing except your own understanding.
"""

import jax, jax.numpy as jnp
import numpy as np

N_VERTICES = 2048
ITERATIONS = 3
TIME_SPAN = 1.0
DELTA = 1.0
K_NEIGHBORS = 5


def setup_inputs(seed: int = 0) -> dict:
    key = jax.random.key(seed)
    k1, k2 = jax.random.split(key)
    coordinates = jax.random.normal(k1, (4, 4096, 3), dtype=jnp.float32)
    signal = jax.random.normal(k2, (4, 4096, 64), dtype=jnp.float32)
    return {"coordinates": coordinates, "signal": signal}


def _safe_norm(x, axis=-1):
    sq = jnp.sum(x * x, axis=axis)
    return jnp.sqrt(jnp.maximum(sq, 1e-24))


def gravity(coordinates, t=1.0, delta=1.0):
    centroid = jnp.mean(coordinates, axis=1)
    directions = centroid[:, None, :] - coordinates
    distances = _safe_norm(directions, axis=-1)
    directions = directions / distances[..., None]
    new_coordinates = coordinates + (t * t / 2.0 * (distances - delta))[..., None] * directions
    return new_coordinates


def compute_neighborhood(coordinates, k):
    # full pairwise euclidean distances [N, N] without materializing [N, N, 3]
    sq = jnp.sum(coordinates * coordinates, axis=-1)
    d2 = sq[:, None] + sq[None, :] - 2.0 * (coordinates @ coordinates.T)
    dist = jnp.sqrt(jnp.maximum(d2, 1e-24))
    neg_vals, idx = jax.lax.top_k(-dist, k)  # k nearest (includes self)
    neighborhoods = coordinates[idx]         # [N, k, 3]
    radii = -neg_vals[:, -1]
    return neighborhoods, idx, radii


def compute_distance_matrix(neighborhood):
    diff = neighborhood[:, None, :] - neighborhood[None, :, :]
    return _safe_norm(diff, axis=-1)


def _pool_one(coordinates, signal):
    neighborhoods, neighborhood_indices, radii = compute_neighborhood(coordinates, K_NEIGHBORS)
    distance_matrices = jax.vmap(compute_distance_matrix)(neighborhoods)  # [N, k, k]
    densities = jnp.sum(distance_matrices, axis=(1, 2))
    maintain = jnp.argsort(densities)[:N_VERTICES]
    neighborhood_indices = jnp.take(neighborhood_indices, maintain, axis=0)
    gathered_signal = jnp.take(signal, neighborhood_indices, axis=0)  # [n_vertices, k, d]
    pooled_coords = jnp.take(coordinates, maintain, axis=0)
    pooled_signal = jnp.mean(gathered_signal, axis=1)
    return pooled_coords, pooled_signal


def reference(coordinates, signal):
    for _ in range(ITERATIONS):
        coordinates = gravity(coordinates, t=TIME_SPAN, delta=DELTA)
    new_coords, new_signal = jax.vmap(_pool_one)(coordinates, signal)
    return new_coords, new_signal

if __name__ == "__main__":
    import jax
    _d = setup_inputs()
    print(jax.jit(kernel)(*tuple(_d.values())))

</pallas_src>

<mosaic_0001>
#map = affine_map<(d0, d1) -> (0)>
#map1 = affine_map<(d0, d1) -> (0, 0)>
module attributes {stable_mosaic.version = 14 : i64} {
  func.func @_ngat_sc_body(%arg0: i32, %arg1: i32, %arg2: memref<81920xi32, #tpu.memory_space<hbm>>, %arg3: memref<16384x16xf32, #tpu.memory_space<hbm>>, %arg4: memref<81920x16xf32, #tpu.memory_space<hbm>>, %arg5: memref<2560xi32, #tpu.memory_space<vmem>>, %arg6: memref<512x16xf32, #tpu.memory_space<vmem>>, %arg7: memref<!tpu.dma_semaphore, #tpu.memory_space<semaphore_mem>>) attributes {dimension_semantics = [#tpu.dimension_semantics<core_parallel>, #tpu.dimension_semantics<subcore_parallel>], iteration_bounds = array<i64: 2, 16>, scalar_prefetch = 0 : i64, scratch_operands = 3 : i64, tpu.core_type = #tpu.core_type<sc_vector_subcore>, window_params = [{transform_indices = #map}, {transform_indices = #map1}, {transform_indices = #map1}]} {
    %mul3A = arith.constant 2 : i32
    %mul3A_0 = arith.muli %arg1, %mul3A : i32
    %add3A = arith.addi %mul3A_0, %arg0 : i32
    %mul3A_1 = arith.constant 512 : i32
    %mul3A_2 = arith.muli %add3A, %mul3A_1 : i32
    %add3A_3 = arith.constant 0 : i32
    %add3A_4 = arith.addi %add3A_3, %mul3A_2 : i32
    "tpu.region"() ({
      %run_scoped3A = tpu.sem_alloc : memref<!tpu.dma_semaphore, #tpu.memory_space<semaphore_mem>>
      %dma_start3A_71 = arith.constant 0 : i32
      %dma_start3A_72 = tpu.memref_slice %arg5[%dma_start3A_71] : memref<2560xi32, #tpu.memory_space<vmem>> -> memref<512xi32, #tpu.memory_space<vmem>>
      %dma_start3A_73 = tpu.memref_slice %arg2[%add3A_4] : memref<81920xi32, #tpu.memory_space<hbm>> -> memref<512xi32, #tpu.memory_space<hbm>>
      %dma_start3A_74 = arith.constant 0 : i32
      %dma_start3A_75 = tpu.memref_slice %arg5[%dma_start3A_74] : memref<2560xi32, #tpu.memory_space<vmem>> -> memref<512xi32, #tpu.memory_space<vmem>>
      %dma_start3A_76 = tpu.memref_slice %arg2[%add3A_4] : memref<81920xi32, #tpu.memory_space<hbm>> -> memref<512xi32, #tpu.memory_space<hbm>>
      tpu.enqueue_dma source(%dma_start3A_76 : memref<512xi32, #tpu.memory_space<hbm>>) target(%dma_start3A_75 : memref<512xi32, #tpu.memory_space<vmem>>) target_semaphore(%run_scoped3A : memref<!tpu.dma_semaphore, #tpu.memory_space<semaphore_mem>>)
      %dma_wait3A_77 = arith.constant 0 : i32
      %dma_wait3A_78 = tpu.memref_slice %arg5[%dma_wait3A_77] : memref<2560xi32, #tpu.memory_space<vmem>> -> memref<512xi32, #tpu.memory_space<vmem>>
      %dma_wait3A_79 = tpu.memref_slice %arg2[%add3A_4] : memref<81920xi32, #tpu.memory_space<hbm>> -> memref<512xi32, #tpu.memory_space<hbm>>
      %dma_wait3A_80 = arith.constant 0 : i32
      %dma_wait3A_81 = tpu.memref_slice %arg5[%dma_wait3A_80] : memref<2560xi32, #tpu.memory_space<vmem>> -> memref<512xi32, #tpu.memory_space<vmem>>
      %dma_wait3A_82 = tpu.memref_slice %arg2[%add3A_4] : memref<81920xi32, #tpu.memory_space<hbm>> -> memref<512xi32, #tpu.memory_space<hbm>>
      tpu.wait_dma2 semaphore(%run_scoped3A : memref<!tpu.dma_semaphore, #tpu.memory_space<semaphore_mem>>) src(%dma_wait3A_82 : memref<512xi32, #tpu.memory_space<hbm>>) dst(%dma_wait3A_81 : memref<512xi32, #tpu.memory_space<vmem>>)
      tpu.yield
    }) : () -> ()
    %add3A_5 = arith.constant 16384 : i32
    %add3A_6 = arith.addi %add3A_5, %mul3A_2 : i32
    "tpu.region"() ({
      %run_scoped3A = tpu.sem_alloc : memref<!tpu.dma_semaphore, #tpu.memory_space<semaphore_mem>>
      %dma_start3A_71 = arith.constant 512 : i32
      %dma_start3A_72 = tpu.memref_slice %arg5[%dma_start3A_71] : memref<2560xi32, #tpu.memory_space<vmem>> -> memref<512xi32, #tpu.memory_space<vmem>>
      %dma_start3A_73 = tpu.memref_slice %arg2[%add3A_6] : memref<81920xi32, #tpu.memory_space<hbm>> -> memref<512xi32, #tpu.memory_space<hbm>>
      %dma_start3A_74 = arith.constant 512 : i32
      %dma_start3A_75 = tpu.memref_slice %arg5[%dma_start3A_74] : memref<2560xi32, #tpu.memory_space<vmem>> -> memref<512xi32, #tpu.memory_space<vmem>>
      %dma_start3A_76 = tpu.memref_slice %arg2[%add3A_6] : memref<81920xi32, #tpu.memory_space<hbm>> -> memref<512xi32, #tpu.memory_space<hbm>>
      tpu.enqueue_dma source(%dma_start3A_76 : memref<512xi32, #tpu.memory_space<hbm>>) target(%dma_start3A_75 : memref<512xi32, #tpu.memory_space<vmem>>) target_semaphore(%run_scoped3A : memref<!tpu.dma_semaphore, #tpu.memory_space<semaphore_mem>>)
      %dma_wait3A_77 = arith.constant 512 : i32
      %dma_wait3A_78 = tpu.memref_slice %arg5[%dma_wait3A_77] : memref<2560xi32, #tpu.memory_space<vmem>> -> memref<512xi32, #tpu.memory_space<vmem>>
      %dma_wait3A_79 = tpu.memref_slice %arg2[%add3A_6] : memref<81920xi32, #tpu.memory_space<hbm>> -> memref<512xi32, #tpu.memory_space<hbm>>
      %dma_wait3A_80 = arith.constant 512 : i32
      %dma_wait3A_81 = tpu.memref_slice %arg5[%dma_wait3A_80] : memref<2560xi32, #tpu.memory_space<vmem>> -> memref<512xi32, #tpu.memory_space<vmem>>
      %dma_wait3A_82 = tpu.memref_slice %arg2[%add3A_6] : memref<81920xi32, #tpu.memory_space<hbm>> -> memref<512xi32, #tpu.memory_space<hbm>>
      tpu.wait_dma2 semaphore(%run_scoped3A : memref<!tpu.dma_semaphore, #tpu.memory_space<semaphore_mem>>) src(%dma_wait3A_82 : memref<512xi32, #tpu.memory_space<hbm>>) dst(%dma_wait3A_81 : memref<512xi32, #tpu.memory_space<vmem>>)
      tpu.yield
    }) : () -> ()
    %add3A_7 = arith.constant 32768 : i32
    %add3A_8 = arith.addi %add3A_7, %mul3A_2 : i32
    "tpu.region"() ({
      %run_scoped3A = tpu.sem_alloc : memref<!tpu.dma_semaphore, #tpu.memory_space<semaphore_mem>>
      %dma_start3A_71 = arith.constant 1024 : i32
      %dma_start3A_72 = tpu.memref_slice %arg5[%dma_start3A_71] : memref<2560xi32, #tpu.memory_space<vmem>> -> memref<512xi32, #tpu.memory_space<vmem>>
      %dma_start3A_73 = tpu.memref_slice %arg2[%add3A_8] : memref<81920xi32, #tpu.memory_space<hbm>> -> memref<512xi32, #tpu.memory_space<hbm>>
      %dma_start3A_74 = arith.constant 1024 : i32
      %dma_start3A_75 = tpu.memref_slice %arg5[%dma_start3A_74] : memref<2560xi32, #tpu.memory_space<vmem>> -> memref<512xi32, #tpu.memory_space<vmem>>
      %dma_start3A_76 = tpu.memref_slice %arg2[%add3A_8] : memref<81920xi32, #tpu.memory_space<hbm>> -> memref<512xi32, #tpu.memory_space<hbm>>
      tpu.enqueue_dma source(%dma_start3A_76 : memref<512xi32, #tpu.memory_space<hbm>>) target(%dma_start3A_75 : memref<512xi32, #tpu.memory_space<vmem>>) target_semaphore(%run_scoped3A : memref<!tpu.dma_semaphore, #tpu.memory_space<semaphore_mem>>)
      %dma_wait3A_77 = arith.constant 1024 : i32
      %dma_wait3A_78 = tpu.memref_slice %arg5[%dma_wait3A_77] : memref<2560xi32, #tpu.memory_space<vmem>> -> memref<512xi32, #tpu.memory_space<vmem>>
      %dma_wait3A_79 = tpu.memref_slice %arg2[%add3A_8] : memref<81920xi32, #tpu.memory_space<hbm>> -> memref<512xi32, #tpu.memory_space<hbm>>
      %dma_wait3A_80 = arith.constant 1024 : i32
      %dma_wait3A_81 = tpu.memref_slice %arg5[%dma_wait3A_80] : memref<2560xi32, #tpu.memory_space<vmem>> -> memref<512xi32, #tpu.memory_space<vmem>>
      %dma_wait3A_82 = tpu.memref_slice %arg2[%add3A_8] : memref<81920xi32, #tpu.memory_space<hbm>> -> memref<512xi32, #tpu.memory_space<hbm>>
      tpu.wait_dma2 semaphore(%run_scoped3A : memref<!tpu.dma_semaphore, #tpu.memory_space<semaphore_mem>>) src(%dma_wait3A_82 : memref<512xi32, #tpu.memory_space<hbm>>) dst(%dma_wait3A_81 : memref<512xi32, #tpu.memory_space<vmem>>)
      tpu.yield
    }) : () -> ()
    %add3A_9 = arith.constant 49152 : i32
    %add3A_10 = arith.addi %add3A_9, %mul3A_2 : i32
    "tpu.region"() ({
      %run_scoped3A = tpu.sem_alloc : memref<!tpu.dma_semaphore, #tpu.memory_space<semaphore_mem>>
      %dma_start3A_71 = arith.constant 1536 : i32
      %dma_start3A_72 = tpu.memref_slice %arg5[%dma_start3A_71] : memref<2560xi32, #tpu.memory_space<vmem>> -> memref<512xi32, #tpu.memory_space<vmem>>
      %dma_start3A_73 = tpu.memref_slice %arg2[%add3A_10] : memref<81920xi32, #tpu.memory_space<hbm>> -> memref<512xi32, #tpu.memory_space<hbm>>
      %dma_start3A_74 = arith.constant 1536 : i32
      %dma_start3A_75 = tpu.memref_slice %arg5[%dma_start3A_74] : memref<2560xi32, #tpu.memory_space<vmem>> -> memref<512xi32, #tpu.memory_space<vmem>>
      %dma_start3A_76 = tpu.memref_slice %arg2[%add3A_10] : memref<81920xi32, #tpu.memory_space<hbm>> -> memref<512xi32, #tpu.memory_space<hbm>>
      tpu.enqueue_dma source(%dma_start3A_76 : memref<512xi32, #tpu.memory_space<hbm>>) target(%dma_start3A_75 : memref<512xi32, #tpu.memory_space<vmem>>) target_semaphore(%run_scoped3A : memref<!tpu.dma_semaphore, #tpu.memory_space<semaphore_mem>>)
      %dma_wait3A_77 = arith.constant 1536 : i32
      %dma_wait3A_78 = tpu.memref_slice %arg5[%dma_wait3A_77] : memref<2560xi32, #tpu.memory_space<vmem>> -> memref<512xi32, #tpu.memory_space<vmem>>
      %dma_wait3A_79 = tpu.memref_slice %arg2[%add3A_10] : memref<81920xi32, #tpu.memory_space<hbm>> -> memref<512xi32, #tpu.memory_space<hbm>>
      %dma_wait3A_80 = arith.constant 1536 : i32
      %dma_wait3A_81 = tpu.memref_slice %arg5[%dma_wait3A_80] : memref<2560xi32, #tpu.memory_space<vmem>> -> memref<512xi32, #tpu.memory_space<vmem>>
      %dma_wait3A_82 = tpu.memref_slice %arg2[%add3A_10] : memref<81920xi32, #tpu.memory_space<hbm>> -> memref<512xi32, #tpu.memory_space<hbm>>
      tpu.wait_dma2 semaphore(%run_scoped3A : memref<!tpu.dma_semaphore, #tpu.memory_space<semaphore_mem>>) src(%dma_wait3A_82 : memref<512xi32, #tpu.memory_space<hbm>>) dst(%dma_wait3A_81 : memref<512xi32, #tpu.memory_space<vmem>>)
      tpu.yield
    }) : () -> ()
    %add3A_11 = arith.constant 65536 : i32
    %add3A_12 = arith.addi %add3A_11, %mul3A_2 : i32
    "tpu.region"() ({
      %run_scoped3A = tpu.sem_alloc : memref<!tpu.dma_semaphore, #tpu.memory_space<semaphore_mem>>
      %dma_start3A_71 = arith.constant 2048 : i32
      %dma_start3A_72 = tpu.memref_slice %arg5[%dma_start3A_71] : memref<2560xi32, #tpu.memory_space<vmem>> -> memref<512xi32, #tpu.memory_space<vmem>>
      %dma_start3A_73 = tpu.memref_slice %arg2[%add3A_12] : memref<81920xi32, #tpu.memory_space<hbm>> -> memref<512xi32, #tpu.memory_space<hbm>>
      %dma_start3A_74 = arith.constant 2048 : i32
      %dma_start3A_75 = tpu.memref_slice %arg5[%dma_start3A_74] : memref<2560xi32, #tpu.memory_space<vmem>> -> memref<512xi32, #tpu.memory_space<vmem>>
      %dma_start3A_76 = tpu.memref_slice %arg2[%add3A_12] : memref<81920xi32, #tpu.memory_space<hbm>> -> memref<512xi32, #tpu.memory_space<hbm>>
      tpu.enqueue_dma source(%dma_start3A_76 : memref<512xi32, #tpu.memory_space<hbm>>) target(%dma_start3A_75 : memref<512xi32, #tpu.memory_space<vmem>>) target_semaphore(%run_scoped3A : memref<!tpu.dma_semaphore, #tpu.memory_space<semaphore_mem>>)
      %dma_wait3A_77 = arith.constant 2048 : i32
      %dma_wait3A_78 = tpu.memref_slice %arg5[%dma_wait3A_77] : memref<2560xi32, #tpu.memory_space<vmem>> -> memref<512xi32, #tpu.memory_space<vmem>>
      %dma_wait3A_79 = tpu.memref_slice %arg2[%add3A_12] : memref<81920xi32, #tpu.memory_space<hbm>> -> memref<512xi32, #tpu.memory_space<hbm>>
      %dma_wait3A_80 = arith.constant 2048 : i32
      %dma_wait3A_81 = tpu.memref_slice %arg5[%dma_wait3A_80] : memref<2560xi32, #tpu.memory_space<vmem>> -> memref<512xi32, #tpu.memory_space<vmem>>
      %dma_wait3A_82 = tpu.memref_slice %arg2[%add3A_12] : memref<81920xi32, #tpu.memory_space<hbm>> -> memref<512xi32, #tpu.memory_space<hbm>>
      tpu.wait_dma2 semaphore(%run_scoped3A : memref<!tpu.dma_semaphore, #tpu.memory_space<semaphore_mem>>) src(%dma_wait3A_82 : memref<512xi32, #tpu.memory_space<hbm>>) dst(%dma_wait3A_81 : memref<512xi32, #tpu.memory_space<vmem>>)
      tpu.yield
    }) : () -> ()
    %dma_start3A = arith.constant 0 : i32
    %dma_start3A_13 = tpu.memref_slice %arg5[%dma_start3A] : memref<2560xi32, #tpu.memory_space<vmem>> -> memref<512xi32, #tpu.memory_space<vmem>>
    %dma_start3A_14 = arith.constant 0 : i32
    %dma_start3A_15 = arith.constant 0 : i32
    %dma_start3A_16 = tpu.memref_slice %arg3[%dma_start3A_14, %dma_start3A_15] : memref<16384x16xf32, #tpu.memory_space<hbm>> -> memref<16384x16xf32, #tpu.memory_space<hbm>>
    tpu.enqueue_indirect_dma source(%dma_start3A_16 : memref<16384x16xf32, #tpu.memory_space<hbm>>) target(%arg6 : memref<512x16xf32, #tpu.memory_space<vmem>>) offsets(%dma_start3A_13 : memref<512xi32, #tpu.memory_space<vmem>>) semaphore(%arg7 : memref<!tpu.dma_semaphore, #tpu.memory_space<semaphore_mem>>)
    %dma_wait3A = arith.constant 0 : i32
    %dma_wait3A_17 = tpu.memref_slice %arg5[%dma_wait3A] : memref<2560xi32, #tpu.memory_space<vmem>> -> memref<512xi32, #tpu.memory_space<vmem>>
    %dma_wait3A_18 = arith.constant 0 : i32
    %dma_wait3A_19 = arith.constant 0 : i32
    %dma_wait3A_20 = tpu.memref_slice %arg3[%dma_wait3A_18, %dma_wait3A_19] : memref<16384x16xf32, #tpu.memory_space<hbm>> -> memref<16384x16xf32, #tpu.memory_space<hbm>>
    tpu.wait_indirect_dma semaphore(%arg7 : memref<!tpu.dma_semaphore, #tpu.memory_space<semaphore_mem>>) src(%dma_wait3A_20 : memref<16384x16xf32, #tpu.memory_space<hbm>>) dst(%arg6 : memref<512x16xf32, #tpu.memory_space<vmem>>)
    %add3A_21 = arith.constant 0 : i32
    %add3A_22 = arith.addi %add3A_21, %mul3A_2 : i32
    "tpu.region"() ({
      %run_scoped3A = tpu.sem_alloc : memref<!tpu.dma_semaphore, #tpu.memory_space<semaphore_mem>>
      %dma_start3A_71 = arith.constant 0 : i32
      %dma_start3A_72 = tpu.memref_slice %arg4[%add3A_22, %dma_start3A_71] : memref<81920x16xf32, #tpu.memory_space<hbm>> -> memref<512x16xf32, #tpu.memory_space<hbm>>
      %dma_start3A_73 = arith.constant 0 : i32
      %dma_start3A_74 = tpu.memref_slice %arg4[%add3A_22, %dma_start3A_73] : memref<81920x16xf32, #tpu.memory_space<hbm>> -> memref<512x16xf32, #tpu.memory_space<hbm>>
      tpu.enqueue_dma source(%arg6 : memref<512x16xf32, #tpu.memory_space<vmem>>) target(%dma_start3A_74 : memref<512x16xf32, #tpu.memory_space<hbm>>) target_semaphore(%run_scoped3A : memref<!tpu.dma_semaphore, #tpu.memory_space<semaphore_mem>>)
      %dma_wait3A_75 = arith.constant 0 : i32
      %dma_wait3A_76 = tpu.memref_slice %arg4[%add3A_22, %dma_wait3A_75] : memref<81920x16xf32, #tpu.memory_space<hbm>> -> memref<512x16xf32, #tpu.memory_space<hbm>>
      %dma_wait3A_77 = arith.constant 0 : i32
      %dma_wait3A_78 = tpu.memref_slice %arg4[%add3A_22, %dma_wait3A_77] : memref<81920x16xf32, #tpu.memory_space<hbm>> -> memref<512x16xf32, #tpu.memory_space<hbm>>
      tpu.wait_dma2 semaphore(%run_scoped3A : memref<!tpu.dma_semaphore, #tpu.memory_space<semaphore_mem>>) src(%arg6 : memref<512x16xf32, #tpu.memory_space<vmem>>) dst(%dma_wait3A_78 : memref<512x16xf32, #tpu.memory_space<hbm>>)
      tpu.yield
    }) : () -> ()
    %dma_start3A_23 = arith.constant 512 : i32
    %dma_start3A_24 = tpu.memref_slice %arg5[%dma_start3A_23] : memref<2560xi32, #tpu.memory_space<vmem>> -> memref<512xi32, #tpu.memory_space<vmem>>
    %dma_start3A_25 = arith.constant 0 : i32
    %dma_start3A_26 = arith.constant 0 : i32
    %dma_start3A_27 = tpu.memref_slice %arg3[%dma_start3A_25, %dma_start3A_26] : memref<16384x16xf32, #tpu.memory_space<hbm>> -> memref<16384x16xf32, #tpu.memory_space<hbm>>
    tpu.enqueue_indirect_dma source(%dma_start3A_27 : memref<16384x16xf32, #tpu.memory_space<hbm>>) target(%arg6 : memref<512x16xf32, #tpu.memory_space<vmem>>) offsets(%dma_start3A_24 : memref<512xi32, #tpu.memory_space<vmem>>) semaphore(%arg7 : memref<!tpu.dma_semaphore, #tpu.memory_space<semaphore_mem>>)
    %dma_wait3A_28 = arith.constant 512 : i32
    %dma_wait3A_29 = tpu.memref_slice %arg5[%dma_wait3A_28] : memref<2560xi32, #tpu.memory_space<vmem>> -> memref<512xi32, #tpu.memory_space<vmem>>
    %dma_wait3A_30 = arith.constant 0 : i32
    %dma_wait3A_31 = arith.constant 0 : i32
    %dma_wait3A_32 = tpu.memref_slice %arg3[%dma_wait3A_30, %dma_wait3A_31] : memref<16384x16xf32, #tpu.memory_space<hbm>> -> memref<16384x16xf32, #tpu.memory_space<hbm>>
    tpu.wait_indirect_dma semaphore(%arg7 : memref<!tpu.dma_semaphore, #tpu.memory_space<semaphore_mem>>) src(%dma_wait3A_32 : memref<16384x16xf32, #tpu.memory_space<hbm>>) dst(%arg6 : memref<512x16xf32, #tpu.memory_space<vmem>>)
    %add3A_33 = arith.constant 16384 : i32
    %add3A_34 = arith.addi %add3A_33, %mul3A_2 : i32
    "tpu.region"() ({
      %run_scoped3A = tpu.sem_alloc : memref<!tpu.dma_semaphore, #tpu.memory_space<semaphore_mem>>
      %dma_start3A_71 = arith.constant 0 : i32
      %dma_start3A_72 = tpu.memref_slice %arg4[%add3A_34, %dma_start3A_71] : memref<81920x16xf32, #tpu.memory_space<hbm>> -> memref<512x16xf32, #tpu.memory_space<hbm>>
      %dma_start3A_73 = arith.constant 0 : i32
      %dma_start3A_74 = tpu.memref_slice %arg4[%add3A_34, %dma_start3A_73] : memref<81920x16xf32, #tpu.memory_space<hbm>> -> memref<512x16xf32, #tpu.memory_space<hbm>>
      tpu.enqueue_dma source(%arg6 : memref<512x16xf32, #tpu.memory_space<vmem>>) target(%dma_start3A_74 : memref<512x16xf32, #tpu.memory_space<hbm>>) target_semaphore(%run_scoped3A : memref<!tpu.dma_semaphore, #tpu.memory_space<semaphore_mem>>)
      %dma_wait3A_75 = arith.constant 0 : i32
      %dma_wait3A_76 = tpu.memref_slice %arg4[%add3A_34, %dma_wait3A_75] : memref<81920x16xf32, #tpu.memory_space<hbm>> -> memref<512x16xf32, #tpu.memory_space<hbm>>
      %dma_wait3A_77 = arith.constant 0 : i32
      %dma_wait3A_78 = tpu.memref_slice %arg4[%add3A_34, %dma_wait3A_77] : memref<81920x16xf32, #tpu.memory_space<hbm>> -> memref<512x16xf32, #tpu.memory_space<hbm>>
      tpu.wait_dma2 semaphore(%run_scoped3A : memref<!tpu.dma_semaphore, #tpu.memory_space<semaphore_mem>>) src(%arg6 : memref<512x16xf32, #tpu.memory_space<vmem>>) dst(%dma_wait3A_78 : memref<512x16xf32, #tpu.memory_space<hbm>>)
      tpu.yield
    }) : () -> ()
    %dma_start3A_35 = arith.constant 1024 : i32
    %dma_start3A_36 = tpu.memref_slice %arg5[%dma_start3A_35] : memref<2560xi32, #tpu.memory_space<vmem>> -> memref<512xi32, #tpu.memory_space<vmem>>
    %dma_start3A_37 = arith.constant 0 : i32
    %dma_start3A_38 = arith.constant 0 : i32
    %dma_start3A_39 = tpu.memref_slice %arg3[%dma_start3A_37, %dma_start3A_38] : memref<16384x16xf32, #tpu.memory_space<hbm>> -> memref<16384x16xf32, #tpu.memory_space<hbm>>
    tpu.enqueue_indirect_dma source(%dma_start3A_39 : memref<16384x16xf32, #tpu.memory_space<hbm>>) target(%arg6 : memref<512x16xf32, #tpu.memory_space<vmem>>) offsets(%dma_start3A_36 : memref<512xi32, #tpu.memory_space<vmem>>) semaphore(%arg7 : memref<!tpu.dma_semaphore, #tpu.memory_space<semaphore_mem>>)
    %dma_wait3A_40 = arith.constant 1024 : i32
    %dma_wait3A_41 = tpu.memref_slice %arg5[%dma_wait3A_40] : memref<2560xi32, #tpu.memory_space<vmem>> -> memref<512xi32, #tpu.memory_space<vmem>>
    %dma_wait3A_42 = arith.constant 0 : i32
    %dma_wait3A_43 = arith.constant 0 : i32
    %dma_wait3A_44 = tpu.memref_slice %arg3[%dma_wait3A_42, %dma_wait3A_43] : memref<16384x16xf32, #tpu.memory_space<hbm>> -> memref<16384x16xf32, #tpu.memory_space<hbm>>
    tpu.wait_indirect_dma semaphore(%arg7 : memref<!tpu.dma_semaphore, #tpu.memory_space<semaphore_mem>>) src(%dma_wait3A_44 : memref<16384x16xf32, #tpu.memory_space<hbm>>) dst(%arg6 : memref<512x16xf32, #tpu.memory_space<vmem>>)
    %add3A_45 = arith.constant 32768 : i32
    %add3A_46 = arith.addi %add3A_45, %mul3A_2 : i32
    "tpu.region"() ({
      %run_scoped3A = tpu.sem_alloc : memref<!tpu.dma_semaphore, #tpu.memory_space<semaphore_mem>>
      %dma_start3A_71 = arith.constant 0 : i32
      %dma_start3A_72 = tpu.memref_slice %arg4[%add3A_46, %dma_start3A_71] : memref<81920x16xf32, #tpu.memory_space<hbm>> -> memref<512x16xf32, #tpu.memory_space<hbm>>
      %dma_start3A_73 = arith.constant 0 : i32
      %dma_start3A_74 = tpu.memref_slice %arg4[%add3A_46, %dma_start3A_73] : memref<81920x16xf32, #tpu.memory_space<hbm>> -> memref<512x16xf32, #tpu.memory_space<hbm>>
      tpu.enqueue_dma source(%arg6 : memref<512x16xf32, #tpu.memory_space<vmem>>) target(%dma_start3A_74 : memref<512x16xf32, #tpu.memory_space<hbm>>) target_semaphore(%run_scoped3A : memref<!tpu.dma_semaphore, #tpu.memory_space<semaphore_mem>>)
      %dma_wait3A_75 = arith.constant 0 : i32
      %dma_wait3A_76 = tpu.memref_slice %arg4[%add3A_46, %dma_wait3A_75] : memref<81920x16xf32, #tpu.memory_space<hbm>> -> memref<512x16xf32, #tpu.memory_space<hbm>>
      %dma_wait3A_77 = arith.constant 0 : i32
      %dma_wait3A_78 = tpu.memref_slice %arg4[%add3A_46, %dma_wait3A_77] : memref<81920x16xf32, #tpu.memory_space<hbm>> -> memref<512x16xf32, #tpu.memory_space<hbm>>
      tpu.wait_dma2 semaphore(%run_scoped3A : memref<!tpu.dma_semaphore, #tpu.memory_space<semaphore_mem>>) src(%arg6 : memref<512x16xf32, #tpu.memory_space<vmem>>) dst(%dma_wait3A_78 : memref<512x16xf32, #tpu.memory_space<hbm>>)
      tpu.yield
    }) : () -> ()
    %dma_start3A_47 = arith.constant 1536 : i32
    %dma_start3A_48 = tpu.memref_slice %arg5[%dma_start3A_47] : memref<2560xi32, #tpu.memory_space<vmem>> -> memref<512xi32, #tpu.memory_space<vmem>>
    %dma_start3A_49 = arith.constant 0 : i32
    %dma_start3A_50 = arith.constant 0 : i32
    %dma_start3A_51 = tpu.memref_slice %arg3[%dma_start3A_49, %dma_start3A_50] : memref<16384x16xf32, #tpu.memory_space<hbm>> -> memref<16384x16xf32, #tpu.memory_space<hbm>>
    tpu.enqueue_indirect_dma source(%dma_start3A_51 : memref<16384x16xf32, #tpu.memory_space<hbm>>) target(%arg6 : memref<512x16xf32, #tpu.memory_space<vmem>>) offsets(%dma_start3A_48 : memref<512xi32, #tpu.memory_space<vmem>>) semaphore(%arg7 : memref<!tpu.dma_semaphore, #tpu.memory_space<semaphore_mem>>)
    %dma_wait3A_52 = arith.constant 1536 : i32
    %dma_wait3A_53 = tpu.memref_slice %arg5[%dma_wait3A_52] : memref<2560xi32, #tpu.memory_space<vmem>> -> memref<512xi32, #tpu.memory_space<vmem>>
    %dma_wait3A_54 = arith.constant 0 : i32
    %dma_wait3A_55 = arith.constant 0 : i32
    %dma_wait3A_56 = tpu.memref_slice %arg3[%dma_wait3A_54, %dma_wait3A_55] : memref<16384x16xf32, #tpu.memory_space<hbm>> -> memref<16384x16xf32, #tpu.memory_space<hbm>>
    tpu.wait_indirect_dma semaphore(%arg7 : memref<!tpu.dma_semaphore, #tpu.memory_space<semaphore_mem>>) src(%dma_wait3A_56 : memref<16384x16xf32, #tpu.memory_space<hbm>>) dst(%arg6 : memref<512x16xf32, #tpu.memory_space<vmem>>)
    %add3A_57 = arith.constant 49152 : i32
    %add3A_58 = arith.addi %add3A_57, %mul3A_2 : i32
    "tpu.region"() ({
      %run_scoped3A = tpu.sem_alloc : memref<!tpu.dma_semaphore, #tpu.memory_space<semaphore_mem>>
      %dma_start3A_71 = arith.constant 0 : i32
      %dma_start3A_72 = tpu.memref_slice %arg4[%add3A_58, %dma_start3A_71] : memref<81920x16xf32, #tpu.memory_space<hbm>> -> memref<512x16xf32, #tpu.memory_space<hbm>>
      %dma_start3A_73 = arith.constant 0 : i32
      %dma_start3A_74 = tpu.memref_slice %arg4[%add3A_58, %dma_start3A_73] : memref<81920x16xf32, #tpu.memory_space<hbm>> -> memref<512x16xf32, #tpu.memory_space<hbm>>
      tpu.enqueue_dma source(%arg6 : memref<512x16xf32, #tpu.memory_space<vmem>>) target(%dma_start3A_74 : memref<512x16xf32, #tpu.memory_space<hbm>>) target_semaphore(%run_scoped3A : memref<!tpu.dma_semaphore, #tpu.memory_space<semaphore_mem>>)
      %dma_wait3A_75 = arith.constant 0 : i32
      %dma_wait3A_76 = tpu.memref_slice %arg4[%add3A_58, %dma_wait3A_75] : memref<81920x16xf32, #tpu.memory_space<hbm>> -> memref<512x16xf32, #tpu.memory_space<hbm>>
      %dma_wait3A_77 = arith.constant 0 : i32
      %dma_wait3A_78 = tpu.memref_slice %arg4[%add3A_58, %dma_wait3A_77] : memref<81920x16xf32, #tpu.memory_space<hbm>> -> memref<512x16xf32, #tpu.memory_space<hbm>>
      tpu.wait_dma2 semaphore(%run_scoped3A : memref<!tpu.dma_semaphore, #tpu.memory_space<semaphore_mem>>) src(%arg6 : memref<512x16xf32, #tpu.memory_space<vmem>>) dst(%dma_wait3A_78 : memref<512x16xf32, #tpu.memory_space<hbm>>)
      tpu.yield
    }) : () -> ()
    %dma_start3A_59 = arith.constant 2048 : i32
    %dma_start3A_60 = tpu.memref_slice %arg5[%dma_start3A_59] : memref<2560xi32, #tpu.memory_space<vmem>> -> memref<512xi32, #tpu.memory_space<vmem>>
    %dma_start3A_61 = arith.constant 0 : i32
    %dma_start3A_62 = arith.constant 0 : i32
    %dma_start3A_63 = tpu.memref_slice %arg3[%dma_start3A_61, %dma_start3A_62] : memref<16384x16xf32, #tpu.memory_space<hbm>> -> memref<16384x16xf32, #tpu.memory_space<hbm>>
    tpu.enqueue_indirect_dma source(%dma_start3A_63 : memref<16384x16xf32, #tpu.memory_space<hbm>>) target(%arg6 : memref<512x16xf32, #tpu.memory_space<vmem>>) offsets(%dma_start3A_60 : memref<512xi32, #tpu.memory_space<vmem>>) semaphore(%arg7 : memref<!tpu.dma_semaphore, #tpu.memory_space<semaphore_mem>>)
    %dma_wait3A_64 = arith.constant 2048 : i32
    %dma_wait3A_65 = tpu.memref_slice %arg5[%dma_wait3A_64] : memref<2560xi32, #tpu.memory_space<vmem>> -> memref<512xi32, #tpu.memory_space<vmem>>
    %dma_wait3A_66 = arith.constant 0 : i32
    %dma_wait3A_67 = arith.constant 0 : i32
    %dma_wait3A_68 = tpu.memref_slice %arg3[%dma_wait3A_66, %dma_wait3A_67] : memref<16384x16xf32, #tpu.memory_space<hbm>> -> memref<16384x16xf32, #tpu.memory_space<hbm>>
    tpu.wait_indirect_dma semaphore(%arg7 : memref<!tpu.dma_semaphore, #tpu.memory_space<semaphore_mem>>) src(%dma_wait3A_68 : memref<16384x16xf32, #tpu.memory_space<hbm>>) dst(%arg6 : memref<512x16xf32, #tpu.memory_space<vmem>>)
    %add3A_69 = arith.constant 65536 : i32
    %add3A_70 = arith.addi %add3A_69, %mul3A_2 : i32
    "tpu.region"() ({
      %run_scoped3A = tpu.sem_alloc : memref<!tpu.dma_semaphore, #tpu.memory_space<semaphore_mem>>
      %dma_start3A_71 = arith.constant 0 : i32
      %dma_start3A_72 = tpu.memref_slice %arg4[%add3A_70, %dma_start3A_71] : memref<81920x16xf32, #tpu.memory_space<hbm>> -> memref<512x16xf32, #tpu.memory_space<hbm>>
      %dma_start3A_73 = arith.constant 0 : i32
      %dma_start3A_74 = tpu.memref_slice %arg4[%add3A_70, %dma_start3A_73] : memref<81920x16xf32, #tpu.memory_space<hbm>> -> memref<512x16xf32, #tpu.memory_space<hbm>>
      tpu.enqueue_dma source(%arg6 : memref<512x16xf32, #tpu.memory_space<vmem>>) target(%dma_start3A_74 : memref<512x16xf32, #tpu.memory_space<hbm>>) target_semaphore(%run_scoped3A : memref<!tpu.dma_semaphore, #tpu.memory_space<semaphore_mem>>)
      %dma_wait3A_75 = arith.constant 0 : i32
      %dma_wait3A_76 = tpu.memref_slice %arg4[%add3A_70, %dma_wait3A_75] : memref<81920x16xf32, #tpu.memory_space<hbm>> -> memref<512x16xf32, #tpu.memory_space<hbm>>
      %dma_wait3A_77 = arith.constant 0 : i32
      %dma_wait3A_78 = tpu.memref_slice %arg4[%add3A_70, %dma_wait3A_77] : memref<81920x16xf32, #tpu.memory_space<hbm>> -> memref<512x16xf32, #tpu.memory_space<hbm>>
      tpu.wait_dma2 semaphore(%run_scoped3A : memref<!tpu.dma_semaphore, #tpu.memory_space<semaphore_mem>>) src(%arg6 : memref<512x16xf32, #tpu.memory_space<vmem>>) dst(%dma_wait3A_78 : memref<512x16xf32, #tpu.memory_space<hbm>>)
      tpu.yield
    }) : () -> ()
    return
  }
}

#map = affine_map<(d0, d1) -> (0)>
#map1 = affine_map<(d0, d1) -> (0, 0)>
module attributes {stable_mosaic.version = 14 : i64} {
  func.func @_pool_sc_body(%arg0: i32, %arg1: i32, %arg2: memref<40960xi32, #tpu.memory_space<hbm>>, %arg3: memref<16384x64xf32, #tpu.memory_space<hbm>>, %arg4: memref<8192x64xf32, #tpu.memory_space<hbm>>, %arg5: memref<1280xi32, #tpu.memory_space<vmem>>, %arg6: memref<80x64xf32, #tpu.memory_space<vmem>>, %arg7: memref<16x64xf32, #tpu.memory_space<vmem>>, %arg8: memref<!tpu.dma_semaphore, #tpu.memory_space<semaphore_mem>>, %arg9: memref<!tpu.dma_semaphore, #tpu.memory_space<semaphore_mem>>) attributes {dimension_semantics = [#tpu.dimension_semantics<core_parallel>, #tpu.dimension_semantics<subcore_parallel>], iteration_bounds = array<i64: 2, 16>, scalar_prefetch = 0 : i64, scratch_operands = 5 : i64, tpu.core_type = #tpu.core_type<sc_vector_subcore>, window_params = [{transform_indices = #map}, {transform_indices = #map1}, {transform_indices = #map1}]} {
    %mul3A = arith.constant 2 : i32
    %mul3A_0 = arith.muli %arg1, %mul3A : i32
    %add3A = arith.addi %mul3A_0, %arg0 : i32
    %mul3A_1 = arith.constant 256 : i32
    %mul3A_2 = arith.muli %add3A, %mul3A_1 : i32
    %add3A_3 = arith.constant 0 : i32
    %add3A_4 = arith.addi %add3A_3, %mul3A_2 : i32
    "tpu.region"() ({
      %run_scoped3A = tpu.sem_alloc : memref<!tpu.dma_semaphore, #tpu.memory_space<semaphore_mem>>
      %dma_start3A = arith.constant 0 : i32
      %dma_start3A_18 = tpu.memref_slice %arg5[%dma_start3A] : memref<1280xi32, #tpu.memory_space<vmem>> -> memref<256xi32, #tpu.memory_space<vmem>>
      %dma_start3A_19 = tpu.memref_slice %arg2[%add3A_4] : memref<40960xi32, #tpu.memory_space<hbm>> -> memref<256xi32, #tpu.memory_space<hbm>>
      %dma_start3A_20 = arith.constant 0 : i32
      %dma_start3A_21 = tpu.memref_slice %arg5[%dma_start3A_20] : memref<1280xi32, #tpu.memory_space<vmem>> -> memref<256xi32, #tpu.memory_space<vmem>>
      %dma_start3A_22 = tpu.memref_slice %arg2[%add3A_4] : memref<40960xi32, #tpu.memory_space<hbm>> -> memref<256xi32, #tpu.memory_space<hbm>>
      tpu.enqueue_dma source(%dma_start3A_22 : memref<256xi32, #tpu.memory_space<hbm>>) target(%dma_start3A_21 : memref<256xi32, #tpu.memory_space<vmem>>) target_semaphore(%run_scoped3A : memref<!tpu.dma_semaphore, #tpu.memory_space<semaphore_mem>>)
      %dma_wait3A = arith.constant 0 : i32
      %dma_wait3A_23 = tpu.memref_slice %arg5[%dma_wait3A] : memref<1280xi32, #tpu.memory_space<vmem>> -> memref<256xi32, #tpu.memory_space<vmem>>
      %dma_wait3A_24 = tpu.memref_slice %arg2[%add3A_4] : memref<40960xi32, #tpu.memory_space<hbm>> -> memref<256xi32, #tpu.memory_space<hbm>>
      %dma_wait3A_25 = arith.constant 0 : i32
      %dma_wait3A_26 = tpu.memref_slice %arg5[%dma_wait3A_25] : memref<1280xi32, #tpu.memory_space<vmem>> -> memref<256xi32, #tpu.memory_space<vmem>>
      %dma_wait3A_27 = tpu.memref_slice %arg2[%add3A_4] : memref<40960xi32, #tpu.memory_space<hbm>> -> memref<256xi32, #tpu.memory_space<hbm>>
      tpu.wait_dma2 semaphore(%run_scoped3A : memref<!tpu.dma_semaphore, #tpu.memory_space<semaphore_mem>>) src(%dma_wait3A_27 : memref<256xi32, #tpu.memory_space<hbm>>) dst(%dma_wait3A_26 : memref<256xi32, #tpu.memory_space<vmem>>)
      tpu.yield
    }) : () -> ()
    %add3A_5 = arith.constant 8192 : i32
    %add3A_6 = arith.addi %add3A_5, %mul3A_2 : i32
    "tpu.region"() ({
      %run_scoped3A = tpu.sem_alloc : memref<!tpu.dma_semaphore, #tpu.memory_space<semaphore_mem>>
      %dma_start3A = arith.constant 256 : i32
      %dma_start3A_18 = tpu.memref_slice %arg5[%dma_start3A] : memref<1280xi32, #tpu.memory_space<vmem>> -> memref<256xi32, #tpu.memory_space<vmem>>
      %dma_start3A_19 = tpu.memref_slice %arg2[%add3A_6] : memref<40960xi32, #tpu.memory_space<hbm>> -> memref<256xi32, #tpu.memory_space<hbm>>
      %dma_start3A_20 = arith.constant 256 : i32
      %dma_start3A_21 = tpu.memref_slice %arg5[%dma_start3A_20] : memref<1280xi32, #tpu.memory_space<vmem>> -> memref<256xi32, #tpu.memory_space<vmem>>
      %dma_start3A_22 = tpu.memref_slice %arg2[%add3A_6] : memref<40960xi32, #tpu.memory_space<hbm>> -> memref<256xi32, #tpu.memory_space<hbm>>
      tpu.enqueue_dma source(%dma_start3A_22 : memref<256xi32, #tpu.memory_space<hbm>>) target(%dma_start3A_21 : memref<256xi32, #tpu.memory_space<vmem>>) target_semaphore(%run_scoped3A : memref<!tpu.dma_semaphore, #tpu.memory_space<semaphore_mem>>)
      %dma_wait3A = arith.constant 256 : i32
      %dma_wait3A_23 = tpu.memref_slice %arg5[%dma_wait3A] : memref<1280xi32, #tpu.memory_space<vmem>> -> memref<256xi32, #tpu.memory_space<vmem>>
      %dma_wait3A_24 = tpu.memref_slice %arg2[%add3A_6] : memref<40960xi32, #tpu.memory_space<hbm>> -> memref<256xi32, #tpu.memory_space<hbm>>
      %dma_wait3A_25 = arith.constant 256 : i32
      %dma_wait3A_26 = tpu.memref_slice %arg5[%dma_wait3A_25] : memref<1280xi32, #tpu.memory_space<vmem>> -> memref<256xi32, #tpu.memory_space<vmem>>
      %dma_wait3A_27 = tpu.memref_slice %arg2[%add3A_6] : memref<40960xi32, #tpu.memory_space<hbm>> -> memref<256xi32, #tpu.memory_space<hbm>>
      tpu.wait_dma2 semaphore(%run_scoped3A : memref<!tpu.dma_semaphore, #tpu.memory_space<semaphore_mem>>) src(%dma_wait3A_27 : memref<256xi32, #tpu.memory_space<hbm>>) dst(%dma_wait3A_26 : memref<256xi32, #tpu.memory_space<vmem>>)
      tpu.yield
    }) : () -> ()
    %add3A_7 = arith.constant 16384 : i32
    %add3A_8 = arith.addi %add3A_7, %mul3A_2 : i32
    "tpu.region"() ({
      %run_scoped3A = tpu.sem_alloc : memref<!tpu.dma_semaphore, #tpu.memory_space<semaphore_mem>>
      %dma_start3A = arith.constant 512 : i32
      %dma_start3A_18 = tpu.memref_slice %arg5[%dma_start3A] : memref<1280xi32, #tpu.memory_space<vmem>> -> memref<256xi32, #tpu.memory_space<vmem>>
      %dma_start3A_19 = tpu.memref_slice %arg2[%add3A_8] : memref<40960xi32, #tpu.memory_space<hbm>> -> memref<256xi32, #tpu.memory_space<hbm>>
      %dma_start3A_20 = arith.constant 512 : i32
      %dma_start3A_21 = tpu.memref_slice %arg5[%dma_start3A_20] : memref<1280xi32, #tpu.memory_space<vmem>> -> memref<256xi32, #tpu.memory_space<vmem>>
      %dma_start3A_22 = tpu.memref_slice %arg2[%add3A_8] : memref<40960xi32, #tpu.memory_space<hbm>> -> memref<256xi32, #tpu.memory_space<hbm>>
      tpu.enqueue_dma source(%dma_start3A_22 : memref<256xi32, #tpu.memory_space<hbm>>) target(%dma_start3A_21 : memref<256xi32, #tpu.memory_space<vmem>>) target_semaphore(%run_scoped3A : memref<!tpu.dma_semaphore, #tpu.memory_space<semaphore_mem>>)
      %dma_wait3A = arith.constant 512 : i32
      %dma_wait3A_23 = tpu.memref_slice %arg5[%dma_wait3A] : memref<1280xi32, #tpu.memory_space<vmem>> -> memref<256xi32, #tpu.memory_space<vmem>>
      %dma_wait3A_24 = tpu.memref_slice %arg2[%add3A_8] : memref<40960xi32, #tpu.memory_space<hbm>> -> memref<256xi32, #tpu.memory_space<hbm>>
      %dma_wait3A_25 = arith.constant 512 : i32
      %dma_wait3A_26 = tpu.memref_slice %arg5[%dma_wait3A_25] : memref<1280xi32, #tpu.memory_space<vmem>> -> memref<256xi32, #tpu.memory_space<vmem>>
      %dma_wait3A_27 = tpu.memref_slice %arg2[%add3A_8] : memref<40960xi32, #tpu.memory_space<hbm>> -> memref<256xi32, #tpu.memory_space<hbm>>
      tpu.wait_dma2 semaphore(%run_scoped3A : memref<!tpu.dma_semaphore, #tpu.memory_space<semaphore_mem>>) src(%dma_wait3A_27 : memref<256xi32, #tpu.memory_space<hbm>>) dst(%dma_wait3A_26 : memref<256xi32, #tpu.memory_space<vmem>>)
      tpu.yield
    }) : () -> ()
    %add3A_9 = arith.constant 24576 : i32
    %add3A_10 = arith.addi %add3A_9, %mul3A_2 : i32
    "tpu.region"() ({
      %run_scoped3A = tpu.sem_alloc : memref<!tpu.dma_semaphore, #tpu.memory_space<semaphore_mem>>
      %dma_start3A = arith.constant 768 : i32
      %dma_start3A_18 = tpu.memref_slice %arg5[%dma_start3A] : memref<1280xi32, #tpu.memory_space<vmem>> -> memref<256xi32, #tpu.memory_space<vmem>>
      %dma_start3A_19 = tpu.memref_slice %arg2[%add3A_10] : memref<40960xi32, #tpu.memory_space<hbm>> -> memref<256xi32, #tpu.memory_space<hbm>>
      %dma_start3A_20 = arith.constant 768 : i32
      %dma_start3A_21 = tpu.memref_slice %arg5[%dma_start3A_20] : memref<1280xi32, #tpu.memory_space<vmem>> -> memref<256xi32, #tpu.memory_space<vmem>>
      %dma_start3A_22 = tpu.memref_slice %arg2[%add3A_10] : memref<40960xi32, #tpu.memory_space<hbm>> -> memref<256xi32, #tpu.memory_space<hbm>>
      tpu.enqueue_dma source(%dma_start3A_22 : memref<256xi32, #tpu.memory_space<hbm>>) target(%dma_start3A_21 : memref<256xi32, #tpu.memory_space<vmem>>) target_semaphore(%run_scoped3A : memref<!tpu.dma_semaphore, #tpu.memory_space<semaphore_mem>>)
      %dma_wait3A = arith.constant 768 : i32
      %dma_wait3A_23 = tpu.memref_slice %arg5[%dma_wait3A] : memref<1280xi32, #tpu.memory_space<vmem>> -> memref<256xi32, #tpu.memory_space<vmem>>
      %dma_wait3A_24 = tpu.memref_slice %arg2[%add3A_10] : memref<40960xi32, #tpu.memory_space<hbm>> -> memref<256xi32, #tpu.memory_space<hbm>>
      %dma_wait3A_25 = arith.constant 768 : i32
      %dma_wait3A_26 = tpu.memref_slice %arg5[%dma_wait3A_25] : memref<1280xi32, #tpu.memory_space<vmem>> -> memref<256xi32, #tpu.memory_space<vmem>>
      %dma_wait3A_27 = tpu.memref_slice %arg2[%add3A_10] : memref<40960xi32, #tpu.memory_space<hbm>> -> memref<256xi32, #tpu.memory_space<hbm>>
      tpu.wait_dma2 semaphore(%run_scoped3A : memref<!tpu.dma_semaphore, #tpu.memory_space<semaphore_mem>>) src(%dma_wait3A_27 : memref<256xi32, #tpu.memory_space<hbm>>) dst(%dma_wait3A_26 : memref<256xi32, #tpu.memory_space<vmem>>)
      tpu.yield
    }) : () -> ()
    %add3A_11 = arith.constant 32768 : i32
    %add3A_12 = arith.addi %add3A_11, %mul3A_2 : i32
    "tpu.region"() ({
      %run_scoped3A = tpu.sem_alloc : memref<!tpu.dma_semaphore, #tpu.memory_space<semaphore_mem>>
      %dma_start3A = arith.constant 1024 : i32
      %dma_start3A_18 = tpu.memref_slice %arg5[%dma_start3A] : memref<1280xi32, #tpu.memory_space<vmem>> -> memref<256xi32, #tpu.memory_space<vmem>>
      %dma_start3A_19 = tpu.memref_slice %arg2[%add3A_12] : memref<40960xi32, #tpu.memory_space<hbm>> -> memref<256xi32, #tpu.memory_space<hbm>>
      %dma_start3A_20 = arith.constant 1024 : i32
      %dma_start3A_21 = tpu.memref_slice %arg5[%dma_start3A_20] : memref<1280xi32, #tpu.memory_space<vmem>> -> memref<256xi32, #tpu.memory_space<vmem>>
      %dma_start3A_22 = tpu.memref_slice %arg2[%add3A_12] : memref<40960xi32, #tpu.memory_space<hbm>> -> memref<256xi32, #tpu.memory_space<hbm>>
      tpu.enqueue_dma source(%dma_start3A_22 : memref<256xi32, #tpu.memory_space<hbm>>) target(%dma_start3A_21 : memref<256xi32, #tpu.memory_space<vmem>>) target_semaphore(%run_scoped3A : memref<!tpu.dma_semaphore, #tpu.memory_space<semaphore_mem>>)
      %dma_wait3A = arith.constant 1024 : i32
      %dma_wait3A_23 = tpu.memref_slice %arg5[%dma_wait3A] : memref<1280xi32, #tpu.memory_space<vmem>> -> memref<256xi32, #tpu.memory_space<vmem>>
      %dma_wait3A_24 = tpu.memref_slice %arg2[%add3A_12] : memref<40960xi32, #tpu.memory_space<hbm>> -> memref<256xi32, #tpu.memory_space<hbm>>
      %dma_wait3A_25 = arith.constant 1024 : i32
      %dma_wait3A_26 = tpu.memref_slice %arg5[%dma_wait3A_25] : memref<1280xi32, #tpu.memory_space<vmem>> -> memref<256xi32, #tpu.memory_space<vmem>>
      %dma_wait3A_27 = tpu.memref_slice %arg2[%add3A_12] : memref<40960xi32, #tpu.memory_space<hbm>> -> memref<256xi32, #tpu.memory_space<hbm>>
      tpu.wait_dma2 semaphore(%run_scoped3A : memref<!tpu.dma_semaphore, #tpu.memory_space<semaphore_mem>>) src(%dma_wait3A_27 : memref<256xi32, #tpu.memory_space<hbm>>) dst(%dma_wait3A_26 : memref<256xi32, #tpu.memory_space<vmem>>)
      tpu.yield
    }) : () -> ()
    %scan3A = arith.constant 0 : i32
    %scan3A_13 = arith.constant 0 : i32
    %scan3A_14 = arith.constant 16 : i32
    %scan3A_15 = arith.addi %scan3A_13, %scan3A_14 : i32
    %scan3A_16 = arith.constant 1 : i32
    scf.for %scan3A_18 = %scan3A_13 to %scan3A_15 step %scan3A_16  : i32 {
      %mul3A_19 = arith.constant 16 : i32
      %mul3A_20 = arith.muli %scan3A_18, %mul3A_19 : i32
      %add3A_21 = arith.constant 0 : i32
      %add3A_22 = arith.addi %add3A_21, %mul3A_20 : i32
      %dma_start3A = arith.constant 0 : i32
      %dma_start3A_23 = arith.constant 0 : i32
      %dma_start3A_24 = tpu.memref_slice %arg6[%dma_start3A, %dma_start3A_23] : memref<80x64xf32, #tpu.memory_space<vmem>> -> memref<16x64xf32, #tpu.memory_space<vmem>>
      %dma_start3A_25 = tpu.memref_slice %arg5[%add3A_22] : memref<1280xi32, #tpu.memory_space<vmem>> -> memref<16xi32, #tpu.memory_space<vmem>>
      %dma_start3A_26 = arith.constant 0 : i32
      %dma_start3A_27 = arith.constant 0 : i32
      %dma_start3A_28 = tpu.memref_slice %arg3[%dma_start3A_26, %dma_start3A_27] : memref<16384x64xf32, #tpu.memory_space<hbm>> -> memref<16384x64xf32, #tpu.memory_space<hbm>>
      tpu.enqueue_indirect_dma source(%dma_start3A_28 : memref<16384x64xf32, #tpu.memory_space<hbm>>) target(%dma_start3A_24 : memref<16x64xf32, #tpu.memory_space<vmem>>) offsets(%dma_start3A_25 : memref<16xi32, #tpu.memory_space<vmem>>) semaphore(%arg9 : memref<!tpu.dma_semaphore, #tpu.memory_space<semaphore_mem>>)
      %mul3A_29 = arith.constant 16 : i32
      %mul3A_30 = arith.muli %scan3A_18, %mul3A_29 : i32
      %add3A_31 = arith.constant 256 : i32
      %add3A_32 = arith.addi %add3A_31, %mul3A_30 : i32
      %dma_start3A_33 = arith.constant 16 : i32
      %dma_start3A_34 = arith.constant 0 : i32
      %dma_start3A_35 = tpu.memref_slice %arg6[%dma_start3A_33, %dma_start3A_34] : memref<80x64xf32, #tpu.memory_space<vmem>> -> memref<16x64xf32, #tpu.memory_space<vmem>>
      %dma_start3A_36 = tpu.memref_slice %arg5[%add3A_32] : memref<1280xi32, #tpu.memory_space<vmem>> -> memref<16xi32, #tpu.memory_space<vmem>>
      %dma_start3A_37 = arith.constant 0 : i32
      %dma_start3A_38 = arith.constant 0 : i32
      %dma_start3A_39 = tpu.memref_slice %arg3[%dma_start3A_37, %dma_start3A_38] : memref<16384x64xf32, #tpu.memory_space<hbm>> -> memref<16384x64xf32, #tpu.memory_space<hbm>>
      tpu.enqueue_indirect_dma source(%dma_start3A_39 : memref<16384x64xf32, #tpu.memory_space<hbm>>) target(%dma_start3A_35 : memref<16x64xf32, #tpu.memory_space<vmem>>) offsets(%dma_start3A_36 : memref<16xi32, #tpu.memory_space<vmem>>) semaphore(%arg9 : memref<!tpu.dma_semaphore, #tpu.memory_space<semaphore_mem>>)
      %mul3A_40 = arith.constant 16 : i32
      %mul3A_41 = arith.muli %scan3A_18, %mul3A_40 : i32
      %add3A_42 = arith.constant 512 : i32
      %add3A_43 = arith.addi %add3A_42, %mul3A_41 : i32
      %dma_start3A_44 = arith.constant 32 : i32
      %dma_start3A_45 = arith.constant 0 : i32
      %dma_start3A_46 = tpu.memref_slice %arg6[%dma_start3A_44, %dma_start3A_45] : memref<80x64xf32, #tpu.memory_space<vmem>> -> memref<16x64xf32, #tpu.memory_space<vmem>>
      %dma_start3A_47 = tpu.memref_slice %arg5[%add3A_43] : memref<1280xi32, #tpu.memory_space<vmem>> -> memref<16xi32, #tpu.memory_space<vmem>>
      %dma_start3A_48 = arith.constant 0 : i32
      %dma_start3A_49 = arith.constant 0 : i32
      %dma_start3A_50 = tpu.memref_slice %arg3[%dma_start3A_48, %dma_start3A_49] : memref<16384x64xf32, #tpu.memory_space<hbm>> -> memref<16384x64xf32, #tpu.memory_space<hbm>>
      tpu.enqueue_indirect_dma source(%dma_start3A_50 : memref<16384x64xf32, #tpu.memory_space<hbm>>) target(%dma_start3A_46 : memref<16x64xf32, #tpu.memory_space<vmem>>) offsets(%dma_start3A_47 : memref<16xi32, #tpu.memory_space<vmem>>) semaphore(%arg9 : memref<!tpu.dma_semaphore, #tpu.memory_space<semaphore_mem>>)
      %mul3A_51 = arith.constant 16 : i32
      %mul3A_52 = arith.muli %scan3A_18, %mul3A_51 : i32
      %add3A_53 = arith.constant 768 : i32
      %add3A_54 = arith.addi %add3A_53, %mul3A_52 : i32
      %dma_start3A_55 = arith.constant 48 : i32
      %dma_start3A_56 = arith.constant 0 : i32
      %dma_start3A_57 = tpu.memref_slice %arg6[%dma_start3A_55, %dma_start3A_56] : memref<80x64xf32, #tpu.memory_space<vmem>> -> memref<16x64xf32, #tpu.memory_space<vmem>>
      %dma_start3A_58 = tpu.memref_slice %arg5[%add3A_54] : memref<1280xi32, #tpu.memory_space<vmem>> -> memref<16xi32, #tpu.memory_space<vmem>>
      %dma_start3A_59 = arith.constant 0 : i32
      %dma_start3A_60 = arith.constant 0 : i32
      %dma_start3A_61 = tpu.memref_slice %arg3[%dma_start3A_59, %dma_start3A_60] : memref<16384x64xf32, #tpu.memory_space<hbm>> -> memref<16384x64xf32, #tpu.memory_space<hbm>>
      tpu.enqueue_indirect_dma source(%dma_start3A_61 : memref<16384x64xf32, #tpu.memory_space<hbm>>) target(%dma_start3A_57 : memref<16x64xf32, #tpu.memory_space<vmem>>) offsets(%dma_start3A_58 : memref<16xi32, #tpu.memory_space<vmem>>) semaphore(%arg9 : memref<!tpu.dma_semaphore, #tpu.memory_space<semaphore_mem>>)
      %mul3A_62 = arith.constant 16 : i32
      %mul3A_63 = arith.muli %scan3A_18, %mul3A_62 : i32
      %add3A_64 = arith.constant 1024 : i32
      %add3A_65 = arith.addi %add3A_64, %mul3A_63 : i32
      %dma_start3A_66 = arith.constant 64 : i32
      %dma_start3A_67 = arith.constant 0 : i32
      %dma_start3A_68 = tpu.memref_slice %arg6[%dma_start3A_66, %dma_start3A_67] : memref<80x64xf32, #tpu.memory_space<vmem>> -> memref<16x64xf32, #tpu.memory_space<vmem>>
      %dma_start3A_69 = tpu.memref_slice %arg5[%add3A_65] : memref<1280xi32, #tpu.memory_space<vmem>> -> memref<16xi32, #tpu.memory_space<vmem>>
      %dma_start3A_70 = arith.constant 0 : i32
      %dma_start3A_71 = arith.constant 0 : i32
      %dma_start3A_72 = tpu.memref_slice %arg3[%dma_start3A_70, %dma_start3A_71] : memref<16384x64xf32, #tpu.memory_space<hbm>> -> memref<16384x64xf32, #tpu.memory_space<hbm>>
      tpu.enqueue_indirect_dma source(%dma_start3A_72 : memref<16384x64xf32, #tpu.memory_space<hbm>>) target(%dma_start3A_68 : memref<16x64xf32, #tpu.memory_space<vmem>>) offsets(%dma_start3A_69 : memref<16xi32, #tpu.memory_space<vmem>>) semaphore(%arg9 : memref<!tpu.dma_semaphore, #tpu.memory_space<semaphore_mem>>)
      %dma_wait3A = arith.constant 0 : i32
      %dma_wait3A_73 = arith.constant 0 : i32
      %dma_wait3A_74 = tpu.memref_slice %arg6[%dma_wait3A, %dma_wait3A_73] : memref<80x64xf32, #tpu.memory_space<vmem>> -> memref<16x64xf32, #tpu.memory_space<vmem>>
      %dma_wait3A_75 = tpu.memref_slice %arg5[%add3A_22] : memref<1280xi32, #tpu.memory_space<vmem>> -> memref<16xi32, #tpu.memory_space<vmem>>
      %dma_wait3A_76 = arith.constant 0 : i32
      %dma_wait3A_77 = arith.constant 0 : i32
      %dma_wait3A_78 = tpu.memref_slice %arg3[%dma_wait3A_76, %dma_wait3A_77] : memref<16384x64xf32, #tpu.memory_space<hbm>> -> memref<16384x64xf32, #tpu.memory_space<hbm>>
      tpu.wait_indirect_dma semaphore(%arg9 : memref<!tpu.dma_semaphore, #tpu.memory_space<semaphore_mem>>) src(%dma_wait3A_78 : memref<16384x64xf32, #tpu.memory_space<hbm>>) dst(%dma_wait3A_74 : memref<16x64xf32, #tpu.memory_space<vmem>>)
      %dma_wait3A_79 = arith.constant 16 : i32
      %dma_wait3A_80 = arith.constant 0 : i32
      %dma_wait3A_81 = tpu.memref_slice %arg6[%dma_wait3A_79, %dma_wait3A_80] : memref<80x64xf32, #tpu.memory_space<vmem>> -> memref<16x64xf32, #tpu.memory_space<vmem>>
      %dma_wait3A_82 = tpu.memref_slice %arg5[%add3A_32] : memref<1280xi32, #tpu.memory_space<vmem>> -> memref<16xi32, #tpu.memory_space<vmem>>
      %dma_wait3A_83 = arith.constant 0 : i32
      %dma_wait3A_84 = arith.constant 0 : i32
      %dma_wait3A_85 = tpu.memref_slice %arg3[%dma_wait3A_83, %dma_wait3A_84] : memref<16384x64xf32, #tpu.memory_space<hbm>> -> memref<16384x64xf32, #tpu.memory_space<hbm>>
      tpu.wait_indirect_dma semaphore(%arg9 : memref<!tpu.dma_semaphore, #tpu.memory_space<semaphore_mem>>) src(%dma_wait3A_85 : memref<16384x64xf32, #tpu.memory_space<hbm>>) dst(%dma_wait3A_81 : memref<16x64xf32, #tpu.memory_space<vmem>>)
      %dma_wait3A_86 = arith.constant 32 : i32
      %dma_wait3A_87 = arith.constant 0 : i32
      %dma_wait3A_88 = tpu.memref_slice %arg6[%dma_wait3A_86, %dma_wait3A_87] : memref<80x64xf32, #tpu.memory_space<vmem>> -> memref<16x64xf32, #tpu.memory_space<vmem>>
      %dma_wait3A_89 = tpu.memref_slice %arg5[%add3A_43] : memref<1280xi32, #tpu.memory_space<vmem>> -> memref<16xi32, #tpu.memory_space<vmem>>
      %dma_wait3A_90 = arith.constant 0 : i32
      %dma_wait3A_91 = arith.constant 0 : i32
      %dma_wait3A_92 = tpu.memref_slice %arg3[%dma_wait3A_90, %dma_wait3A_91] : memref<16384x64xf32, #tpu.memory_space<hbm>> -> memref<16384x64xf32, #tpu.memory_space<hbm>>
      tpu.wait_indirect_dma semaphore(%arg9 : memref<!tpu.dma_semaphore, #tpu.memory_space<semaphore_mem>>) src(%dma_wait3A_92 : memref<16384x64xf32, #tpu.memory_space<hbm>>) dst(%dma_wait3A_88 : memref<16x64xf32, #tpu.memory_space<vmem>>)
      %dma_wait3A_93 = arith.constant 48 : i32
      %dma_wait3A_94 = arith.constant 0 : i32
      %dma_wait3A_95 = tpu.memref_slice %arg6[%dma_wait3A_93, %dma_wait3A_94] : memref<80x64xf32, #tpu.memory_space<vmem>> -> memref<16x64xf32, #tpu.memory_space<vmem>>
      %dma_wait3A_96 = tpu.memref_slice %arg5[%add3A_54] : memref<1280xi32, #tpu.memory_space<vmem>> -> memref<16xi32, #tpu.memory_space<vmem>>
      %dma_wait3A_97 = arith.constant 0 : i32
      %dma_wait3A_98 = arith.constant 0 : i32
      %dma_wait3A_99 = tpu.memref_slice %arg3[%dma_wait3A_97, %dma_wait3A_98] : memref<16384x64xf32, #tpu.memory_space<hbm>> -> memref<16384x64xf32, #tpu.memory_space<hbm>>
      tpu.wait_indirect_dma semaphore(%arg9 : memref<!tpu.dma_semaphore, #tpu.memory_space<semaphore_mem>>) src(%dma_wait3A_99 : memref<16384x64xf32, #tpu.memory_space<hbm>>) dst(%dma_wait3A_95 : memref<16x64xf32, #tpu.memory_space<vmem>>)
      %dma_wait3A_100 = arith.constant 64 : i32
      %dma_wait3A_101 = arith.constant 0 : i32
      %dma_wait3A_102 = tpu.memref_slice %arg6[%dma_wait3A_100, %dma_wait3A_101] : memref<80x64xf32, #tpu.memory_space<vmem>> -> memref<16x64xf32, #tpu.memory_space<vmem>>
      %dma_wait3A_103 = tpu.memref_slice %arg5[%add3A_65] : memref<1280xi32, #tpu.memory_space<vmem>> -> memref<16xi32, #tpu.memory_space<vmem>>
      %dma_wait3A_104 = arith.constant 0 : i32
      %dma_wait3A_105 = arith.constant 0 : i32
      %dma_wait3A_106 = tpu.memref_slice %arg3[%dma_wait3A_104, %dma_wait3A_105] : memref<16384x64xf32, #tpu.memory_space<hbm>> -> memref<16384x64xf32, #tpu.memory_space<hbm>>
      tpu.wait_indirect_dma semaphore(%arg9 : memref<!tpu.dma_semaphore, #tpu.memory_space<semaphore_mem>>) src(%dma_wait3A_106 : memref<16384x64xf32, #tpu.memory_space<hbm>>) dst(%dma_wait3A_102 : memref<16x64xf32, #tpu.memory_space<vmem>>)
      %get3A = arith.constant 0 : i32
      %get3A_107 = arith.index_cast %get3A : i32 to index
      %get3A_108 = arith.constant 0 : index
      %get3A_109 = tpu.vector_load %arg6[%get3A_107, %get3A_108] {strides = array<i32>} : memref<80x64xf32, #tpu.memory_space<vmem>>, vector<1x16xf32>,
      %get3A_110 = vector.shape_cast %get3A_109 : vector<1x16xf32> to vector<16xf32>
      %get3A_111 = arith.constant 16 : i32
      %get3A_112 = arith.index_cast %get3A_111 : i32 to index
      %get3A_113 = arith.constant 0 : index
      %get3A_114 = tpu.vector_load %arg6[%get3A_112, %get3A_113] {strides = array<i32>} : memref<80x64xf32, #tpu.memory_space<vmem>>, vector<1x16xf32>,
      %get3A_115 = vector.shape_cast %get3A_114 : vector<1x16xf32> to vector<16xf32>
      %add3A_116 = arith.addf %get3A_110, %get3A_115 : vector<16xf32>
      %get3A_117 = arith.constant 32 : i32
      %get3A_118 = arith.index_cast %get3A_117 : i32 to index
      %get3A_119 = arith.constant 0 : index
      %get3A_120 = tpu.vector_load %arg6[%get3A_118, %get3A_119] {strides = array<i32>} : memref<80x64xf32, #tpu.memory_space<vmem>>, vector<1x16xf32>,
      %get3A_121 = vector.shape_cast %get3A_120 : vector<1x16xf32> to vector<16xf32>
      %add3A_122 = arith.addf %add3A_116, %get3A_121 : vector<16xf32>
      %get3A_123 = arith.constant 48 : i32
      %get3A_124 = arith.index_cast %get3A_123 : i32 to index
      %get3A_125 = arith.constant 0 : index
      %get3A_126 = tpu.vector_load %arg6[%get3A_124, %get3A_125] {strides = array<i32>} : memref<80x64xf32, #tpu.memory_space<vmem>>, vector<1x16xf32>,
      %get3A_127 = vector.shape_cast %get3A_126 : vector<1x16xf32> to vector<16xf32>
      %add3A_128 = arith.addf %add3A_122, %get3A_127 : vector<16xf32>
      %get3A_129 = arith.constant 64 : i32
      %get3A_130 = arith.index_cast %get3A_129 : i32 to index
      %get3A_131 = arith.constant 0 : index
      %get3A_132 = tpu.vector_load %arg6[%get3A_130, %get3A_131] {strides = array<i32>} : memref<80x64xf32, #tpu.memory_space<vmem>>, vector<1x16xf32>,
      %get3A_133 = vector.shape_cast %get3A_132 : vector<1x16xf32> to vector<16xf32>
      %add3A_134 = arith.addf %add3A_128, %get3A_133 : vector<16xf32>
      %div3A = arith.constant 5.000000e+00 : f32
      %div3A_135 = vector.broadcast %div3A : f32 to vector<16xf32>
      %div3A_136 = arith.divf %add3A_134, %div3A_135 : vector<16xf32>
      %swap3A = arith.constant 0 : i32
      %swap3A_137 = arith.index_cast %swap3A : i32 to index
      %swap3A_138 = arith.constant 0 : index
      %swap3A_139 = tpu.vector_load %arg7[%swap3A_137, %swap3A_138] {strides = array<i32>} : memref<16x64xf32, #tpu.memory_space<vmem>>, vector<1x16xf32>,
      %swap3A_140 = vector.shape_cast %swap3A_139 : vector<1x16xf32> to vector<16xf32>
      %swap3A_141 = vector.shape_cast %div3A_136 : vector<16xf32> to vector<1x16xf32>
      tpu.vector_store %arg7[%swap3A_137, %swap3A_138], %swap3A_141 {strides = array<i32>} : memref<16x64xf32, #tpu.memory_space<vmem>>, vector<1x16xf32>,
      %get3A_142 = arith.constant 0 : i32
      %get3A_143 = arith.index_cast %get3A_142 : i32 to index
      %get3A_144 = arith.constant 16 : index
      %get3A_145 = tpu.vector_load %arg6[%get3A_143, %get3A_144] {strides = array<i32>} : memref<80x64xf32, #tpu.memory_space<vmem>>, vector<1x16xf32>,
      %get3A_146 = vector.shape_cast %get3A_145 : vector<1x16xf32> to vector<16xf32>
      %get3A_147 = arith.constant 16 : i32
      %get3A_148 = arith.index_cast %get3A_147 : i32 to index
      %get3A_149 = arith.constant 16 : index
      %get3A_150 = tpu.vector_load %arg6[%get3A_148, %get3A_149] {strides = array<i32>} : memref<80x64xf32, #tpu.memory_space<vmem>>, vector<1x16xf32>,
      %get3A_151 = vector.shape_cast %get3A_150 : vector<1x16xf32> to vector<16xf32>
      %add3A_152 = arith.addf %get3A_146, %get3A_151 : vector<16xf32>
      %get3A_153 = arith.constant 32 : i32
      %get3A_154 = arith.index_cast %get3A_153 : i32 to index
      %get3A_155 = arith.constant 16 : index
      %get3A_156 = tpu.vector_load %arg6[%get3A_154, %get3A_155] {strides = array<i32>} : memref<80x64xf32, #tpu.memory_space<vmem>>, vector<1x16xf32>,
      %get3A_157 = vector.shape_cast %get3A_156 : vector<1x16xf32> to vector<16xf32>
      %add3A_158 = arith.addf %add3A_152, %get3A_157 : vector<16xf32>
      %get3A_159 = arith.constant 48 : i32
      %get3A_160 = arith.index_cast %get3A_159 : i32 to index
      %get3A_161 = arith.constant 16 : index
      %get3A_162 = tpu.vector_load %arg6[%get3A_160, %get3A_161] {strides = array<i32>} : memref<80x64xf32, #tpu.memory_space<vmem>>, vector<1x16xf32>,
      %get3A_163 = vector.shape_cast %get3A_162 : vector<1x16xf32> to vector<16xf32>
      %add3A_164 = arith.addf %add3A_158, %get3A_163 : vector<16xf32>
      %get3A_165 = arith.constant 64 : i32
      %get3A_166 = arith.index_cast %get3A_165 : i32 to index
      %get3A_167 = arith.constant 16 : index
      %get3A_168 = tpu.vector_load %arg6[%get3A_166, %get3A_167] {strides = array<i32>} : memref<80x64xf32, #tpu.memory_space<vmem>>, vector<1x16xf32>,
      %get3A_169 = vector.shape_cast %get3A_168 : vector<1x16xf32> to vector<16xf32>
      %add3A_170 = arith.addf %add3A_164, %get3A_169 : vector<16xf32>
      %div3A_171 = arith.constant 5.000000e+00 : f32
      %div3A_172 = vector.broadcast %div3A_171 : f32 to vector<16xf32>
      %div3A_173 = arith.divf %add3A_170, %div3A_172 : vector<16xf32>
      %swap3A_174 = arith.constant 0 : i32
      %swap3A_175 = arith.index_cast %swap3A_174 : i32 to index
      %swap3A_176 = arith.constant 16 : index
      %swap3A_177 = tpu.vector_load %arg7[%swap3A_175, %swap3A_176] {strides = array<i32>} : memref<16x64xf32, #tpu.memory_space<vmem>>, vector<1x16xf32>,
      %swap3A_178 = vector.shape_cast %swap3A_177 : vector<1x16xf32> to vector<16xf32>
      %swap3A_179 = vector.shape_cast %div3A_173 : vector<16xf32> to vector<1x16xf32>
      tpu.vector_store %arg7[%swap3A_175, %swap3A_176], %swap3A_179 {strides = array<i32>} : memref<16x64xf32, #tpu.memory_space<vmem>>, vector<1x16xf32>,
      %get3A_180 = arith.constant 0 : i32
      %get3A_181 = arith.index_cast %get3A_180 : i32 to index
      %get3A_182 = arith.constant 32 : index
      %get3A_183 = tpu.vector_load %arg6[%get3A_181, %get3A_182] {strides = array<i32>} : memref<80x64xf32, #tpu.memory_space<vmem>>, vector<1x16xf32>,
      %get3A_184 = vector.shape_cast %get3A_183 : vector<1x16xf32> to vector<16xf32>
      %get3A_185 = arith.constant 16 : i32
      %get3A_186 = arith.index_cast %get3A_185 : i32 to index
      %get3A_187 = arith.constant 32 : index
      %get3A_188 = tpu.vector_load %arg6[%get3A_186, %get3A_187] {strides = array<i32>} : memref<80x64xf32, #tpu.memory_space<vmem>>, vector<1x16xf32>,
      %get3A_189 = vector.shape_cast %get3A_188 : vector<1x16xf32> to vector<16xf32>
      %add3A_190 = arith.addf %get3A_184, %get3A_189 : vector<16xf32>
      %get3A_191 = arith.constant 32 : i32
      %get3A_192 = arith.index_cast %get3A_191 : i32 to index
      %get3A_193 = arith.constant 32 : index
      %get3A_194 = tpu.vector_load %arg6[%get3A_192, %get3A_193] {strides = array<i32>} : memref<80x64xf32, #tpu.memory_space<vmem>>, vector<1x16xf32>,
      %get3A_195 = vector.shape_cast %get3A_194 : vector<1x16xf32> to vector<16xf32>
      %add3A_196 = arith.addf %add3A_190, %get3A_195 : vector<16xf32>
      %get3A_197 = arith.constant 48 : i32
      %get3A_198 = arith.index_cast %get3A_197 : i32 to index
      %get3A_199 = arith.constant 32 : index
      %get3A_200 = tpu.vector_load %arg6[%get3A_198, %get3A_199] {strides = array<i32>} : memref<80x64xf32, #tpu.memory_space<vmem>>, vector<1x16xf32>,
      %get3A_201 = vector.shape_cast %get3A_200 : vector<1x16xf32> to vector<16xf32>
      %add3A_202 = arith.addf %add3A_196, %get3A_201 : vector<16xf32>
      %get3A_203 = arith.constant 64 : i32
      %get3A_204 = arith.index_cast %get3A_203 : i32 to index
      %get3A_205 = arith.constant 32 : index
      %get3A_206 = tpu.vector_load %arg6[%get3A_204, %get3A_205] {strides = array<i32>} : memref<80x64xf32, #tpu.memory_space<vmem>>, vector<1x16xf32>,
      %get3A_207 = vector.shape_cast %get3A_206 : vector<1x16xf32> to vector<16xf32>
      %add3A_208 = arith.addf %add3A_202, %get3A_207 : vector<16xf32>
      %div3A_209 = arith.constant 5.000000e+00 : f32
      %div3A_210 = vector.broadcast %div3A_209 : f32 to vector<16xf32>
      %div3A_211 = arith.divf %add3A_208, %div3A_210 : vector<16xf32>
      %swap3A_212 = arith.constant 0 : i32
      %swap3A_213 = arith.index_cast %swap3A_212 : i32 to index
      %swap3A_214 = arith.constant 32 : index
      %swap3A_215 = tpu.vector_load %arg7[%swap3A_213, %swap3A_214] {strides = array<i32>} : memref<16x64xf32, #tpu.memory_space<vmem>>, vector<1x16xf32>,
      %swap3A_216 = vector.shape_cast %swap3A_215 : vector<1x16xf32> to vector<16xf32>
      %swap3A_217 = vector.shape_cast %div3A_211 : vector<16xf32> to vector<1x16xf32>
      tpu.vector_store %arg7[%swap3A_213, %swap3A_214], %swap3A_217 {strides = array<i32>} : memref<16x64xf32, #tpu.memory_space<vmem>>, vector<1x16xf32>,
      %get3A_218 = arith.constant 0 : i32
      %get3A_219 = arith.index_cast %get3A_218 : i32 to index
      %get3A_220 = arith.constant 48 : index
      %get3A_221 = tpu.vector_load %arg6[%get3A_219, %get3A_220] {strides = array<i32>} : memref<80x64xf32, #tpu.memory_space<vmem>>, vector<1x16xf32>,
      %get3A_222 = vector.shape_cast %get3A_221 : vector<1x16xf32> to vector<16xf32>
      %get3A_223 = arith.constant 16 : i32
      %get3A_224 = arith.index_cast %get3A_223 : i32 to index
      %get3A_225 = arith.constant 48 : index
      %get3A_226 = tpu.vector_load %arg6[%get3A_224, %get3A_225] {strides = array<i32>} : memref<80x64xf32, #tpu.memory_space<vmem>>, vector<1x16xf32>,
      %get3A_227 = vector.shape_cast %get3A_226 : vector<1x16xf32> to vector<16xf32>
      %add3A_228 = arith.addf %get3A_222, %get3A_227 : vector<16xf32>
      %get3A_229 = arith.constant 32 : i32
      %get3A_230 = arith.index_cast %get3A_229 : i32 to index
      %get3A_231 = arith.constant 48 : index
      %get3A_232 = tpu.vector_load %arg6[%get3A_230, %get3A_231] {strides = array<i32>} : memref<80x64xf32, #tpu.memory_space<vmem>>, vector<1x16xf32>,
      %get3A_233 = vector.shape_cast %get3A_232 : vector<1x16xf32> to vector<16xf32>
      %add3A_234 = arith.addf %add3A_228, %get3A_233 : vector<16xf32>
      %get3A_235 = arith.constant 48 : i32
      %get3A_236 = arith.index_cast %get3A_235 : i32 to index
      %get3A_237 = arith.constant 48 : index
      %get3A_238 = tpu.vector_load %arg6[%get3A_236, %get3A_237] {strides = array<i32>} : memref<80x64xf32, #tpu.memory_space<vmem>>, vector<1x16xf32>,
      %get3A_239 = vector.shape_cast %get3A_238 : vector<1x16xf32> to vector<16xf32>
      %add3A_240 = arith.addf %add3A_234, %get3A_239 : vector<16xf32>
      %get3A_241 = arith.constant 64 : i32
      %get3A_242 = arith.index_cast %get3A_241 : i32 to index
      %get3A_243 = arith.constant 48 : index
      %get3A_244 = tpu.vector_load %arg6[%get3A_242, %get3A_243] {strides = array<i32>} : memref<80x64xf32, #tpu.memory_space<vmem>>, vector<1x16xf32>,
      %get3A_245 = vector.shape_cast %get3A_244 : vector<1x16xf32> to vector<16xf32>
      %add3A_246 = arith.addf %add3A_240, %get3A_245 : vector<16xf32>
      %div3A_247 = arith.constant 5.000000e+00 : f32
      %div3A_248 = vector.broadcast %div3A_247 : f32 to vector<16xf32>
      %div3A_249 = arith.divf %add3A_246, %div3A_248 : vector<16xf32>
      %swap3A_250 = arith.constant 0 : i32
      %swap3A_251 = arith.index_cast %swap3A_250 : i32 to index
      %swap3A_252 = arith.constant 48 : index
      %swap3A_253 = tpu.vector_load %arg7[%swap3A_251, %swap3A_252] {strides = array<i32>} : memref<16x64xf32, #tpu.memory_space<vmem>>, vector<1x16xf32>,
      %swap3A_254 = vector.shape_cast %swap3A_253 : vector<1x16xf32> to vector<16xf32>
      %swap3A_255 = vector.shape_cast %div3A_249 : vector<16xf32> to vector<1x16xf32>
      tpu.vector_store %arg7[%swap3A_251, %swap3A_252], %swap3A_255 {strides = array<i32>} : memref<16x64xf32, #tpu.memory_space<vmem>>, vector<1x16xf32>,
      %get3A_256 = arith.constant 1 : i32
      %get3A_257 = arith.index_cast %get3A_256 : i32 to index
      %get3A_258 = arith.constant 0 : index
      %get3A_259 = tpu.vector_load %arg6[%get3A_257, %get3A_258] {strides = array<i32>} : memref<80x64xf32, #tpu.memory_space<vmem>>, vector<1x16xf32>,
      %get3A_260 = vector.shape_cast %get3A_259 : vector<1x16xf32> to vector<16xf32>
      %get3A_261 = arith.constant 17 : i32
      %get3A_262 = arith.index_cast %get3A_261 : i32 to index
      %get3A_263 = arith.constant 0 : index
      %get3A_264 = tpu.vector_load %arg6[%get3A_262, %get3A_263] {strides = array<i32>} : memref<80x64xf32, #tpu.memory_space<vmem>>, vector<1x16xf32>,
      %get3A_265 = vector.shape_cast %get3A_264 : vector<1x16xf32> to vector<16xf32>
      %add3A_266 = arith.addf %get3A_260, %get3A_265 : vector<16xf32>
      %get3A_267 = arith.constant 33 : i32
      %get3A_268 = arith.index_cast %get3A_267 : i32 to index
      %get3A_269 = arith.constant 0 : index
      %get3A_270 = tpu.vector_load %arg6[%get3A_268, %get3A_269] {strides = array<i32>} : memref<80x64xf32, #tpu.memory_space<vmem>>, vector<1x16xf32>,
      %get3A_271 = vector.shape_cast %get3A_270 : vector<1x16xf32> to vector<16xf32>
      %add3A_272 = arith.addf %add3A_266, %get3A_271 : vector<16xf32>
      %get3A_273 = arith.constant 49 : i32
      %get3A_274 = arith.index_cast %get3A_273 : i32 to index
      %get3A_275 = arith.constant 0 : index
      %get3A_276 = tpu.vector_load %arg6[%get3A_274, %get3A_275] {strides = array<i32>} : memref<80x64xf32, #tpu.memory_space<vmem>>, vector<1x16xf32>,
      %get3A_277 = vector.shape_cast %get3A_276 : vector<1x16xf32> to vector<16xf32>
      %add3A_278 = arith.addf %add3A_272, %get3A_277 : vector<16xf32>
      %get3A_279 = arith.constant 65 : i32
      %get3A_280 = arith.index_cast %get3A_279 : i32 to index
      %get3A_281 = arith.constant 0 : index
      %get3A_282 = tpu.vector_load %arg6[%get3A_280, %get3A_281] {strides = array<i32>} : memref<80x64xf32, #tpu.memory_space<vmem>>, vector<1x16xf32>,
      %get3A_283 = vector.shape_cast %get3A_282 : vector<1x16xf32> to vector<16xf32>
      %add3A_284 = arith.addf %add3A_278, %get3A_283 : vector<16xf32>
      %div3A_285 = arith.constant 5.000000e+00 : f32
      %div3A_286 = vector.broadcast %div3A_285 : f32 to vector<16xf32>
      %div3A_287 = arith.divf %add3A_284, %div3A_286 : vector<16xf32>
      %swap3A_288 = arith.constant 1 : i32
      %swap3A_289 = arith.index_cast %swap3A_288 : i32 to index
      %swap3A_290 = arith.constant 0 : index
      %swap3A_291 = tpu.vector_load %arg7[%swap3A_289, %swap3A_290] {strides = array<i32>} : memref<16x64xf32, #tpu.memory_space<vmem>>, vector<1x16xf32>,
      %swap3A_292 = vector.shape_cast %swap3A_291 : vector<1x16xf32> to vector<16xf32>
      %swap3A_293 = vector.shape_cast %div3A_287 : vector<16xf32> to vector<1x16xf32>
      tpu.vector_store %arg7[%swap3A_289, %swap3A_290], %swap3A_293 {strides = array<i32>} : memref<16x64xf32, #tpu.memory_space<vmem>>, vector<1x16xf32>,
      %get3A_294 = arith.constant 1 : i32
      %get3A_295 = arith.index_cast %get3A_294 : i32 to index
      %get3A_296 = arith.constant 16 : index
      %get3A_297 = tpu.vector_load %arg6[%get3A_295, %get3A_296] {strides = array<i32>} : memref<80x64xf32, #tpu.memory_space<vmem>>, vector<1x16xf32>,
      %get3A_298 = vector.shape_cast %get3A_297 : vector<1x16xf32> to vector<16xf32>
      %get3A_299 = arith.constant 17 : i32
      %get3A_300 = arith.index_cast %get3A_299 : i32 to index
      %get3A_301 = arith.constant 16 : index
      %get3A_302 = tpu.vector_load %arg6[%get3A_300, %get3A_301] {strides = array<i32>} : memref<80x64xf32, #tpu.memory_space<vmem>>, vector<1x16xf32>,
      %get3A_303 = vector.shape_cast %get3A_302 : vector<1x16xf32> to vector<16xf32>
      %add3A_304 = arith.addf %get3A_298, %get3A_303 : vector<16xf32>
      %get3A_305 = arith.constant 33 : i32
      %get3A_306 = arith.index_cast %get3A_305 : i32 to index
      %get3A_307 = arith.constant 16 : index
      %get3A_308 = tpu.vector_load %arg6[%get3A_306, %get3A_307] {strides = array<i32>} : memref<80x64xf32, #tpu.memory_space<vmem>>, vector<1x16xf32>,
      %get3A_309 = vector.shape_cast %get3A_308 : vector<1x16xf32> to vector<16xf32>
      %add3A_310 = arith.addf %add3A_304, %get3A_309 : vector<16xf32>
      %get3A_311 = arith.constant 49 : i32
      %get3A_312 = arith.index_cast %get3A_311 : i32 to index
      %get3A_313 = arith.constant 16 : index
      %get3A_314 = tpu.vector_load %arg6[%get3A_312, %get3A_313] {strides = array<i32>} : memref<80x64xf32, #tpu.memory_space<vmem>>, vector<1x16xf32>,
      %get3A_315 = vector.shape_cast %get3A_314 : vector<1x16xf32> to vector<16xf32>
      %add3A_316 = arith.addf %add3A_310, %get3A_315 : vector<16xf32>
      %get3A_317 = arith.constant 65 : i32
      %get3A_318 = arith.index_cast %get3A_317 : i32 to index
      %get3A_319 = arith.constant 16 : index
      %get3A_320 = tpu.vector_load %arg6[%get3A_318, %get3A_319] {strides = array<i32>} : memref<80x64xf32, #tpu.memory_space<vmem>>, vector<1x16xf32>,
      %get3A_321 = vector.shape_cast %get3A_320 : vector<1x16xf32> to vector<16xf32>
      %add3A_322 = arith.addf %add3A_316, %get3A_321 : vector<16xf32>
      %div3A_323 = arith.constant 5.000000e+00 : f32
      %div3A_324 = vector.broadcast %div3A_323 : f32 to vector<16xf32>
      %div3A_325 = arith.divf %add3A_322, %div3A_324 : vector<16xf32>
      %swap3A_326 = arith.constant 1 : i32
      %swap3A_327 = arith.index_cast %swap3A_326 : i32 to index
      %swap3A_328 = arith.constant 16 : index
      %swap3A_329 = tpu.vector_load %arg7[%swap3A_327, %swap3A_328] {strides = array<i32>} : memref<16x64xf32, #tpu.memory_space<vmem>>, vector<1x16xf32>,
      %swap3A_330 = vector.shape_cast %swap3A_329 : vector<1x16xf32> to vector<16xf32>
      %swap3A_331 = vector.shape_cast %div3A_325 : vector<16xf32> to vector<1x16xf32>
      tpu.vector_store %arg7[%swap3A_327, %swap3A_328], %swap3A_331 {strides = array<i32>} : memref<16x64xf32, #tpu.memory_space<vmem>>, vector<1x16xf32>,
      %get3A_332 = arith.constant 1 : i32
      %get3A_333 = arith.index_cast %get3A_332 : i32 to index
      %get3A_334 = arith.constant 32 : index
      %get3A_335 = tpu.vector_load %arg6[%get3A_333, %get3A_334] {strides = array<i32>} : memref<80x64xf32, #tpu.memory_space<vmem>>, vector<1x16xf32>,
      %get3A_336 = vector.shape_cast %get3A_335 : vector<1x16xf32> to vector<16xf32>
      %get3A_337 = arith.constant 17 : i32
      %get3A_338 = arith.index_cast %get3A_337 : i32 to index
      %get3A_339 = arith.constant 32 : index
      %get3A_340 = tpu.vector_load %arg6[%get3A_338, %get3A_339] {strides = array<i32>} : memref<80x64xf32, #tpu.memory_space<vmem>>, vector<1x16xf32>,
      %get3A_341 = vector.shape_cast %get3A_340 : vector<1x16xf32> to vector<16xf32>
      %add3A_342 = arith.addf %get3A_336, %get3A_341 : vector<16xf32>
      %get3A_343 = arith.constant 33 : i32
      %get3A_344 = arith.index_cast %get3A_343 : i32 to index
      %get3A_345 = arith.constant 32 : index
      %get3A_346 = tpu.vector_load %arg6[%get3A_344, %get3A_345] {strides = array<i32>} : memref<80x64xf32, #tpu.memory_space<vmem>>, vector<1x16xf32>,
      %get3A_347 = vector.shape_cast %get3A_346 : vector<1x16xf32> to vector<16xf32>
      %add3A_348 = arith.addf %add3A_342, %get3A_347 : vector<16xf32>
      %get3A_349 = arith.constant 49 : i32
      %get3A_350 = arith.index_cast %get3A_349 : i32 to index
      %get3A_351 = arith.constant 32 : index
      %get3A_352 = tpu.vector_load %arg6[%get3A_350, %get3A_351] {strides = array<i32>} : memref<80x64xf32, #tpu.memory_space<vmem>>, vector<1x16xf32>,
      %get3A_353 = vector.shape_cast %get3A_352 : vector<1x16xf32> to vector<16xf32>
      %add3A_354 = arith.addf %add3A_348, %get3A_353 : vector<16xf32>
      %get3A_355 = arith.constant 65 : i32
      %get3A_356 = arith.index_cast %get3A_355 : i32 to index
      %get3A_357 = arith.constant 32 : index
      %get3A_358 = tpu.vector_load %arg6[%get3A_356, %get3A_357] {strides = array<i32>} : memref<80x64xf32, #tpu.memory_space<vmem>>, vector<1x16xf32>,
      %get3A_359 = vector.shape_cast %get3A_358 : vector<1x16xf32> to vector<16xf32>
      %add3A_360 = arith.addf %add3A_354, %get3A_359 : vector<16xf32>
      %div3A_361 = arith.constant 5.000000e+00 : f32
      %div3A_362 = vector.broadcast %div3A_361 : f32 to vector<16xf32>
      %div3A_363 = arith.divf %add3A_360, %div3A_362 : vector<16xf32>
      %swap3A_364 = arith.constant 1 : i32
      %swap3A_365 = arith.index_cast %swap3A_364 : i32 to index
      %swap3A_366 = arith.constant 32 : index
      %swap3A_367 = tpu.vector_load %arg7[%swap3A_365, %swap3A_366] {strides = array<i32>} : memref<16x64xf32, #tpu.memory_space<vmem>>, vector<1x16xf32>,
      %swap3A_368 = vector.shape_cast %swap3A_367 : vector<1x16xf32> to vector<16xf32>
      %swap3A_369 = vector.shape_cast %div3A_363 : vector<16xf32> to vector<1x16xf32>
      tpu.vector_store %arg7[%swap3A_365, %swap3A_366], %swap3A_369 {strides = array<i32>} : memref<16x64xf32, #tpu.memory_space<vmem>>, vector<1x16xf32>,
      %get3A_370 = arith.constant 1 : i32
      %get3A_371 = arith.index_cast %get3A_370 : i32 to index
      %get3A_372 = arith.constant 48 : index
      %get3A_373 = tpu.vector_load %arg6[%get3A_371, %get3A_372] {strides = array<i32>} : memref<80x64xf32, #tpu.memory_space<vmem>>, vector<1x16xf32>,
      %get3A_374 = vector.shape_cast %get3A_373 : vector<1x16xf32> to vector<16xf32>
      %get3A_375 = arith.constant 17 : i32
      %get3A_376 = arith.index_cast %get3A_375 : i32 to index
      %get3A_377 = arith.constant 48 : index
      %get3A_378 = tpu.vector_load %arg6[%get3A_376, %get3A_377] {strides = array<i32>} : memref<80x64xf32, #tpu.memory_space<vmem>>, vector<1x16xf32>,
      %get3A_379 = vector.shape_cast %get3A_378 : vector<1x16xf32> to vector<16xf32>
      %add3A_380 = arith.addf %get3A_374, %get3A_379 : vector<16xf32>
      %get3A_381 = arith.constant 33 : i32
      %get3A_382 = arith.index_cast %get3A_381 : i32 to index
      %get3A_383 = arith.constant 48 : index
      %get3A_384 = tpu.vector_load %arg6[%get3A_382, %get3A_383] {strides = array<i32>} : memref<80x64xf32, #tpu.memory_space<vmem>>, vector<1x16xf32>,
      %get3A_385 = vector.shape_cast %get3A_384 : vector<1x16xf32> to vector<16xf32>
      %add3A_386 = arith.addf %add3A_380, %get3A_385 : vector<16xf32>
      %get3A_387 = arith.constant 49 : i32
      %get3A_388 = arith.index_cast %get3A_387 : i32 to index
      %get3A_389 = arith.constant 48 : index
      %get3A_390 = tpu.vector_load %arg6[%get3A_388, %get3A_389] {strides = array<i32>} : memref<80x64xf32, #tpu.memory_space<vmem>>, vector<1x16xf32>,
      %get3A_391 = vector.shape_cast %get3A_390 : vector<1x16xf32> to vector<16xf32>
      %add3A_392 = arith.addf %add3A_386, %get3A_391 : vector<16xf32>
      %get3A_393 = arith.constant 65 : i32
      %get3A_394 = arith.index_cast %get3A_393 : i32 to index
      %get3A_395 = arith.constant 48 : index
      %get3A_396 = tpu.vector_load %arg6[%get3A_394, %get3A_395] {strides = array<i32>} : memref<80x64xf32, #tpu.memory_space<vmem>>, vector<1x16xf32>,
      %get3A_397 = vector.shape_cast %get3A_396 : vector<1x16xf32> to vector<16xf32>
      %add3A_398 = arith.addf %add3A_392, %get3A_397 : vector<16xf32>
      %div3A_399 = arith.constant 5.000000e+00 : f32
      %div3A_400 = vector.broadcast %div3A_399 : f32 to vector<16xf32>
      %div3A_401 = arith.divf %add3A_398, %div3A_400 : vector<16xf32>
      %swap3A_402 = arith.constant 1 : i32
      %swap3A_403 = arith.index_cast %swap3A_402 : i32 to index
      %swap3A_404 = arith.constant 48 : index
      %swap3A_405 = tpu.vector_load %arg7[%swap3A_403, %swap3A_404] {strides = array<i32>} : memref<16x64xf32, #tpu.memory_space<vmem>>, vector<1x16xf32>,
      %swap3A_406 = vector.shape_cast %swap3A_405 : vector<1x16xf32> to vector<16xf32>
      %swap3A_407 = vector.shape_cast %div3A_401 : vector<16xf32> to vector<1x16xf32>
      tpu.vector_store %arg7[%swap3A_403, %swap3A_404], %swap3A_407 {strides = array<i32>} : memref<16x64xf32, #tpu.memory_space<vmem>>, vector<1x16xf32>,
      %get3A_408 = arith.constant 2 : i32
      %get3A_409 = arith.index_cast %get3A_408 : i32 to index
      %get3A_410 = arith.constant 0 : index
      %get3A_411 = tpu.vector_load %arg6[%get3A_409, %get3A_410] {strides = array<i32>} : memref<80x64xf32, #tpu.memory_space<vmem>>, vector<1x16xf32>,
      %get3A_412 = vector.shape_cast %get3A_411 : vector<1x16xf32> to vector<16xf32>
      %get3A_413 = arith.constant 18 : i32
      %get3A_414 = arith.index_cast %get3A_413 : i32 to index
      %get3A_415 = arith.constant 0 : index
      %get3A_416 = tpu.vector_load %arg6[%get3A_414, %get3A_415] {strides = array<i32>} : memref<80x64xf32, #tpu.memory_space<vmem>>, vector<1x16xf32>,
      %get3A_417 = vector.shape_cast %get3A_416 : vector<1x16xf32> to vector<16xf32>
      %add3A_418 = arith.addf %get3A_412, %get3A_417 : vector<16xf32>
      %get3A_419 = arith.constant 34 : i32
      %get3A_420 = arith.index_cast %get3A_419 : i32 to index
      %get3A_421 = arith.constant 0 : index
      %get3A_422 = tpu.vector_load %arg6[%get3A_420, %get3A_421] {strides = array<i32>} : memref<80x64xf32, #tpu.memory_space<vmem>>, vector<1x16xf32>,
      %get3A_423 = vector.shape_cast %get3A_422 : vector<1x16xf32> to vector<16xf32>
      %add3A_424 = arith.addf %add3A_418, %get3A_423 : vector<16xf32>
      %get3A_425 = arith.constant 50 : i32
      %get3A_426 = arith.index_cast %get3A_425 : i32 to index
      %get3A_427 = arith.constant 0 : index
      %get3A_428 = tpu.vector_load %arg6[%get3A_426, %get3A_427] {strides = array<i32>} : memref<80x64xf32, #tpu.memory_space<vmem>>, vector<1x16xf32>,
      %get3A_429 = vector.shape_cast %get3A_428 : vector<1x16xf32> to vector<16xf32>
      %add3A_430 = arith.addf %add3A_424, %get3A_429 : vector<16xf32>
      %get3A_431 = arith.constant 66 : i32
      %get3A_432 = arith.index_cast %get3A_431 : i32 to index
      %get3A_433 = arith.constant 0 : index
      %get3A_434 = tpu.vector_load %arg6[%get3A_432, %get3A_433] {strides = array<i32>} : memref<80x64xf32, #tpu.memory_space<vmem>>, vector<1x16xf32>,
      %get3A_435 = vector.shape_cast %get3A_434 : vector<1x16xf32> to vector<16xf32>
      %add3A_436 = arith.addf %add3A_430, %get3A_435 : vector<16xf32>
      %div3A_437 = arith.constant 5.000000e+00 : f32
      %div3A_438 = vector.broadcast %div3A_437 : f32 to vector<16xf32>
      %div3A_439 = arith.divf %add3A_436, %div3A_438 : vector<16xf32>
      %swap3A_440 = arith.constant 2 : i32
      %swap3A_441 = arith.index_cast %swap3A_440 : i32 to index
      %swap3A_442 = arith.constant 0 : index
      %swap3A_443 = tpu.vector_load %arg7[%swap3A_441, %swap3A_442] {strides = array<i32>} : memref<16x64xf32, #tpu.memory_space<vmem>>, vector<1x16xf32>,
      %swap3A_444 = vector.shape_cast %swap3A_443 : vector<1x16xf32> to vector<16xf32>
      %swap3A_445 = vector.shape_cast %div3A_439 : vector<16xf32> to vector<1x16xf32>
      tpu.vector_store %arg7[%swap3A_441, %swap3A_442], %swap3A_445 {strides = array<i32>} : memref<16x64xf32, #tpu.memory_space<vmem>>, vector<1x16xf32>,
      %get3A_446 = arith.constant 2 : i32
      %get3A_447 = arith.index_cast %get3A_446 : i32 to index
      %get3A_448 = arith.constant 16 : index
      %get3A_449 = tpu.vector_load %arg6[%get3A_447, %get3A_448] {strides = array<i32>} : memref<80x64xf32, #tpu.memory_space<vmem>>, vector<1x16xf32>,
      %get3A_450 = vector.shape_cast %get3A_449 : vector<1x16xf32> to vector<16xf32>
      %get3A_451 = arith.constant 18 : i32
      %get3A_452 = arith.index_cast %get3A_451 : i32 to index
      %get3A_453 = arith.constant 16 : index
      %get3A_454 = tpu.vector_load %arg6[%get3A_452, %get3A_453] {strides = array<i32>} : memref<80x64xf32, #tpu.memory_space<vmem>>, vector<1x16xf32>,
      %get3A_455 = vector.shape_cast %get3A_454 : vector<1x16xf32> to vector<16xf32>
      %add3A_456 = arith.addf %get3A_450, %get3A_455 : vector<16xf32>
      %get3A_457 = arith.constant 34 : i32
      %get3A_458 = arith.index_cast %get3A_457 : i32 to index
      %get3A_459 = arith.constant 16 : index
      %get3A_460 = tpu.vector_load %arg6[%get3A_458, %get3A_459] {strides = array<i32>} : memref<80x64xf32, #tpu.memory_space<vmem>>, vector<1x16xf32>,
      %get3A_461 = vector.shape_cast %get3A_460 : vector<1x16xf32> to vector<16xf32>
      %add3A_462 = arith.addf %add3A_456, %get3A_461 : vector<16xf32>
      %get3A_463 = arith.constant 50 : i32
      %get3A_464 = arith.index_cast %get3A_463 : i32 to index
      %get3A_465 = arith.constant 16 : index
      %get3A_466 = tpu.vector_load %arg6[%get3A_464, %get3A_465] {strides = array<i32>} : memref<80x64xf32, #tpu.memory_space<vmem>>, vector<1x16xf32>,
      %get3A_467 = vector.shape_cast %get3A_466 : vector<1x16xf32> to vector<16xf32>
      %add3A_468 = arith.addf %add3A_462, %get3A_467 : vector<16xf32>
      %get3A_469 = arith.constant 66 : i32
      %get3A_470 = arith.index_cast %get3A_469 : i32 to index
      %get3A_471 = arith.constant 16 : index
      %get3A_472 = tpu.vector_load %arg6[%get3A_470, %get3A_471] {strides = array<i32>} : memref<80x64xf32, #tpu.memory_space<vmem>>, vector<1x16xf32>,
      %get3A_473 = vector.shape_cast %get3A_472 : vector<1x16xf32> to vector<16xf32>
      %add3A_474 = arith.addf %add3A_468, %get3A_473 : vector<16xf32>
      %div3A_475 = arith.constant 5.000000e+00 : f32
      %div3A_476 = vector.broadcast %div3A_475 : f32 to vector<16xf32>
      %div3A_477 = arith.divf %add3A_474, %div3A_476 : vector<16xf32>
      %swap3A_478 = arith.constant 2 : i32
      %swap3A_479 = arith.index_cast %swap3A_478 : i32 to index
      %swap3A_480 = arith.constant 16 : index
      %swap3A_481 = tpu.vector_load %arg7[%swap3A_479, %swap3A_480] {strides = array<i32>} : memref<16x64xf32, #tpu.memory_space<vmem>>, vector<1x16xf32>,
      %swap3A_482 = vector.shape_cast %swap3A_481 : vector<1x16xf32> to vector<16xf32>
      %swap3A_483 = vector.shape_cast %div3A_477 : vector<16xf32> to vector<1x16xf32>
      tpu.vector_store %arg7[%swap3A_479, %swap3A_480], %swap3A_483 {strides = array<i32>} : memref<16x64xf32, #tpu.memory_space<vmem>>, vector<1x16xf32>,
      %get3A_484 = arith.constant 2 : i32
      %get3A_485 = arith.index_cast %get3A_484 : i32 to index
      %get3A_486 = arith.constant 32 : index
      %get3A_487 = tpu.vector_load %arg6[%get3A_485, %get3A_486] {strides = array<i32>} : memref<80x64xf32, #tpu.memory_space<vmem>>, vector<1x16xf32>,
      %get3A_488 = vector.shape_cast %get3A_487 : vector<1x16xf32> to vector<16xf32>
      %get3A_489 = arith.constant 18 : i32
      %get3A_490 = arith.index_cast %get3A_489 : i32 to index
      %get3A_491 = arith.constant 32 : index
      %get3A_492 = tpu.vector_load %arg6[%get3A_490, %get3A_491] {strides = array<i32>} : memref<80x64xf32, #tpu.memory_space<vmem>>, vector<1x16xf32>,
      %get3A_493 = vector.shape_cast %get3A_492 : vector<1x16xf32> to vector<16xf32>
      %add3A_494 = arith.addf %get3A_488, %get3A_493 : vector<16xf32>
      %get3A_495 = arith.constant 34 : i32
      %get3A_496 = arith.index_cast %get3A_495 : i32 to index
      %get3A_497 = arith.constant 32 : index
      %get3A_498 = tpu.vector_load %arg6[%get3A_496, %get3A_497] {strides = array<i32>} : memref<80x64xf32, #tpu.memory_space<vmem>>, vector<1x16xf32>,
      %get3A_499 = vector.shape_cast %get3A_498 : vector<1x16xf32> to vector<16xf32>
      %add3A_500 = arith.addf %add3A_494, %get3A_499 : vector<16xf32>
      %get3A_501 = arith.constant 50 : i32
      %get3A_502 = arith.index_cast %get3A_501 : i32 to index
      %get3A_503 = arith.constant 32 : index
      %get3A_504 = tpu.vector_load %arg6[%get3A_502, %get3A_503] {strides = array<i32>} : memref<80x64xf32, #tpu.memory_space<vmem>>, vector<1x16xf32>,
      %get3A_505 = vector.shape_cast %get3A_504 : vector<1x16xf32> to vector<16xf32>
      %add3A_506 = arith.addf %add3A_500, %get3A_505 : vector<16xf32>
      %get3A_507 = arith.constant 66 : i32
      %get3A_508 = arith.index_cast %get3A_507 : i32 to index
      %get3A_509 = arith.constant 32 : index
      %get3A_510 = tpu.vector_load %arg6[%get3A_508, %get3A_509] {strides = array<i32>} : memref<80x64xf32, #tpu.memory_space<vmem>>, vector<1x16xf32>,
      %get3A_511 = vector.shape_cast %get3A_510 : vector<1x16xf32> to vector<16xf32>
      %add3A_512 = arith.addf %add3A_506, %get3A_511 : vector<16xf32>
      %div3A_513 = arith.constant 5.000000e+00 : f32
      %div3A_514 = vector.broadcast %div3A_513 : f32 to vector<16xf32>
      %div3A_515 = arith.divf %add3A_512, %div3A_514 : vector<16xf32>
      %swap3A_516 = arith.constant 2 : i32
      %swap3A_517 = arith.index_cast %swap3A_516 : i32 to index
      %swap3A_518 = arith.constant 32 : index
      %swap3A_519 = tpu.vector_load %arg7[%swap3A_517, %swap3A_518] {strides = array<i32>} : memref<16x64xf32, #tpu.memory_space<vmem>>, vector<1x16xf32>,
      %swap3A_520 = vector.shape_cast %swap3A_519 : vector<1x16xf32> to vector<16xf32>
      %swap3A_521 = vector.shape_cast %div3A_515 : vector<16xf32> to vector<1x16xf32>
      tpu.vector_store %arg7[%swap3A_517, %swap3A_518], %swap3A_521 {strides = array<i32>} : memref<16x64xf32, #tpu.memory_space<vmem>>, vector<1x16xf32>,
      %get3A_522 = arith.constant 2 : i32
      %get3A_523 = arith.index_cast %get3A_522 : i32 to index
      %get3A_524 = arith.constant 48 : index
      %get3A_525 = tpu.vector_load %arg6[%get3A_523, %get3A_524] {strides = array<i32>} : memref<80x64xf32, #tpu.memory_space<vmem>>, vector<1x16xf32>,
      %get3A_526 = vector.shape_cast %get3A_525 : vector<1x16xf32> to vector<16xf32>
      %get3A_527 = arith.constant 18 : i32
      %get3A_528 = arith.index_cast %get3A_527 : i32 to index
      %get3A_529 = arith.constant 48 : index
      %get3A_530 = tpu.vector_load %arg6[%get3A_528, %get3A_529] {strides = array<i32>} : memref<80x64xf32, #tpu.memory_space<vmem>>, vector<1x16xf32>,
      %get3A_531 = vector.shape_cast %get3A_530 : vector<1x16xf32> to vector<16xf32>
      %add3A_532 = arith.addf %get3A_526, %get3A_531 : vector<16xf32>
      %get3A_533 = arith.constant 34 : i32
      %get3A_534 = arith.index_cast %get3A_533 : i32 to index
      %get3A_535 = arith.constant 48 : index
      %get3A_536 = tpu.vector_load %arg6[%get3A_534, %get3A_535] {strides = array<i32>} : memref<80x64xf32, #tpu.memory_space<vmem>>, vector<1x16xf32>,
      %get3A_537 = vector.shape_cast %get3A_536 : vector<1x16xf32> to vector<16xf32>
      %add3A_538 = arith.addf %add3A_532, %get3A_537 : vector<16xf32>
      %get3A_539 = arith.constant 50 : i32
      %get3A_540 = arith.index_cast %get3A_539 : i32 to index
      %get3A_541 = arith.constant 48 : index
      %get3A_542 = tpu.vector_load %arg6[%get3A_540, %get3A_541] {strides = array<i32>} : memref<80x64xf32, #tpu.memory_space<vmem>>, vector<1x16xf32>,
      %get3A_543 = vector.shape_cast %get3A_542 : vector<1x16xf32> to vector<16xf32>
      %add3A_544 = arith.addf %add3A_538, %get3A_543 : vector<16xf32>
      %get3A_545 = arith.constant 66 : i32
      %get3A_546 = arith.index_cast %get3A_545 : i32 to index
      %get3A_547 = arith.constant 48 : index
      %get3A_548 = tpu.vector_load %arg6[%get3A_546, %get3A_547] {strides = array<i32>} : memref<80x64xf32, #tpu.memory_space<vmem>>, vector<1x16xf32>,
      %get3A_549 = vector.shape_cast %get3A_548 : vector<1x16xf32> to vector<16xf32>
      %add3A_550 = arith.addf %add3A_544, %get3A_549 : vector<16xf32>
      %div3A_551 = arith.constant 5.000000e+00 : f32
      %div3A_552 = vector.broadcast %div3A_551 : f32 to vector<16xf32>
      %div3A_553 = arith.divf %add3A_550, %div3A_552 : vector<16xf32>
      %swap3A_554 = arith.constant 2 : i32
      %swap3A_555 = arith.index_cast %swap3A_554 : i32 to index
      %swap3A_556 = arith.constant 48 : index
      %swap3A_557 = tpu.vector_load %arg7[%swap3A_555, %swap3A_556] {strides = array<i32>} : memref<16x64xf32, #tpu.memory_space<vmem>>, vector<1x16xf32>,
      %swap3A_558 = vector.shape_cast %swap3A_557 : vector<1x16xf32> to vector<16xf32>
      %swap3A_559 = vector.shape_cast %div3A_553 : vector<16xf32> to vector<1x16xf32>
      tpu.vector_store %arg7[%swap3A_555, %swap3A_556], %swap3A_559 {strides = array<i32>} : memref<16x64xf32, #tpu.memory_space<vmem>>, vector<1x16xf32>,
      %get3A_560 = arith.constant 3 : i32
      %get3A_561 = arith.index_cast %get3A_560 : i32 to index
      %get3A_562 = arith.constant 0 : index
      %get3A_563 = tpu.vector_load %arg6[%get3A_561, %get3A_562] {strides = array<i32>} : memref<80x64xf32, #tpu.memory_space<vmem>>, vector<1x16xf32>,
      %get3A_564 = vector.shape_cast %get3A_563 : vector<1x16xf32> to vector<16xf32>
      %get3A_565 = arith.constant 19 : i32
      %get3A_566 = arith.index_cast %get3A_565 : i32 to index
      %get3A_567 = arith.constant 0 : index
      %get3A_568 = tpu.vector_load %arg6[%get3A_566, %get3A_567] {strides = array<i32>} : memref<80x64xf32, #tpu.memory_space<vmem>>, vector<1x16xf32>,
      %get3A_569 = vector.shape_cast %get3A_568 : vector<1x16xf32> to vector<16xf32>
      %add3A_570 = arith.addf %get3A_564, %get3A_569 : vector<16xf32>
      %get3A_571 = arith.constant 35 : i32
      %get3A_572 = arith.index_cast %get3A_571 : i32 to index
      %get3A_573 = arith.constant 0 : index
      %get3A_574 = tpu.vector_load %arg6[%get3A_572, %get3A_573] {strides = array<i32>} : memref<80x64xf32, #tpu.memory_space<vmem>>, vector<1x16xf32>,
      %get3A_575 = vector.shape_cast %get3A_574 : vector<1x16xf32> to vector<16xf32>
      %add3A_576 = arith.addf %add3A_570, %get3A_575 : vector<16xf32>
      %get3A_577 = arith.constant 51 : i32
      %get3A_578 = arith.index_cast %get3A_577 : i32 to index
      %get3A_579 = arith.constant 0 : index
      %get3A_580 = tpu.vector_load %arg6[%get3A_578, %get3A_579] {strides = array<i32>} : memref<80x64xf32, #tpu.memory_space<vmem>>, vector<1x16xf32>,
      %get3A_581 = vector.shape_cast %get3A_580 : vector<1x16xf32> to vector<16xf32>
      %add3A_582 = arith.addf %add3A_576, %get3A_581 : vector<16xf32>
      %get3A_583 = arith.constant 67 : i32
      %get3A_584 = arith.index_cast %get3A_583 : i32 to index
      %get3A_585 = arith.constant 0 : index
      %get3A_586 = tpu.vector_load %arg6[%get3A_584, %get3A_585] {strides = array<i32>} : memref<80x64xf32, #tpu.memory_space<vmem>>, vector<1x16xf32>,
      %get3A_587 = vector.shape_cast %get3A_586 : vector<1x16xf32> to vector<16xf32>
      %add3A_588 = arith.addf %add3A_582, %get3A_587 : vector<16xf32>
      %div3A_589 = arith.constant 5.000000e+00 : f32
      %div3A_590 = vector.broadcast %div3A_589 : f32 to vector<16xf32>
      %div3A_591 = arith.divf %add3A_588, %div3A_590 : vector<16xf32>
      %swap3A_592 = arith.constant 3 : i32
      %swap3A_593 = arith.index_cast %swap3A_592 : i32 to index
      %swap3A_594 = arith.constant 0 : index
      %swap3A_595 = tpu.vector_load %arg7[%swap3A_593, %swap3A_594] {strides = array<i32>} : memref<16x64xf32, #tpu.memory_space<vmem>>, vector<1x16xf32>,
      %swap3A_596 = vector.shape_cast %swap3A_595 : vector<1x16xf32> to vector<16xf32>
      %swap3A_597 = vector.shape_cast %div3A_591 : vector<16xf32> to vector<1x16xf32>
      tpu.vector_store %arg7[%swap3A_593, %swap3A_594], %swap3A_597 {strides = array<i32>} : memref<16x64xf32, #tpu.memory_space<vmem>>, vector<1x16xf32>,
      %get3A_598 = arith.constant 3 : i32
      %get3A_599 = arith.index_cast %get3A_598 : i32 to index
      %get3A_600 = arith.constant 16 : index
      %get3A_601 = tpu.vector_load %arg6[%get3A_599, %get3A_600] {strides = array<i32>} : memref<80x64xf32, #tpu.memory_space<vmem>>, vector<1x16xf32>,
      %get3A_602 = vector.shape_cast %get3A_601 : vector<1x16xf32> to vector<16xf32>
      %get3A_603 = arith.constant 19 : i32
      %get3A_604 = arith.index_cast %get3A_603 : i32 to index
      %get3A_605 = arith.constant 16 : index
      %get3A_606 = tpu.vector_load %arg6[%get3A_604, %get3A_605] {strides = array<i32>} : memref<80x64xf32, #tpu.memory_space<vmem>>, vector<1x16xf32>,
      %get3A_607 = vector.shape_cast %get3A_606 : vector<1x16xf32> to vector<16xf32>
      %add3A_608 = arith.addf %get3A_602, %get3A_607 : vector<16xf32>
      %get3A_609 = arith.constant 35 : i32
      %get3A_610 = arith.index_cast %get3A_609 : i32 to index
      %get3A_611 = arith.constant 16 : index
      %get3A_612 = tpu.vector_load %arg6[%get3A_610, %get3A_611] {strides = array<i32>} : memref<80x64xf32, #tpu.memory_space<vmem>>, vector<1x16xf32>,
      %get3A_613 = vector.shape_cast %get3A_612 : vector<1x16xf32> to vector<16xf32>
      %add3A_614 = arith.addf %add3A_608, %get3A_613 : vector<16xf32>
      %get3A_615 = arith.constant 51 : i32
      %get3A_616 = arith.index_cast %get3A_615 : i32 to index
      %get3A_617 = arith.constant 16 : index
      %get3A_618 = tpu.vector_load %arg6[%get3A_616, %get3A_617] {strides = array<i32>} : memref<80x64xf32, #tpu.memory_space<vmem>>, vector<1x16xf32>,
      %get3A_619 = vector.shape_cast %get3A_618 : vector<1x16xf32> to vector<16xf32>
      %add3A_620 = arith.addf %add3A_614, %get3A_619 : vector<16xf32>
      %get3A_621 = arith.constant 67 : i32
      %get3A_622 = arith.index_cast %get3A_621 : i32 to index
      %get3A_623 = arith.constant 16 : index
      %get3A_624 = tpu.vector_load %arg6[%get3A_622, %get3A_623] {strides = array<i32>} : memref<80x64xf32, #tpu.memory_space<vmem>>, vector<1x16xf32>,
      %get3A_625 = vector.shape_cast %get3A_624 : vector<1x16xf32> to vector<16xf32>
      %add3A_626 = arith.addf %add3A_620, %get3A_625 : vector<16xf32>
      %div3A_627 = arith.constant 5.000000e+00 : f32
      %div3A_628 = vector.broadcast %div3A_627 : f32 to vector<16xf32>
      %div3A_629 = arith.divf %add3A_626, %div3A_628 : vector<16xf32>
      %swap3A_630 = arith.constant 3 : i32
      %swap3A_631 = arith.index_cast %swap3A_630 : i32 to index
      %swap3A_632 = arith.constant 16 : index
      %swap3A_633 = tpu.vector_load %arg7[%swap3A_631, %swap3A_632] {strides = array<i32>} : memref<16x64xf32, #tpu.memory_space<vmem>>, vector<1x16xf32>,
      %swap3A_634 = vector.shape_cast %swap3A_633 : vector<1x16xf32> to vector<16xf32>
      %swap3A_635 = vector.shape_cast %div3A_629 : vector<16xf32> to vector<1x16xf32>
      tpu.vector_store %arg7[%swap3A_631, %swap3A_632], %swap3A_635 {strides = array<i32>} : memref<16x64xf32, #tpu.memory_space<vmem>>, vector<1x16xf32>,
      %get3A_636 = arith.constant 3 : i32
      %get3A_637 = arith.index_cast %get3A_636 : i32 to index
      %get3A_638 = arith.constant 32 : index
      %get3A_639 = tpu.vector_load %arg6[%get3A_637, %get3A_638] {strides = array<i32>} : memref<80x64xf32, #tpu.memory_space<vmem>>, vector<1x16xf32>,
      %get3A_640 = vector.shape_cast %get3A_639 : vector<1x16xf32> to vector<16xf32>
      %get3A_641 = arith.constant 19 : i32
      %get3A_642 = arith.index_cast %get3A_641 : i32 to index
      %get3A_643 = arith.constant 32 : index
      %get3A_644 = tpu.vector_load %arg6[%get3A_642, %get3A_643] {strides = array<i32>} : memref<80x64xf32, #tpu.memory_space<vmem>>, vector<1x16xf32>,
      %get3A_645 = vector.shape_cast %get3A_644 : vector<1x16xf32> to vector<16xf32>
      %add3A_646 = arith.addf %get3A_640, %get3A_645 : vector<16xf32>
      %get3A_647 = arith.constant 35 : i32
      %get3A_648 = arith.index_cast %get3A_647 : i32 to index
      %get3A_649 = arith.constant 32 : index
      %get3A_650 = tpu.vector_load %arg6[%get3A_648, %get3A_649] {strides = array<i32>} : memref<80x64xf32, #tpu.memory_space<vmem>>, vector<1x16xf32>,
      %get3A_651 = vector.shape_cast %get3A_650 : vector<1x16xf32> to vector<16xf32>
      %add3A_652 = arith.addf %add3A_646, %get3A_651 : vector<16xf32>
      %get3A_653 = arith.constant 51 : i32
      %get3A_654 = arith.index_cast %get3A_653 : i32 to index
      %get3A_655 = arith.constant 32 : index
      %get3A_656 = tpu.vector_load %arg6[%get3A_654, %get3A_655] {strides = array<i32>} : memref<80x64xf32, #tpu.memory_space<vmem>>, vector<1x16xf32>,
      %get3A_657 = vector.shape_cast %get3A_656 : vector<1x16xf32> to vector<16xf32>
      %add3A_658 = arith.addf %add3A_652, %get3A_657 : vector<16xf32>
      %get3A_659 = arith.constant 67 : i32
      %get3A_660 = arith.index_cast %get3A_659 : i32 to index
      %get3A_661 = arith.constant 32 : index
      %get3A_662 = tpu.vector_load %arg6[%get3A_660, %get3A_661] {strides = array<i32>} : memref<80x64xf32, #tpu.memory_space<vmem>>, vector<1x16xf32>,
      %get3A_663 = vector.shape_cast %get3A_662 : vector<1x16xf32> to vector<16xf32>
      %add3A_664 = arith.addf %add3A_658, %get3A_663 : vector<16xf32>
      %div3A_665 = arith.constant 5.000000e+00 : f32
      %div3A_666 = vector.broadcast %div3A_665 : f32 to vector<16xf32>
      %div3A_667 = arith.divf %add3A_664, %div3A_666 : vector<16xf32>
      %swap3A_668 = arith.constant 3 : i32
      %swap3A_669 = arith.index_cast %swap3A_668 : i32 to index
      %swap3A_670 = arith.constant 32 : index
      %swap3A_671 = tpu.vector_load %arg7[%swap3A_669, %swap3A_670] {strides = array<i32>} : memref<16x64xf32, #tpu.memory_space<vmem>>, vector<1x16xf32>,
      %swap3A_672 = vector.shape_cast %swap3A_671 : vector<1x16xf32> to vector<16xf32>
      %swap3A_673 = vector.shape_cast %div3A_667 : vector<16xf32> to vector<1x16xf32>
      tpu.vector_store %arg7[%swap3A_669, %swap3A_670], %swap3A_673 {strides = array<i32>} : memref<16x64xf32, #tpu.memory_space<vmem>>, vector<1x16xf32>,
      %get3A_674 = arith.constant 3 : i32
      %get3A_675 = arith.index_cast %get3A_674 : i32 to index
      %get3A_676 = arith.constant 48 : index
      %get3A_677 = tpu.vector_load %arg6[%get3A_675, %get3A_676] {strides = array<i32>} : memref<80x64xf32, #tpu.memory_space<vmem>>, vector<1x16xf32>,
      %get3A_678 = vector.shape_cast %get3A_677 : vector<1x16xf32> to vector<16xf32>
      %get3A_679 = arith.constant 19 : i32
      %get3A_680 = arith.index_cast %get3A_679 : i32 to index
      %get3A_681 = arith.constant 48 : index
      %get3A_682 = tpu.vector_load %arg6[%get3A_680, %get3A_681] {strides = array<i32>} : memref<80x64xf32, #tpu.memory_space<vmem>>, vector<1x16xf32>,
      %get3A_683 = vector.shape_cast %get3A_682 : vector<1x16xf32> to vector<16xf32>
      %add3A_684 = arith.addf %get3A_678, %get3A_683 : vector<16xf32>
      %get3A_685 = arith.constant 35 : i32
      %get3A_686 = arith.index_cast %get3A_685 : i32 to index
      %get3A_687 = arith.constant 48 : index
      %get3A_688 = tpu.vector_load %arg6[%get3A_686, %get3A_687] {strides = array<i32>} : memref<80x64xf32, #tpu.memory_space<vmem>>, vector<1x16xf32>,
      %get3A_689 = vector.shape_cast %get3A_688 : vector<1x16xf32> to vector<16xf32>
      %add3A_690 = arith.addf %add3A_684, %get3A_689 : vector<16xf32>
      %get3A_691 = arith.constant 51 : i32
      %get3A_692 = arith.index_cast %get3A_691 : i32 to index
      %get3A_693 = arith.constant 48 : index
      %get3A_694 = tpu.vector_load %arg6[%get3A_692, %get3A_693] {strides = array<i32>} : memref<80x64xf32, #tpu.memory_space<vmem>>, vector<1x16xf32>,
      %get3A_695 = vector.shape_cast %get3A_694 : vector<1x16xf32> to vector<16xf32>
      %add3A_696 = arith.addf %add3A_690, %get3A_695 : vector<16xf32>
      %get3A_697 = arith.constant 67 : i32
      %get3A_698 = arith.index_cast %get3A_697 : i32 to index
      %get3A_699 = arith.constant 48 : index
      %get3A_700 = tpu.vector_load %arg6[%get3A_698, %get3A_699] {strides = array<i32>} : memref<80x64xf32, #tpu.memory_space<vmem>>, vector<1x16xf32>,
      %get3A_701 = vector.shape_cast %get3A_700 : vector<1x16xf32> to vector<16xf32>
      %add3A_702 = arith.addf %add3A_696, %get3A_701 : vector<16xf32>
      %div3A_703 = arith.constant 5.000000e+00 : f32
      %div3A_704 = vector.broadcast %div3A_703 : f32 to vector<16xf32>
      %div3A_705 = arith.divf %add3A_702, %div3A_704 : vector<16xf32>
      %swap3A_706 = arith.constant 3 : i32
      %swap3A_707 = arith.index_cast %swap3A_706 : i32 to index
      %swap3A_708 = arith.constant 48 : index
      %swap3A_709 = tpu.vector_load %arg7[%swap3A_707, %swap3A_708] {strides = array<i32>} : memref<16x64xf32, #tpu.memory_space<vmem>>, vector<1x16xf32>,
      %swap3A_710 = vector.shape_cast %swap3A_709 : vector<1x16xf32> to vector<16xf32>
      %swap3A_711 = vector.shape_cast %div3A_705 : vector<16xf32> to vector<1x16xf32>
      tpu.vector_store %arg7[%swap3A_707, %swap3A_708], %swap3A_711 {strides = array<i32>} : memref<16x64xf32, #tpu.memory_space<vmem>>, vector<1x16xf32>,
      %get3A_712 = arith.constant 4 : i32
      %get3A_713 = arith.index_cast %get3A_712 : i32 to index
      %get3A_714 = arith.constant 0 : index
      %get3A_715 = tpu.vector_load %arg6[%get3A_713, %get3A_714] {strides = array<i32>} : memref<80x64xf32, #tpu.memory_space<vmem>>, vector<1x16xf32>,
      %get3A_716 = vector.shape_cast %get3A_715 : vector<1x16xf32> to vector<16xf32>
      %get3A_717 = arith.constant 20 : i32
      %get3A_718 = arith.index_cast %get3A_717 : i32 to index
      %get3A_719 = arith.constant 0 : index
      %get3A_720 = tpu.vector_load %arg6[%get3A_718, %get3A_719] {strides = array<i32>} : memref<80x64xf32, #tpu.memory_space<vmem>>, vector<1x16xf32>,
      %get3A_721 = vector.shape_cast %get3A_720 : vector<1x16xf32> to vector<16xf32>
      %add3A_722 = arith.addf %get3A_716, %get3A_721 : vector<16xf32>
      %get3A_723 = arith.constant 36 : i32
      %get3A_724 = arith.index_cast %get3A_723 : i32 to index
      %get3A_725 = arith.constant 0 : index
      %get3A_726 = tpu.vector_load %arg6[%get3A_724, %get3A_725] {strides = array<i32>} : memref<80x64xf32, #tpu.memory_space<vmem>>, vector<1x16xf32>,
      %get3A_727 = vector.shape_cast %get3A_726 : vector<1x16xf32> to vector<16xf32>
      %add3A_728 = arith.addf %add3A_722, %get3A_727 : vector<16xf32>
      %get3A_729 = arith.constant 52 : i32
      %get3A_730 = arith.index_cast %get3A_729 : i32 to index
      %get3A_731 = arith.constant 0 : index
      %get3A_732 = tpu.vector_load %arg6[%get3A_730, %get3A_731] {strides = array<i32>} : memref<80x64xf32, #tpu.memory_space<vmem>>, vector<1x16xf32>,
      %get3A_733 = vector.shape_cast %get3A_732 : vector<1x16xf32> to vector<16xf32>
      %add3A_734 = arith.addf %add3A_728, %get3A_733 : vector<16xf32>
      %get3A_735 = arith.constant 68 : i32
      %get3A_736 = arith.index_cast %get3A_735 : i32 to index
      %get3A_737 = arith.constant 0 : index
      %get3A_738 = tpu.vector_load %arg6[%get3A_736, %get3A_737] {strides = array<i32>} : memref<80x64xf32, #tpu.memory_space<vmem>>, vector<1x16xf32>,
      %get3A_739 = vector.shape_cast %get3A_738 : vector<1x16xf32> to vector<16xf32>
      %add3A_740 = arith.addf %add3A_734, %get3A_739 : vector<16xf32>
      %div3A_741 = arith.constant 5.000000e+00 : f32
      %div3A_742 = vector.broadcast %div3A_741 : f32 to vector<16xf32>
      %div3A_743 = arith.divf %add3A_740, %div3A_742 : vector<16xf32>
      %swap3A_744 = arith.constant 4 : i32
      %swap3A_745 = arith.index_cast %swap3A_744 : i32 to index
      %swap3A_746 = arith.constant 0 : index
      %swap3A_747 = tpu.vector_load %arg7[%swap3A_745, %swap3A_746] {strides = array<i32>} : memref<16x64xf32, #tpu.memory_space<vmem>>, vector<1x16xf32>,
      %swap3A_748 = vector.shape_cast %swap3A_747 : vector<1x16xf32> to vector<16xf32>
      %swap3A_749 = vector.shape_cast %div3A_743 : vector<16xf32> to vector<1x16xf32>
      tpu.vector_store %arg7[%swap3A_745, %swap3A_746], %swap3A_749 {strides = array<i32>} : memref<16x64xf32, #tpu.memory_space<vmem>>, vector<1x16xf32>,
      %get3A_750 = arith.constant 4 : i32
      %get3A_751 = arith.index_cast %get3A_750 : i32 to index
      %get3A_752 = arith.constant 16 : index
      %get3A_753 = tpu.vector_load %arg6[%get3A_751, %get3A_752] {strides = array<i32>} : memref<80x64xf32, #tpu.memory_space<vmem>>, vector<1x16xf32>,
      %get3A_754 = vector.shape_cast %get3A_753 : vector<1x16xf32> to vector<16xf32>
      %get3A_755 = arith.constant 20 : i32
      %get3A_756 = arith.index_cast %get3A_755 : i32 to index
      %get3A_757 = arith.constant 16 : index
      %get3A_758 = tpu.vector_load %arg6[%get3A_756, %get3A_757] {strides = array<i32>} : memref<80x64xf32, #tpu.memory_space<vmem>>, vector<1x16xf32>,
      %get3A_759 = vector.shape_cast %get3A_758 : vector<1x16xf32> to vector<16xf32>
      %add3A_760 = arith.addf %get3A_754, %get3A_759 : vector<16xf32>
      %get3A_761 = arith.constant 36 : i32
      %get3A_762 = arith.index_cast %get3A_761 : i32 to index
      %get3A_763 = arith.constant 16 : index
      %get3A_764 = tpu.vector_load %arg6[%get3A_762, %get3A_763] {strides = array<i32>} : memref<80x64xf32, #tpu.memory_space<vmem>>, vector<1x16xf32>,
      %get3A_765 = vector.shape_cast %get3A_764 : vector<1x16xf32> to vector<16xf32>
      %add3A_766 = arith.addf %add3A_760, %get3A_765 : vector<16xf32>
      %get3A_767 = arith.constant 52 : i32
      %get3A_768 = arith.index_cast %get3A_767 : i32 to index
      %get3A_769 = arith.constant 16 : index
      %get3A_770 = tpu.vector_load %arg6[%get3A_768, %get3A_769] {strides = array<i32>} : memref<80x64xf32, #tpu.memory_space<vmem>>, vector<1x16xf32>,
      %get3A_771 = vector.shape_cast %get3A_770 : vector<1x16xf32> to vector<16xf32>
      %add3A_772 = arith.addf %add3A_766, %get3A_771 : vector<16xf32>
      %get3A_773 = arith.constant 68 : i32
      %get3A_774 = arith.index_cast %get3A_773 : i32 to index
      %get3A_775 = arith.constant 16 : index
      %get3A_776 = tpu.vector_load %arg6[%get3A_774, %get3A_775] {strides = array<i32>} : memref<80x64xf32, #tpu.memory_space<vmem>>, vector<1x16xf32>,
      %get3A_777 = vector.shape_cast %get3A_776 : vector<1x16xf32> to vector<16xf32>
      %add3A_778 = arith.addf %add3A_772, %get3A_777 : vector<16xf32>
      %div3A_779 = arith.constant 5.000000e+00 : f32
      %div3A_780 = vector.broadcast %div3A_779 : f32 to vector<16xf32>
      %div3A_781 = arith.divf %add3A_778, %div3A_780 : vector<16xf32>
      %swap3A_782 = arith.constant 4 : i32
      %swap3A_783 = arith.index_cast %swap3A_782 : i32 to index
      %swap3A_784 = arith.constant 16 : index
      %swap3A_785 = tpu.vector_load %arg7[%swap3A_783, %swap3A_784] {strides = array<i32>} : memref<16x64xf32, #tpu.memory_space<vmem>>, vector<1x16xf32>,
      %swap3A_786 = vector.shape_cast %swap3A_785 : vector<1x16xf32> to vector<16xf32>
      %swap3A_787 = vector.shape_cast %div3A_781 : vector<16xf32> to vector<1x16xf32>
      tpu.vector_store %arg7[%swap3A_783, %swap3A_784], %swap3A_787 {strides = array<i32>} : memref<16x64xf32, #tpu.memory_space<vmem>>, vector<1x16xf32>,
      %get3A_788 = arith.constant 4 : i32
      %get3A_789 = arith.index_cast %get3A_788 : i32 to index
      %get3A_790 = arith.constant 32 : index
      %get3A_791 = tpu.vector_load %arg6[%get3A_789, %get3A_790] {strides = array<i32>} : memref<80x64xf32, #tpu.memory_space<vmem>>, vector<1x16xf32>,
      %get3A_792 = vector.shape_cast %get3A_791 : vector<1x16xf32> to vector<16xf32>
      %get3A_793 = arith.constant 20 : i32
      %get3A_794 = arith.index_cast %get3A_793 : i32 to index
      %get3A_795 = arith.constant 32 : index
      %get3A_796 = tpu.vector_load %arg6[%get3A_794, %get3A_795] {strides = array<i32>} : memref<80x64xf32, #tpu.memory_space<vmem>>, vector<1x16xf32>,
      %get3A_797 = vector.shape_cast %get3A_796 : vector<1x16xf32> to vector<16xf32>
      %add3A_798 = arith.addf %get3A_792, %get3A_797 : vector<16xf32>
      %get3A_799 = arith.constant 36 : i32
      %get3A_800 = arith.index_cast %get3A_799 : i32 to index
      %get3A_801 = arith.constant 32 : index
      %get3A_802 = tpu.vector_load %arg6[%get3A_800, %get3A_801] {strides = array<i32>} : memref<80x64xf32, #tpu.memory_space<vmem>>, vector<1x16xf32>,
      %get3A_803 = vector.shape_cast %get3A_802 : vector<1x16xf32> to vector<16xf32>
      %add3A_804 = arith.addf %add3A_798, %get3A_803 : vector<16xf32>
      %get3A_805 = arith.constant 52 : i32
      %get3A_806 = arith.index_cast %get3A_805 : i32 to index
      %get3A_807 = arith.constant 32 : index
      %get3A_808 = tpu.vector_load %arg6[%get3A_806, %get3A_807] {strides = array<i32>} : memref<80x64xf32, #tpu.memory_space<vmem>>, vector<1x16xf32>,
      %get3A_809 = vector.shape_cast %get3A_808 : vector<1x16xf32> to vector<16xf32>
      %add3A_810 = arith.addf %add3A_804, %get3A_809 : vector<16xf32>
      %get3A_811 = arith.constant 68 : i32
      %get3A_812 = arith.index_cast %get3A_811 : i32 to index
      %get3A_813 = arith.constant 32 : index
      %get3A_814 = tpu.vector_load %arg6[%get3A_812, %get3A_813] {strides = array<i32>} : memref<80x64xf32, #tpu.memory_space<vmem>>, vector<1x16xf32>,
      %get3A_815 = vector.shape_cast %get3A_814 : vector<1x16xf32> to vector<16xf32>
      %add3A_816 = arith.addf %add3A_810, %get3A_815 : vector<16xf32>
      %div3A_817 = arith.constant 5.000000e+00 : f32
      %div3A_818 = vector.broadcast %div3A_817 : f32 to vector<16xf32>
      %div3A_819 = arith.divf %add3A_816, %div3A_818 : vector<16xf32>
      %swap3A_820 = arith.constant 4 : i32
      %swap3A_821 = arith.index_cast %swap3A_820 : i32 to index
      %swap3A_822 = arith.constant 32 : index
      %swap3A_823 = tpu.vector_load %arg7[%swap3A_821, %swap3A_822] {strides = array<i32>} : memref<16x64xf32, #tpu.memory_space<vmem>>, vector<1x16xf32>,
      %swap3A_824 = vector.shape_cast %swap3A_823 : vector<1x16xf32> to vector<16xf32>
      %swap3A_825 = vector.shape_cast %div3A_819 : vector<16xf32> to vector<1x16xf32>
      tpu.vector_store %arg7[%swap3A_821, %swap3A_822], %swap3A_825 {strides = array<i32>} : memref<16x64xf32, #tpu.memory_space<vmem>>, vector<1x16xf32>,
      %get3A_826 = arith.constant 4 : i32
      %get3A_827 = arith.index_cast %get3A_826 : i32 to index
      %get3A_828 = arith.constant 48 : index
      %get3A_829 = tpu.vector_load %arg6[%get3A_827, %get3A_828] {strides = array<i32>} : memref<80x64xf32, #tpu.memory_space<vmem>>, vector<1x16xf32>,
      %get3A_830 = vector.shape_cast %get3A_829 : vector<1x16xf32> to vector<16xf32>
      %get3A_831 = arith.constant 20 : i32
      %get3A_832 = arith.index_cast %get3A_831 : i32 to index
      %get3A_833 = arith.constant 48 : index
      %get3A_834 = tpu.vector_load %arg6[%get3A_832, %get3A_833] {strides = array<i32>} : memref<80x64xf32, #tpu.memory_space<vmem>>, vector<1x16xf32>,
      %get3A_835 = vector.shape_cast %get3A_834 : vector<1x16xf32> to vector<16xf32>
      %add3A_836 = arith.addf %get3A_830, %get3A_835 : vector<16xf32>
      %get3A_837 = arith.constant 36 : i32
      %get3A_838 = arith.index_cast %get3A_837 : i32 to index
      %get3A_839 = arith.constant 48 : index
      %get3A_840 = tpu.vector_load %arg6[%get3A_838, %get3A_839] {strides = array<i32>} : memref<80x64xf32, #tpu.memory_space<vmem>>, vector<1x16xf32>,
      %get3A_841 = vector.shape_cast %get3A_840 : vector<1x16xf32> to vector<16xf32>
      %add3A_842 = arith.addf %add3A_836, %get3A_841 : vector<16xf32>
      %get3A_843 = arith.constant 52 : i32
      %get3A_844 = arith.index_cast %get3A_843 : i32 to index
      %get3A_845 = arith.constant 48 : index
      %get3A_846 = tpu.vector_load %arg6[%get3A_844, %get3A_845] {strides = array<i32>} : memref<80x64xf32, #tpu.memory_space<vmem>>, vector<1x16xf32>,
      %get3A_847 = vector.shape_cast %get3A_846 : vector<1x16xf32> to vector<16xf32>
      %add3A_848 = arith.addf %add3A_842, %get3A_847 : vector<16xf32>
      %get3A_849 = arith.constant 68 : i32
      %get3A_850 = arith.index_cast %get3A_849 : i32 to index
      %get3A_851 = arith.constant 48 : index
      %get3A_852 = tpu.vector_load %arg6[%get3A_850, %get3A_851] {strides = array<i32>} : memref<80x64xf32, #tpu.memory_space<vmem>>, vector<1x16xf32>,
      %get3A_853 = vector.shape_cast %get3A_852 : vector<1x16xf32> to vector<16xf32>
      %add3A_854 = arith.addf %add3A_848, %get3A_853 : vector<16xf32>
      %div3A_855 = arith.constant 5.000000e+00 : f32
      %div3A_856 = vector.broadcast %div3A_855 : f32 to vector<16xf32>
      %div3A_857 = arith.divf %add3A_854, %div3A_856 : vector<16xf32>
      %swap3A_858 = arith.constant 4 : i32
      %swap3A_859 = arith.index_cast %swap3A_858 : i32 to index
      %swap3A_860 = arith.constant 48 : index
      %swap3A_861 = tpu.vector_load %arg7[%swap3A_859, %swap3A_860] {strides = array<i32>} : memref<16x64xf32, #tpu.memory_space<vmem>>, vector<1x16xf32>,
      %swap3A_862 = vector.shape_cast %swap3A_861 : vector<1x16xf32> to vector<16xf32>
      %swap3A_863 = vector.shape_cast %div3A_857 : vector<16xf32> to vector<1x16xf32>
      tpu.vector_store %arg7[%swap3A_859, %swap3A_860], %swap3A_863 {strides = array<i32>} : memref<16x64xf32, #tpu.memory_space<vmem>>, vector<1x16xf32>,
      %get3A_864 = arith.constant 5 : i32
      %get3A_865 = arith.index_cast %get3A_864 : i32 to index
      %get3A_866 = arith.constant 0 : index
      %get3A_867 = tpu.vector_load %arg6[%get3A_865, %get3A_866] {strides = array<i32>} : memref<80x64xf32, #tpu.memory_space<vmem>>, vector<1x16xf32>,
      %get3A_868 = vector.shape_cast %get3A_867 : vector<1x16xf32> to vector<16xf32>
      %get3A_869 = arith.constant 21 : i32
      %get3A_870 = arith.index_cast %get3A_869 : i32 to index
      %get3A_871 = arith.constant 0 : index
      %get3A_872 = tpu.vector_load %arg6[%get3A_870, %get3A_871] {strides = array<i32>} : memref<80x64xf32, #tpu.memory_space<vmem>>, vector<1x16xf32>,
      %get3A_873 = vector.shape_cast %get3A_872 : vector<1x16xf32> to vector<16xf32>
      %add3A_874 = arith.addf %get3A_868, %get3A_873 : vector<16xf32>
      %get3A_875 = arith.constant 37 : i32
      %get3A_876 = arith.index_cast %get3A_875 : i32 to index
      %get3A_877 = arith.constant 0 : index
      %get3A_878 = tpu.vector_load %arg6[%get3A_876, %get3A_877] {strides = array<i32>} : memref<80x64xf32, #tpu.memory_space<vmem>>, vector<1x16xf32>,
      %get3A_879 = vector.shape_cast %get3A_878 : vector<1x16xf32> to vector<16xf32>
      %add3A_880 = arith.addf %add3A_874, %get3A_879 : vector<16xf32>
      %get3A_881 = arith.constant 53 : i32
      %get3A_882 = arith.index_cast %get3A_881 : i32 to index
      %get3A_883 = arith.constant 0 : index
      %get3A_884 = tpu.vector_load %arg6[%get3A_882, %get3A_883] {strides = array<i32>} : memref<80x64xf32, #tpu.memory_space<vmem>>, vector<1x16xf32>,
      %get3A_885 = vector.shape_cast %get3A_884 : vector<1x16xf32> to vector<16xf32>
      %add3A_886 = arith.addf %add3A_880, %get3A_885 : vector<16xf32>
      %get3A_887 = arith.constant 69 : i32
      %get3A_888 = arith.index_cast %get3A_887 : i32 to index
      %get3A_889 = arith.constant 0 : index
      %get3A_890 = tpu.vector_load %arg6[%get3A_888, %get3A_889] {strides = array<i32>} : memref<80x64xf32, #tpu.memory_space<vmem>>, vector<1x16xf32>,
      %get3A_891 = vector.shape_cast %get3A_890 : vector<1x16xf32> to vector<16xf32>
      %add3A_892 = arith.addf %add3A_886, %get3A_891 : vector<16xf32>
      %div3A_893 = arith.constant 5.000000e+00 : f32
      %div3A_894 = vector.broadcast %div3A_893 : f32 to vector<16xf32>
      %div3A_895 = arith.divf %add3A_892, %div3A_894 : vector<16xf32>
      %swap3A_896 = arith.constant 5 : i32
      %swap3A_897 = arith.index_cast %swap3A_896 : i32 to index
      %swap3A_898 = arith.constant 0 : index
      %swap3A_899 = tpu.vector_load %arg7[%swap3A_897, %swap3A_898] {strides = array<i32>} : memref<16x64xf32, #tpu.memory_space<vmem>>, vector<1x16xf32>,
      %swap3A_900 = vector.shape_cast %swap3A_899 : vector<1x16xf32> to vector<16xf32>
      %swap3A_901 = vector.shape_cast %div3A_895 : vector<16xf32> to vector<1x16xf32>
      tpu.vector_store %arg7[%swap3A_897, %swap3A_898], %swap3A_901 {strides = array<i32>} : memref<16x64xf32, #tpu.memory_space<vmem>>, vector<1x16xf32>,
      %get3A_902 = arith.constant 5 : i32
      %get3A_903 = arith.index_cast %get3A_902 : i32 to index
      %get3A_904 = arith.constant 16 : index
      %get3A_905 = tpu.vector_load %arg6[%get3A_903, %get3A_904] {strides = array<i32>} : memref<80x64xf32, #tpu.memory_space<vmem>>, vector<1x16xf32>,
      %get3A_906 = vector.shape_cast %get3A_905 : vector<1x16xf32> to vector<16xf32>
      %get3A_907 = arith.constant 21 : i32
      %get3A_908 = arith.index_cast %get3A_907 : i32 to index
      %get3A_909 = arith.constant 16 : index
      %get3A_910 = tpu.vector_load %arg6[%get3A_908, %get3A_909] {strides = array<i32>} : memref<80x64xf32, #tpu.memory_space<vmem>>, vector<1x16xf32>,
      %get3A_911 = vector.shape_cast %get3A_910 : vector<1x16xf32> to vector<16xf32>
      %add3A_912 = arith.addf %get3A_906, %get3A_911 : vector<16xf32>
      %get3A_913 = arith.constant 37 : i32
      %get3A_914 = arith.index_cast %get3A_913 : i32 to index
      %get3A_915 = arith.constant 16 : index
      %get3A_916 = tpu.vector_load %arg6[%get3A_914, %get3A_915] {strides = array<i32>} : memref<80x64xf32, #tpu.memory_space<vmem>>, vector<1x16xf32>,
      %get3A_917 = vector.shape_cast %get3A_916 : vector<1x16xf32> to vector<16xf32>
      %add3A_918 = arith.addf %add3A_912, %get3A_917 : vector<16xf32>
      %get3A_919 = arith.constant 53 : i32
      %get3A_920 = arith.index_cast %get3A_919 : i32 to index
      %get3A_921 = arith.constant 16 : index
      %get3A_922 = tpu.vector_load %arg6[%get3A_920, %get3A_921] {strides = array<i32>} : memref<80x64xf32, #tpu.memory_space<vmem>>, vector<1x16xf32>,
      %get3A_923 = vector.shape_cast %get3A_922 : vector<1x16xf32> to vector<16xf32>
      %add3A_924 = arith.addf %add3A_918, %get3A_923 : vector<16xf32>
      %get3A_925 = arith.constant 69 : i32
      %get3A_926 = arith.index_cast %get3A_925 : i32 to index
      %get3A_927 = arith.constant 16 : index
      %get3A_928 = tpu.vector_load %arg6[%get3A_926, %get3A_927] {strides = array<i32>} : memref<80x64xf32, #tpu.memory_space<vmem>>, vector<1x16xf32>,
      %get3A_929 = vector.shape_cast %get3A_928 : vector<1x16xf32> to vector<16xf32>
      %add3A_930 = arith.addf %add3A_924, %get3A_929 : vector<16xf32>
      %div3A_931 = arith.constant 5.000000e+00 : f32
      %div3A_932 = vector.broadcast %div3A_931 : f32 to vector<16xf32>
      %div3A_933 = arith.divf %add3A_930, %div3A_932 : vector<16xf32>
      %swap3A_934 = arith.constant 5 : i32
      %swap3A_935 = arith.index_cast %swap3A_934 : i32 to index
      %swap3A_936 = arith.constant 16 : index
      %swap3A_937 = tpu.vector_load %arg7[%swap3A_935, %swap3A_936] {strides = array<i32>} : memref<16x64xf32, #tpu.memory_space<vmem>>, vector<1x16xf32>,
      %swap3A_938 = vector.shape_cast %swap3A_937 : vector<1x16xf32> to vector<16xf32>
      %swap3A_939 = vector.shape_cast %div3A_933 : vector<16xf32> to vector<1x16xf32>
      tpu.vector_store %arg7[%swap3A_935, %swap3A_936], %swap3A_939 {strides = array<i32>} : memref<16x64xf32, #tpu.memory_space<vmem>>, vector<1x16xf32>,
      %get3A_940 = arith.constant 5 : i32
      %get3A_941 = arith.index_cast %get3A_940 : i32 to index
      %get3A_942 = arith.constant 32 : index
      %get3A_943 = tpu.vector_load %arg6[%get3A_941, %get3A_942] {strides = array<i32>} : memref<80x64xf32, #tpu.memory_space<vmem>>, vector<1x16xf32>,
      %get3A_944 = vector.shape_cast %get3A_943 : vector<1x16xf32> to vector<16xf32>
      %get3A_945 = arith.constant 21 : i32
      %get3A_946 = arith.index_cast %get3A_945 : i32 to index
      %get3A_947 = arith.constant 32 : index
      %get3A_948 = tpu.vector_load %arg6[%get3A_946, %get3A_947] {strides = array<i32>} : memref<80x64xf32, #tpu.memory_space<vmem>>, vector<1x16xf32>,
      %get3A_949 = vector.shape_cast %get3A_948 : vector<1x16xf32> to vector<16xf32>
      %add3A_950 = arith.addf %get3A_944, %get3A_949 : vector<16xf32>
      %get3A_951 = arith.constant 37 : i32
      %get3A_952 = arith.index_cast %get3A_951 : i32 to index
      %get3A_953 = arith.constant 32 : index
      %get3A_954 = tpu.vector_load %arg6[%get3A_952, %get3A_953] {strides = array<i32>} : memref<80x64xf32, #tpu.memory_space<vmem>>, vector<1x16xf32>,
      %get3A_955 = vector.shape_cast %get3A_954 : vector<1x16xf32> to vector<16xf32>
      %add3A_956 = arith.addf %add3A_950, %get3A_955 : vector<16xf32>
      %get3A_957 = arith.constant 53 : i32
      %get3A_958 = arith.index_cast %get3A_957 : i32 to index
      %get3A_959 = arith.constant 32 : index
      %get3A_960 = tpu.vector_load %arg6[%get3A_958, %get3A_959] {strides = array<i32>} : memref<80x64xf32, #tpu.memory_space<vmem>>, vector<1x16xf32>,
      %get3A_961 = vector.shape_cast %get3A_960 : vector<1x16xf32> to vector<16xf32>
      %add3A_962 = arith.addf %add3A_956, %get3A_961 : vector<16xf32>
      %get3A_963 = arith.constant 69 : i32
      %get3A_964 = arith.index_cast %get3A_963 : i32 to index
      %get3A_965 = arith.constant 32 : index
      %get3A_966 = tpu.vector_load %arg6[%get3A_964, %get3A_965] {strides = array<i32>} : memref<80x64xf32, #tpu.memory_space<vmem>>, vector<1x16xf32>,
      %get3A_967 = vector.shape_cast %get3A_966 : vector<1x16xf32> to vector<16xf32>
      %add3A_968 = arith.addf %add3A_962, %get3A_967 : vector<16xf32>
      %div3A_969 = arith.constant 5.000000e+00 : f32
      %div3A_970 = vector.broadcast %div3A_969 : f32 to vector<16xf32>
      %div3A_971 = arith.divf %add3A_968, %div3A_970 : vector<16xf32>
      %swap3A_972 = arith.constant 5 : i32
      %swap3A_973 = arith.index_cast %swap3A_972 : i32 to index
      %swap3A_974 = arith.constant 32 : index
      %swap3A_975 = tpu.vector_load %arg7[%swap3A_973, %swap3A_974] {strides = array<i32>} : memref<16x64xf32, #tpu.memory_space<vmem>>, vector<1x16xf32>,
      %swap3A_976 = vector.shape_cast %swap3A_975 : vector<1x16xf32> to vector<16xf32>
      %swap3A_977 = vector.shape_cast %div3A_971 : vector<16xf32> to vector<1x16xf32>
      tpu.vector_store %arg7[%swap3A_973, %swap3A_974], %swap3A_977 {strides = array<i32>} : memref<16x64xf32, #tpu.memory_space<vmem>>, vector<1x16xf32>,
      %get3A_978 = arith.constant 5 : i32
      %get3A_979 = arith.index_cast %get3A_978 : i32 to index
      %get3A_980 = arith.constant 48 : index
      %get3A_981 = tpu.vector_load %arg6[%get3A_979, %get3A_980] {strides = array<i32>} : memref<80x64xf32, #tpu.memory_space<vmem>>, vector<1x16xf32>,
      %get3A_982 = vector.shape_cast %get3A_981 : vector<1x16xf32> to vector<16xf32>
      %get3A_983 = arith.constant 21 : i32
      %get3A_984 = arith.index_cast %get3A_983 : i32 to index
      %get3A_985 = arith.constant 48 : index
      %get3A_986 = tpu.vector_load %arg6[%get3A_984, %get3A_985] {strides = array<i32>} : memref<80x64xf32, #tpu.memory_space<vmem>>, vector<1x16xf32>,
      %get3A_987 = vector.shape_cast %get3A_986 : vector<1x16xf32> to vector<16xf32>
      %add3A_988 = arith.addf %get3A_982, %get3A_987 : vector<16xf32>
      %get3A_989 = arith.constant 37 : i32
      %get3A_990 = arith.index_cast %get3A_989 : i32 to index
      %get3A_991 = arith.constant 48 : index
      %get3A_992 = tpu.vector_load %arg6[%get3A_990, %get3A_991] {strides = array<i32>} : memref<80x64xf32, #tpu.memory_space<vmem>>, vector<1x16xf32>,
      %get3A_993 = vector.shape_cast %get3A_992 : vector<1x16xf32> to vector<16xf32>
      %add3A_994 = arith.addf %add3A_988, %get3A_993 : vector<16xf32>
      %get3A_995 = arith.constant 53 : i32
      %get3A_996 = arith.index_cast %get3A_995 : i32 to index
      %get3A_997 = arith.constant 48 : index
      %get3A_998 = tpu.vector_load %arg6[%get3A_996, %get3A_997] {strides = array<i32>} : memref<80x64xf32, #tpu.memory_space<vmem>>, vector<1x16xf32>,
      %get3A_999 = vector.shape_cast %get3A_998 : vector<1x16xf32> to vector<16xf32>
      %add3A_1000 = arith.addf %add3A_994, %get3A_999 : vector<16xf32>
      %get3A_1001 = arith.constant 69 : i32
      %get3A_1002 = arith.index_cast %get3A_1001 : i32 to index
      %get3A_1003 = arith.constant 48 : index
      %get3A_1004 = tpu.vector_load %arg6[%get3A_1002, %get3A_1003] {strides = array<i32>} : memref<80x64xf32, #tpu.memory_space<vmem>>, vector<1x16xf32>,
      %get3A_1005 = vector.shape_cast %get3A_1004 : vector<1x16xf32> to vector<16xf32>
      %add3A_1006 = arith.addf %add3A_1000, %get3A_1005 : vector<16xf32>
      %div3A_1007 = arith.constant 5.000000e+00 : f32
      %div3A_1008 = vector.broadcast %div3A_1007 : f32 to vector<16xf32>
      %div3A_1009 = arith.divf %add3A_1006, %div3A_1008 : vector<16xf32>
      %swap3A_1010 = arith.constant 5 : i32
      %swap3A_1011 = arith.index_cast %swap3A_1010 : i32 to index
      %swap3A_1012 = arith.constant 48 : index
      %swap3A_1013 = tpu.vector_load %arg7[%swap3A_1011, %swap3A_1012] {strides = array<i32>} : memref<16x64xf32, #tpu.memory_space<vmem>>, vector<1x16xf32>,
      %swap3A_1014 = vector.shape_cast %swap3A_1013 : vector<1x16xf32> to vector<16xf32>
      %swap3A_1015 = vector.shape_cast %div3A_1009 : vector<16xf32> to vector<1x16xf32>
      tpu.vector_store %arg7[%swap3A_1011, %swap3A_1012], %swap3A_1015 {strides = array<i32>} : memref<16x64xf32, #tpu.memory_space<vmem>>, vector<1x16xf32>,
      %get3A_1016 = arith.constant 6 : i32
      %get3A_1017 = arith.index_cast %get3A_1016 : i32 to index
      %get3A_1018 = arith.constant 0 : index
      %get3A_1019 = tpu.vector_load %arg6[%get3A_1017, %get3A_1018] {strides = array<i32>} : memref<80x64xf32, #tpu.memory_space<vmem>>, vector<1x16xf32>,
      %get3A_1020 = vector.shape_cast %get3A_1019 : vector<1x16xf32> to vector<16xf32>
      %get3A_1021 = arith.constant 22 : i32
      %get3A_1022 = arith.index_cast %get3A_1021 : i32 to index
      %get3A_1023 = arith.constant 0 : index
      %get3A_1024 = tpu.vector_load %arg6[%get3A_1022, %get3A_1023] {strides = array<i32>} : memref<80x64xf32, #tpu.memory_space<vmem>>, vector<1x16xf32>,
      %get3A_1025 = vector.shape_cast %get3A_1024 : vector<1x16xf32> to vector<16xf32>
      %add3A_1026 = arith.addf %get3A_1020, %get3A_1025 : vector<16xf32>
      %get3A_1027 = arith.constant 38 : i32
      %get3A_1028 = arith.index_cast %get3A_1027 : i32 to index
      %get3A_1029 = arith.constant 0 : index
      %get3A_1030 = tpu.vector_load %arg6[%get3A_1028, %get3A_1029] {strides = array<i32>} : memref<80x64xf32, #tpu.memory_space<vmem>>, vector<1x16xf32>,
      %get3A_1031 = vector.shape_cast %get3A_1030 : vector<1x16xf32> to vector<16xf32>
      %add3A_1032 = arith.addf %add3A_1026, %get3A_1031 : vector<16xf32>
      %get3A_1033 = arith.constant 54 : i32
      %get3A_1034 = arith.index_cast %get3A_1033 : i32 to index
      %get3A_1035 = arith.constant 0 : index
      %get3A_1036 = tpu.vector_load %arg6[%get3A_1034, %get3A_1035] {strides = array<i32>} : memref<80x64xf32, #tpu.memory_space<vmem>>, vector<1x16xf32>,
      %get3A_1037 = vector.shape_cast %get3A_1036 : vector<1x16xf32> to vector<16xf32>
      %add3A_1038 = arith.addf %add3A_1032, %get3A_1037 : vector<16xf32>
      %get3A_1039 = arith.constant 70 : i32
      %get3A_1040 = arith.index_cast %get3A_1039 : i32 to index
      %get3A_1041 = arith.constant 0 : index
      %get3A_1042 = tpu.vector_load %arg6[%get3A_1040, %get3A_1041] {strides = array<i32>} : memref<80x64xf32, #tpu.memory_space<vmem>>, vector<1x16xf32>,
      %get3A_1043 = vector.shape_cast %get3A_1042 : vector<1x16xf32> to vector<16xf32>
      %add3A_1044 = arith.addf %add3A_1038, %get3A_1043 : vector<16xf32>
      %div3A_1045 = arith.constant 5.000000e+00 : f32
      %div3A_1046 = vector.broadcast %div3A_1045 : f32 to vector<16xf32>
      %div3A_1047 = arith.divf %add3A_1044, %div3A_1046 : vector<16xf32>
      %swap3A_1048 = arith.constant 6 : i32
      %swap3A_1049 = arith.index_cast %swap3A_1048 : i32 to index
      %swap3A_1050 = arith.constant 0 : index
      %swap3A_1051 = tpu.vector_load %arg7[%swap3A_1049, %swap3A_1050] {strides = array<i32>} : memref<16x64xf32, #tpu.memory_space<vmem>>, vector<1x16xf32>,
      %swap3A_1052 = vector.shape_cast %swap3A_1051 : vector<1x16xf32> to vector<16xf32>
      %swap3A_1053 = vector.shape_cast %div3A_1047 : vector<16xf32> to vector<1x16xf32>
      tpu.vector_store %arg7[%swap3A_1049, %swap3A_1050], %swap3A_1053 {strides = array<i32>} : memref<16x64xf32, #tpu.memory_space<vmem>>, vector<1x16xf32>,
      %get3A_1054 = arith.constant 6 : i32
      %get3A_1055 = arith.index_cast %get3A_1054 : i32 to index
      %get3A_1056 = arith.constant 16 : index
      %get3A_1057 = tpu.vector_load %arg6[%get3A_1055, %get3A_1056] {strides = array<i32>} : memref<80x64xf32, #tpu.memory_space<vmem>>, vector<1x16xf32>,
      %get3A_1058 = vector.shape_cast %get3A_1057 : vector<1x16xf32> to vector<16xf32>
      %get3A_1059 = arith.constant 22 : i32
      %get3A_1060 = arith.index_cast %get3A_1059 : i32 to index
      %get3A_1061 = arith.constant 16 : index
      %get3A_1062 = tpu.vector_load %arg6[%get3A_1060, %get3A_1061] {strides = array<i32>} : memref<80x64xf32, #tpu.memory_space<vmem>>, vector<1x16xf32>,
      %get3A_1063 = vector.shape_cast %get3A_1062 : vector<1x16xf32> to vector<16xf32>
      %add3A_1064 = arith.addf %get3A_1058, %get3A_1063 : vector<16xf32>
      %get3A_1065 = arith.constant 38 : i32
      %get3A_1066 = arith.index_cast %get3A_1065 : i32 to index
      %get3A_1067 = arith.constant 16 : index
      %get3A_1068 = tpu.vector_load %arg6[%get3A_1066, %get3A_1067] {strides = array<i32>} : memref<80x64xf32, #tpu.memory_space<vmem>>, vector<1x16xf32>,
      %get3A_1069 = vector.shape_cast %get3A_1068 : vector<1x16xf32> to vector<16xf32>
      %add3A_1070 = arith.addf %add3A_1064, %get3A_1069 : vector<16xf32>
      %get3A_1071 = arith.constant 54 : i32
      %get3A_1072 = arith.index_cast %get3A_1071 : i32 to index
      %get3A_1073 = arith.constant 16 : index
      %get3A_1074 = tpu.vector_load %arg6[%get3A_1072, %get3A_1073] {strides = array<i32>} : memref<80x64xf32, #tpu.memory_space<vmem>>, vector<1x16xf32>,
      %get3A_1075 = vector.shape_cast %get3A_1074 : vector<1x16xf32> to vector<16xf32>
      %add3A_1076 = arith.addf %add3A_1070, %get3A_1075 : vector<16xf32>
      %get3A_1077 = arith.constant 70 : i32
      %get3A_1078 = arith.index_cast %get3A_1077 : i32 to index
      %get3A_1079 = arith.constant 16 : index
      %get3A_1080 = tpu.vector_load %arg6[%get3A_1078, %get3A_1079] {strides = array<i32>} : memref<80x64xf32, #tpu.memory_space<vmem>>, vector<1x16xf32>,
      %get3A_1081 = vector.shape_cast %get3A_1080 : vector<1x16xf32> to vector<16xf32>
      %add3A_1082 = arith.addf %add3A_1076, %get3A_1081 : vector<16xf32>
      %div3A_1083 = arith.constant 5.000000e+00 : f32
      %div3A_1084 = vector.broadcast %div3A_1083 : f32 to vector<16xf32>
      %div3A_1085 = arith.divf %add3A_1082, %div3A_1084 : vector<16xf32>
      %swap3A_1086 = arith.constant 6 : i32
      %swap3A_1087 = arith.index_cast %swap3A_1086 : i32 to index
      %swap3A_1088 = arith.constant 16 : index
      %swap3A_1089 = tpu.vector_load %arg7[%swap3A_1087, %swap3A_1088] {strides = array<i32>} : memref<16x64xf32, #tpu.memory_space<vmem>>, vector<1x16xf32>,
      %swap3A_1090 = vector.shape_cast %swap3A_1089 : vector<1x16xf32> to vector<16xf32>
      %swap3A_1091 = vector.shape_cast %div3A_1085 : vector<16xf32> to vector<1x16xf32>
      tpu.vector_store %arg7[%swap3A_1087, %swap3A_1088], %swap3A_1091 {strides = array<i32>} : memref<16x64xf32, #tpu.memory_space<vmem>>, vector<1x16xf32>,
      %get3A_1092 = arith.constant 6 : i32
      %get3A_1093 = arith.index_cast %get3A_1092 : i32 to index
      %get3A_1094 = arith.constant 32 : index
      %get3A_1095 = tpu.vector_load %arg6[%get3A_1093, %get3A_1094] {strides = array<i32>} : memref<80x64xf32, #tpu.memory_space<vmem>>, vector<1x16xf32>,
      %get3A_1096 = vector.shape_cast %get3A_1095 : vector<1x16xf32> to vector<16xf32>
      %get3A_1097 = arith.constant 22 : i32
      %get3A_1098 = arith.index_cast %get3A_1097 : i32 to index
      %get3A_1099 = arith.constant 32 : index
      %get3A_1100 = tpu.vector_load %arg6[%get3A_1098, %get3A_1099] {strides = array<i32>} : memref<80x64xf32, #tpu.memory_space<vmem>>, vector<1x16xf32>,
      %get3A_1101 = vector.shape_cast %get3A_1100 : vector<1x16xf32> to vector<16xf32>
      %add3A_1102 = arith.addf %get3A_1096, %get3A_1101 : vector<16xf32>
      %get3A_1103 = arith.constant 38 : i32
      %get3A_1104 = arith.index_cast %get3A_1103 : i32 to index
      %get3A_1105 = arith.constant 32 : index
      %get3A_1106 = tpu.vector_load %arg6[%get3A_1104, %get3A_1105] {strides = array<i32>} : memref<80x64xf32, #tpu.memory_space<vmem>>, vector<1x16xf32>,
      %get3A_1107 = vector.shape_cast %get3A_1106 : vector<1x16xf32> to vector<16xf32>
      %add3A_1108 = arith.addf %add3A_1102, %get3A_1107 : vector<16xf32>
      %get3A_1109 = arith.constant 54 : i32
      %get3A_1110 = arith.index_cast %get3A_1109 : i32 to index
      %get3A_1111 = arith.constant 32 : index
      %get3A_1112 = tpu.vector_load %arg6[%get3A_1110, %get3A_1111] {strides = array<i32>} : memref<80x64xf32, #tpu.memory_space<vmem>>, vector<1x16xf32>,
      %get3A_1113 = vector.shape_cast %get3A_1112 : vector<1x16xf32> to vector<16xf32>
      %add3A_1114 = arith.addf %add3A_1108, %get3A_1113 : vector<16xf32>
      %get3A_1115 = arith.constant 70 : i32
      %get3A_1116 = arith.index_cast %get3A_1115 : i32 to index
      %get3A_1117 = arith.constant 32 : index
      %get3A_1118 = tpu.vector_load %arg6[%get3A_1116, %get3A_1117] {strides = array<i32>} : memref<80x64xf32, #tpu.memory_space<vmem>>, vector<1x16xf32>,
      %get3A_1119 = vector.shape_cast %get3A_1118 : vector<1x16xf32> to vector<16xf32>
      %add3A_1120 = arith.addf %add3A_1114, %get3A_1119 : vector<16xf32>
      %div3A_1121 = arith.constant 5.000000e+00 : f32
      %div3A_1122 = vector.broadcast %div3A_1121 : f32 to vector<16xf32>
      %div3A_1123 = arith.divf %add3A_1120, %div3A_1122 : vector<16xf32>
      %swap3A_1124 = arith.constant 6 : i32
      %swap3A_1125 = arith.index_cast %swap3A_1124 : i32 to index
      %swap3A_1126 = arith.constant 32 : index
      %swap3A_1127 = tpu.vector_load %arg7[%swap3A_1125, %swap3A_1126] {strides = array<i32>} : memref<16x64xf32, #tpu.memory_space<vmem>>, vector<1x16xf32>,
      %swap3A_1128 = vector.shape_cast %swap3A_1127 : vector<1x16xf32> to vector<16xf32>
      %swap3A_1129 = vector.shape_cast %div3A_1123 : vector<16xf32> to vector<1x16xf32>
      tpu.vector_store %arg7[%swap3A_1125, %swap3A_1126], %swap3A_1129 {strides = array<i32>} : memref<16x64xf32, #tpu.memory_space<vmem>>, vector<1x16xf32>,
      %get3A_1130 = arith.constant 6 : i32
      %get3A_1131 = arith.index_cast %get3A_1130 : i32 to index
      %get3A_1132 = arith.constant 48 : index
      %get3A_1133 = tpu.vector_load %arg6[%get3A_1131, %get3A_1132] {strides = array<i32>} : memref<80x64xf32, #tpu.memory_space<vmem>>, vector<1x16xf32>,
      %get3A_1134 = vector.shape_cast %get3A_1133 : vector<1x16xf32> to vector<16xf32>
      %get3A_1135 = arith.constant 22 : i32
      %get3A_1136 = arith.index_cast %get3A_1135 : i32 to index
      %get3A_1137 = arith.constant 48 : index
      %get3A_1138 = tpu.vector_load %arg6[%get3A_1136, %get3A_1137] {strides = array<i32>} : memref<80x64xf32, #tpu.memory_space<vmem>>, vector<1x16xf32>,
      %get3A_1139 = vector.shape_cast %get3A_1138 : vector<1x16xf32> to vector<16xf32>
      %add3A_1140 = arith.addf %get3A_1134, %get3A_1139 : vector<16xf32>
      %get3A_1141 = arith.constant 38 : i32
      %get3A_1142 = arith.index_cast %get3A_1141 : i32 to index
      %get3A_1143 = arith.constant 48 : index
      %get3A_1144 = tpu.vector_load %arg6[%get3A_1142, %get3A_1143] {strides = array<i32>} : memref<80x64xf32, #tpu.memory_space<vmem>>, vector<1x16xf32>,
      %get3A_1145 = vector.shape_cast %get3A_1144 : vector<1x16xf32> to vector<16xf32>
      %add3A_1146 = arith.addf %add3A_1140, %get3A_1145 : vector<16xf32>
      %get3A_1147 = arith.constant 54 : i32
      %get3A_1148 = arith.index_cast %get3A_1147 : i32 to index
      %get3A_1149 = arith.constant 48 : index
      %get3A_1150 = tpu.vector_load %arg6[%get3A_1148, %get3A_1149] {strides = array<i32>} : memref<80x64xf32, #tpu.memory_space<vmem>>, vector<1x16xf32>,
      %get3A_1151 = vector.shape_cast %get3A_1150 : vector<1x16xf32> to vector<16xf32>
      %add3A_1152 = arith.addf %add3A_1146, %get3A_1151 : vector<16xf32>
      %get3A_1153 = arith.constant 70 : i32
      %get3A_1154 = arith.index_cast %get3A_1153 : i32 to index
      %get3A_1155 = arith.constant 48 : index
      %get3A_1156 = tpu.vector_load %arg6[%get3A_1154, %get3A_1155] {strides = array<i32>} : memref<80x64xf32, #tpu.memory_space<vmem>>, vector<1x16xf32>,
      %get3A_1157 = vector.shape_cast %get3A_1156 : vector<1x16xf32> to vector<16xf32>
      %add3A_1158 = arith.addf %add3A_1152, %get3A_1157 : vector<16xf32>
      %div3A_1159 = arith.constant 5.000000e+00 : f32
      %div3A_1160 = vector.broadcast %div3A_1159 : f32 to vector<16xf32>
      %div3A_1161 = arith.divf %add3A_1158, %div3A_1160 : vector<16xf32>
      %swap3A_1162 = arith.constant 6 : i32
      %swap3A_1163 = arith.index_cast %swap3A_1162 : i32 to index
      %swap3A_1164 = arith.constant 48 : index
      %swap3A_1165 = tpu.vector_load %arg7[%swap3A_1163, %swap3A_1164] {strides = array<i32>} : memref<16x64xf32, #tpu.memory_space<vmem>>, vector<1x16xf32>,
      %swap3A_1166 = vector.shape_cast %swap3A_1165 : vector<1x16xf32> to vector<16xf32>
      %swap3A_1167 = vector.shape_cast %div3A_1161 : vector<16xf32> to vector<1x16xf32>
      tpu.vector_store %arg7[%swap3A_1163, %swap3A_1164], %swap3A_1167 {strides = array<i32>} : memref<16x64xf32, #tpu.memory_space<vmem>>, vector<1x16xf32>,
      %get3A_1168 = arith.constant 7 : i32
      %get3A_1169 = arith.index_cast %get3A_1168 : i32 to index
      %get3A_1170 = arith.constant 0 : index
      %get3A_1171 = tpu.vector_load %arg6[%get3A_1169, %get3A_1170] {strides = array<i32>} : memref<80x64xf32, #tpu.memory_space<vmem>>, vector<1x16xf32>,
      %get3A_1172 = vector.shape_cast %get3A_1171 : vector<1x16xf32> to vector<16xf32>
      %get3A_1173 = arith.constant 23 : i32
      %get3A_1174 = arith.index_cast %get3A_1173 : i32 to index
      %get3A_1175 = arith.constant 0 : index
      %get3A_1176 = tpu.vector_load %arg6[%get3A_1174, %get3A_1175] {strides = array<i32>} : memref<80x64xf32, #tpu.memory_space<vmem>>, vector<1x16xf32>,
      %get3A_1177 = vector.shape_cast %get3A_1176 : vector<1x16xf32> to vector<16xf32>
      %add3A_1178 = arith.addf %get3A_1172, %get3A_1177 : vector<16xf32>
      %get3A_1179 = arith.constant 39 : i32
      %get3A_1180 = arith.index_cast %get3A_1179 : i32 to index
      %get3A_1181 = arith.constant 0 : index
      %get3A_1182 = tpu.vector_load %arg6[%get3A_1180, %get3A_1181] {strides = array<i32>} : memref<80x64xf32, #tpu.memory_space<vmem>>, vector<1x16xf32>,
      %get3A_1183 = vector.shape_cast %get3A_1182 : vector<1x16xf32> to vector<16xf32>
      %add3A_1184 = arith.addf %add3A_1178, %get3A_1183 : vector<16xf32>
      %get3A_1185 = arith.constant 55 : i32
      %get3A_1186 = arith.index_cast %get3A_1185 : i32 to index
      %get3A_1187 = arith.constant 0 : index
      %get3A_1188 = tpu.vector_load %arg6[%get3A_1186, %get3A_1187] {strides = array<i32>} : memref<80x64xf32, #tpu.memory_space<vmem>>, vector<1x16xf32>,
      %get3A_1189 = vector.shape_cast %get3A_1188 : vector<1x16xf32> to vector<16xf32>
      %add3A_1190 = arith.addf %add3A_1184, %get3A_1189 : vector<16xf32>
      %get3A_1191 = arith.constant 71 : i32
      %get3A_1192 = arith.index_cast %get3A_1191 : i32 to index
      %get3A_1193 = arith.constant 0 : index
      %get3A_1194 = tpu.vector_load %arg6[%get3A_1192, %get3A_1193] {strides = array<i32>} : memref<80x64xf32, #tpu.memory_space<vmem>>, vector<1x16xf32>,
      %get3A_1195 = vector.shape_cast %get3A_1194 : vector<1x16xf32> to vector<16xf32>
      %add3A_1196 = arith.addf %add3A_1190, %get3A_1195 : vector<16xf32>
      %div3A_1197 = arith.constant 5.000000e+00 : f32
      %div3A_1198 = vector.broadcast %div3A_1197 : f32 to vector<16xf32>
      %div3A_1199 = arith.divf %add3A_1196, %div3A_1198 : vector<16xf32>
      %swap3A_1200 = arith.constant 7 : i32
      %swap3A_1201 = arith.index_cast %swap3A_1200 : i32 to index
      %swap3A_1202 = arith.constant 0 : index
      %swap3A_1203 = tpu.vector_load %arg7[%swap3A_1201, %swap3A_1202] {strides = array<i32>} : memref<16x64xf32, #tpu.memory_space<vmem>>, vector<1x16xf32>,
      %swap3A_1204 = vector.shape_cast %swap3A_1203 : vector<1x16xf32> to vector<16xf32>
      %swap3A_1205 = vector.shape_cast %div3A_1199 : vector<16xf32> to vector<1x16xf32>
      tpu.vector_store %arg7[%swap3A_1201, %swap3A_1202], %swap3A_1205 {strides = array<i32>} : memref<16x64xf32, #tpu.memory_space<vmem>>, vector<1x16xf32>,
      %get3A_1206 = arith.constant 7 : i32
      %get3A_1207 = arith.index_cast %get3A_1206 : i32 to index
      %get3A_1208 = arith.constant 16 : index
      %get3A_1209 = tpu.vector_load %arg6[%get3A_1207, %get3A_1208] {strides = array<i32>} : memref<80x64xf32, #tpu.memory_space<vmem>>, vector<1x16xf32>,
      %get3A_1210 = vector.shape_cast %get3A_1209 : vector<1x16xf32> to vector<16xf32>
      %get3A_1211 = arith.constant 23 : i32
      %get3A_1212 = arith.index_cast %get3A_1211 : i32 to index
      %get3A_1213 = arith.constant 16 : index
      %get3A_1214 = tpu.vector_load %arg6[%get3A_1212, %get3A_1213] {strides = array<i32>} : memref<80x64xf32, #tpu.memory_space<vmem>>, vector<1x16xf32>,
      %get3A_1215 = vector.shape_cast %get3A_1214 : vector<1x16xf32> to vector<16xf32>
      %add3A_1216 = arith.addf %get3A_1210, %get3A_1215 : vector<16xf32>
      %get3A_1217 = arith.constant 39 : i32
      %get3A_1218 = arith.index_cast %get3A_1217 : i32 to index
      %get3A_1219 = arith.constant 16 : index
      %get3A_1220 = tpu.vector_load %arg6[%get3A_1218, %get3A_1219] {strides = array<i32>} : memref<80x64xf32, #tpu.memory_space<vmem>>, vector<1x16xf32>,
      %get3A_1221 = vector.shape_cast %get3A_1220 : vector<1x16xf32> to vector<16xf32>
      %add3A_1222 = arith.addf %add3A_1216, %get3A_1221 : vector<16xf32>
      %get3A_1223 = arith.constant 55 : i32
      %get3A_1224 = arith.index_cast %get3A_1223 : i32 to index
      %get3A_1225 = arith.constant 16 : index
      %get3A_1226 = tpu.vector_load %arg6[%get3A_1224, %get3A_1225] {strides = array<i32>} : memref<80x64xf32, #tpu.memory_space<vmem>>, vector<1x16xf32>,
      %get3A_1227 = vector.shape_cast %get3A_1226 : vector<1x16xf32> to vector<16xf32>
      %add3A_1228 = arith.addf %add3A_1222, %get3A_1227 : vector<16xf32>
      %get3A_1229 = arith.constant 71 : i32
      %get3A_1230 = arith.index_cast %get3A_1229 : i32 to index
      %get3A_1231 = arith.constant 16 : index
      %get3A_1232 = tpu.vector_load %arg6[%get3A_1230, %get3A_1231] {strides = array<i32>} : memref<80x64xf32, #tpu.memory_space<vmem>>, vector<1x16xf32>,
      %get3A_1233 = vector.shape_cast %get3A_1232 : vector<1x16xf32> to vector<16xf32>
      %add3A_1234 = arith.addf %add3A_1228, %get3A_1233 : vector<16xf32>
      %div3A_1235 = arith.constant 5.000000e+00 : f32
      %div3A_1236 = vector.broadcast %div3A_1235 : f32 to vector<16xf32>
      %div3A_1237 = arith.divf %add3A_1234, %div3A_1236 : vector<16xf32>
      %swap3A_1238 = arith.constant 7 : i32
      %swap3A_1239 = arith.index_cast %swap3A_1238 : i32 to index
      %swap3A_1240 = arith.constant 16 : index
      %swap3A_1241 = tpu.vector_load %arg7[%swap3A_1239, %swap3A_1240] {strides = array<i32>} : memref<16x64xf32, #tpu.memory_space<vmem>>, vector<1x16xf32>,
      %swap3A_1242 = vector.shape_cast %swap3A_1241 : vector<1x16xf32> to vector<16xf32>
      %swap3A_1243 = vector.shape_cast %div3A_1237 : vector<16xf32> to vector<1x16xf32>
      tpu.vector_store %arg7[%swap3A_1239, %swap3A_1240], %swap3A_1243 {strides = array<i32>} : memref<16x64xf32, #tpu.memory_space<vmem>>, vector<1x16xf32>,
      %get3A_1244 = arith.constant 7 : i32
      %get3A_1245 = arith.index_cast %get3A_1244 : i32 to index
      %get3A_1246 = arith.constant 32 : index
      %get3A_1247 = tpu.vector_load %arg6[%get3A_1245, %get3A_1246] {strides = array<i32>} : memref<80x64xf32, #tpu.memory_space<vmem>>, vector<1x16xf32>,
      %get3A_1248 = vector.shape_cast %get3A_1247 : vector<1x16xf32> to vector<16xf32>
      %get3A_1249 = arith.constant 23 : i32
      %get3A_1250 = arith.index_cast %get3A_1249 : i32 to index
      %get3A_1251 = arith.constant 32 : index
      %get3A_1252 = tpu.vector_load %arg6[%get3A_1250, %get3A_1251] {strides = array<i32>} : memref<80x64xf32, #tpu.memory_space<vmem>>, vector<1x16xf32>,
      %get3A_1253 = vector.shape_cast %get3A_1252 : vector<1x16xf32> to vector<16xf32>
      %add3A_1254 = arith.addf %get3A_1248, %get3A_1253 : vector<16xf32>
      %get3A_1255 = arith.constant 39 : i32
      %get3A_1256 = arith.index_cast %get3A_1255 : i32 to index
      %get3A_1257 = arith.constant 32 : index
      %get3A_1258 = tpu.vector_load %arg6[%get3A_1256, %get3A_1257] {strides = array<i32>} : memref<80x64xf32, #tpu.memory_space<vmem>>, vector<1x16xf32>,
      %get3A_1259 = vector.shape_cast %get3A_1258 : vector<1x16xf32> to vector<16xf32>
      %add3A_1260 = arith.addf %add3A_1254, %get3A_1259 : vector<16xf32>
      %get3A_1261 = arith.constant 55 : i32
      %get3A_1262 = arith.index_cast %get3A_1261 : i32 to index
      %get3A_1263 = arith.constant 32 : index
      %get3A_1264 = tpu.vector_load %arg6[%get3A_1262, %get3A_1263] {strides = array<i32>} : memref<80x64xf32, #tpu.memory_space<vmem>>, vector<1x16xf32>,
      %get3A_1265 = vector.shape_cast %get3A_1264 : vector<1x16xf32> to vector<16xf32>
      %add3A_1266 = arith.addf %add3A_1260, %get3A_1265 : vector<16xf32>
      %get3A_1267 = arith.constant 71 : i32
      %get3A_1268 = arith.index_cast %get3A_1267 : i32 to index
      %get3A_1269 = arith.constant 32 : index
      %get3A_1270 = tpu.vector_load %arg6[%get3A_1268, %get3A_1269] {strides = array<i32>} : memref<80x64xf32, #tpu.memory_space<vmem>>, vector<1x16xf32>,
      %get3A_1271 = vector.shape_cast %get3A_1270 : vector<1x16xf32> to vector<16xf32>
      %add3A_1272 = arith.addf %add3A_1266, %get3A_1271 : vector<16xf32>
      %div3A_1273 = arith.constant 5.000000e+00 : f32
      %div3A_1274 = vector.broadcast %div3A_1273 : f32 to vector<16xf32>
      %div3A_1275 = arith.divf %add3A_1272, %div3A_1274 : vector<16xf32>
      %swap3A_1276 = arith.constant 7 : i32
      %swap3A_1277 = arith.index_cast %swap3A_1276 : i32 to index
      %swap3A_1278 = arith.constant 32 : index
      %swap3A_1279 = tpu.vector_load %arg7[%swap3A_1277, %swap3A_1278] {strides = array<i32>} : memref<16x64xf32, #tpu.memory_space<vmem>>, vector<1x16xf32>,
      %swap3A_1280 = vector.shape_cast %swap3A_1279 : vector<1x16xf32> to vector<16xf32>
      %swap3A_1281 = vector.shape_cast %div3A_1275 : vector<16xf32> to vector<1x16xf32>
      tpu.vector_store %arg7[%swap3A_1277, %swap3A_1278], %swap3A_1281 {strides = array<i32>} : memref<16x64xf32, #tpu.memory_space<vmem>>, vector<1x16xf32>,
      %get3A_1282 = arith.constant 7 : i32
      %get3A_1283 = arith.index_cast %get3A_1282 : i32 to index
      %get3A_1284 = arith.constant 48 : index
      %get3A_1285 = tpu.vector_load %arg6[%get3A_1283, %get3A_1284] {strides = array<i32>} : memref<80x64xf32, #tpu.memory_space<vmem>>, vector<1x16xf32>,
      %get3A_1286 = vector.shape_cast %get3A_1285 : vector<1x16xf32> to vector<16xf32>
      %get3A_1287 = arith.constant 23 : i32
      %get3A_1288 = arith.index_cast %get3A_1287 : i32 to index
      %get3A_1289 = arith.constant 48 : index
      %get3A_1290 = tpu.vector_load %arg6[%get3A_1288, %get3A_1289] {strides = array<i32>} : memref<80x64xf32, #tpu.memory_space<vmem>>, vector<1x16xf32>,
      %get3A_1291 = vector.shape_cast %get3A_1290 : vector<1x16xf32> to vector<16xf32>
      %add3A_1292 = arith.addf %get3A_1286, %get3A_1291 : vector<16xf32>
      %get3A_1293 = arith.constant 39 : i32
      %get3A_1294 = arith.index_cast %get3A_1293 : i32 to index
      %get3A_1295 = arith.constant 48 : index
      %get3A_1296 = tpu.vector_load %arg6[%get3A_1294, %get3A_1295] {strides = array<i32>} : memref<80x64xf32, #tpu.memory_space<vmem>>, vector<1x16xf32>,
      %get3A_1297 = vector.shape_cast %get3A_1296 : vector<1x16xf32> to vector<16xf32>
      %add3A_1298 = arith.addf %add3A_1292, %get3A_1297 : vector<16xf32>
      %get3A_1299 = arith.constant 55 : i32
      %get3A_1300 = arith.index_cast %get3A_1299 : i32 to index
      %get3A_1301 = arith.constant 48 : index
      %get3A_1302 = tpu.vector_load %arg6[%get3A_1300, %get3A_1301] {strides = array<i32>} : memref<80x64xf32, #tpu.memory_space<vmem>>, vector<1x16xf32>,
      %get3A_1303 = vector.shape_cast %get3A_1302 : vector<1x16xf32> to vector<16xf32>
      %add3A_1304 = arith.addf %add3A_1298, %get3A_1303 : vector<16xf32>
      %get3A_1305 = arith.constant 71 : i32
      %get3A_1306 = arith.index_cast %get3A_1305 : i32 to index
      %get3A_1307 = arith.constant 48 : index
      %get3A_1308 = tpu.vector_load %arg6[%get3A_1306, %get3A_1307] {strides = array<i32>} : memref<80x64xf32, #tpu.memory_space<vmem>>, vector<1x16xf32>,
      %get3A_1309 = vector.shape_cast %get3A_1308 : vector<1x16xf32> to vector<16xf32>
      %add3A_1310 = arith.addf %add3A_1304, %get3A_1309 : vector<16xf32>
      %div3A_1311 = arith.constant 5.000000e+00 : f32
      %div3A_1312 = vector.broadcast %div3A_1311 : f32 to vector<16xf32>
      %div3A_1313 = arith.divf %add3A_1310, %div3A_1312 : vector<16xf32>
      %swap3A_1314 = arith.constant 7 : i32
      %swap3A_1315 = arith.index_cast %swap3A_1314 : i32 to index
      %swap3A_1316 = arith.constant 48 : index
      %swap3A_1317 = tpu.vector_load %arg7[%swap3A_1315, %swap3A_1316] {strides = array<i32>} : memref<16x64xf32, #tpu.memory_space<vmem>>, vector<1x16xf32>,
      %swap3A_1318 = vector.shape_cast %swap3A_1317 : vector<1x16xf32> to vector<16xf32>
      %swap3A_1319 = vector.shape_cast %div3A_1313 : vector<16xf32> to vector<1x16xf32>
      tpu.vector_store %arg7[%swap3A_1315, %swap3A_1316], %swap3A_1319 {strides = array<i32>} : memref<16x64xf32, #tpu.memory_space<vmem>>, vector<1x16xf32>,
      %get3A_1320 = arith.constant 8 : i32
      %get3A_1321 = arith.index_cast %get3A_1320 : i32 to index
      %get3A_1322 = arith.constant 0 : index
      %get3A_1323 = tpu.vector_load %arg6[%get3A_1321, %get3A_1322] {strides = array<i32>} : memref<80x64xf32, #tpu.memory_space<vmem>>, vector<1x16xf32>,
      %get3A_1324 = vector.shape_cast %get3A_1323 : vector<1x16xf32> to vector<16xf32>
      %get3A_1325 = arith.constant 24 : i32
      %get3A_1326 = arith.index_cast %get3A_1325 : i32 to index
      %get3A_1327 = arith.constant 0 : index
      %get3A_1328 = tpu.vector_load %arg6[%get3A_1326, %get3A_1327] {strides = array<i32>} : memref<80x64xf32, #tpu.memory_space<vmem>>, vector<1x16xf32>,
      %get3A_1329 = vector.shape_cast %get3A_1328 : vector<1x16xf32> to vector<16xf32>
      %add3A_1330 = arith.addf %get3A_1324, %get3A_1329 : vector<16xf32>
      %get3A_1331 = arith.constant 40 : i32
      %get3A_1332 = arith.index_cast %get3A_1331 : i32 to index
      %get3A_1333 = arith.constant 0 : index
      %get3A_1334 = tpu.vector_load %arg6[%get3A_1332, %get3A_1333] {strides = array<i32>} : memref<80x64xf32, #tpu.memory_space<vmem>>, vector<1x16xf32>,
      %get3A_1335 = vector.shape_cast %get3A_1334 : vector<1x16xf32> to vector<16xf32>
      %add3A_1336 = arith.addf %add3A_1330, %get3A_1335 : vector<16xf32>
      %get3A_1337 = arith.constant 56 : i32
      %get3A_1338 = arith.index_cast %get3A_1337 : i32 to index
      %get3A_1339 = arith.constant 0 : index
      %get3A_1340 = tpu.vector_load %arg6[%get3A_1338, %get3A_1339] {strides = array<i32>} : memref<80x64xf32, #tpu.memory_space<vmem>>, vector<1x16xf32>,
      %get3A_1341 = vector.shape_cast %get3A_1340 : vector<1x16xf32> to vector<16xf32>
      %add3A_1342 = arith.addf %add3A_1336, %get3A_1341 : vector<16xf32>
      %get3A_1343 = arith.constant 72 : i32
      %get3A_1344 = arith.index_cast %get3A_1343 : i32 to index
      %get3A_1345 = arith.constant 0 : index
      %get3A_1346 = tpu.vector_load %arg6[%get3A_1344, %get3A_1345] {strides = array<i32>} : memref<80x64xf32, #tpu.memory_space<vmem>>, vector<1x16xf32>,
      %get3A_1347 = vector.shape_cast %get3A_1346 : vector<1x16xf32> to vector<16xf32>
      %add3A_1348 = arith.addf %add3A_1342, %get3A_1347 : vector<16xf32>
      %div3A_1349 = arith.constant 5.000000e+00 : f32
      %div3A_1350 = vector.broadcast %div3A_1349 : f32 to vector<16xf32>
      %div3A_1351 = arith.divf %add3A_1348, %div3A_1350 : vector<16xf32>
      %swap3A_1352 = arith.constant 8 : i32
      %swap3A_1353 = arith.index_cast %swap3A_1352 : i32 to index
      %swap3A_1354 = arith.constant 0 : index
      %swap3A_1355 = tpu.vector_load %arg7[%swap3A_1353, %swap3A_1354] {strides = array<i32>} : memref<16x64xf32, #tpu.memory_space<vmem>>, vector<1x16xf32>,
      %swap3A_1356 = vector.shape_cast %swap3A_1355 : vector<1x16xf32> to vector<16xf32>
      %swap3A_1357 = vector.shape_cast %div3A_1351 : vector<16xf32> to vector<1x16xf32>
      tpu.vector_store %arg7[%swap3A_1353, %swap3A_1354], %swap3A_1357 {strides = array<i32>} : memref<16x64xf32, #tpu.memory_space<vmem>>, vector<1x16xf32>,
      %get3A_1358 = arith.constant 8 : i32
      %get3A_1359 = arith.index_cast %get3A_1358 : i32 to index
      %get3A_1360 = arith.constant 16 : index
      %get3A_1361 = tpu.vector_load %arg6[%get3A_1359, %get3A_1360] {strides = array<i32>} : memref<80x64xf32, #tpu.memory_space<vmem>>, vector<1x16xf32>,
      %get3A_1362 = vector.shape_cast %get3A_1361 : vector<1x16xf32> to vector<16xf32>
      %get3A_1363 = arith.constant 24 : i32
      %get3A_1364 = arith.index_cast %get3A_1363 : i32 to index
      %get3A_1365 = arith.constant 16 : index
      %get3A_1366 = tpu.vector_load %arg6[%get3A_1364, %get3A_1365] {strides = array<i32>} : memref<80x64xf32, #tpu.memory_space<vmem>>, vector<1x16xf32>,
      %get3A_1367 = vector.shape_cast %get3A_1366 : vector<1x16xf32> to vector<16xf32>
      %add3A_1368 = arith.addf %get3A_1362, %get3A_1367 : vector<16xf32>
      %get3A_1369 = arith.constant 40 : i32
      %get3A_1370 = arith.index_cast %get3A_1369 : i32 to index
      %get3A_1371 = arith.constant 16 : index
      %get3A_1372 = tpu.vector_load %arg6[%get3A_1370, %get3A_1371] {strides = array<i32>} : memref<80x64xf32, #tpu.memory_space<vmem>>, vector<1x16xf32>,
      %get3A_1373 = vector.shape_cast %get3A_1372 : vector<1x16xf32> to vector<16xf32>
      %add3A_1374 = arith.addf %add3A_1368, %get3A_1373 : vector<16xf32>
      %get3A_1375 = arith.constant 56 : i32
      %get3A_1376 = arith.index_cast %get3A_1375 : i32 to index
      %get3A_1377 = arith.constant 16 : index
      %get3A_1378 = tpu.vector_load %arg6[%get3A_1376, %get3A_1377] {strides = array<i32>} : memref<80x64xf32, #tpu.memory_space<vmem>>, vector<1x16xf32>,
      %get3A_1379 = vector.shape_cast %get3A_1378 : vector<1x16xf32> to vector<16xf32>
      %add3A_1380 = arith.addf %add3A_1374, %get3A_1379 : vector<16xf32>
      %get3A_1381 = arith.constant 72 : i32
      %get3A_1382 = arith.index_cast %get3A_1381 : i32 to index
      %get3A_1383 = arith.constant 16 : index
      %get3A_1384 = tpu.vector_load %arg6[%get3A_1382, %get3A_1383] {strides = array<i32>} : memref<80x64xf32, #tpu.memory_space<vmem>>, vector<1x16xf32>,
      %get3A_1385 = vector.shape_cast %get3A_1384 : vector<1x16xf32> to vector<16xf32>
      %add3A_1386 = arith.addf %add3A_1380, %get3A_1385 : vector<16xf32>
      %div3A_1387 = arith.constant 5.000000e+00 : f32
      %div3A_1388 = vector.broadcast %div3A_1387 : f32 to vector<16xf32>
      %div3A_1389 = arith.divf %add3A_1386, %div3A_1388 : vector<16xf32>
      %swap3A_1390 = arith.constant 8 : i32
      %swap3A_1391 = arith.index_cast %swap3A_1390 : i32 to index
      %swap3A_1392 = arith.constant 16 : index
      %swap3A_1393 = tpu.vector_load %arg7[%swap3A_1391, %swap3A_1392] {strides = array<i32>} : memref<16x64xf32, #tpu.memory_space<vmem>>, vector<1x16xf32>,
      %swap3A_1394 = vector.shape_cast %swap3A_1393 : vector<1x16xf32> to vector<16xf32>
      %swap3A_1395 = vector.shape_cast %div3A_1389 : vector<16xf32> to vector<1x16xf32>
      tpu.vector_store %arg7[%swap3A_1391, %swap3A_1392], %swap3A_1395 {strides = array<i32>} : memref<16x64xf32, #tpu.memory_space<vmem>>, vector<1x16xf32>,
      %get3A_1396 = arith.constant 8 : i32
      %get3A_1397 = arith.index_cast %get3A_1396 : i32 to index
      %get3A_1398 = arith.constant 32 : index
      %get3A_1399 = tpu.vector_load %arg6[%get3A_1397, %get3A_1398] {strides = array<i32>} : memref<80x64xf32, #tpu.memory_space<vmem>>, vector<1x16xf32>,
      %get3A_1400 = vector.shape_cast %get3A_1399 : vector<1x16xf32> to vector<16xf32>
      %get3A_1401 = arith.constant 24 : i32
      %get3A_1402 = arith.index_cast %get3A_1401 : i32 to index
      %get3A_1403 = arith.constant 32 : index
      %get3A_1404 = tpu.vector_load %arg6[%get3A_1402, %get3A_1403] {strides = array<i32>} : memref<80x64xf32, #tpu.memory_space<vmem>>, vector<1x16xf32>,
      %get3A_1405 = vector.shape_cast %get3A_1404 : vector<1x16xf32> to vector<16xf32>
      %add3A_1406 = arith.addf %get3A_1400, %get3A_1405 : vector<16xf32>
      %get3A_1407 = arith.constant 40 : i32
      %get3A_1408 = arith.index_cast %get3A_1407 : i32 to index
      %get3A_1409 = arith.constant 32 : index
      %get3A_1410 = tpu.vector_load %arg6[%get3A_1408, %get3A_1409] {strides = array<i32>} : memref<80x64xf32, #tpu.memory_space<vmem>>, vector<1x16xf32>,
      %get3A_1411 = vector.shape_cast %get3A_1410 : vector<1x16xf32> to vector<16xf32>
      %add3A_1412 = arith.addf %add3A_1406, %get3A_1411 : vector<16xf32>
      %get3A_1413 = arith.constant 56 : i32
      %get3A_1414 = arith.index_cast %get3A_1413 : i32 to index
      %get3A_1415 = arith.constant 32 : index
      %get3A_1416 = tpu.vector_load %arg6[%get3A_1414, %get3A_1415] {strides = array<i32>} : memref<80x64xf32, #tpu.memory_space<vmem>>, vector<1x16xf32>,
      %get3A_1417 = vector.shape_cast %get3A_1416 : vector<1x16xf32> to vector<16xf32>
      %add3A_1418 = arith.addf %add3A_1412, %get3A_1417 : vector<16xf32>
      %get3A_1419 = arith.constant 72 : i32
      %get3A_1420 = arith.index_cast %get3A_1419 : i32 to index
      %get3A_1421 = arith.constant 32 : index
      %get3A_1422 = tpu.vector_load %arg6[%get3A_1420, %get3A_1421] {strides = array<i32>} : memref<80x64xf32, #tpu.memory_space<vmem>>, vector<1x16xf32>,
      %get3A_1423 = vector.shape_cast %get3A_1422 : vector<1x16xf32> to vector<16xf32>
      %add3A_1424 = arith.addf %add3A_1418, %get3A_1423 : vector<16xf32>
      %div3A_1425 = arith.constant 5.000000e+00 : f32
      %div3A_1426 = vector.broadcast %div3A_1425 : f32 to vector<16xf32>
      %div3A_1427 = arith.divf %add3A_1424, %div3A_1426 : vector<16xf32>
      %swap3A_1428 = arith.constant 8 : i32
      %swap3A_1429 = arith.index_cast %swap3A_1428 : i32 to index
      %swap3A_1430 = arith.constant 32 : index
      %swap3A_1431 = tpu.vector_load %arg7[%swap3A_1429, %swap3A_1430] {strides = array<i32>} : memref<16x64xf32, #tpu.memory_space<vmem>>, vector<1x16xf32>,
      %swap3A_1432 = vector.shape_cast %swap3A_1431 : vector<1x16xf32> to vector<16xf32>
      %swap3A_1433 = vector.shape_cast %div3A_1427 : vector<16xf32> to vector<1x16xf32>
      tpu.vector_store %arg7[%swap3A_1429, %swap3A_1430], %swap3A_1433 {strides = array<i32>} : memref<16x64xf32, #tpu.memory_space<vmem>>, vector<1x16xf32>,
      %get3A_1434 = arith.constant 8 : i32
      %get3A_1435 = arith.index_cast %get3A_1434 : i32 to index
      %get3A_1436 = arith.constant 48 : index
      %get3A_1437 = tpu.vector_load %arg6[%get3A_1435, %get3A_1436] {strides = array<i32>} : memref<80x64xf32, #tpu.memory_space<vmem>>, vector<1x16xf32>,
      %get3A_1438 = vector.shape_cast %get3A_1437 : vector<1x16xf32> to vector<16xf32>
      %get3A_1439 = arith.constant 24 : i32
      %get3A_1440 = arith.index_cast %get3A_1439 : i32 to index
      %get3A_1441 = arith.constant 48 : index
      %get3A_1442 = tpu.vector_load %arg6[%get3A_1440, %get3A_1441] {strides = array<i32>} : memref<80x64xf32, #tpu.memory_space<vmem>>, vector<1x16xf32>,
      %get3A_1443 = vector.shape_cast %get3A_1442 : vector<1x16xf32> to vector<16xf32>
      %add3A_1444 = arith.addf %get3A_1438, %get3A_1443 : vector<16xf32>
      %get3A_1445 = arith.constant 40 : i32
      %get3A_1446 = arith.index_cast %get3A_1445 : i32 to index
      %get3A_1447 = arith.constant 48 : index
      %get3A_1448 = tpu.vector_load %arg6[%get3A_1446, %get3A_1447] {strides = array<i32>} : memref<80x64xf32, #tpu.memory_space<vmem>>, vector<1x16xf32>,
      %get3A_1449 = vector.shape_cast %get3A_1448 : vector<1x16xf32> to vector<16xf32>
      %add3A_1450 = arith.addf %add3A_1444, %get3A_1449 : vector<16xf32>
      %get3A_1451 = arith.constant 56 : i32
      %get3A_1452 = arith.index_cast %get3A_1451 : i32 to index
      %get3A_1453 = arith.constant 48 : index
      %get3A_1454 = tpu.vector_load %arg6[%get3A_1452, %get3A_1453] {strides = array<i32>} : memref<80x64xf32, #tpu.memory_space<vmem>>, vector<1x16xf32>,
      %get3A_1455 = vector.shape_cast %get3A_1454 : vector<1x16xf32> to vector<16xf32>
      %add3A_1456 = arith.addf %add3A_1450, %get3A_1455 : vector<16xf32>
      %get3A_1457 = arith.constant 72 : i32
      %get3A_1458 = arith.index_cast %get3A_1457 : i32 to index
      %get3A_1459 = arith.constant 48 : index
      %get3A_1460 = tpu.vector_load %arg6[%get3A_1458, %get3A_1459] {strides = array<i32>} : memref<80x64xf32, #tpu.memory_space<vmem>>, vector<1x16xf32>,
      %get3A_1461 = vector.shape_cast %get3A_1460 : vector<1x16xf32> to vector<16xf32>
      %add3A_1462 = arith.addf %add3A_1456, %get3A_1461 : vector<16xf32>
      %div3A_1463 = arith.constant 5.000000e+00 : f32
      %div3A_1464 = vector.broadcast %div3A_1463 : f32 to vector<16xf32>
      %div3A_1465 = arith.divf %add3A_1462, %div3A_1464 : vector<16xf32>
      %swap3A_1466 = arith.constant 8 : i32
      %swap3A_1467 = arith.index_cast %swap3A_1466 : i32 to index
      %swap3A_1468 = arith.constant 48 : index
      %swap3A_1469 = tpu.vector_load %arg7[%swap3A_1467, %swap3A_1468] {strides = array<i32>} : memref<16x64xf32, #tpu.memory_space<vmem>>, vector<1x16xf32>,
      %swap3A_1470 = vector.shape_cast %swap3A_1469 : vector<1x16xf32> to vector<16xf32>
      %swap3A_1471 = vector.shape_cast %div3A_1465 : vector<16xf32> to vector<1x16xf32>
      tpu.vector_store %arg7[%swap3A_1467, %swap3A_1468], %swap3A_1471 {strides = array<i32>} : memref<16x64xf32, #tpu.memory_space<vmem>>, vector<1x16xf32>,
      %get3A_1472 = arith.constant 9 : i32
      %get3A_1473 = arith.index_cast %get3A_1472 : i32 to index
      %get3A_1474 = arith.constant 0 : index
      %get3A_1475 = tpu.vector_load %arg6[%get3A_1473, %get3A_1474] {strides = array<i32>} : memref<80x64xf32, #tpu.memory_space<vmem>>, vector<1x16xf32>,
      %get3A_1476 = vector.shape_cast %get3A_1475 : vector<1x16xf32> to vector<16xf32>
      %get3A_1477 = arith.constant 25 : i32
      %get3A_1478 = arith.index_cast %get3A_1477 : i32 to index
      %get3A_1479 = arith.constant 0 : index
      %get3A_1480 = tpu.vector_load %arg6[%get3A_1478, %get3A_1479] {strides = array<i32>} : memref<80x64xf32, #tpu.memory_space<vmem>>, vector<1x16xf32>,
      %get3A_1481 = vector.shape_cast %get3A_1480 : vector<1x16xf32> to vector<16xf32>
      %add3A_1482 = arith.addf %get3A_1476, %get3A_1481 : vector<16xf32>
      %get3A_1483 = arith.constant 41 : i32
      %get3A_1484 = arith.index_cast %get3A_1483 : i32 to index
      %get3A_1485 = arith.constant 0 : index
      %get3A_1486 = tpu.vector_load %arg6[%get3A_1484, %get3A_1485] {strides = array<i32>} : memref<80x64xf32, #tpu.memory_space<vmem>>, vector<1x16xf32>,
      %get3A_1487 = vector.shape_cast %get3A_1486 : vector<1x16xf32> to vector<16xf32>
      %add3A_1488 = arith.addf %add3A_1482, %get3A_1487 : vector<16xf32>
      %get3A_1489 = arith.constant 57 : i32
      %get3A_1490 = arith.index_cast %get3A_1489 : i32 to index
      %get3A_1491 = arith.constant 0 : index
      %get3A_1492 = tpu.vector_load %arg6[%get3A_1490, %get3A_1491] {strides = array<i32>} : memref<80x64xf32, #tpu.memory_space<vmem>>, vector<1x16xf32>,
      %get3A_1493 = vector.shape_cast %get3A_1492 : vector<1x16xf32> to vector<16xf32>
      %add3A_1494 = arith.addf %add3A_1488, %get3A_1493 : vector<16xf32>
      %get3A_1495 = arith.constant 73 : i32
      %get3A_1496 = arith.index_cast %get3A_1495 : i32 to index
      %get3A_1497 = arith.constant 0 : index
      %get3A_1498 = tpu.vector_load %arg6[%get3A_1496, %get3A_1497] {strides = array<i32>} : memref<80x64xf32, #tpu.memory_space<vmem>>, vector<1x16xf32>,
      %get3A_1499 = vector.shape_cast %get3A_1498 : vector<1x16xf32> to vector<16xf32>
      %add3A_1500 = arith.addf %add3A_1494, %get3A_1499 : vector<16xf32>
      %div3A_1501 = arith.constant 5.000000e+00 : f32
      %div3A_1502 = vector.broadcast %div3A_1501 : f32 to vector<16xf32>
      %div3A_1503 = arith.divf %add3A_1500, %div3A_1502 : vector<16xf32>
      %swap3A_1504 = arith.constant 9 : i32
      %swap3A_1505 = arith.index_cast %swap3A_1504 : i32 to index
      %swap3A_1506 = arith.constant 0 : index
      %swap3A_1507 = tpu.vector_load %arg7[%swap3A_1505, %swap3A_1506] {strides = array<i32>} : memref<16x64xf32, #tpu.memory_space<vmem>>, vector<1x16xf32>,
      %swap3A_1508 = vector.shape_cast %swap3A_1507 : vector<1x16xf32> to vector<16xf32>
      %swap3A_1509 = vector.shape_cast %div3A_1503 : vector<16xf32> to vector<1x16xf32>
      tpu.vector_store %arg7[%swap3A_1505, %swap3A_1506], %swap3A_1509 {strides = array<i32>} : memref<16x64xf32, #tpu.memory_space<vmem>>, vector<1x16xf32>,
      %get3A_1510 = arith.constant 9 : i32
      %get3A_1511 = arith.index_cast %get3A_1510 : i32 to index
      %get3A_1512 = arith.constant 16 : index
      %get3A_1513 = tpu.vector_load %arg6[%get3A_1511, %get3A_1512] {strides = array<i32>} : memref<80x64xf32, #tpu.memory_space<vmem>>, vector<1x16xf32>,
      %get3A_1514 = vector.shape_cast %get3A_1513 : vector<1x16xf32> to vector<16xf32>
      %get3A_1515 = arith.constant 25 : i32
      %get3A_1516 = arith.index_cast %get3A_1515 : i32 to index
      %get3A_1517 = arith.constant 16 : index
      %get3A_1518 = tpu.vector_load %arg6[%get3A_1516, %get3A_1517] {strides = array<i32>} : memref<80x64xf32, #tpu.memory_space<vmem>>, vector<1x16xf32>,
      %get3A_1519 = vector.shape_cast %get3A_1518 : vector<1x16xf32> to vector<16xf32>
      %add3A_1520 = arith.addf %get3A_1514, %get3A_1519 : vector<16xf32>
      %get3A_1521 = arith.constant 41 : i32
      %get3A_1522 = arith.index_cast %get3A_1521 : i32 to index
      %get3A_1523 = arith.constant 16 : index
      %get3A_1524 = tpu.vector_load %arg6[%get3A_1522, %get3A_1523] {strides = array<i32>} : memref<80x64xf32, #tpu.memory_space<vmem>>, vector<1x16xf32>,
      %get3A_1525 = vector.shape_cast %get3A_1524 : vector<1x16xf32> to vector<16xf32>
      %add3A_1526 = arith.addf %add3A_1520, %get3A_1525 : vector<16xf32>
      %get3A_1527 = arith.constant 57 : i32
      %get3A_1528 = arith.index_cast %get3A_1527 : i32 to index
      %get3A_1529 = arith.constant 16 : index
      %get3A_1530 = tpu.vector_load %arg6[%get3A_1528, %get3A_1529] {strides = array<i32>} : memref<80x64xf32, #tpu.memory_space<vmem>>, vector<1x16xf32>,
      %get3A_1531 = vector.shape_cast %get3A_1530 : vector<1x16xf32> to vector<16xf32>
      %add3A_1532 = arith.addf %add3A_1526, %get3A_1531 : vector<16xf32>
      %get3A_1533 = arith.constant 73 : i32
      %get3A_1534 = arith.index_cast %get3A_1533 : i32 to index
      %get3A_1535 = arith.constant 16 : index
      %get3A_1536 = tpu.vector_load %arg6[%get3A_1534, %get3A_1535] {strides = array<i32>} : memref<80x64xf32, #tpu.memory_space<vmem>>, vector<1x16xf32>,
      %get3A_1537 = vector.shape_cast %get3A_1536 : vector<1x16xf32> to vector<16xf32>
      %add3A_1538 = arith.addf %add3A_1532, %get3A_1537 : vector<16xf32>
      %div3A_1539 = arith.constant 5.000000e+00 : f32
      %div3A_1540 = vector.broadcast %div3A_1539 : f32 to vector<16xf32>
      %div3A_1541 = arith.divf %add3A_1538, %div3A_1540 : vector<16xf32>
      %swap3A_1542 = arith.constant 9 : i32
      %swap3A_1543 = arith.index_cast %swap3A_1542 : i32 to index
      %swap3A_1544 = arith.constant 16 : index
      %swap3A_1545 = tpu.vector_load %arg7[%swap3A_1543, %swap3A_1544] {strides = array<i32>} : memref<16x64xf32, #tpu.memory_space<vmem>>, vector<1x16xf32>,
      %swap3A_1546 = vector.shape_cast %swap3A_1545 : vector<1x16xf32> to vector<16xf32>
      %swap3A_1547 = vector.shape_cast %div3A_1541 : vector<16xf32> to vector<1x16xf32>
      tpu.vector_store %arg7[%swap3A_1543, %swap3A_1544], %swap3A_1547 {strides = array<i32>} : memref<16x64xf32, #tpu.memory_space<vmem>>, vector<1x16xf32>,
      %get3A_1548 = arith.constant 9 : i32
      %get3A_1549 = arith.index_cast %get3A_1548 : i32 to index
      %get3A_1550 = arith.constant 32 : index
      %get3A_1551 = tpu.vector_load %arg6[%get3A_1549, %get3A_1550] {strides = array<i32>} : memref<80x64xf32, #tpu.memory_space<vmem>>, vector<1x16xf32>,
      %get3A_1552 = vector.shape_cast %get3A_1551 : vector<1x16xf32> to vector<16xf32>
      %get3A_1553 = arith.constant 25 : i32
      %get3A_1554 = arith.index_cast %get3A_1553 : i32 to index
      %get3A_1555 = arith.constant 32 : index
      %get3A_1556 = tpu.vector_load %arg6[%get3A_1554, %get3A_1555] {strides = array<i32>} : memref<80x64xf32, #tpu.memory_space<vmem>>, vector<1x16xf32>,
      %get3A_1557 = vector.shape_cast %get3A_1556 : vector<1x16xf32> to vector<16xf32>
      %add3A_1558 = arith.addf %get3A_1552, %get3A_1557 : vector<16xf32>
      %get3A_1559 = arith.constant 41 : i32
      %get3A_1560 = arith.index_cast %get3A_1559 : i32 to index
      %get3A_1561 = arith.constant 32 : index
      %get3A_1562 = tpu.vector_load %arg6[%get3A_1560, %get3A_1561] {strides = array<i32>} : memref<80x64xf32, #tpu.memory_space<vmem>>, vector<1x16xf32>,
      %get3A_1563 = vector.shape_cast %get3A_1562 : vector<1x16xf32> to vector<16xf32>
      %add3A_1564 = arith.addf %add3A_1558, %get3A_1563 : vector<16xf32>
      %get3A_1565 = arith.constant 57 : i32
      %get3A_1566 = arith.index_cast %get3A_1565 : i32 to index
      %get3A_1567 = arith.constant 32 : index
      %get3A_1568 = tpu.vector_load %arg6[%get3A_1566, %get3A_1567] {strides = array<i32>} : memref<80x64xf32, #tpu.memory_space<vmem>>, vector<1x16xf32>,
      %get3A_1569 = vector.shape_cast %get3A_1568 : vector<1x16xf32> to vector<16xf32>
      %add3A_1570 = arith.addf %add3A_1564, %get3A_1569 : vector<16xf32>
      %get3A_1571 = arith.constant 73 : i32
      %get3A_1572 = arith.index_cast %get3A_1571 : i32 to index
      %get3A_1573 = arith.constant 32 : index
      %get3A_1574 = tpu.vector_load %arg6[%get3A_1572, %get3A_1573] {strides = array<i32>} : memref<80x64xf32, #tpu.memory_space<vmem>>, vector<1x16xf32>,
      %get3A_1575 = vector.shape_cast %get3A_1574 : vector<1x16xf32> to vector<16xf32>
      %add3A_1576 = arith.addf %add3A_1570, %get3A_1575 : vector<16xf32>
      %div3A_1577 = arith.constant 5.000000e+00 : f32
      %div3A_1578 = vector.broadcast %div3A_1577 : f32 to vector<16xf32>
      %div3A_1579 = arith.divf %add3A_1576, %div3A_1578 : vector<16xf32>
      %swap3A_1580 = arith.constant 9 : i32
      %swap3A_1581 = arith.index_cast %swap3A_1580 : i32 to index
      %swap3A_1582 = arith.constant 32 : index
      %swap3A_1583 = tpu.vector_load %arg7[%swap3A_1581, %swap3A_1582] {strides = array<i32>} : memref<16x64xf32, #tpu.memory_space<vmem>>, vector<1x16xf32>,
      %swap3A_1584 = vector.shape_cast %swap3A_1583 : vector<1x16xf32> to vector<16xf32>
      %swap3A_1585 = vector.shape_cast %div3A_1579 : vector<16xf32> to vector<1x16xf32>
      tpu.vector_store %arg7[%swap3A_1581, %swap3A_1582], %swap3A_1585 {strides = array<i32>} : memref<16x64xf32, #tpu.memory_space<vmem>>, vector<1x16xf32>,
      %get3A_1586 = arith.constant 9 : i32
      %get3A_1587 = arith.index_cast %get3A_1586 : i32 to index
      %get3A_1588 = arith.constant 48 : index
      %get3A_1589 = tpu.vector_load %arg6[%get3A_1587, %get3A_1588] {strides = array<i32>} : memref<80x64xf32, #tpu.memory_space<vmem>>, vector<1x16xf32>,
      %get3A_1590 = vector.shape_cast %get3A_1589 : vector<1x16xf32> to vector<16xf32>
      %get3A_1591 = arith.constant 25 : i32
      %get3A_1592 = arith.index_cast %get3A_1591 : i32 to index
      %get3A_1593 = arith.constant 48 : index
      %get3A_1594 = tpu.vector_load %arg6[%get3A_1592, %get3A_1593] {strides = array<i32>} : memref<80x64xf32, #tpu.memory_space<vmem>>, vector<1x16xf32>,
      %get3A_1595 = vector.shape_cast %get3A_1594 : vector<1x16xf32> to vector<16xf32>
      %add3A_1596 = arith.addf %get3A_1590, %get3A_1595 : vector<16xf32>
      %get3A_1597 = arith.constant 41 : i32
      %get3A_1598 = arith.index_cast %get3A_1597 : i32 to index
      %get3A_1599 = arith.constant 48 : index
      %get3A_1600 = tpu.vector_load %arg6[%get3A_1598, %get3A_1599] {strides = array<i32>} : memref<80x64xf32, #tpu.memory_space<vmem>>, vector<1x16xf32>,
      %get3A_1601 = vector.shape_cast %get3A_1600 : vector<1x16xf32> to vector<16xf32>
      %add3A_1602 = arith.addf %add3A_1596, %get3A_1601 : vector<16xf32>
      %get3A_1603 = arith.constant 57 : i32
      %get3A_1604 = arith.index_cast %get3A_1603 : i32 to index
      %get3A_1605 = arith.constant 48 : index
      %get3A_1606 = tpu.vector_load %arg6[%get3A_1604, %get3A_1605] {strides = array<i32>} : memref<80x64xf32, #tpu.memory_space<vmem>>, vector<1x16xf32>,
      %get3A_1607 = vector.shape_cast %get3A_1606 : vector<1x16xf32> to vector<16xf32>
      %add3A_1608 = arith.addf %add3A_1602, %get3A_1607 : vector<16xf32>
      %get3A_1609 = arith.constant 73 : i32
      %get3A_1610 = arith.index_cast %get3A_1609 : i32 to index
      %get3A_1611 = arith.constant 48 : index
      %get3A_1612 = tpu.vector_load %arg6[%get3A_1610, %get3A_1611] {strides = array<i32>} : memref<80x64xf32, #tpu.memory_space<vmem>>, vector<1x16xf32>,
      %get3A_1613 = vector.shape_cast %get3A_1612 : vector<1x16xf32> to vector<16xf32>
      %add3A_1614 = arith.addf %add3A_1608, %get3A_1613 : vector<16xf32>
      %div3A_1615 = arith.constant 5.000000e+00 : f32
      %div3A_1616 = vector.broadcast %div3A_1615 : f32 to vector<16xf32>
      %div3A_1617 = arith.divf %add3A_1614, %div3A_1616 : vector<16xf32>
      %swap3A_1618 = arith.constant 9 : i32
      %swap3A_1619 = arith.index_cast %swap3A_1618 : i32 to index
      %swap3A_1620 = arith.constant 48 : index
      %swap3A_1621 = tpu.vector_load %arg7[%swap3A_1619, %swap3A_1620] {strides = array<i32>} : memref<16x64xf32, #tpu.memory_space<vmem>>, vector<1x16xf32>,
      %swap3A_1622 = vector.shape_cast %swap3A_1621 : vector<1x16xf32> to vector<16xf32>
      %swap3A_1623 = vector.shape_cast %div3A_1617 : vector<16xf32> to vector<1x16xf32>
      tpu.vector_store %arg7[%swap3A_1619, %swap3A_1620], %swap3A_1623 {strides = array<i32>} : memref<16x64xf32, #tpu.memory_space<vmem>>, vector<1x16xf32>,
      %get3A_1624 = arith.constant 10 : i32
      %get3A_1625 = arith.index_cast %get3A_1624 : i32 to index
      %get3A_1626 = arith.constant 0 : index
      %get3A_1627 = tpu.vector_load %arg6[%get3A_1625, %get3A_1626] {strides = array<i32>} : memref<80x64xf32, #tpu.memory_space<vmem>>, vector<1x16xf32>,
      %get3A_1628 = vector.shape_cast %get3A_1627 : vector<1x16xf32> to vector<16xf32>
      %get3A_1629 = arith.constant 26 : i32
      %get3A_1630 = arith.index_cast %get3A_1629 : i32 to index
      %get3A_1631 = arith.constant 0 : index
      %get3A_1632 = tpu.vector_load %arg6[%get3A_1630, %get3A_1631] {strides = array<i32>} : memref<80x64xf32, #tpu.memory_space<vmem>>, vector<1x16xf32>,
      %get3A_1633 = vector.shape_cast %get3A_1632 : vector<1x16xf32> to vector<16xf32>
      %add3A_1634 = arith.addf %get3A_1628, %get3A_1633 : vector<16xf32>
      %get3A_1635 = arith.constant 42 : i32
      %get3A_1636 = arith.index_cast %get3A_1635 : i32 to index
      %get3A_1637 = arith.constant 0 : index
      %get3A_1638 = tpu.vector_load %arg6[%get3A_1636, %get3A_1637] {strides = array<i32>} : memref<80x64xf32, #tpu.memory_space<vmem>>, vector<1x16xf32>,
      %get3A_1639 = vector.shape_cast %get3A_1638 : vector<1x16xf32> to vector<16xf32>
      %add3A_1640 = arith.addf %add3A_1634, %get3A_1639 : vector<16xf32>
      %get3A_1641 = arith.constant 58 : i32
      %get3A_1642 = arith.index_cast %get3A_1641 : i32 to index
      %get3A_1643 = arith.constant 0 : index
      %get3A_1644 = tpu.vector_load %arg6[%get3A_1642, %get3A_1643] {strides = array<i32>} : memref<80x64xf32, #tpu.memory_space<vmem>>, vector<1x16xf32>,
      %get3A_1645 = vector.shape_cast %get3A_1644 : vector<1x16xf32> to vector<16xf32>
      %add3A_1646 = arith.addf %add3A_1640, %get3A_1645 : vector<16xf32>
      %get3A_1647 = arith.constant 74 : i32
      %get3A_1648 = arith.index_cast %get3A_1647 : i32 to index
      %get3A_1649 = arith.constant 0 : index
      %get3A_1650 = tpu.vector_load %arg6[%get3A_1648, %get3A_1649] {strides = array<i32>} : memref<80x64xf32, #tpu.memory_space<vmem>>, vector<1x16xf32>,
      %get3A_1651 = vector.shape_cast %get3A_1650 : vector<1x16xf32> to vector<16xf32>
      %add3A_1652 = arith.addf %add3A_1646, %get3A_1651 : vector<16xf32>
      %div3A_1653 = arith.constant 5.000000e+00 : f32
      %div3A_1654 = vector.broadcast %div3A_1653 : f32 to vector<16xf32>
      %div3A_1655 = arith.divf %add3A_1652, %div3A_1654 : vector<16xf32>
      %swap3A_1656 = arith.constant 10 : i32
      %swap3A_1657 = arith.index_cast %swap3A_1656 : i32 to index
      %swap3A_1658 = arith.constant 0 : index
      %swap3A_1659 = tpu.vector_load %arg7[%swap3A_1657, %swap3A_1658] {strides = array<i32>} : memref<16x64xf32, #tpu.memory_space<vmem>>, vector<1x16xf32>,
      %swap3A_1660 = vector.shape_cast %swap3A_1659 : vector<1x16xf32> to vector<16xf32>
      %swap3A_1661 = vector.shape_cast %div3A_1655 : vector<16xf32> to vector<1x16xf32>
      tpu.vector_store %arg7[%swap3A_1657, %swap3A_1658], %swap3A_1661 {strides = array<i32>} : memref<16x64xf32, #tpu.memory_space<vmem>>, vector<1x16xf32>,
      %get3A_1662 = arith.constant 10 : i32
      %get3A_1663 = arith.index_cast %get3A_1662 : i32 to index
      %get3A_1664 = arith.constant 16 : index
      %get3A_1665 = tpu.vector_load %arg6[%get3A_1663, %get3A_1664] {strides = array<i32>} : memref<80x64xf32, #tpu.memory_space<vmem>>, vector<1x16xf32>,
      %get3A_1666 = vector.shape_cast %get3A_1665 : vector<1x16xf32> to vector<16xf32>
      %get3A_1667 = arith.constant 26 : i32
      %get3A_1668 = arith.index_cast %get3A_1667 : i32 to index
      %get3A_1669 = arith.constant 16 : index
      %get3A_1670 = tpu.vector_load %arg6[%get3A_1668, %get3A_1669] {strides = array<i32>} : memref<80x64xf32, #tpu.memory_space<vmem>>, vector<1x16xf32>,
      %get3A_1671 = vector.shape_cast %get3A_1670 : vector<1x16xf32> to vector<16xf32>
      %add3A_1672 = arith.addf %get3A_1666, %get3A_1671 : vector<16xf32>
      %get3A_1673 = arith.constant 42 : i32
      %get3A_1674 = arith.index_cast %get3A_1673 : i32 to index
      %get3A_1675 = arith.constant 16 : index
      %get3A_1676 = tpu.vector_load %arg6[%get3A_1674, %get3A_1675] {strides = array<i32>} : memref<80x64xf32, #tpu.memory_space<vmem>>, vector<1x16xf32>,
      %get3A_1677 = vector.shape_cast %get3A_1676 : vector<1x16xf32> to vector<16xf32>
      %add3A_1678 = arith.addf %add3A_1672, %get3A_1677 : vector<16xf32>
      %get3A_1679 = arith.constant 58 : i32
      %get3A_1680 = arith.index_cast %get3A_1679 : i32 to index
      %get3A_1681 = arith.constant 16 : index
      %get3A_1682 = tpu.vector_load %arg6[%get3A_1680, %get3A_1681] {strides = array<i32>} : memref<80x64xf32, #tpu.memory_space<vmem>>, vector<1x16xf32>,
      %get3A_1683 = vector.shape_cast %get3A_1682 : vector<1x16xf32> to vector<16xf32>
      %add3A_1684 = arith.addf %add3A_1678, %get3A_1683 : vector<16xf32>
      %get3A_1685 = arith.constant 74 : i32
      %get3A_1686 = arith.index_cast %get3A_1685 : i32 to index
      %get3A_1687 = arith.constant 16 : index
      %get3A_1688 = tpu.vector_load %arg6[%get3A_1686, %get3A_1687] {strides = array<i32>} : memref<80x64xf32, #tpu.memory_space<vmem>>, vector<1x16xf32>,
      %get3A_1689 = vector.shape_cast %get3A_1688 : vector<1x16xf32> to vector<16xf32>
      %add3A_1690 = arith.addf %add3A_1684, %get3A_1689 : vector<16xf32>
      %div3A_1691 = arith.constant 5.000000e+00 : f32
      %div3A_1692 = vector.broadcast %div3A_1691 : f32 to vector<16xf32>
      %div3A_1693 = arith.divf %add3A_1690, %div3A_1692 : vector<16xf32>
      %swap3A_1694 = arith.constant 10 : i32
      %swap3A_1695 = arith.index_cast %swap3A_1694 : i32 to index
      %swap3A_1696 = arith.constant 16 : index
      %swap3A_1697 = tpu.vector_load %arg7[%swap3A_1695, %swap3A_1696] {strides = array<i32>} : memref<16x64xf32, #tpu.memory_space<vmem>>, vector<1x16xf32>,
      %swap3A_1698 = vector.shape_cast %swap3A_1697 : vector<1x16xf32> to vector<16xf32>
      %swap3A_1699 = vector.shape_cast %div3A_1693 : vector<16xf32> to vector<1x16xf32>
      tpu.vector_store %arg7[%swap3A_1695, %swap3A_1696], %swap3A_1699 {strides = array<i32>} : memref<16x64xf32, #tpu.memory_space<vmem>>, vector<1x16xf32>,
      %get3A_1700 = arith.constant 10 : i32
      %get3A_1701 = arith.index_cast %get3A_1700 : i32 to index
      %get3A_1702 = arith.constant 32 : index
      %get3A_1703 = tpu.vector_load %arg6[%get3A_1701, %get3A_1702] {strides = array<i32>} : memref<80x64xf32, #tpu.memory_space<vmem>>, vector<1x16xf32>,
      %get3A_1704 = vector.shape_cast %get3A_1703 : vector<1x16xf32> to vector<16xf32>
      %get3A_1705 = arith.constant 26 : i32
      %get3A_1706 = arith.index_cast %get3A_1705 : i32 to index
      %get3A_1707 = arith.constant 32 : index
      %get3A_1708 = tpu.vector_load %arg6[%get3A_1706, %get3A_1707] {strides = array<i32>} : memref<80x64xf32, #tpu.memory_space<vmem>>, vector<1x16xf32>,
      %get3A_1709 = vector.shape_cast %get3A_1708 : vector<1x16xf32> to vector<16xf32>
      %add3A_1710 = arith.addf %get3A_1704, %get3A_1709 : vector<16xf32>
      %get3A_1711 = arith.constant 42 : i32
      %get3A_1712 = arith.index_cast %get3A_1711 : i32 to index
      %get3A_1713 = arith.constant 32 : index
      %get3A_1714 = tpu.vector_load %arg6[%get3A_1712, %get3A_1713] {strides = array<i32>} : memref<80x64xf32, #tpu.memory_space<vmem>>, vector<1x16xf32>,
      %get3A_1715 = vector.shape_cast %get3A_1714 : vector<1x16xf32> to vector<16xf32>
      %add3A_1716 = arith.addf %add3A_1710, %get3A_1715 : vector<16xf32>
      %get3A_1717 = arith.constant 58 : i32
      %get3A_1718 = arith.index_cast %get3A_1717 : i32 to index
      %get3A_1719 = arith.constant 32 : index
      %get3A_1720 = tpu.vector_load %arg6[%get3A_1718, %get3A_1719] {strides = array<i32>} : memref<80x64xf32, #tpu.memory_space<vmem>>, vector<1x16xf32>,
      %get3A_1721 = vector.shape_cast %get3A_1720 : vector<1x16xf32> to vector<16xf32>
      %add3A_1722 = arith.addf %add3A_1716, %get3A_1721 : vector<16xf32>
      %get3A_1723 = arith.constant 74 : i32
      %get3A_1724 = arith.index_cast %get3A_1723 : i32 to index
      %get3A_1725 = arith.constant 32 : index
      %get3A_1726 = tpu.vector_load %arg6[%get3A_1724, %get3A_1725] {strides = array<i32>} : memref<80x64xf32, #tpu.memory_space<vmem>>, vector<1x16xf32>,
      %get3A_1727 = vector.shape_cast %get3A_1726 : vector<1x16xf32> to vector<16xf32>
      %add3A_1728 = arith.addf %add3A_1722, %get3A_1727 : vector<16xf32>
      %div3A_1729 = arith.constant 5.000000e+00 : f32
      %div3A_1730 = vector.broadcast %div3A_1729 : f32 to vector<16xf32>
      %div3A_1731 = arith.divf %add3A_1728, %div3A_1730 : vector<16xf32>
      %swap3A_1732 = arith.constant 10 : i32
      %swap3A_1733 = arith.index_cast %swap3A_1732 : i32 to index
      %swap3A_1734 = arith.constant 32 : index
      %swap3A_1735 = tpu.vector_load %arg7[%swap3A_1733, %swap3A_1734] {strides = array<i32>} : memref<16x64xf32, #tpu.memory_space<vmem>>, vector<1x16xf32>,
      %swap3A_1736 = vector.shape_cast %swap3A_1735 : vector<1x16xf32> to vector<16xf32>
      %swap3A_1737 = vector.shape_cast %div3A_1731 : vector<16xf32> to vector<1x16xf32>
      tpu.vector_store %arg7[%swap3A_1733, %swap3A_1734], %swap3A_1737 {strides = array<i32>} : memref<16x64xf32, #tpu.memory_space<vmem>>, vector<1x16xf32>,
      %get3A_1738 = arith.constant 10 : i32
      %get3A_1739 = arith.index_cast %get3A_1738 : i32 to index
      %get3A_1740 = arith.constant 48 : index
      %get3A_1741 = tpu.vector_load %arg6[%get3A_1739, %get3A_1740] {strides = array<i32>} : memref<80x64xf32, #tpu.memory_space<vmem>>, vector<1x16xf32>,
      %get3A_1742 = vector.shape_cast %get3A_1741 : vector<1x16xf32> to vector<16xf32>
      %get3A_1743 = arith.constant 26 : i32
      %get3A_1744 = arith.index_cast %get3A_1743 : i32 to index
      %get3A_1745 = arith.constant 48 : index
      %get3A_1746 = tpu.vector_load %arg6[%get3A_1744, %get3A_1745] {strides = array<i32>} : memref<80x64xf32, #tpu.memory_space<vmem>>, vector<1x16xf32>,
      %get3A_1747 = vector.shape_cast %get3A_1746 : vector<1x16xf32> to vector<16xf32>
      %add3A_1748 = arith.addf %get3A_1742, %get3A_1747 : vector<16xf32>
      %get3A_1749 = arith.constant 42 : i32
      %get3A_1750 = arith.index_cast %get3A_1749 : i32 to index
      %get3A_1751 = arith.constant 48 : index
      %get3A_1752 = tpu.vector_load %arg6[%get3A_1750, %get3A_1751] {strides = array<i32>} : memref<80x64xf32, #tpu.memory_space<vmem>>, vector<1x16xf32>,
      %get3A_1753 = vector.shape_cast %get3A_1752 : vector<1x16xf32> to vector<16xf32>
      %add3A_1754 = arith.addf %add3A_1748, %get3A_1753 : vector<16xf32>
      %get3A_1755 = arith.constant 58 : i32
      %get3A_1756 = arith.index_cast %get3A_1755 : i32 to index
      %get3A_1757 = arith.constant 48 : index
      %get3A_1758 = tpu.vector_load %arg6[%get3A_1756, %get3A_1757] {strides = array<i32>} : memref<80x64xf32, #tpu.memory_space<vmem>>, vector<1x16xf32>,
      %get3A_1759 = vector.shape_cast %get3A_1758 : vector<1x16xf32> to vector<16xf32>
      %add3A_1760 = arith.addf %add3A_1754, %get3A_1759 : vector<16xf32>
      %get3A_1761 = arith.constant 74 : i32
      %get3A_1762 = arith.index_cast %get3A_1761 : i32 to index
      %get3A_1763 = arith.constant 48 : index
      %get3A_1764 = tpu.vector_load %arg6[%get3A_1762, %get3A_1763] {strides = array<i32>} : memref<80x64xf32, #tpu.memory_space<vmem>>, vector<1x16xf32>,
      %get3A_1765 = vector.shape_cast %get3A_1764 : vector<1x16xf32> to vector<16xf32>
      %add3A_1766 = arith.addf %add3A_1760, %get3A_1765 : vector<16xf32>
      %div3A_1767 = arith.constant 5.000000e+00 : f32
      %div3A_1768 = vector.broadcast %div3A_1767 : f32 to vector<16xf32>
      %div3A_1769 = arith.divf %add3A_1766, %div3A_1768 : vector<16xf32>
      %swap3A_1770 = arith.constant 10 : i32
      %swap3A_1771 = arith.index_cast %swap3A_1770 : i32 to index
      %swap3A_1772 = arith.constant 48 : index
      %swap3A_1773 = tpu.vector_load %arg7[%swap3A_1771, %swap3A_1772] {strides = array<i32>} : memref<16x64xf32, #tpu.memory_space<vmem>>, vector<1x16xf32>,
      %swap3A_1774 = vector.shape_cast %swap3A_1773 : vector<1x16xf32> to vector<16xf32>
      %swap3A_1775 = vector.shape_cast %div3A_1769 : vector<16xf32> to vector<1x16xf32>
      tpu.vector_store %arg7[%swap3A_1771, %swap3A_1772], %swap3A_1775 {strides = array<i32>} : memref<16x64xf32, #tpu.memory_space<vmem>>, vector<1x16xf32>,
      %get3A_1776 = arith.constant 11 : i32
      %get3A_1777 = arith.index_cast %get3A_1776 : i32 to index
      %get3A_1778 = arith.constant 0 : index
      %get3A_1779 = tpu.vector_load %arg6[%get3A_1777, %get3A_1778] {strides = array<i32>} : memref<80x64xf32, #tpu.memory_space<vmem>>, vector<1x16xf32>,
      %get3A_1780 = vector.shape_cast %get3A_1779 : vector<1x16xf32> to vector<16xf32>
      %get3A_1781 = arith.constant 27 : i32
      %get3A_1782 = arith.index_cast %get3A_1781 : i32 to index
      %get3A_1783 = arith.constant 0 : index
      %get3A_1784 = tpu.vector_load %arg6[%get3A_1782, %get3A_1783] {strides = array<i32>} : memref<80x64xf32, #tpu.memory_space<vmem>>, vector<1x16xf32>,
      %get3A_1785 = vector.shape_cast %get3A_1784 : vector<1x16xf32> to vector<16xf32>
      %add3A_1786 = arith.addf %get3A_1780, %get3A_1785 : vector<16xf32>
      %get3A_1787 = arith.constant 43 : i32
      %get3A_1788 = arith.index_cast %get3A_1787 : i32 to index
      %get3A_1789 = arith.constant 0 : index
      %get3A_1790 = tpu.vector_load %arg6[%get3A_1788, %get3A_1789] {strides = array<i32>} : memref<80x64xf32, #tpu.memory_space<vmem>>, vector<1x16xf32>,
      %get3A_1791 = vector.shape_cast %get3A_1790 : vector<1x16xf32> to vector<16xf32>
      %add3A_1792 = arith.addf %add3A_1786, %get3A_1791 : vector<16xf32>
      %get3A_1793 = arith.constant 59 : i32
      %get3A_1794 = arith.index_cast %get3A_1793 : i32 to index
      %get3A_1795 = arith.constant 0 : index
      %get3A_1796 = tpu.vector_load %arg6[%get3A_1794, %get3A_1795] {strides = array<i32>} : memref<80x64xf32, #tpu.memory_space<vmem>>, vector<1x16xf32>,
      %get3A_1797 = vector.shape_cast %get3A_1796 : vector<1x16xf32> to vector<16xf32>
      %add3A_1798 = arith.addf %add3A_1792, %get3A_1797 : vector<16xf32>
      %get3A_1799 = arith.constant 75 : i32
      %get3A_1800 = arith.index_cast %get3A_1799 : i32 to index
      %get3A_1801 = arith.constant 0 : index
      %get3A_1802 = tpu.vector_load %arg6[%get3A_1800, %get3A_1801] {strides = array<i32>} : memref<80x64xf32, #tpu.memory_space<vmem>>, vector<1x16xf32>,
      %get3A_1803 = vector.shape_cast %get3A_1802 : vector<1x16xf32> to vector<16xf32>
      %add3A_1804 = arith.addf %add3A_1798, %get3A_1803 : vector<16xf32>
      %div3A_1805 = arith.constant 5.000000e+00 : f32
      %div3A_1806 = vector.broadcast %div3A_1805 : f32 to vector<16xf32>
      %div3A_1807 = arith.divf %add3A_1804, %div3A_1806 : vector<16xf32>
      %swap3A_1808 = arith.constant 11 : i32
      %swap3A_1809 = arith.index_cast %swap3A_1808 : i32 to index
      %swap3A_1810 = arith.constant 0 : index
      %swap3A_1811 = tpu.vector_load %arg7[%swap3A_1809, %swap3A_1810] {strides = array<i32>} : memref<16x64xf32, #tpu.memory_space<vmem>>, vector<1x16xf32>,
      %swap3A_1812 = vector.shape_cast %swap3A_1811 : vector<1x16xf32> to vector<16xf32>
      %swap3A_1813 = vector.shape_cast %div3A_1807 : vector<16xf32> to vector<1x16xf32>
      tpu.vector_store %arg7[%swap3A_1809, %swap3A_1810], %swap3A_1813 {strides = array<i32>} : memref<16x64xf32, #tpu.memory_space<vmem>>, vector<1x16xf32>,
      %get3A_1814 = arith.constant 11 : i32
      %get3A_1815 = arith.index_cast %get3A_1814 : i32 to index
      %get3A_1816 = arith.constant 16 : index
      %get3A_1817 = tpu.vector_load %arg6[%get3A_1815, %get3A_1816] {strides = array<i32>} : memref<80x64xf32, #tpu.memory_space<vmem>>, vector<1x16xf32>,
      %get3A_1818 = vector.shape_cast %get3A_1817 : vector<1x16xf32> to vector<16xf32>
      %get3A_1819 = arith.constant 27 : i32
      %get3A_1820 = arith.index_cast %get3A_1819 : i32 to index
      %get3A_1821 = arith.constant 16 : index
      %get3A_1822 = tpu.vector_load %arg6[%get3A_1820, %get3A_1821] {strides = array<i32>} : memref<80x64xf32, #tpu.memory_space<vmem>>, vector<1x16xf32>,
      %get3A_1823 = vector.shape_cast %get3A_1822 : vector<1x16xf32> to vector<16xf32>
      %add3A_1824 = arith.addf %get3A_1818, %get3A_1823 : vector<16xf32>
      %get3A_1825 = arith.constant 43 : i32
      %get3A_1826 = arith.index_cast %get3A_1825 : i32 to index
      %get3A_1827 = arith.constant 16 : index
      %get3A_1828 = tpu.vector_load %arg6[%get3A_1826, %get3A_1827] {strides = array<i32>} : memref<80x64xf32, #tpu.memory_space<vmem>>, vector<1x16xf32>,
      %get3A_1829 = vector.shape_cast %get3A_1828 : vector<1x16xf32> to vector<16xf32>
      %add3A_1830 = arith.addf %add3A_1824, %get3A_1829 : vector<16xf32>
      %get3A_1831 = arith.constant 59 : i32
      %get3A_1832 = arith.index_cast %get3A_1831 : i32 to index
      %get3A_1833 = arith.constant 16 : index
      %get3A_1834 = tpu.vector_load %arg6[%get3A_1832, %get3A_1833] {strides = array<i32>} : memref<80x64xf32, #tpu.memory_space<vmem>>, vector<1x16xf32>,
      %get3A_1835 = vector.shape_cast %get3A_1834 : vector<1x16xf32> to vector<16xf32>
      %add3A_1836 = arith.addf %add3A_1830, %get3A_1835 : vector<16xf32>
      %get3A_1837 = arith.constant 75 : i32
      %get3A_1838 = arith.index_cast %get3A_1837 : i32 to index
      %get3A_1839 = arith.constant 16 : index
      %get3A_1840 = tpu.vector_load %arg6[%get3A_1838, %get3A_1839] {strides = array<i32>} : memref<80x64xf32, #tpu.memory_space<vmem>>, vector<1x16xf32>,
      %get3A_1841 = vector.shape_cast %get3A_1840 : vector<1x16xf32> to vector<16xf32>
      %add3A_1842 = arith.addf %add3A_1836, %get3A_1841 : vector<16xf32>
      %div3A_1843 = arith.constant 5.000000e+00 : f32
      %div3A_1844 = vector.broadcast %div3A_1843 : f32 to vector<16xf32>
      %div3A_1845 = arith.divf %add3A_1842, %div3A_1844 : vector<16xf32>
      %swap3A_1846 = arith.constant 11 : i32
      %swap3A_1847 = arith.index_cast %swap3A_1846 : i32 to index
      %swap3A_1848 = arith.constant 16 : index
      %swap3A_1849 = tpu.vector_load %arg7[%swap3A_1847, %swap3A_1848] {strides = array<i32>} : memref<16x64xf32, #tpu.memory_space<vmem>>, vector<1x16xf32>,
      %swap3A_1850 = vector.shape_cast %swap3A_1849 : vector<1x16xf32> to vector<16xf32>
      %swap3A_1851 = vector.shape_cast %div3A_1845 : vector<16xf32> to vector<1x16xf32>
      tpu.vector_store %arg7[%swap3A_1847, %swap3A_1848], %swap3A_1851 {strides = array<i32>} : memref<16x64xf32, #tpu.memory_space<vmem>>, vector<1x16xf32>,
      %get3A_1852 = arith.constant 11 : i32
      %get3A_1853 = arith.index_cast %get3A_1852 : i32 to index
      %get3A_1854 = arith.constant 32 : index
      %get3A_1855 = tpu.vector_load %arg6[%get3A_1853, %get3A_1854] {strides = array<i32>} : memref<80x64xf32, #tpu.memory_space<vmem>>, vector<1x16xf32>,
      %get3A_1856 = vector.shape_cast %get3A_1855 : vector<1x16xf32> to vector<16xf32>
      %get3A_1857 = arith.constant 27 : i32
      %get3A_1858 = arith.index_cast %get3A_1857 : i32 to index
      %get3A_1859 = arith.constant 32 : index
      %get3A_1860 = tpu.vector_load %arg6[%get3A_1858, %get3A_1859] {strides = array<i32>} : memref<80x64xf32, #tpu.memory_space<vmem>>, vector<1x16xf32>,
      %get3A_1861 = vector.shape_cast %get3A_1860 : vector<1x16xf32> to vector<16xf32>
      %add3A_1862 = arith.addf %get3A_1856, %get3A_1861 : vector<16xf32>
      %get3A_1863 = arith.constant 43 : i32
      %get3A_1864 = arith.index_cast %get3A_1863 : i32 to index
      %get3A_1865 = arith.constant 32 : index
      %get3A_1866 = tpu.vector_load %arg6[%get3A_1864, %get3A_1865] {strides = array<i32>} : memref<80x64xf32, #tpu.memory_space<vmem>>, vector<1x16xf32>,
      %get3A_1867 = vector.shape_cast %get3A_1866 : vector<1x16xf32> to vector<16xf32>
      %add3A_1868 = arith.addf %add3A_1862, %get3A_1867 : vector<16xf32>
      %get3A_1869 = arith.constant 59 : i32
      %get3A_1870 = arith.index_cast %get3A_1869 : i32 to index
      %get3A_1871 = arith.constant 32 : index
      %get3A_1872 = tpu.vector_load %arg6[%get3A_1870, %get3A_1871] {strides = array<i32>} : memref<80x64xf32, #tpu.memory_space<vmem>>, vector<1x16xf32>,
      %get3A_1873 = vector.shape_cast %get3A_1872 : vector<1x16xf32> to vector<16xf32>
      %add3A_1874 = arith.addf %add3A_1868, %get3A_1873 : vector<16xf32>
      %get3A_1875 = arith.constant 75 : i32
      %get3A_1876 = arith.index_cast %get3A_1875 : i32 to index
      %get3A_1877 = arith.constant 32 : index
      %get3A_1878 = tpu.vector_load %arg6[%get3A_1876, %get3A_1877] {strides = array<i32>} : memref<80x64xf32, #tpu.memory_space<vmem>>, vector<1x16xf32>,
      %get3A_1879 = vector.shape_cast %get3A_1878 : vector<1x16xf32> to vector<16xf32>
      %add3A_1880 = arith.addf %add3A_1874, %get3A_1879 : vector<16xf32>
      %div3A_1881 = arith.constant 5.000000e+00 : f32
      %div3A_1882 = vector.broadcast %div3A_1881 : f32 to vector<16xf32>
      %div3A_1883 = arith.divf %add3A_1880, %div3A_1882 : vector<16xf32>
      %swap3A_1884 = arith.constant 11 : i32
      %swap3A_1885 = arith.index_cast %swap3A_1884 : i32 to index
      %swap3A_1886 = arith.constant 32 : index
      %swap3A_1887 = tpu.vector_load %arg7[%swap3A_1885, %swap3A_1886] {strides = array<i32>} : memref<16x64xf32, #tpu.memory_space<vmem>>, vector<1x16xf32>,
      %swap3A_1888 = vector.shape_cast %swap3A_1887 : vector<1x16xf32> to vector<16xf32>
      %swap3A_1889 = vector.shape_cast %div3A_1883 : vector<16xf32> to vector<1x16xf32>
      tpu.vector_store %arg7[%swap3A_1885, %swap3A_1886], %swap3A_1889 {strides = array<i32>} : memref<16x64xf32, #tpu.memory_space<vmem>>, vector<1x16xf32>,
      %get3A_1890 = arith.constant 11 : i32
      %get3A_1891 = arith.index_cast %get3A_1890 : i32 to index
      %get3A_1892 = arith.constant 48 : index
      %get3A_1893 = tpu.vector_load %arg6[%get3A_1891, %get3A_1892] {strides = array<i32>} : memref<80x64xf32, #tpu.memory_space<vmem>>, vector<1x16xf32>,
      %get3A_1894 = vector.shape_cast %get3A_1893 : vector<1x16xf32> to vector<16xf32>
      %get3A_1895 = arith.constant 27 : i32
      %get3A_1896 = arith.index_cast %get3A_1895 : i32 to index
      %get3A_1897 = arith.constant 48 : index
      %get3A_1898 = tpu.vector_load %arg6[%get3A_1896, %get3A_1897] {strides = array<i32>} : memref<80x64xf32, #tpu.memory_space<vmem>>, vector<1x16xf32>,
      %get3A_1899 = vector.shape_cast %get3A_1898 : vector<1x16xf32> to vector<16xf32>
      %add3A_1900 = arith.addf %get3A_1894, %get3A_1899 : vector<16xf32>
      %get3A_1901 = arith.constant 43 : i32
      %get3A_1902 = arith.index_cast %get3A_1901 : i32 to index
      %get3A_1903 = arith.constant 48 : index
      %get3A_1904 = tpu.vector_load %arg6[%get3A_1902, %get3A_1903] {strides = array<i32>} : memref<80x64xf32, #tpu.memory_space<vmem>>, vector<1x16xf32>,
      %get3A_1905 = vector.shape_cast %get3A_1904 : vector<1x16xf32> to vector<16xf32>
      %add3A_1906 = arith.addf %add3A_1900, %get3A_1905 : vector<16xf32>
      %get3A_1907 = arith.constant 59 : i32
      %get3A_1908 = arith.index_cast %get3A_1907 : i32 to index
      %get3A_1909 = arith.constant 48 : index
      %get3A_1910 = tpu.vector_load %arg6[%get3A_1908, %get3A_1909] {strides = array<i32>} : memref<80x64xf32, #tpu.memory_space<vmem>>, vector<1x16xf32>,
      %get3A_1911 = vector.shape_cast %get3A_1910 : vector<1x16xf32> to vector<16xf32>
      %add3A_1912 = arith.addf %add3A_1906, %get3A_1911 : vector<16xf32>
      %get3A_1913 = arith.constant 75 : i32
      %get3A_1914 = arith.index_cast %get3A_1913 : i32 to index
      %get3A_1915 = arith.constant 48 : index
      %get3A_1916 = tpu.vector_load %arg6[%get3A_1914, %get3A_1915] {strides = array<i32>} : memref<80x64xf32, #tpu.memory_space<vmem>>, vector<1x16xf32>,
      %get3A_1917 = vector.shape_cast %get3A_1916 : vector<1x16xf32> to vector<16xf32>
      %add3A_1918 = arith.addf %add3A_1912, %get3A_1917 : vector<16xf32>
      %div3A_1919 = arith.constant 5.000000e+00 : f32
      %div3A_1920 = vector.broadcast %div3A_1919 : f32 to vector<16xf32>
      %div3A_1921 = arith.divf %add3A_1918, %div3A_1920 : vector<16xf32>
      %swap3A_1922 = arith.constant 11 : i32
      %swap3A_1923 = arith.index_cast %swap3A_1922 : i32 to index
      %swap3A_1924 = arith.constant 48 : index
      %swap3A_1925 = tpu.vector_load %arg7[%swap3A_1923, %swap3A_1924] {strides = array<i32>} : memref<16x64xf32, #tpu.memory_space<vmem>>, vector<1x16xf32>,
      %swap3A_1926 = vector.shape_cast %swap3A_1925 : vector<1x16xf32> to vector<16xf32>
      %swap3A_1927 = vector.shape_cast %div3A_1921 : vector<16xf32> to vector<1x16xf32>
      tpu.vector_store %arg7[%swap3A_1923, %swap3A_1924], %swap3A_1927 {strides = array<i32>} : memref<16x64xf32, #tpu.memory_space<vmem>>, vector<1x16xf32>,
      %get3A_1928 = arith.constant 12 : i32
      %get3A_1929 = arith.index_cast %get3A_1928 : i32 to index
      %get3A_1930 = arith.constant 0 : index
      %get3A_1931 = tpu.vector_load %arg6[%get3A_1929, %get3A_1930] {strides = array<i32>} : memref<80x64xf32, #tpu.memory_space<vmem>>, vector<1x16xf32>,
      %get3A_1932 = vector.shape_cast %get3A_1931 : vector<1x16xf32> to vector<16xf32>
      %get3A_1933 = arith.constant 28 : i32
      %get3A_1934 = arith.index_cast %get3A_1933 : i32 to index
      %get3A_1935 = arith.constant 0 : index
      %get3A_1936 = tpu.vector_load %arg6[%get3A_1934, %get3A_1935] {strides = array<i32>} : memref<80x64xf32, #tpu.memory_space<vmem>>, vector<1x16xf32>,
      %get3A_1937 = vector.shape_cast %get3A_1936 : vector<1x16xf32> to vector<16xf32>
      %add3A_1938 = arith.addf %get3A_1932, %get3A_1937 : vector<16xf32>
      %get3A_1939 = arith.constant 44 : i32
      %get3A_1940 = arith.index_cast %get3A_1939 : i32 to index
      %get3A_1941 = arith.constant 0 : index
      %get3A_1942 = tpu.vector_load %arg6[%get3A_1940, %get3A_1941] {strides = array<i32>} : memref<80x64xf32, #tpu.memory_space<vmem>>, vector<1x16xf32>,
      %get3A_1943 = vector.shape_cast %get3A_1942 : vector<1x16xf32> to vector<16xf32>
      %add3A_1944 = arith.addf %add3A_1938, %get3A_1943 : vector<16xf32>
      %get3A_1945 = arith.constant 60 : i32
      %get3A_1946 = arith.index_cast %get3A_1945 : i32 to index
      %get3A_1947 = arith.constant 0 : index
      %get3A_1948 = tpu.vector_load %arg6[%get3A_1946, %get3A_1947] {strides = array<i32>} : memref<80x64xf32, #tpu.memory_space<vmem>>, vector<1x16xf32>,
      %get3A_1949 = vector.shape_cast %get3A_1948 : vector<1x16xf32> to vector<16xf32>
      %add3A_1950 = arith.addf %add3A_1944, %get3A_1949 : vector<16xf32>
      %get3A_1951 = arith.constant 76 : i32
      %get3A_1952 = arith.index_cast %get3A_1951 : i32 to index
      %get3A_1953 = arith.constant 0 : index
      %get3A_1954 = tpu.vector_load %arg6[%get3A_1952, %get3A_1953] {strides = array<i32>} : memref<80x64xf32, #tpu.memory_space<vmem>>, vector<1x16xf32>,
      %get3A_1955 = vector.shape_cast %get3A_1954 : vector<1x16xf32> to vector<16xf32>
      %add3A_1956 = arith.addf %add3A_1950, %get3A_1955 : vector<16xf32>
      %div3A_1957 = arith.constant 5.000000e+00 : f32
      %div3A_1958 = vector.broadcast %div3A_1957 : f32 to vector<16xf32>
      %div3A_1959 = arith.divf %add3A_1956, %div3A_1958 : vector<16xf32>
      %swap3A_1960 = arith.constant 12 : i32
      %swap3A_1961 = arith.index_cast %swap3A_1960 : i32 to index
      %swap3A_1962 = arith.constant 0 : index
      %swap3A_1963 = tpu.vector_load %arg7[%swap3A_1961, %swap3A_1962] {strides = array<i32>} : memref<16x64xf32, #tpu.memory_space<vmem>>, vector<1x16xf32>,
      %swap3A_1964 = vector.shape_cast %swap3A_1963 : vector<1x16xf32> to vector<16xf32>
      %swap3A_1965 = vector.shape_cast %div3A_1959 : vector<16xf32> to vector<1x16xf32>
      tpu.vector_store %arg7[%swap3A_1961, %swap3A_1962], %swap3A_1965 {strides = array<i32>} : memref<16x64xf32, #tpu.memory_space<vmem>>, vector<1x16xf32>,
      %get3A_1966 = arith.constant 12 : i32
      %get3A_1967 = arith.index_cast %get3A_1966 : i32 to index
      %get3A_1968 = arith.constant 16 : index
      %get3A_1969 = tpu.vector_load %arg6[%get3A_1967, %get3A_1968] {strides = array<i32>} : memref<80x64xf32, #tpu.memory_space<vmem>>, vector<1x16xf32>,
      %get3A_1970 = vector.shape_cast %get3A_1969 : vector<1x16xf32> to vector<16xf32>
      %get3A_1971 = arith.constant 28 : i32
      %get3A_1972 = arith.index_cast %get3A_1971 : i32 to index
      %get3A_1973 = arith.constant 16 : index
      %get3A_1974 = tpu.vector_load %arg6[%get3A_1972, %get3A_1973] {strides = array<i32>} : memref<80x64xf32, #tpu.memory_space<vmem>>, vector<1x16xf32>,
      %get3A_1975 = vector.shape_cast %get3A_1974 : vector<1x16xf32> to vector<16xf32>
      %add3A_1976 = arith.addf %get3A_1970, %get3A_1975 : vector<16xf32>
      %get3A_1977 = arith.constant 44 : i32
      %get3A_1978 = arith.index_cast %get3A_1977 : i32 to index
      %get3A_1979 = arith.constant 16 : index
      %get3A_1980 = tpu.vector_load %arg6[%get3A_1978, %get3A_1979] {strides = array<i32>} : memref<80x64xf32, #tpu.memory_space<vmem>>, vector<1x16xf32>,
      %get3A_1981 = vector.shape_cast %get3A_1980 : vector<1x16xf32> to vector<16xf32>
      %add3A_1982 = arith.addf %add3A_1976, %get3A_1981 : vector<16xf32>
      %get3A_1983 = arith.constant 60 : i32
      %get3A_1984 = arith.index_cast %get3A_1983 : i32 to index
      %get3A_1985 = arith.constant 16 : index
      %get3A_1986 = tpu.vector_load %arg6[%get3A_1984, %get3A_1985] {strides = array<i32>} : memref<80x64xf32, #tpu.memory_space<vmem>>, vector<1x16xf32>,
      %get3A_1987 = vector.shape_cast %get3A_1986 : vector<1x16xf32> to vector<16xf32>
      %add3A_1988 = arith.addf %add3A_1982, %get3A_1987 : vector<16xf32>
      %get3A_1989 = arith.constant 76 : i32
      %get3A_1990 = arith.index_cast %get3A_1989 : i32 to index
      %get3A_1991 = arith.constant 16 : index
      %get3A_1992 = tpu.vector_load %arg6[%get3A_1990, %get3A_1991] {strides = array<i32>} : memref<80x64xf32, #tpu.memory_space<vmem>>, vector<1x16xf32>,
      %get3A_1993 = vector.shape_cast %get3A_1992 : vector<1x16xf32> to vector<16xf32>
      %add3A_1994 = arith.addf %add3A_1988, %get3A_1993 : vector<16xf32>
      %div3A_1995 = arith.constant 5.000000e+00 : f32
      %div3A_1996 = vector.broadcast %div3A_1995 : f32 to vector<16xf32>
      %div3A_1997 = arith.divf %add3A_1994, %div3A_1996 : vector<16xf32>
      %swap3A_1998 = arith.constant 12 : i32
      %swap3A_1999 = arith.index_cast %swap3A_1998 : i32 to index
      %swap3A_2000 = arith.constant 16 : index
      %swap3A_2001 = tpu.vector_load %arg7[%swap3A_1999, %swap3A_2000] {strides = array<i32>} : memref<16x64xf32, #tpu.memory_space<vmem>>, vector<1x16xf32>,
      %swap3A_2002 = vector.shape_cast %swap3A_2001 : vector<1x16xf32> to vector<16xf32>
      %swap3A_2003 = vector.shape_cast %div3A_1997 : vector<16xf32> to vector<1x16xf32>
      tpu.vector_store %arg7[%swap3A_1999, %swap3A_2000], %swap3A_2003 {strides = array<i32>} : memref<16x64xf32, #tpu.memory_space<vmem>>, vector<1x16xf32>,
      %get3A_2004 = arith.constant 12 : i32
      %get3A_2005 = arith.index_cast %get3A_2004 : i32 to index
      %get3A_2006 = arith.constant 32 : index
      %get3A_2007 = tpu.vector_load %arg6[%get3A_2005, %get3A_2006] {strides = array<i32>} : memref<80x64xf32, #tpu.memory_space<vmem>>, vector<1x16xf32>,
      %get3A_2008 = vector.shape_cast %get3A_2007 : vector<1x16xf32> to vector<16xf32>
      %get3A_2009 = arith.constant 28 : i32
      %get3A_2010 = arith.index_cast %get3A_2009 : i32 to index
      %get3A_2011 = arith.constant 32 : index
      %get3A_2012 = tpu.vector_load %arg6[%get3A_2010, %get3A_2011] {strides = array<i32>} : memref<80x64xf32, #tpu.memory_space<vmem>>, vector<1x16xf32>,
      %get3A_2013 = vector.shape_cast %get3A_2012 : vector<1x16xf32> to vector<16xf32>
      %add3A_2014 = arith.addf %get3A_2008, %get3A_2013 : vector<16xf32>
      %get3A_2015 = arith.constant 44 : i32
      %get3A_2016 = arith.index_cast %get3A_2015 : i32 to index
      %get3A_2017 = arith.constant 32 : index
      %get3A_2018 = tpu.vector_load %arg6[%get3A_2016, %get3A_2017] {strides = array<i32>} : memref<80x64xf32, #tpu.memory_space<vmem>>, vector<1x16xf32>,
      %get3A_2019 = vector.shape_cast %get3A_2018 : vector<1x16xf32> to vector<16xf32>
      %add3A_2020 = arith.addf %add3A_2014, %get3A_2019 : vector<16xf32>
      %get3A_2021 = arith.constant 60 : i32
      %get3A_2022 = arith.index_cast %get3A_2021 : i32 to index
      %get3A_2023 = arith.constant 32 : index
      %get3A_2024 = tpu.vector_load %arg6[%get3A_2022, %get3A_2023] {strides = array<i32>} : memref<80x64xf32, #tpu.memory_space<vmem>>, vector<1x16xf32>,
      %get3A_2025 = vector.shape_cast %get3A_2024 : vector<1x16xf32> to vector<16xf32>
      %add3A_2026 = arith.addf %add3A_2020, %get3A_2025 : vector<16xf32>
      %get3A_2027 = arith.constant 76 : i32
      %get3A_2028 = arith.index_cast %get3A_2027 : i32 to index
      %get3A_2029 = arith.constant 32 : index
      %get3A_2030 = tpu.vector_load %arg6[%get3A_2028, %get3A_2029] {strides = array<i32>} : memref<80x64xf32, #tpu.memory_space<vmem>>, vector<1x16xf32>,
      %get3A_2031 = vector.shape_cast %get3A_2030 : vector<1x16xf32> to vector<16xf32>
      %add3A_2032 = arith.addf %add3A_2026, %get3A_2031 : vector<16xf32>
      %div3A_2033 = arith.constant 5.000000e+00 : f32
      %div3A_2034 = vector.broadcast %div3A_2033 : f32 to vector<16xf32>
      %div3A_2035 = arith.divf %add3A_2032, %div3A_2034 : vector<16xf32>
      %swap3A_2036 = arith.constant 12 : i32
      %swap3A_2037 = arith.index_cast %swap3A_2036 : i32 to index
      %swap3A_2038 = arith.constant 32 : index
      %swap3A_2039 = tpu.vector_load %arg7[%swap3A_2037, %swap3A_2038] {strides = array<i32>} : memref<16x64xf32, #tpu.memory_space<vmem>>, vector<1x16xf32>,
      %swap3A_2040 = vector.shape_cast %swap3A_2039 : vector<1x16xf32> to vector<16xf32>
      %swap3A_2041 = vector.shape_cast %div3A_2035 : vector<16xf32> to vector<1x16xf32>
      tpu.vector_store %arg7[%swap3A_2037, %swap3A_2038], %swap3A_2041 {strides = array<i32>} : memref<16x64xf32, #tpu.memory_space<vmem>>, vector<1x16xf32>,
      %get3A_2042 = arith.constant 12 : i32
      %get3A_2043 = arith.index_cast %get3A_2042 : i32 to index
      %get3A_2044 = arith.constant 48 : index
      %get3A_2045 = tpu.vector_load %arg6[%get3A_2043, %get3A_2044] {strides = array<i32>} : memref<80x64xf32, #tpu.memory_space<vmem>>, vector<1x16xf32>,
      %get3A_2046 = vector.shape_cast %get3A_2045 : vector<1x16xf32> to vector<16xf32>
      %get3A_2047 = arith.constant 28 : i32
      %get3A_2048 = arith.index_cast %get3A_2047 : i32 to index
      %get3A_2049 = arith.constant 48 : index
      %get3A_2050 = tpu.vector_load %arg6[%get3A_2048, %get3A_2049] {strides = array<i32>} : memref<80x64xf32, #tpu.memory_space<vmem>>, vector<1x16xf32>,
      %get3A_2051 = vector.shape_cast %get3A_2050 : vector<1x16xf32> to vector<16xf32>
      %add3A_2052 = arith.addf %get3A_2046, %get3A_2051 : vector<16xf32>
      %get3A_2053 = arith.constant 44 : i32
      %get3A_2054 = arith.index_cast %get3A_2053 : i32 to index
      %get3A_2055 = arith.constant 48 : index
      %get3A_2056 = tpu.vector_load %arg6[%get3A_2054, %get3A_2055] {strides = array<i32>} : memref<80x64xf32, #tpu.memory_space<vmem>>, vector<1x16xf32>,
      %get3A_2057 = vector.shape_cast %get3A_2056 : vector<1x16xf32> to vector<16xf32>
      %add3A_2058 = arith.addf %add3A_2052, %get3A_2057 : vector<16xf32>
      %get3A_2059 = arith.constant 60 : i32
      %get3A_2060 = arith.index_cast %get3A_2059 : i32 to index
      %get3A_2061 = arith.constant 48 : index
      %get3A_2062 = tpu.vector_load %arg6[%get3A_2060, %get3A_2061] {strides = array<i32>} : memref<80x64xf32, #tpu.memory_space<vmem>>, vector<1x16xf32>,
      %get3A_2063 = vector.shape_cast %get3A_2062 : vector<1x16xf32> to vector<16xf32>
      %add3A_2064 = arith.addf %add3A_2058, %get3A_2063 : vector<16xf32>
      %get3A_2065 = arith.constant 76 : i32
      %get3A_2066 = arith.index_cast %get3A_2065 : i32 to index
      %get3A_2067 = arith.constant 48 : index
      %get3A_2068 = tpu.vector_load %arg6[%get3A_2066, %get3A_2067] {strides = array<i32>} : memref<80x64xf32, #tpu.memory_space<vmem>>, vector<1x16xf32>,
      %get3A_2069 = vector.shape_cast %get3A_2068 : vector<1x16xf32> to vector<16xf32>
      %add3A_2070 = arith.addf %add3A_2064, %get3A_2069 : vector<16xf32>
      %div3A_2071 = arith.constant 5.000000e+00 : f32
      %div3A_2072 = vector.broadcast %div3A_2071 : f32 to vector<16xf32>
      %div3A_2073 = arith.divf %add3A_2070, %div3A_2072 : vector<16xf32>
      %swap3A_2074 = arith.constant 12 : i32
      %swap3A_2075 = arith.index_cast %swap3A_2074 : i32 to index
      %swap3A_2076 = arith.constant 48 : index
      %swap3A_2077 = tpu.vector_load %arg7[%swap3A_2075, %swap3A_2076] {strides = array<i32>} : memref<16x64xf32, #tpu.memory_space<vmem>>, vector<1x16xf32>,
      %swap3A_2078 = vector.shape_cast %swap3A_2077 : vector<1x16xf32> to vector<16xf32>
      %swap3A_2079 = vector.shape_cast %div3A_2073 : vector<16xf32> to vector<1x16xf32>
      tpu.vector_store %arg7[%swap3A_2075, %swap3A_2076], %swap3A_2079 {strides = array<i32>} : memref<16x64xf32, #tpu.memory_space<vmem>>, vector<1x16xf32>,
      %get3A_2080 = arith.constant 13 : i32
      %get3A_2081 = arith.index_cast %get3A_2080 : i32 to index
      %get3A_2082 = arith.constant 0 : index
      %get3A_2083 = tpu.vector_load %arg6[%get3A_2081, %get3A_2082] {strides = array<i32>} : memref<80x64xf32, #tpu.memory_space<vmem>>, vector<1x16xf32>,
      %get3A_2084 = vector.shape_cast %get3A_2083 : vector<1x16xf32> to vector<16xf32>
      %get3A_2085 = arith.constant 29 : i32
      %get3A_2086 = arith.index_cast %get3A_2085 : i32 to index
      %get3A_2087 = arith.constant 0 : index
      %get3A_2088 = tpu.vector_load %arg6[%get3A_2086, %get3A_2087] {strides = array<i32>} : memref<80x64xf32, #tpu.memory_space<vmem>>, vector<1x16xf32>,
      %get3A_2089 = vector.shape_cast %get3A_2088 : vector<1x16xf32> to vector<16xf32>
      %add3A_2090 = arith.addf %get3A_2084, %get3A_2089 : vector<16xf32>
      %get3A_2091 = arith.constant 45 : i32
      %get3A_2092 = arith.index_cast %get3A_2091 : i32 to index
      %get3A_2093 = arith.constant 0 : index
      %get3A_2094 = tpu.vector_load %arg6[%get3A_2092, %get3A_2093] {strides = array<i32>} : memref<80x64xf32, #tpu.memory_space<vmem>>, vector<1x16xf32>,
      %get3A_2095 = vector.shape_cast %get3A_2094 : vector<1x16xf32> to vector<16xf32>
      %add3A_2096 = arith.addf %add3A_2090, %get3A_2095 : vector<16xf32>
      %get3A_2097 = arith.constant 61 : i32
      %get3A_2098 = arith.index_cast %get3A_2097 : i32 to index
      %get3A_2099 = arith.constant 0 : index
      %get3A_2100 = tpu.vector_load %arg6[%get3A_2098, %get3A_2099] {strides = array<i32>} : memref<80x64xf32, #tpu.memory_space<vmem>>, vector<1x16xf32>,
      %get3A_2101 = vector.shape_cast %get3A_2100 : vector<1x16xf32> to vector<16xf32>
      %add3A_2102 = arith.addf %add3A_2096, %get3A_2101 : vector<16xf32>
      %get3A_2103 = arith.constant 77 : i32
      %get3A_2104 = arith.index_cast %get3A_2103 : i32 to index
      %get3A_2105 = arith.constant 0 : index
      %get3A_2106 = tpu.vector_load %arg6[%get3A_2104, %get3A_2105] {strides = array<i32>} : memref<80x64xf32, #tpu.memory_space<vmem>>, vector<1x16xf32>,
      %get3A_2107 = vector.shape_cast %get3A_2106 : vector<1x16xf32> to vector<16xf32>
      %add3A_2108 = arith.addf %add3A_2102, %get3A_2107 : vector<16xf32>
      %div3A_2109 = arith.constant 5.000000e+00 : f32
      %div3A_2110 = vector.broadcast %div3A_2109 : f32 to vector<16xf32>
      %div3A_2111 = arith.divf %add3A_2108, %div3A_2110 : vector<16xf32>
      %swap3A_2112 = arith.constant 13 : i32
      %swap3A_2113 = arith.index_cast %swap3A_2112 : i32 to index
      %swap3A_2114 = arith.constant 0 : index
      %swap3A_2115 = tpu.vector_load %arg7[%swap3A_2113, %swap3A_2114] {strides = array<i32>} : memref<16x64xf32, #tpu.memory_space<vmem>>, vector<1x16xf32>,
      %swap3A_2116 = vector.shape_cast %swap3A_2115 : vector<1x16xf32> to vector<16xf32>
      %swap3A_2117 = vector.shape_cast %div3A_2111 : vector<16xf32> to vector<1x16xf32>
      tpu.vector_store %arg7[%swap3A_2113, %swap3A_2114], %swap3A_2117 {strides = array<i32>} : memref<16x64xf32, #tpu.memory_space<vmem>>, vector<1x16xf32>,
      %get3A_2118 = arith.constant 13 : i32
      %get3A_2119 = arith.index_cast %get3A_2118 : i32 to index
      %get3A_2120 = arith.constant 16 : index
      %get3A_2121 = tpu.vector_load %arg6[%get3A_2119, %get3A_2120] {strides = array<i32>} : memref<80x64xf32, #tpu.memory_space<vmem>>, vector<1x16xf32>,
      %get3A_2122 = vector.shape_cast %get3A_2121 : vector<1x16xf32> to vector<16xf32>
      %get3A_2123 = arith.constant 29 : i32
      %get3A_2124 = arith.index_cast %get3A_2123 : i32 to index
      %get3A_2125 = arith.constant 16 : index
      %get3A_2126 = tpu.vector_load %arg6[%get3A_2124, %get3A_2125] {strides = array<i32>} : memref<80x64xf32, #tpu.memory_space<vmem>>, vector<1x16xf32>,
      %get3A_2127 = vector.shape_cast %get3A_2126 : vector<1x16xf32> to vector<16xf32>
      %add3A_2128 = arith.addf %get3A_2122, %get3A_2127 : vector<16xf32>
      %get3A_2129 = arith.constant 45 : i32
      %get3A_2130 = arith.index_cast %get3A_2129 : i32 to index
      %get3A_2131 = arith.constant 16 : index
      %get3A_2132 = tpu.vector_load %arg6[%get3A_2130, %get3A_2131] {strides = array<i32>} : memref<80x64xf32, #tpu.memory_space<vmem>>, vector<1x16xf32>,
      %get3A_2133 = vector.shape_cast %get3A_2132 : vector<1x16xf32> to vector<16xf32>
      %add3A_2134 = arith.addf %add3A_2128, %get3A_2133 : vector<16xf32>
      %get3A_2135 = arith.constant 61 : i32
      %get3A_2136 = arith.index_cast %get3A_2135 : i32 to index
      %get3A_2137 = arith.constant 16 : index
      %get3A_2138 = tpu.vector_load %arg6[%get3A_2136, %get3A_2137] {strides = array<i32>} : memref<80x64xf32, #tpu.memory_space<vmem>>, vector<1x16xf32>,
      %get3A_2139 = vector.shape_cast %get3A_2138 : vector<1x16xf32> to vector<16xf32>
      %add3A_2140 = arith.addf %add3A_2134, %get3A_2139 : vector<16xf32>
      %get3A_2141 = arith.constant 77 : i32
      %get3A_2142 = arith.index_cast %get3A_2141 : i32 to index
      %get3A_2143 = arith.constant 16 : index
      %get3A_2144 = tpu.vector_load %arg6[%get3A_2142, %get3A_2143] {strides = array<i32>} : memref<80x64xf32, #tpu.memory_space<vmem>>, vector<1x16xf32>,
      %get3A_2145 = vector.shape_cast %get3A_2144 : vector<1x16xf32> to vector<16xf32>
      %add3A_2146 = arith.addf %add3A_2140, %get3A_2145 : vector<16xf32>
      %div3A_2147 = arith.constant 5.000000e+00 : f32
      %div3A_2148 = vector.broadcast %div3A_2147 : f32 to vector<16xf32>
      %div3A_2149 = arith.divf %add3A_2146, %div3A_2148 : vector<16xf32>
      %swap3A_2150 = arith.constant 13 : i32
      %swap3A_2151 = arith.index_cast %swap3A_2150 : i32 to index
      %swap3A_2152 = arith.constant 16 : index
      %swap3A_2153 = tpu.vector_load %arg7[%swap3A_2151, %swap3A_2152] {strides = array<i32>} : memref<16x64xf32, #tpu.memory_space<vmem>>, vector<1x16xf32>,
      %swap3A_2154 = vector.shape_cast %swap3A_2153 : vector<1x16xf32> to vector<16xf32>
      %swap3A_2155 = vector.shape_cast %div3A_2149 : vector<16xf32> to vector<1x16xf32>
      tpu.vector_store %arg7[%swap3A_2151, %swap3A_2152], %swap3A_2155 {strides = array<i32>} : memref<16x64xf32, #tpu.memory_space<vmem>>, vector<1x16xf32>,
      %get3A_2156 = arith.constant 13 : i32
      %get3A_2157 = arith.index_cast %get3A_2156 : i32 to index
      %get3A_2158 = arith.constant 32 : index
      %get3A_2159 = tpu.vector_load %arg6[%get3A_2157, %get3A_2158] {strides = array<i32>} : memref<80x64xf32, #tpu.memory_space<vmem>>, vector<1x16xf32>,
      %get3A_2160 = vector.shape_cast %get3A_2159 : vector<1x16xf32> to vector<16xf32>
      %get3A_2161 = arith.constant 29 : i32
      %get3A_2162 = arith.index_cast %get3A_2161 : i32 to index
      %get3A_2163 = arith.constant 32 : index
      %get3A_2164 = tpu.vector_load %arg6[%get3A_2162, %get3A_2163] {strides = array<i32>} : memref<80x64xf32, #tpu.memory_space<vmem>>, vector<1x16xf32>,
      %get3A_2165 = vector.shape_cast %get3A_2164 : vector<1x16xf32> to vector<16xf32>
      %add3A_2166 = arith.addf %get3A_2160, %get3A_2165 : vector<16xf32>
      %get3A_2167 = arith.constant 45 : i32
      %get3A_2168 = arith.index_cast %get3A_2167 : i32 to index
      %get3A_2169 = arith.constant 32 : index
      %get3A_2170 = tpu.vector_load %arg6[%get3A_2168, %get3A_2169] {strides = array<i32>} : memref<80x64xf32, #tpu.memory_space<vmem>>, vector<1x16xf32>,
      %get3A_2171 = vector.shape_cast %get3A_2170 : vector<1x16xf32> to vector<16xf32>
      %add3A_2172 = arith.addf %add3A_2166, %get3A_2171 : vector<16xf32>
      %get3A_2173 = arith.constant 61 : i32
      %get3A_2174 = arith.index_cast %get3A_2173 : i32 to index
      %get3A_2175 = arith.constant 32 : index
      %get3A_2176 = tpu.vector_load %arg6[%get3A_2174, %get3A_2175] {strides = array<i32>} : memref<80x64xf32, #tpu.memory_space<vmem>>, vector<1x16xf32>,
      %get3A_2177 = vector.shape_cast %get3A_2176 : vector<1x16xf32> to vector<16xf32>
      %add3A_2178 = arith.addf %add3A_2172, %get3A_2177 : vector<16xf32>
      %get3A_2179 = arith.constant 77 : i32
      %get3A_2180 = arith.index_cast %get3A_2179 : i32 to index
      %get3A_2181 = arith.constant 32 : index
      %get3A_2182 = tpu.vector_load %arg6[%get3A_2180, %get3A_2181] {strides = array<i32>} : memref<80x64xf32, #tpu.memory_space<vmem>>, vector<1x16xf32>,
      %get3A_2183 = vector.shape_cast %get3A_2182 : vector<1x16xf32> to vector<16xf32>
      %add3A_2184 = arith.addf %add3A_2178, %get3A_2183 : vector<16xf32>
      %div3A_2185 = arith.constant 5.000000e+00 : f32
      %div3A_2186 = vector.broadcast %div3A_2185 : f32 to vector<16xf32>
      %div3A_2187 = arith.divf %add3A_2184, %div3A_2186 : vector<16xf32>
      %swap3A_2188 = arith.constant 13 : i32
      %swap3A_2189 = arith.index_cast %swap3A_2188 : i32 to index
      %swap3A_2190 = arith.constant 32 : index
      %swap3A_2191 = tpu.vector_load %arg7[%swap3A_2189, %swap3A_2190] {strides = array<i32>} : memref<16x64xf32, #tpu.memory_space<vmem>>, vector<1x16xf32>,
      %swap3A_2192 = vector.shape_cast %swap3A_2191 : vector<1x16xf32> to vector<16xf32>
      %swap3A_2193 = vector.shape_cast %div3A_2187 : vector<16xf32> to vector<1x16xf32>
      tpu.vector_store %arg7[%swap3A_2189, %swap3A_2190], %swap3A_2193 {strides = array<i32>} : memref<16x64xf32, #tpu.memory_space<vmem>>, vector<1x16xf32>,
      %get3A_2194 = arith.constant 13 : i32
      %get3A_2195 = arith.index_cast %get3A_2194 : i32 to index
      %get3A_2196 = arith.constant 48 : index
      %get3A_2197 = tpu.vector_load %arg6[%get3A_2195, %get3A_2196] {strides = array<i32>} : memref<80x64xf32, #tpu.memory_space<vmem>>, vector<1x16xf32>,
      %get3A_2198 = vector.shape_cast %get3A_2197 : vector<1x16xf32> to vector<16xf32>
      %get3A_2199 = arith.constant 29 : i32
      %get3A_2200 = arith.index_cast %get3A_2199 : i32 to index
      %get3A_2201 = arith.constant 48 : index
      %get3A_2202 = tpu.vector_load %arg6[%get3A_2200, %get3A_2201] {strides = array<i32>} : memref<80x64xf32, #tpu.memory_space<vmem>>, vector<1x16xf32>,
      %get3A_2203 = vector.shape_cast %get3A_2202 : vector<1x16xf32> to vector<16xf32>
      %add3A_2204 = arith.addf %get3A_2198, %get3A_2203 : vector<16xf32>
      %get3A_2205 = arith.constant 45 : i32
      %get3A_2206 = arith.index_cast %get3A_2205 : i32 to index
      %get3A_2207 = arith.constant 48 : index
      %get3A_2208 = tpu.vector_load %arg6[%get3A_2206, %get3A_2207] {strides = array<i32>} : memref<80x64xf32, #tpu.memory_space<vmem>>, vector<1x16xf32>,
      %get3A_2209 = vector.shape_cast %get3A_2208 : vector<1x16xf32> to vector<16xf32>
      %add3A_2210 = arith.addf %add3A_2204, %get3A_2209 : vector<16xf32>
      %get3A_2211 = arith.constant 61 : i32
      %get3A_2212 = arith.index_cast %get3A_2211 : i32 to index
      %get3A_2213 = arith.constant 48 : index
      %get3A_2214 = tpu.vector_load %arg6[%get3A_2212, %get3A_2213] {strides = array<i32>} : memref<80x64xf32, #tpu.memory_space<vmem>>, vector<1x16xf32>,
      %get3A_2215 = vector.shape_cast %get3A_2214 : vector<1x16xf32> to vector<16xf32>
      %add3A_2216 = arith.addf %add3A_2210, %get3A_2215 : vector<16xf32>
      %get3A_2217 = arith.constant 77 : i32
      %get3A_2218 = arith.index_cast %get3A_2217 : i32 to index
      %get3A_2219 = arith.constant 48 : index
      %get3A_2220 = tpu.vector_load %arg6[%get3A_2218, %get3A_2219] {strides = array<i32>} : memref<80x64xf32, #tpu.memory_space<vmem>>, vector<1x16xf32>,
      %get3A_2221 = vector.shape_cast %get3A_2220 : vector<1x16xf32> to vector<16xf32>
      %add3A_2222 = arith.addf %add3A_2216, %get3A_2221 : vector<16xf32>
      %div3A_2223 = arith.constant 5.000000e+00 : f32
      %div3A_2224 = vector.broadcast %div3A_2223 : f32 to vector<16xf32>
      %div3A_2225 = arith.divf %add3A_2222, %div3A_2224 : vector<16xf32>
      %swap3A_2226 = arith.constant 13 : i32
      %swap3A_2227 = arith.index_cast %swap3A_2226 : i32 to index
      %swap3A_2228 = arith.constant 48 : index
      %swap3A_2229 = tpu.vector_load %arg7[%swap3A_2227, %swap3A_2228] {strides = array<i32>} : memref<16x64xf32, #tpu.memory_space<vmem>>, vector<1x16xf32>,
      %swap3A_2230 = vector.shape_cast %swap3A_2229 : vector<1x16xf32> to vector<16xf32>
      %swap3A_2231 = vector.shape_cast %div3A_2225 : vector<16xf32> to vector<1x16xf32>
      tpu.vector_store %arg7[%swap3A_2227, %swap3A_2228], %swap3A_2231 {strides = array<i32>} : memref<16x64xf32, #tpu.memory_space<vmem>>, vector<1x16xf32>,
      %get3A_2232 = arith.constant 14 : i32
      %get3A_2233 = arith.index_cast %get3A_2232 : i32 to index
      %get3A_2234 = arith.constant 0 : index
      %get3A_2235 = tpu.vector_load %arg6[%get3A_2233, %get3A_2234] {strides = array<i32>} : memref<80x64xf32, #tpu.memory_space<vmem>>, vector<1x16xf32>,
      %get3A_2236 = vector.shape_cast %get3A_2235 : vector<1x16xf32> to vector<16xf32>
      %get3A_2237 = arith.constant 30 : i32
      %get3A_2238 = arith.index_cast %get3A_2237 : i32 to index
      %get3A_2239 = arith.constant 0 : index
      %get3A_2240 = tpu.vector_load %arg6[%get3A_2238, %get3A_2239] {strides = array<i32>} : memref<80x64xf32, #tpu.memory_space<vmem>>, vector<1x16xf32>,
      %get3A_2241 = vector.shape_cast %get3A_2240 : vector<1x16xf32> to vector<16xf32>
      %add3A_2242 = arith.addf %get3A_2236, %get3A_2241 : vector<16xf32>
      %get3A_2243 = arith.constant 46 : i32
      %get3A_2244 = arith.index_cast %get3A_2243 : i32 to index
      %get3A_2245 = arith.constant 0 : index
      %get3A_2246 = tpu.vector_load %arg6[%get3A_2244, %get3A_2245] {strides = array<i32>} : memref<80x64xf32, #tpu.memory_space<vmem>>, vector<1x16xf32>,
      %get3A_2247 = vector.shape_cast %get3A_2246 : vector<1x16xf32> to vector<16xf32>
      %add3A_2248 = arith.addf %add3A_2242, %get3A_2247 : vector<16xf32>
      %get3A_2249 = arith.constant 62 : i32
      %get3A_2250 = arith.index_cast %get3A_2249 : i32 to index
      %get3A_2251 = arith.constant 0 : index
      %get3A_2252 = tpu.vector_load %arg6[%get3A_2250, %get3A_2251] {strides = array<i32>} : memref<80x64xf32, #tpu.memory_space<vmem>>, vector<1x16xf32>,
      %get3A_2253 = vector.shape_cast %get3A_2252 : vector<1x16xf32> to vector<16xf32>
      %add3A_2254 = arith.addf %add3A_2248, %get3A_2253 : vector<16xf32>
      %get3A_2255 = arith.constant 78 : i32
      %get3A_2256 = arith.index_cast %get3A_2255 : i32 to index
      %get3A_2257 = arith.constant 0 : index
      %get3A_2258 = tpu.vector_load %arg6[%get3A_2256, %get3A_2257] {strides = array<i32>} : memref<80x64xf32, #tpu.memory_space<vmem>>, vector<1x16xf32>,
      %get3A_2259 = vector.shape_cast %get3A_2258 : vector<1x16xf32> to vector<16xf32>
      %add3A_2260 = arith.addf %add3A_2254, %get3A_2259 : vector<16xf32>
      %div3A_2261 = arith.constant 5.000000e+00 : f32
      %div3A_2262 = vector.broadcast %div3A_2261 : f32 to vector<16xf32>
      %div3A_2263 = arith.divf %add3A_2260, %div3A_2262 : vector<16xf32>
      %swap3A_2264 = arith.constant 14 : i32
      %swap3A_2265 = arith.index_cast %swap3A_2264 : i32 to index
      %swap3A_2266 = arith.constant 0 : index
      %swap3A_2267 = tpu.vector_load %arg7[%swap3A_2265, %swap3A_2266] {strides = array<i32>} : memref<16x64xf32, #tpu.memory_space<vmem>>, vector<1x16xf32>,
      %swap3A_2268 = vector.shape_cast %swap3A_2267 : vector<1x16xf32> to vector<16xf32>
      %swap3A_2269 = vector.shape_cast %div3A_2263 : vector<16xf32> to vector<1x16xf32>
      tpu.vector_store %arg7[%swap3A_2265, %swap3A_2266], %swap3A_2269 {strides = array<i32>} : memref<16x64xf32, #tpu.memory_space<vmem>>, vector<1x16xf32>,
      %get3A_2270 = arith.constant 14 : i32
      %get3A_2271 = arith.index_cast %get3A_2270 : i32 to index
      %get3A_2272 = arith.constant 16 : index
      %get3A_2273 = tpu.vector_load %arg6[%get3A_2271, %get3A_2272] {strides = array<i32>} : memref<80x64xf32, #tpu.memory_space<vmem>>, vector<1x16xf32>,
      %get3A_2274 = vector.shape_cast %get3A_2273 : vector<1x16xf32> to vector<16xf32>
      %get3A_2275 = arith.constant 30 : i32
      %get3A_2276 = arith.index_cast %get3A_2275 : i32 to index
      %get3A_2277 = arith.constant 16 : index
      %get3A_2278 = tpu.vector_load %arg6[%get3A_2276, %get3A_2277] {strides = array<i32>} : memref<80x64xf32, #tpu.memory_space<vmem>>, vector<1x16xf32>,
      %get3A_2279 = vector.shape_cast %get3A_2278 : vector<1x16xf32> to vector<16xf32>
      %add3A_2280 = arith.addf %get3A_2274, %get3A_2279 : vector<16xf32>
      %get3A_2281 = arith.constant 46 : i32
      %get3A_2282 = arith.index_cast %get3A_2281 : i32 to index
      %get3A_2283 = arith.constant 16 : index
      %get3A_2284 = tpu.vector_load %arg6[%get3A_2282, %get3A_2283] {strides = array<i32>} : memref<80x64xf32, #tpu.memory_space<vmem>>, vector<1x16xf32>,
      %get3A_2285 = vector.shape_cast %get3A_2284 : vector<1x16xf32> to vector<16xf32>
      %add3A_2286 = arith.addf %add3A_2280, %get3A_2285 : vector<16xf32>
      %get3A_2287 = arith.constant 62 : i32
      %get3A_2288 = arith.index_cast %get3A_2287 : i32 to index
      %get3A_2289 = arith.constant 16 : index
      %get3A_2290 = tpu.vector_load %arg6[%get3A_2288, %get3A_2289] {strides = array<i32>} : memref<80x64xf32, #tpu.memory_space<vmem>>, vector<1x16xf32>,
      %get3A_2291 = vector.shape_cast %get3A_2290 : vector<1x16xf32> to vector<16xf32>
      %add3A_2292 = arith.addf %add3A_2286, %get3A_2291 : vector<16xf32>
      %get3A_2293 = arith.constant 78 : i32
      %get3A_2294 = arith.index_cast %get3A_2293 : i32 to index
      %get3A_2295 = arith.constant 16 : index
      %get3A_2296 = tpu.vector_load %arg6[%get3A_2294, %get3A_2295] {strides = array<i32>} : memref<80x64xf32, #tpu.memory_space<vmem>>, vector<1x16xf32>,
      %get3A_2297 = vector.shape_cast %get3A_2296 : vector<1x16xf32> to vector<16xf32>
      %add3A_2298 = arith.addf %add3A_2292, %get3A_2297 : vector<16xf32>
      %div3A_2299 = arith.constant 5.000000e+00 : f32
      %div3A_2300 = vector.broadcast %div3A_2299 : f32 to vector<16xf32>
      %div3A_2301 = arith.divf %add3A_2298, %div3A_2300 : vector<16xf32>
      %swap3A_2302 = arith.constant 14 : i32
      %swap3A_2303 = arith.index_cast %swap3A_2302 : i32 to index
      %swap3A_2304 = arith.constant 16 : index
      %swap3A_2305 = tpu.vector_load %arg7[%swap3A_2303, %swap3A_2304] {strides = array<i32>} : memref<16x64xf32, #tpu.memory_space<vmem>>, vector<1x16xf32>,
      %swap3A_2306 = vector.shape_cast %swap3A_2305 : vector<1x16xf32> to vector<16xf32>
      %swap3A_2307 = vector.shape_cast %div3A_2301 : vector<16xf32> to vector<1x16xf32>
      tpu.vector_store %arg7[%swap3A_2303, %swap3A_2304], %swap3A_2307 {strides = array<i32>} : memref<16x64xf32, #tpu.memory_space<vmem>>, vector<1x16xf32>,
      %get3A_2308 = arith.constant 14 : i32
      %get3A_2309 = arith.index_cast %get3A_2308 : i32 to index
      %get3A_2310 = arith.constant 32 : index
      %get3A_2311 = tpu.vector_load %arg6[%get3A_2309, %get3A_2310] {strides = array<i32>} : memref<80x64xf32, #tpu.memory_space<vmem>>, vector<1x16xf32>,
      %get3A_2312 = vector.shape_cast %get3A_2311 : vector<1x16xf32> to vector<16xf32>
      %get3A_2313 = arith.constant 30 : i32
      %get3A_2314 = arith.index_cast %get3A_2313 : i32 to index
      %get3A_2315 = arith.constant 32 : index
      %get3A_2316 = tpu.vector_load %arg6[%get3A_2314, %get3A_2315] {strides = array<i32>} : memref<80x64xf32, #tpu.memory_space<vmem>>, vector<1x16xf32>,
      %get3A_2317 = vector.shape_cast %get3A_2316 : vector<1x16xf32> to vector<16xf32>
      %add3A_2318 = arith.addf %get3A_2312, %get3A_2317 : vector<16xf32>
      %get3A_2319 = arith.constant 46 : i32
      %get3A_2320 = arith.index_cast %get3A_2319 : i32 to index
      %get3A_2321 = arith.constant 32 : index
      %get3A_2322 = tpu.vector_load %arg6[%get3A_2320, %get3A_2321] {strides = array<i32>} : memref<80x64xf32, #tpu.memory_space<vmem>>, vector<1x16xf32>,
      %get3A_2323 = vector.shape_cast %get3A_2322 : vector<1x16xf32> to vector<16xf32>
      %add3A_2324 = arith.addf %add3A_2318, %get3A_2323 : vector<16xf32>
      %get3A_2325 = arith.constant 62 : i32
      %get3A_2326 = arith.index_cast %get3A_2325 : i32 to index
      %get3A_2327 = arith.constant 32 : index
      %get3A_2328 = tpu.vector_load %arg6[%get3A_2326, %get3A_2327] {strides = array<i32>} : memref<80x64xf32, #tpu.memory_space<vmem>>, vector<1x16xf32>,
      %get3A_2329 = vector.shape_cast %get3A_2328 : vector<1x16xf32> to vector<16xf32>
      %add3A_2330 = arith.addf %add3A_2324, %get3A_2329 : vector<16xf32>
      %get3A_2331 = arith.constant 78 : i32
      %get3A_2332 = arith.index_cast %get3A_2331 : i32 to index
      %get3A_2333 = arith.constant 32 : index
      %get3A_2334 = tpu.vector_load %arg6[%get3A_2332, %get3A_2333] {strides = array<i32>} : memref<80x64xf32, #tpu.memory_space<vmem>>, vector<1x16xf32>,
      %get3A_2335 = vector.shape_cast %get3A_2334 : vector<1x16xf32> to vector<16xf32>
      %add3A_2336 = arith.addf %add3A_2330, %get3A_2335 : vector<16xf32>
      %div3A_2337 = arith.constant 5.000000e+00 : f32
      %div3A_2338 = vector.broadcast %div3A_2337 : f32 to vector<16xf32>
      %div3A_2339 = arith.divf %add3A_2336, %div3A_2338 : vector<16xf32>
      %swap3A_2340 = arith.constant 14 : i32
      %swap3A_2341 = arith.index_cast %swap3A_2340 : i32 to index
      %swap3A_2342 = arith.constant 32 : index
      %swap3A_2343 = tpu.vector_load %arg7[%swap3A_2341, %swap3A_2342] {strides = array<i32>} : memref<16x64xf32, #tpu.memory_space<vmem>>, vector<1x16xf32>,
      %swap3A_2344 = vector.shape_cast %swap3A_2343 : vector<1x16xf32> to vector<16xf32>
      %swap3A_2345 = vector.shape_cast %div3A_2339 : vector<16xf32> to vector<1x16xf32>
      tpu.vector_store %arg7[%swap3A_2341, %swap3A_2342], %swap3A_2345 {strides = array<i32>} : memref<16x64xf32, #tpu.memory_space<vmem>>, vector<1x16xf32>,
      %get3A_2346 = arith.constant 14 : i32
      %get3A_2347 = arith.index_cast %get3A_2346 : i32 to index
      %get3A_2348 = arith.constant 48 : index
      %get3A_2349 = tpu.vector_load %arg6[%get3A_2347, %get3A_2348] {strides = array<i32>} : memref<80x64xf32, #tpu.memory_space<vmem>>, vector<1x16xf32>,
      %get3A_2350 = vector.shape_cast %get3A_2349 : vector<1x16xf32> to vector<16xf32>
      %get3A_2351 = arith.constant 30 : i32
      %get3A_2352 = arith.index_cast %get3A_2351 : i32 to index
      %get3A_2353 = arith.constant 48 : index
      %get3A_2354 = tpu.vector_load %arg6[%get3A_2352, %get3A_2353] {strides = array<i32>} : memref<80x64xf32, #tpu.memory_space<vmem>>, vector<1x16xf32>,
      %get3A_2355 = vector.shape_cast %get3A_2354 : vector<1x16xf32> to vector<16xf32>
      %add3A_2356 = arith.addf %get3A_2350, %get3A_2355 : vector<16xf32>
      %get3A_2357 = arith.constant 46 : i32
      %get3A_2358 = arith.index_cast %get3A_2357 : i32 to index
      %get3A_2359 = arith.constant 48 : index
      %get3A_2360 = tpu.vector_load %arg6[%get3A_2358, %get3A_2359] {strides = array<i32>} : memref<80x64xf32, #tpu.memory_space<vmem>>, vector<1x16xf32>,
      %get3A_2361 = vector.shape_cast %get3A_2360 : vector<1x16xf32> to vector<16xf32>
      %add3A_2362 = arith.addf %add3A_2356, %get3A_2361 : vector<16xf32>
      %get3A_2363 = arith.constant 62 : i32
      %get3A_2364 = arith.index_cast %get3A_2363 : i32 to index
      %get3A_2365 = arith.constant 48 : index
      %get3A_2366 = tpu.vector_load %arg6[%get3A_2364, %get3A_2365] {strides = array<i32>} : memref<80x64xf32, #tpu.memory_space<vmem>>, vector<1x16xf32>,
      %get3A_2367 = vector.shape_cast %get3A_2366 : vector<1x16xf32> to vector<16xf32>
      %add3A_2368 = arith.addf %add3A_2362, %get3A_2367 : vector<16xf32>
      %get3A_2369 = arith.constant 78 : i32
      %get3A_2370 = arith.index_cast %get3A_2369 : i32 to index
      %get3A_2371 = arith.constant 48 : index
      %get3A_2372 = tpu.vector_load %arg6[%get3A_2370, %get3A_2371] {strides = array<i32>} : memref<80x64xf32, #tpu.memory_space<vmem>>, vector<1x16xf32>,
      %get3A_2373 = vector.shape_cast %get3A_2372 : vector<1x16xf32> to vector<16xf32>
      %add3A_2374 = arith.addf %add3A_2368, %get3A_2373 : vector<16xf32>
      %div3A_2375 = arith.constant 5.000000e+00 : f32
      %div3A_2376 = vector.broadcast %div3A_2375 : f32 to vector<16xf32>
      %div3A_2377 = arith.divf %add3A_2374, %div3A_2376 : vector<16xf32>
      %swap3A_2378 = arith.constant 14 : i32
      %swap3A_2379 = arith.index_cast %swap3A_2378 : i32 to index
      %swap3A_2380 = arith.constant 48 : index
      %swap3A_2381 = tpu.vector_load %arg7[%swap3A_2379, %swap3A_2380] {strides = array<i32>} : memref<16x64xf32, #tpu.memory_space<vmem>>, vector<1x16xf32>,
      %swap3A_2382 = vector.shape_cast %swap3A_2381 : vector<1x16xf32> to vector<16xf32>
      %swap3A_2383 = vector.shape_cast %div3A_2377 : vector<16xf32> to vector<1x16xf32>
      tpu.vector_store %arg7[%swap3A_2379, %swap3A_2380], %swap3A_2383 {strides = array<i32>} : memref<16x64xf32, #tpu.memory_space<vmem>>, vector<1x16xf32>,
      %get3A_2384 = arith.constant 15 : i32
      %get3A_2385 = arith.index_cast %get3A_2384 : i32 to index
      %get3A_2386 = arith.constant 0 : index
      %get3A_2387 = tpu.vector_load %arg6[%get3A_2385, %get3A_2386] {strides = array<i32>} : memref<80x64xf32, #tpu.memory_space<vmem>>, vector<1x16xf32>,
      %get3A_2388 = vector.shape_cast %get3A_2387 : vector<1x16xf32> to vector<16xf32>
      %get3A_2389 = arith.constant 31 : i32
      %get3A_2390 = arith.index_cast %get3A_2389 : i32 to index
      %get3A_2391 = arith.constant 0 : index
      %get3A_2392 = tpu.vector_load %arg6[%get3A_2390, %get3A_2391] {strides = array<i32>} : memref<80x64xf32, #tpu.memory_space<vmem>>, vector<1x16xf32>,
      %get3A_2393 = vector.shape_cast %get3A_2392 : vector<1x16xf32> to vector<16xf32>
      %add3A_2394 = arith.addf %get3A_2388, %get3A_2393 : vector<16xf32>
      %get3A_2395 = arith.constant 47 : i32
      %get3A_2396 = arith.index_cast %get3A_2395 : i32 to index
      %get3A_2397 = arith.constant 0 : index
      %get3A_2398 = tpu.vector_load %arg6[%get3A_2396, %get3A_2397] {strides = array<i32>} : memref<80x64xf32, #tpu.memory_space<vmem>>, vector<1x16xf32>,
      %get3A_2399 = vector.shape_cast %get3A_2398 : vector<1x16xf32> to vector<16xf32>
      %add3A_2400 = arith.addf %add3A_2394, %get3A_2399 : vector<16xf32>
      %get3A_2401 = arith.constant 63 : i32
      %get3A_2402 = arith.index_cast %get3A_2401 : i32 to index
      %get3A_2403 = arith.constant 0 : index
      %get3A_2404 = tpu.vector_load %arg6[%get3A_2402, %get3A_2403] {strides = array<i32>} : memref<80x64xf32, #tpu.memory_space<vmem>>, vector<1x16xf32>,
      %get3A_2405 = vector.shape_cast %get3A_2404 : vector<1x16xf32> to vector<16xf32>
      %add3A_2406 = arith.addf %add3A_2400, %get3A_2405 : vector<16xf32>
      %get3A_2407 = arith.constant 79 : i32
      %get3A_2408 = arith.index_cast %get3A_2407 : i32 to index
      %get3A_2409 = arith.constant 0 : index
      %get3A_2410 = tpu.vector_load %arg6[%get3A_2408, %get3A_2409] {strides = array<i32>} : memref<80x64xf32, #tpu.memory_space<vmem>>, vector<1x16xf32>,
      %get3A_2411 = vector.shape_cast %get3A_2410 : vector<1x16xf32> to vector<16xf32>
      %add3A_2412 = arith.addf %add3A_2406, %get3A_2411 : vector<16xf32>
      %div3A_2413 = arith.constant 5.000000e+00 : f32
      %div3A_2414 = vector.broadcast %div3A_2413 : f32 to vector<16xf32>
      %div3A_2415 = arith.divf %add3A_2412, %div3A_2414 : vector<16xf32>
      %swap3A_2416 = arith.constant 15 : i32
      %swap3A_2417 = arith.index_cast %swap3A_2416 : i32 to index
      %swap3A_2418 = arith.constant 0 : index
      %swap3A_2419 = tpu.vector_load %arg7[%swap3A_2417, %swap3A_2418] {strides = array<i32>} : memref<16x64xf32, #tpu.memory_space<vmem>>, vector<1x16xf32>,
      %swap3A_2420 = vector.shape_cast %swap3A_2419 : vector<1x16xf32> to vector<16xf32>
      %swap3A_2421 = vector.shape_cast %div3A_2415 : vector<16xf32> to vector<1x16xf32>
      tpu.vector_store %arg7[%swap3A_2417, %swap3A_2418], %swap3A_2421 {strides = array<i32>} : memref<16x64xf32, #tpu.memory_space<vmem>>, vector<1x16xf32>,
      %get3A_2422 = arith.constant 15 : i32
      %get3A_2423 = arith.index_cast %get3A_2422 : i32 to index
      %get3A_2424 = arith.constant 16 : index
      %get3A_2425 = tpu.vector_load %arg6[%get3A_2423, %get3A_2424] {strides = array<i32>} : memref<80x64xf32, #tpu.memory_space<vmem>>, vector<1x16xf32>,
      %get3A_2426 = vector.shape_cast %get3A_2425 : vector<1x16xf32> to vector<16xf32>
      %get3A_2427 = arith.constant 31 : i32
      %get3A_2428 = arith.index_cast %get3A_2427 : i32 to index
      %get3A_2429 = arith.constant 16 : index
      %get3A_2430 = tpu.vector_load %arg6[%get3A_2428, %get3A_2429] {strides = array<i32>} : memref<80x64xf32, #tpu.memory_space<vmem>>, vector<1x16xf32>,
      %get3A_2431 = vector.shape_cast %get3A_2430 : vector<1x16xf32> to vector<16xf32>
      %add3A_2432 = arith.addf %get3A_2426, %get3A_2431 : vector<16xf32>
      %get3A_2433 = arith.constant 47 : i32
      %get3A_2434 = arith.index_cast %get3A_2433 : i32 to index
      %get3A_2435 = arith.constant 16 : index
      %get3A_2436 = tpu.vector_load %arg6[%get3A_2434, %get3A_2435] {strides = array<i32>} : memref<80x64xf32, #tpu.memory_space<vmem>>, vector<1x16xf32>,
      %get3A_2437 = vector.shape_cast %get3A_2436 : vector<1x16xf32> to vector<16xf32>
      %add3A_2438 = arith.addf %add3A_2432, %get3A_2437 : vector<16xf32>
      %get3A_2439 = arith.constant 63 : i32
      %get3A_2440 = arith.index_cast %get3A_2439 : i32 to index
      %get3A_2441 = arith.constant 16 : index
      %get3A_2442 = tpu.vector_load %arg6[%get3A_2440, %get3A_2441] {strides = array<i32>} : memref<80x64xf32, #tpu.memory_space<vmem>>, vector<1x16xf32>,
      %get3A_2443 = vector.shape_cast %get3A_2442 : vector<1x16xf32> to vector<16xf32>
      %add3A_2444 = arith.addf %add3A_2438, %get3A_2443 : vector<16xf32>
      %get3A_2445 = arith.constant 79 : i32
      %get3A_2446 = arith.index_cast %get3A_2445 : i32 to index
      %get3A_2447 = arith.constant 16 : index
      %get3A_2448 = tpu.vector_load %arg6[%get3A_2446, %get3A_2447] {strides = array<i32>} : memref<80x64xf32, #tpu.memory_space<vmem>>, vector<1x16xf32>,
      %get3A_2449 = vector.shape_cast %get3A_2448 : vector<1x16xf32> to vector<16xf32>
      %add3A_2450 = arith.addf %add3A_2444, %get3A_2449 : vector<16xf32>
      %div3A_2451 = arith.constant 5.000000e+00 : f32
      %div3A_2452 = vector.broadcast %div3A_2451 : f32 to vector<16xf32>
      %div3A_2453 = arith.divf %add3A_2450, %div3A_2452 : vector<16xf32>
      %swap3A_2454 = arith.constant 15 : i32
      %swap3A_2455 = arith.index_cast %swap3A_2454 : i32 to index
      %swap3A_2456 = arith.constant 16 : index
      %swap3A_2457 = tpu.vector_load %arg7[%swap3A_2455, %swap3A_2456] {strides = array<i32>} : memref<16x64xf32, #tpu.memory_space<vmem>>, vector<1x16xf32>,
      %swap3A_2458 = vector.shape_cast %swap3A_2457 : vector<1x16xf32> to vector<16xf32>
      %swap3A_2459 = vector.shape_cast %div3A_2453 : vector<16xf32> to vector<1x16xf32>
      tpu.vector_store %arg7[%swap3A_2455, %swap3A_2456], %swap3A_2459 {strides = array<i32>} : memref<16x64xf32, #tpu.memory_space<vmem>>, vector<1x16xf32>,
      %get3A_2460 = arith.constant 15 : i32
      %get3A_2461 = arith.index_cast %get3A_2460 : i32 to index
      %get3A_2462 = arith.constant 32 : index
      %get3A_2463 = tpu.vector_load %arg6[%get3A_2461, %get3A_2462] {strides = array<i32>} : memref<80x64xf32, #tpu.memory_space<vmem>>, vector<1x16xf32>,
      %get3A_2464 = vector.shape_cast %get3A_2463 : vector<1x16xf32> to vector<16xf32>
      %get3A_2465 = arith.constant 31 : i32
      %get3A_2466 = arith.index_cast %get3A_2465 : i32 to index
      %get3A_2467 = arith.constant 32 : index
      %get3A_2468 = tpu.vector_load %arg6[%get3A_2466, %get3A_2467] {strides = array<i32>} : memref<80x64xf32, #tpu.memory_space<vmem>>, vector<1x16xf32>,
      %get3A_2469 = vector.shape_cast %get3A_2468 : vector<1x16xf32> to vector<16xf32>
      %add3A_2470 = arith.addf %get3A_2464, %get3A_2469 : vector<16xf32>
      %get3A_2471 = arith.constant 47 : i32
      %get3A_2472 = arith.index_cast %get3A_2471 : i32 to index
      %get3A_2473 = arith.constant 32 : index
      %get3A_2474 = tpu.vector_load %arg6[%get3A_2472, %get3A_2473] {strides = array<i32>} : memref<80x64xf32, #tpu.memory_space<vmem>>, vector<1x16xf32>,
      %get3A_2475 = vector.shape_cast %get3A_2474 : vector<1x16xf32> to vector<16xf32>
      %add3A_2476 = arith.addf %add3A_2470, %get3A_2475 : vector<16xf32>
      %get3A_2477 = arith.constant 63 : i32
      %get3A_2478 = arith.index_cast %get3A_2477 : i32 to index
      %get3A_2479 = arith.constant 32 : index
      %get3A_2480 = tpu.vector_load %arg6[%get3A_2478, %get3A_2479] {strides = array<i32>} : memref<80x64xf32, #tpu.memory_space<vmem>>, vector<1x16xf32>,
      %get3A_2481 = vector.shape_cast %get3A_2480 : vector<1x16xf32> to vector<16xf32>
      %add3A_2482 = arith.addf %add3A_2476, %get3A_2481 : vector<16xf32>
      %get3A_2483 = arith.constant 79 : i32
      %get3A_2484 = arith.index_cast %get3A_2483 : i32 to index
      %get3A_2485 = arith.constant 32 : index
      %get3A_2486 = tpu.vector_load %arg6[%get3A_2484, %get3A_2485] {strides = array<i32>} : memref<80x64xf32, #tpu.memory_space<vmem>>, vector<1x16xf32>,
      %get3A_2487 = vector.shape_cast %get3A_2486 : vector<1x16xf32> to vector<16xf32>
      %add3A_2488 = arith.addf %add3A_2482, %get3A_2487 : vector<16xf32>
      %div3A_2489 = arith.constant 5.000000e+00 : f32
      %div3A_2490 = vector.broadcast %div3A_2489 : f32 to vector<16xf32>
      %div3A_2491 = arith.divf %add3A_2488, %div3A_2490 : vector<16xf32>
      %swap3A_2492 = arith.constant 15 : i32
      %swap3A_2493 = arith.index_cast %swap3A_2492 : i32 to index
      %swap3A_2494 = arith.constant 32 : index
      %swap3A_2495 = tpu.vector_load %arg7[%swap3A_2493, %swap3A_2494] {strides = array<i32>} : memref<16x64xf32, #tpu.memory_space<vmem>>, vector<1x16xf32>,
      %swap3A_2496 = vector.shape_cast %swap3A_2495 : vector<1x16xf32> to vector<16xf32>
      %swap3A_2497 = vector.shape_cast %div3A_2491 : vector<16xf32> to vector<1x16xf32>
      tpu.vector_store %arg7[%swap3A_2493, %swap3A_2494], %swap3A_2497 {strides = array<i32>} : memref<16x64xf32, #tpu.memory_space<vmem>>, vector<1x16xf32>,
      %get3A_2498 = arith.constant 15 : i32
      %get3A_2499 = arith.index_cast %get3A_2498 : i32 to index
      %get3A_2500 = arith.constant 48 : index
      %get3A_2501 = tpu.vector_load %arg6[%get3A_2499, %get3A_2500] {strides = array<i32>} : memref<80x64xf32, #tpu.memory_space<vmem>>, vector<1x16xf32>,
      %get3A_2502 = vector.shape_cast %get3A_2501 : vector<1x16xf32> to vector<16xf32>
      %get3A_2503 = arith.constant 31 : i32
      %get3A_2504 = arith.index_cast %get3A_2503 : i32 to index
      %get3A_2505 = arith.constant 48 : index
      %get3A_2506 = tpu.vector_load %arg6[%get3A_2504, %get3A_2505] {strides = array<i32>} : memref<80x64xf32, #tpu.memory_space<vmem>>, vector<1x16xf32>,
      %get3A_2507 = vector.shape_cast %get3A_2506 : vector<1x16xf32> to vector<16xf32>
      %add3A_2508 = arith.addf %get3A_2502, %get3A_2507 : vector<16xf32>
      %get3A_2509 = arith.constant 47 : i32
      %get3A_2510 = arith.index_cast %get3A_2509 : i32 to index
      %get3A_2511 = arith.constant 48 : index
      %get3A_2512 = tpu.vector_load %arg6[%get3A_2510, %get3A_2511] {strides = array<i32>} : memref<80x64xf32, #tpu.memory_space<vmem>>, vector<1x16xf32>,
      %get3A_2513 = vector.shape_cast %get3A_2512 : vector<1x16xf32> to vector<16xf32>
      %add3A_2514 = arith.addf %add3A_2508, %get3A_2513 : vector<16xf32>
      %get3A_2515 = arith.constant 63 : i32
      %get3A_2516 = arith.index_cast %get3A_2515 : i32 to index
      %get3A_2517 = arith.constant 48 : index
      %get3A_2518 = tpu.vector_load %arg6[%get3A_2516, %get3A_2517] {strides = array<i32>} : memref<80x64xf32, #tpu.memory_space<vmem>>, vector<1x16xf32>,
      %get3A_2519 = vector.shape_cast %get3A_2518 : vector<1x16xf32> to vector<16xf32>
      %add3A_2520 = arith.addf %add3A_2514, %get3A_2519 : vector<16xf32>
      %get3A_2521 = arith.constant 79 : i32
      %get3A_2522 = arith.index_cast %get3A_2521 : i32 to index
      %get3A_2523 = arith.constant 48 : index
      %get3A_2524 = tpu.vector_load %arg6[%get3A_2522, %get3A_2523] {strides = array<i32>} : memref<80x64xf32, #tpu.memory_space<vmem>>, vector<1x16xf32>,
      %get3A_2525 = vector.shape_cast %get3A_2524 : vector<1x16xf32> to vector<16xf32>
      %add3A_2526 = arith.addf %add3A_2520, %get3A_2525 : vector<16xf32>
      %div3A_2527 = arith.constant 5.000000e+00 : f32
      %div3A_2528 = vector.broadcast %div3A_2527 : f32 to vector<16xf32>
      %div3A_2529 = arith.divf %add3A_2526, %div3A_2528 : vector<16xf32>
      %swap3A_2530 = arith.constant 15 : i32
      %swap3A_2531 = arith.index_cast %swap3A_2530 : i32 to index
      %swap3A_2532 = arith.constant 48 : index
      %swap3A_2533 = tpu.vector_load %arg7[%swap3A_2531, %swap3A_2532] {strides = array<i32>} : memref<16x64xf32, #tpu.memory_space<vmem>>, vector<1x16xf32>,
      %swap3A_2534 = vector.shape_cast %swap3A_2533 : vector<1x16xf32> to vector<16xf32>
      %swap3A_2535 = vector.shape_cast %div3A_2529 : vector<16xf32> to vector<1x16xf32>
      tpu.vector_store %arg7[%swap3A_2531, %swap3A_2532], %swap3A_2535 {strides = array<i32>} : memref<16x64xf32, #tpu.memory_space<vmem>>, vector<1x16xf32>,
      %mul3A_2536 = arith.constant 16 : i32
      %mul3A_2537 = arith.muli %scan3A_18, %mul3A_2536 : i32
      %add3A_2538 = arith.addi %mul3A_2, %mul3A_2537 : i32
      "tpu.region"() ({
        %run_scoped3A = tpu.sem_alloc : memref<!tpu.dma_semaphore, #tpu.memory_space<semaphore_mem>>
        %dma_start3A_2539 = arith.constant 0 : i32
        %dma_start3A_2540 = tpu.memref_slice %arg4[%add3A_2538, %dma_start3A_2539] : memref<8192x64xf32, #tpu.memory_space<hbm>> -> memref<16x64xf32, #tpu.memory_space<hbm>>
        %dma_start3A_2541 = arith.constant 0 : i32
        %dma_start3A_2542 = tpu.memref_slice %arg4[%add3A_2538, %dma_start3A_2541] : memref<8192x64xf32, #tpu.memory_space<hbm>> -> memref<16x64xf32, #tpu.memory_space<hbm>>
        tpu.enqueue_dma source(%arg7 : memref<16x64xf32, #tpu.memory_space<vmem>>) target(%dma_start3A_2542 : memref<16x64xf32, #tpu.memory_space<hbm>>) target_semaphore(%run_scoped3A : memref<!tpu.dma_semaphore, #tpu.memory_space<semaphore_mem>>)
        %dma_wait3A_2543 = arith.constant 0 : i32
        %dma_wait3A_2544 = tpu.memref_slice %arg4[%add3A_2538, %dma_wait3A_2543] : memref<8192x64xf32, #tpu.memory_space<hbm>> -> memref<16x64xf32, #tpu.memory_space<hbm>>
        %dma_wait3A_2545 = arith.constant 0 : i32
        %dma_wait3A_2546 = tpu.memref_slice %arg4[%add3A_2538, %dma_wait3A_2545] : memref<8192x64xf32, #tpu.memory_space<hbm>> -> memref<16x64xf32, #tpu.memory_space<hbm>>
        tpu.wait_dma2 semaphore(%run_scoped3A : memref<!tpu.dma_semaphore, #tpu.memory_space<semaphore_mem>>) src(%arg7 : memref<16x64xf32, #tpu.memory_space<vmem>>) dst(%dma_wait3A_2546 : memref<16x64xf32, #tpu.memory_space<hbm>>)
        tpu.yield
      }) : () -> ()
    }
    %scan3A_17 = arith.constant 16 : i32
    return
  }
}

module attributes {stable_mosaic.version = 14 : i64} {
  func.func @_knn_body(%arg0: i32, %arg1: i32, %arg2: memref<1x512x3xf32, #tpu.memory_space<vmem>>, %arg3: memref<1x3x4096xf32, #tpu.memory_space<vmem>>, %arg4: memref<1x512x16xi32, #tpu.memory_space<vmem>>) attributes {dimension_semantics = [#tpu.dimension_semantics<parallel>, #tpu.dimension_semantics<arbitrary>], iteration_bounds = array<i64: 4, 8>, scalar_prefetch = 0 : i64, scratch_operands = 0 : i64, tpu.core_type = #tpu.core_type<tc>, window_params = [{transform_indices = @transform_0, window_bounds = array<i64: 1, 512, 3>}, {transform_indices = @transform_1, window_bounds = array<i64: 1, 3, 4096>}, {transform_indices = @transform_2, window_bounds = array<i64: 1, 512, 16>}]} {
    %get3A = arith.constant 0 : index
    %get3A_0 = arith.constant 0 : index
    %get3A_1 = arith.constant 0 : index
    %get3A_2 = vector.load %arg2[%get3A, %get3A_0, %get3A_1] : memref<1x512x3xf32, #tpu.memory_space<vmem>>, vector<1x512x3xf32>
    %get3A_3 = vector.shape_cast %get3A_2 : vector<1x512x3xf32> to vector<512x3xf32>
    %slice3A = vector.extract_strided_slice %get3A_3 {offsets = [0, 0], sizes = [512, 1], strides = [1, 1]} : vector<512x3xf32> to vector<512x1xf32>
    %slice3A_4 = vector.extract_strided_slice %get3A_3 {offsets = [0, 1], sizes = [512, 1], strides = [1, 1]} : vector<512x3xf32> to vector<512x1xf32>
    %slice3A_5 = vector.extract_strided_slice %get3A_3 {offsets = [0, 2], sizes = [512, 1], strides = [1, 1]} : vector<512x3xf32> to vector<512x1xf32>
    %get3A_6 = arith.constant 0 : index
    %get3A_7 = arith.constant 0 : index
    %get3A_8 = arith.constant 0 : index
    %get3A_9 = vector.load %arg3[%get3A_6, %get3A_7, %get3A_8] : memref<1x3x4096xf32, #tpu.memory_space<vmem>>, vector<1x1x4096xf32>
    %get3A_10 = vector.shape_cast %get3A_9 : vector<1x1x4096xf32> to vector<1x4096xf32>
    %get3A_11 = arith.constant 0 : index
    %get3A_12 = arith.constant 1 : index
    %get3A_13 = arith.constant 0 : index
    %get3A_14 = vector.load %arg3[%get3A_11, %get3A_12, %get3A_13] : memref<1x3x4096xf32, #tpu.memory_space<vmem>>, vector<1x1x4096xf32>
    %get3A_15 = vector.shape_cast %get3A_14 : vector<1x1x4096xf32> to vector<1x4096xf32>
    %get3A_16 = arith.constant 0 : index
    %get3A_17 = arith.constant 2 : index
    %get3A_18 = arith.constant 0 : index
    %get3A_19 = vector.load %arg3[%get3A_16, %get3A_17, %get3A_18] : memref<1x3x4096xf32, #tpu.memory_space<vmem>>, vector<1x1x4096xf32>
    %get3A_20 = vector.shape_cast %get3A_19 : vector<1x1x4096xf32> to vector<1x4096xf32>
    %mul3A = arith.mulf %slice3A, %slice3A : vector<512x1xf32>
    %mul3A_21 = arith.mulf %slice3A_4, %slice3A_4 : vector<512x1xf32>
    %add3A = arith.addf %mul3A, %mul3A_21 : vector<512x1xf32>
    %mul3A_22 = arith.mulf %slice3A_5, %slice3A_5 : vector<512x1xf32>
    %add3A_23 = arith.addf %add3A, %mul3A_22 : vector<512x1xf32>
    %mul3A_24 = arith.mulf %get3A_10, %get3A_10 : vector<1x4096xf32>
    %mul3A_25 = arith.mulf %get3A_15, %get3A_15 : vector<1x4096xf32>
    %add3A_26 = arith.addf %mul3A_24, %mul3A_25 : vector<1x4096xf32>
    %mul3A_27 = arith.mulf %get3A_20, %get3A_20 : vector<1x4096xf32>
    %add3A_28 = arith.addf %add3A_26, %mul3A_27 : vector<1x4096xf32>
    %get3A_29 = arith.constant 0 : index
    %get3A_30 = arith.constant 0 : index
    %get3A_31 = arith.constant 0 : index
    %get3A_32 = vector.load %arg3[%get3A_29, %get3A_30, %get3A_31] : memref<1x3x4096xf32, #tpu.memory_space<vmem>>, vector<1x3x4096xf32>
    %get3A_33 = vector.shape_cast %get3A_32 : vector<1x3x4096xf32> to vector<3x4096xf32>
    %dot_general3A = arith.constant dense<0.000000e+00> : vector<512x4096xf32>
    %dot_general3A_34 = tpu.matmul %get3A_3, %get3A_33, %dot_general3A {dimension_numbers = #tpu.dot_dimension_numbers<[1], [0], [0], [1], [0, 0, 1, 1], [], []>, transpose_lhs_hint = false} : vector<512x3xf32>, vector<3x4096xf32>, vector<512x4096xf32> -> vector<512x4096xf32>
    %add3A_35 = vector.broadcast %add3A_23 : vector<512x1xf32> to vector<512x4096xf32>
    %add3A_36 = vector.broadcast %add3A_28 : vector<1x4096xf32> to vector<512x4096xf32>
    %add3A_37 = arith.addf %add3A_35, %add3A_36 : vector<512x4096xf32>
    %mul3A_38 = arith.constant 2.000000e+00 : f32
    %mul3A_39 = vector.broadcast %mul3A_38 : f32 to vector<512x4096xf32>
    %mul3A_40 = arith.mulf %mul3A_39, %dot_general3A_34 : vector<512x4096xf32>
    %sub3A = arith.subf %add3A_37, %mul3A_40 : vector<512x4096xf32>
    %max3A = arith.constant 1.000000e-24 : f32
    %max3A_41 = vector.broadcast %max3A : f32 to vector<512x4096xf32>
    %max3A_42 = arith.maximumf %sub3A, %max3A_41 : vector<512x4096xf32>
    %sqrt3A = math.sqrt %max3A_42 : vector<512x4096xf32>
    %iota3A = tpu.iota {dimensions = array<i32: 1>} : vector<512x4096xi32>
    %reduce_min3A = arith.constant dense<0x7F800000> : vector<512xf32>
    %reduce_min3A_43 = vector.multi_reduction <minimumf>, %sqrt3A, %reduce_min3A [1] : vector<512x4096xf32> to vector<512xf32>
    %broadcast_in_dim3A = vector.shape_cast %reduce_min3A_43 : vector<512xf32> to vector<512x1xf32>
    %eq3A = vector.broadcast %broadcast_in_dim3A : vector<512x1xf32> to vector<512x4096xf32>
    %eq3A_44 = arith.cmpf oeq, %sqrt3A, %eq3A : vector<512x4096xf32>
    %jit3A = arith.constant 4096 : i32
    %broadcast_in_dim3A_45 = vector.broadcast %jit3A : i32 to vector<512x4096xi32>
    %select_n3A = arith.select %eq3A_44, %iota3A, %broadcast_in_dim3A_45 : vector<512x4096xi1>, vector<512x4096xi32>
    %reduce_min3A_46 = arith.constant dense<2147483647> : vector<512xi32>
    %reduce_min3A_47 = vector.multi_reduction <minsi>, %select_n3A, %reduce_min3A_46 [1] : vector<512x4096xi32> to vector<512xi32>
    %broadcast_in_dim3A_48 = vector.shape_cast %reduce_min3A_47 : vector<512xi32> to vector<512x1xi32>
    %mul3A_49 = arith.constant 4096 : i32
    %mul3A_50 = arith.muli %arg0, %mul3A_49 : i32
    %add3A_51 = vector.broadcast %mul3A_50 : i32 to vector<512x1xi32>
    %add3A_52 = arith.addi %broadcast_in_dim3A_48, %add3A_51 : vector<512x1xi32>
    %swap3A = arith.constant 0 : index
    %swap3A_53 = arith.constant 0 : index
    %swap3A_54 = arith.constant 0 : index
    %swap3A_55 = vector.load %arg4[%swap3A, %swap3A_53, %swap3A_54] : memref<1x512x16xi32, #tpu.memory_space<vmem>>, vector<1x512x1xi32>
    %swap3A_56 = vector.shape_cast %swap3A_55 : vector<1x512x1xi32> to vector<512x1xi32>
    %swap3A_57 = vector.shape_cast %add3A_52 : vector<512x1xi32> to vector<1x512x1xi32>
    tpu.vector_store %arg4[%swap3A, %swap3A_53, %swap3A_54], %swap3A_57 {strides = array<i32>} : memref<1x512x16xi32, #tpu.memory_space<vmem>>, vector<1x512x1xi32>,
    %eq3A_58 = vector.broadcast %broadcast_in_dim3A_48 : vector<512x1xi32> to vector<512x4096xi32>
    %eq3A_59 = arith.cmpi eq, %iota3A, %eq3A_58 : vector<512x4096xi32>
    %jit3A_60 = arith.constant 0x7F800000 : f32
    %broadcast_in_dim3A_61 = vector.broadcast %jit3A_60 : f32 to vector<512x4096xf32>
    %select_n3A_62 = arith.select %eq3A_59, %broadcast_in_dim3A_61, %sqrt3A : vector<512x4096xi1>, vector<512x4096xf32>
    %reduce_min3A_63 = arith.constant dense<0x7F800000> : vector<512xf32>
    %reduce_min3A_64 = vector.multi_reduction <minimumf>, %select_n3A_62, %reduce_min3A_63 [1] : vector<512x4096xf32> to vector<512xf32>
    %broadcast_in_dim3A_65 = vector.shape_cast %reduce_min3A_64 : vector<512xf32> to vector<512x1xf32>
    %eq3A_66 = vector.broadcast %broadcast_in_dim3A_65 : vector<512x1xf32> to vector<512x4096xf32>
    %eq3A_67 = arith.cmpf oeq, %select_n3A_62, %eq3A_66 : vector<512x4096xf32>
    %jit3A_68 = arith.constant 4096 : i32
    %broadcast_in_dim3A_69 = vector.broadcast %jit3A_68 : i32 to vector<512x4096xi32>
    %select_n3A_70 = arith.select %eq3A_67, %iota3A, %broadcast_in_dim3A_69 : vector<512x4096xi1>, vector<512x4096xi32>
    %reduce_min3A_71 = arith.constant dense<2147483647> : vector<512xi32>
    %reduce_min3A_72 = vector.multi_reduction <minsi>, %select_n3A_70, %reduce_min3A_71 [1] : vector<512x4096xi32> to vector<512xi32>
    %broadcast_in_dim3A_73 = vector.shape_cast %reduce_min3A_72 : vector<512xi32> to vector<512x1xi32>
    %mul3A_74 = arith.constant 4096 : i32
    %mul3A_75 = arith.muli %arg0, %mul3A_74 : i32
    %add3A_76 = vector.broadcast %mul3A_75 : i32 to vector<512x1xi32>
    %add3A_77 = arith.addi %broadcast_in_dim3A_73, %add3A_76 : vector<512x1xi32>
    %swap3A_78 = arith.constant 0 : index
    %swap3A_79 = arith.constant 0 : index
    %swap3A_80 = arith.constant 1 : index
    %swap3A_81 = vector.load %arg4[%swap3A_78, %swap3A_79, %swap3A_80] : memref<1x512x16xi32, #tpu.memory_space<vmem>>, vector<1x512x1xi32>
    %swap3A_82 = vector.shape_cast %swap3A_81 : vector<1x512x1xi32> to vector<512x1xi32>
    %swap3A_83 = vector.shape_cast %add3A_77 : vector<512x1xi32> to vector<1x512x1xi32>
    tpu.vector_store %arg4[%swap3A_78, %swap3A_79, %swap3A_80], %swap3A_83 {strides = array<i32>} : memref<1x512x16xi32, #tpu.memory_space<vmem>>, vector<1x512x1xi32>,
    %eq3A_84 = vector.broadcast %broadcast_in_dim3A_73 : vector<512x1xi32> to vector<512x4096xi32>
    %eq3A_85 = arith.cmpi eq, %iota3A, %eq3A_84 : vector<512x4096xi32>
    %jit3A_86 = arith.constant 0x7F800000 : f32
    %broadcast_in_dim3A_87 = vector.broadcast %jit3A_86 : f32 to vector<512x4096xf32>
    %select_n3A_88 = arith.select %eq3A_85, %broadcast_in_dim3A_87, %select_n3A_62 : vector<512x4096xi1>, vector<512x4096xf32>
    %reduce_min3A_89 = arith.constant dense<0x7F800000> : vector<512xf32>
    %reduce_min3A_90 = vector.multi_reduction <minimumf>, %select_n3A_88, %reduce_min3A_89 [1] : vector<512x4096xf32> to vector<512xf32>
    %broadcast_in_dim3A_91 = vector.shape_cast %reduce_min3A_90 : vector<512xf32> to vector<512x1xf32>
    %eq3A_92 = vector.broadcast %broadcast_in_dim3A_91 : vector<512x1xf32> to vector<512x4096xf32>
    %eq3A_93 = arith.cmpf oeq, %select_n3A_88, %eq3A_92 : vector<512x4096xf32>
    %jit3A_94 = arith.constant 4096 : i32
    %broadcast_in_dim3A_95 = vector.broadcast %jit3A_94 : i32 to vector<512x4096xi32>
    %select_n3A_96 = arith.select %eq3A_93, %iota3A, %broadcast_in_dim3A_95 : vector<512x4096xi1>, vector<512x4096xi32>
    %reduce_min3A_97 = arith.constant dense<2147483647> : vector<512xi32>
    %reduce_min3A_98 = vector.multi_reduction <minsi>, %select_n3A_96, %reduce_min3A_97 [1] : vector<512x4096xi32> to vector<512xi32>
    %broadcast_in_dim3A_99 = vector.shape_cast %reduce_min3A_98 : vector<512xi32> to vector<512x1xi32>
    %mul3A_100 = arith.constant 4096 : i32
    %mul3A_101 = arith.muli %arg0, %mul3A_100 : i32
    %add3A_102 = vector.broadcast %mul3A_101 : i32 to vector<512x1xi32>
    %add3A_103 = arith.addi %broadcast_in_dim3A_99, %add3A_102 : vector<512x1xi32>
    %swap3A_104 = arith.constant 0 : index
    %swap3A_105 = arith.constant 0 : index
    %swap3A_106 = arith.constant 2 : index
    %swap3A_107 = vector.load %arg4[%swap3A_104, %swap3A_105, %swap3A_106] : memref<1x512x16xi32, #tpu.memory_space<vmem>>, vector<1x512x1xi32>
    %swap3A_108 = vector.shape_cast %swap3A_107 : vector<1x512x1xi32> to vector<512x1xi32>
    %swap3A_109 = vector.shape_cast %add3A_103 : vector<512x1xi32> to vector<1x512x1xi32>
    tpu.vector_store %arg4[%swap3A_104, %swap3A_105, %swap3A_106], %swap3A_109 {strides = array<i32>} : memref<1x512x16xi32, #tpu.memory_space<vmem>>, vector<1x512x1xi32>,
    %eq3A_110 = vector.broadcast %broadcast_in_dim3A_99 : vector<512x1xi32> to vector<512x4096xi32>
    %eq3A_111 = arith.cmpi eq, %iota3A, %eq3A_110 : vector<512x4096xi32>
    %jit3A_112 = arith.constant 0x7F800000 : f32
    %broadcast_in_dim3A_113 = vector.broadcast %jit3A_112 : f32 to vector<512x4096xf32>
    %select_n3A_114 = arith.select %eq3A_111, %broadcast_in_dim3A_113, %select_n3A_88 : vector<512x4096xi1>, vector<512x4096xf32>
    %reduce_min3A_115 = arith.constant dense<0x7F800000> : vector<512xf32>
    %reduce_min3A_116 = vector.multi_reduction <minimumf>, %select_n3A_114, %reduce_min3A_115 [1] : vector<512x4096xf32> to vector<512xf32>
    %broadcast_in_dim3A_117 = vector.shape_cast %reduce_min3A_116 : vector<512xf32> to vector<512x1xf32>
    %eq3A_118 = vector.broadcast %broadcast_in_dim3A_117 : vector<512x1xf32> to vector<512x4096xf32>
    %eq3A_119 = arith.cmpf oeq, %select_n3A_114, %eq3A_118 : vector<512x4096xf32>
    %jit3A_120 = arith.constant 4096 : i32
    %broadcast_in_dim3A_121 = vector.broadcast %jit3A_120 : i32 to vector<512x4096xi32>
    %select_n3A_122 = arith.select %eq3A_119, %iota3A, %broadcast_in_dim3A_121 : vector<512x4096xi1>, vector<512x4096xi32>
    %reduce_min3A_123 = arith.constant dense<2147483647> : vector<512xi32>
    %reduce_min3A_124 = vector.multi_reduction <minsi>, %select_n3A_122, %reduce_min3A_123 [1] : vector<512x4096xi32> to vector<512xi32>
    %broadcast_in_dim3A_125 = vector.shape_cast %reduce_min3A_124 : vector<512xi32> to vector<512x1xi32>
    %mul3A_126 = arith.constant 4096 : i32
    %mul3A_127 = arith.muli %arg0, %mul3A_126 : i32
    %add3A_128 = vector.broadcast %mul3A_127 : i32 to vector<512x1xi32>
    %add3A_129 = arith.addi %broadcast_in_dim3A_125, %add3A_128 : vector<512x1xi32>
    %swap3A_130 = arith.constant 0 : index
    %swap3A_131 = arith.constant 0 : index
    %swap3A_132 = arith.constant 3 : index
    %swap3A_133 = vector.load %arg4[%swap3A_130, %swap3A_131, %swap3A_132] : memref<1x512x16xi32, #tpu.memory_space<vmem>>, vector<1x512x1xi32>
    %swap3A_134 = vector.shape_cast %swap3A_133 : vector<1x512x1xi32> to vector<512x1xi32>
    %swap3A_135 = vector.shape_cast %add3A_129 : vector<512x1xi32> to vector<1x512x1xi32>
    tpu.vector_store %arg4[%swap3A_130, %swap3A_131, %swap3A_132], %swap3A_135 {strides = array<i32>} : memref<1x512x16xi32, #tpu.memory_space<vmem>>, vector<1x512x1xi32>,
    %eq3A_136 = vector.broadcast %broadcast_in_dim3A_125 : vector<512x1xi32> to vector<512x4096xi32>
    %eq3A_137 = arith.cmpi eq, %iota3A, %eq3A_136 : vector<512x4096xi32>
    %jit3A_138 = arith.constant 0x7F800000 : f32
    %broadcast_in_dim3A_139 = vector.broadcast %jit3A_138 : f32 to vector<512x4096xf32>
    %select_n3A_140 = arith.select %eq3A_137, %broadcast_in_dim3A_139, %select_n3A_114 : vector<512x4096xi1>, vector<512x4096xf32>
    %reduce_min3A_141 = arith.constant dense<0x7F800000> : vector<512xf32>
    %reduce_min3A_142 = vector.multi_reduction <minimumf>, %select_n3A_140, %reduce_min3A_141 [1] : vector<512x4096xf32> to vector<512xf32>
    %broadcast_in_dim3A_143 = vector.shape_cast %reduce_min3A_142 : vector<512xf32> to vector<512x1xf32>
    %eq3A_144 = vector.broadcast %broadcast_in_dim3A_143 : vector<512x1xf32> to vector<512x4096xf32>
    %eq3A_145 = arith.cmpf oeq, %select_n3A_140, %eq3A_144 : vector<512x4096xf32>
    %jit3A_146 = arith.constant 4096 : i32
    %broadcast_in_dim3A_147 = vector.broadcast %jit3A_146 : i32 to vector<512x4096xi32>
    %select_n3A_148 = arith.select %eq3A_145, %iota3A, %broadcast_in_dim3A_147 : vector<512x4096xi1>, vector<512x4096xi32>
    %reduce_min3A_149 = arith.constant dense<2147483647> : vector<512xi32>
    %reduce_min3A_150 = vector.multi_reduction <minsi>, %select_n3A_148, %reduce_min3A_149 [1] : vector<512x4096xi32> to vector<512xi32>
    %broadcast_in_dim3A_151 = vector.shape_cast %reduce_min3A_150 : vector<512xi32> to vector<512x1xi32>
    %mul3A_152 = arith.constant 4096 : i32
    %mul3A_153 = arith.muli %arg0, %mul3A_152 : i32
    %add3A_154 = vector.broadcast %mul3A_153 : i32 to vector<512x1xi32>
    %add3A_155 = arith.addi %broadcast_in_dim3A_151, %add3A_154 : vector<512x1xi32>
    %swap3A_156 = arith.constant 0 : index
    %swap3A_157 = arith.constant 0 : index
    %swap3A_158 = arith.constant 4 : index
    %swap3A_159 = vector.load %arg4[%swap3A_156, %swap3A_157, %swap3A_158] : memref<1x512x16xi32, #tpu.memory_space<vmem>>, vector<1x512x1xi32>
    %swap3A_160 = vector.shape_cast %swap3A_159 : vector<1x512x1xi32> to vector<512x1xi32>
    %swap3A_161 = vector.shape_cast %add3A_155 : vector<512x1xi32> to vector<1x512x1xi32>
    tpu.vector_store %arg4[%swap3A_156, %swap3A_157, %swap3A_158], %swap3A_161 {strides = array<i32>} : memref<1x512x16xi32, #tpu.memory_space<vmem>>, vector<1x512x1xi32>,
    return
  }
  func.func @transform_0(%arg0: i32, %arg1: i32) -> (i32, i32, i32) {
    %c0_i32 = arith.constant 0 : i32
    %c0_i32_0 = arith.constant 0 : i32
    return %arg0, %arg1, %c0_i32 : i32, i32, i32
  }
  func.func @transform_1(%arg0: i32, %arg1: i32) -> (i32, i32, i32) {
    %c0_i32 = arith.constant 0 : i32
    %c0_i32_0 = arith.constant 0 : i32
    %c0_i32_1 = arith.constant 0 : i32
    return %arg0, %c0_i32, %c0_i32_0 : i32, i32, i32
  }
  func.func @transform_2(%arg0: i32, %arg1: i32) -> (i32, i32, i32) {
    %c0_i32 = arith.constant 0 : i32
    %c0_i32_0 = arith.constant 0 : i32
    return %arg0, %arg1, %c0_i32 : i32, i32, i32
  }
}

module attributes {stable_mosaic.version = 14 : i64} {
  func.func @_gravity_body(%arg0: i32, %arg1: memref<1x3x4096xf32, #tpu.memory_space<vmem>>, %arg2: memref<1x3x4096xf32, #tpu.memory_space<vmem>>) attributes {dimension_semantics = [#tpu.dimension_semantics<arbitrary>], iteration_bounds = array<i64: 4>, scalar_prefetch = 0 : i64, scratch_operands = 0 : i64, tpu.core_type = #tpu.core_type<tc>, window_params = [{transform_indices = @transform_0, window_bounds = array<i64: 1, 3, 4096>}, {transform_indices = @transform_1, window_bounds = array<i64: 1, 3, 4096>}]} {
    %get3A = arith.constant 0 : index
    %get3A_0 = arith.constant 0 : index
    %get3A_1 = arith.constant 0 : index
    %get3A_2 = vector.load %arg1[%get3A, %get3A_0, %get3A_1] : memref<1x3x4096xf32, #tpu.memory_space<vmem>>, vector<1x3x4096xf32>
    %get3A_3 = vector.shape_cast %get3A_2 : vector<1x3x4096xf32> to vector<3x4096xf32>
    %reduce_sum3A = arith.constant dense<0.000000e+00> : vector<3xf32>
    %reduce_sum3A_4 = vector.multi_reduction <add>, %get3A_3, %reduce_sum3A [1] : vector<3x4096xf32> to vector<3xf32>
    %broadcast_in_dim3A = vector.shape_cast %reduce_sum3A_4 : vector<3xf32> to vector<3x1xf32>
    %div3A = arith.constant 4.096000e+03 : f32
    %div3A_5 = vector.broadcast %div3A : f32 to vector<3x1xf32>
    %div3A_6 = arith.divf %broadcast_in_dim3A, %div3A_5 : vector<3x1xf32>
    %sub3A = vector.broadcast %div3A_6 : vector<3x1xf32> to vector<3x4096xf32>
    %sub3A_7 = arith.subf %sub3A, %get3A_3 : vector<3x4096xf32>
    %slice3A = vector.extract_strided_slice %sub3A_7 {offsets = [0, 0], sizes = [1, 4096], strides = [1, 1]} : vector<3x4096xf32> to vector<1x4096xf32>
    %slice3A_8 = vector.extract_strided_slice %sub3A_7 {offsets = [1, 0], sizes = [1, 4096], strides = [1, 1]} : vector<3x4096xf32> to vector<1x4096xf32>
    %slice3A_9 = vector.extract_strided_slice %sub3A_7 {offsets = [2, 0], sizes = [1, 4096], strides = [1, 1]} : vector<3x4096xf32> to vector<1x4096xf32>
    %mul3A = arith.mulf %slice3A, %slice3A : vector<1x4096xf32>
    %mul3A_10 = arith.mulf %slice3A_8, %slice3A_8 : vector<1x4096xf32>
    %add3A = arith.addf %mul3A, %mul3A_10 : vector<1x4096xf32>
    %mul3A_11 = arith.mulf %slice3A_9, %slice3A_9 : vector<1x4096xf32>
    %add3A_12 = arith.addf %add3A, %mul3A_11 : vector<1x4096xf32>
    %max3A = arith.constant 1.000000e-24 : f32
    %max3A_13 = vector.broadcast %max3A : f32 to vector<1x4096xf32>
    %max3A_14 = arith.maximumf %add3A_12, %max3A_13 : vector<1x4096xf32>
    %sqrt3A = math.sqrt %max3A_14 : vector<1x4096xf32>
    %div3A_15 = vector.broadcast %sqrt3A : vector<1x4096xf32> to vector<3x4096xf32>
    %div3A_16 = arith.divf %sub3A_7, %div3A_15 : vector<3x4096xf32>
    %sub3A_17 = arith.constant 1.000000e+00 : f32
    %sub3A_18 = vector.broadcast %sub3A_17 : f32 to vector<1x4096xf32>
    %sub3A_19 = arith.subf %sqrt3A, %sub3A_18 : vector<1x4096xf32>
    %mul3A_20 = arith.constant 5.000000e-01 : f32
    %mul3A_21 = vector.broadcast %mul3A_20 : f32 to vector<1x4096xf32>
    %mul3A_22 = arith.mulf %mul3A_21, %sub3A_19 : vector<1x4096xf32>
    %mul3A_23 = vector.broadcast %mul3A_22 : vector<1x4096xf32> to vector<3x4096xf32>
    %mul3A_24 = arith.mulf %mul3A_23, %div3A_16 : vector<3x4096xf32>
    %add3A_25 = arith.addf %get3A_3, %mul3A_24 : vector<3x4096xf32>
    %reduce_sum3A_26 = arith.constant dense<0.000000e+00> : vector<3xf32>
    %reduce_sum3A_27 = vector.multi_reduction <add>, %add3A_25, %reduce_sum3A_26 [1] : vector<3x4096xf32> to vector<3xf32>
    %broadcast_in_dim3A_28 = vector.shape_cast %reduce_sum3A_27 : vector<3xf32> to vector<3x1xf32>
    %div3A_29 = arith.constant 4.096000e+03 : f32
    %div3A_30 = vector.broadcast %div3A_29 : f32 to vector<3x1xf32>
    %div3A_31 = arith.divf %broadcast_in_dim3A_28, %div3A_30 : vector<3x1xf32>
    %sub3A_32 = vector.broadcast %div3A_31 : vector<3x1xf32> to vector<3x4096xf32>
    %sub3A_33 = arith.subf %sub3A_32, %add3A_25 : vector<3x4096xf32>
    %slice3A_34 = vector.extract_strided_slice %sub3A_33 {offsets = [0, 0], sizes = [1, 4096], strides = [1, 1]} : vector<3x4096xf32> to vector<1x4096xf32>
    %slice3A_35 = vector.extract_strided_slice %sub3A_33 {offsets = [1, 0], sizes = [1, 4096], strides = [1, 1]} : vector<3x4096xf32> to vector<1x4096xf32>
    %slice3A_36 = vector.extract_strided_slice %sub3A_33 {offsets = [2, 0], sizes = [1, 4096], strides = [1, 1]} : vector<3x4096xf32> to vector<1x4096xf32>
    %mul3A_37 = arith.mulf %slice3A_34, %slice3A_34 : vector<1x4096xf32>
    %mul3A_38 = arith.mulf %slice3A_35, %slice3A_35 : vector<1x4096xf32>
    %add3A_39 = arith.addf %mul3A_37, %mul3A_38 : vector<1x4096xf32>
    %mul3A_40 = arith.mulf %slice3A_36, %slice3A_36 : vector<1x4096xf32>
    %add3A_41 = arith.addf %add3A_39, %mul3A_40 : vector<1x4096xf32>
    %max3A_42 = arith.constant 1.000000e-24 : f32
    %max3A_43 = vector.broadcast %max3A_42 : f32 to vector<1x4096xf32>
    %max3A_44 = arith.maximumf %add3A_41, %max3A_43 : vector<1x4096xf32>
    %sqrt3A_45 = math.sqrt %max3A_44 : vector<1x4096xf32>
    %div3A_46 = vector.broadcast %sqrt3A_45 : vector<1x4096xf32> to vector<3x4096xf32>
    %div3A_47 = arith.divf %sub3A_33, %div3A_46 : vector<3x4096xf32>
    %sub3A_48 = arith.constant 1.000000e+00 : f32
    %sub3A_49 = vector.broadcast %sub3A_48 : f32 to vector<1x4096xf32>
    %sub3A_50 = arith.subf %sqrt3A_45, %sub3A_49 : vector<1x4096xf32>
    %mul3A_51 = arith.constant 5.000000e-01 : f32
    %mul3A_52 = vector.broadcast %mul3A_51 : f32 to vector<1x4096xf32>
    %mul3A_53 = arith.mulf %mul3A_52, %sub3A_50 : vector<1x4096xf32>
    %mul3A_54 = vector.broadcast %mul3A_53 : vector<1x4096xf32> to vector<3x4096xf32>
    %mul3A_55 = arith.mulf %mul3A_54, %div3A_47 : vector<3x4096xf32>
    %add3A_56 = arith.addf %add3A_25, %mul3A_55 : vector<3x4096xf32>
    %reduce_sum3A_57 = arith.constant dense<0.000000e+00> : vector<3xf32>
    %reduce_sum3A_58 = vector.multi_reduction <add>, %add3A_56, %reduce_sum3A_57 [1] : vector<3x4096xf32> to vector<3xf32>
    %broadcast_in_dim3A_59 = vector.shape_cast %reduce_sum3A_58 : vector<3xf32> to vector<3x1xf32>
    %div3A_60 = arith.constant 4.096000e+03 : f32
    %div3A_61 = vector.broadcast %div3A_60 : f32 to vector<3x1xf32>
    %div3A_62 = arith.divf %broadcast_in_dim3A_59, %div3A_61 : vector<3x1xf32>
    %sub3A_63 = vector.broadcast %div3A_62 : vector<3x1xf32> to vector<3x4096xf32>
    %sub3A_64 = arith.subf %sub3A_63, %add3A_56 : vector<3x4096xf32>
    %slice3A_65 = vector.extract_strided_slice %sub3A_64 {offsets = [0, 0], sizes = [1, 4096], strides = [1, 1]} : vector<3x4096xf32> to vector<1x4096xf32>
    %slice3A_66 = vector.extract_strided_slice %sub3A_64 {offsets = [1, 0], sizes = [1, 4096], strides = [1, 1]} : vector<3x4096xf32> to vector<1x4096xf32>
    %slice3A_67 = vector.extract_strided_slice %sub3A_64 {offsets = [2, 0], sizes = [1, 4096], strides = [1, 1]} : vector<3x4096xf32> to vector<1x4096xf32>
    %mul3A_68 = arith.mulf %slice3A_65, %slice3A_65 : vector<1x4096xf32>
    %mul3A_69 = arith.mulf %slice3A_66, %slice3A_66 : vector<1x4096xf32>
    %add3A_70 = arith.addf %mul3A_68, %mul3A_69 : vector<1x4096xf32>
    %mul3A_71 = arith.mulf %slice3A_67, %slice3A_67 : vector<1x4096xf32>
    %add3A_72 = arith.addf %add3A_70, %mul3A_71 : vector<1x4096xf32>
    %max3A_73 = arith.constant 1.000000e-24 : f32
    %max3A_74 = vector.broadcast %max3A_73 : f32 to vector<1x4096xf32>
    %max3A_75 = arith.maximumf %add3A_72, %max3A_74 : vector<1x4096xf32>
    %sqrt3A_76 = math.sqrt %max3A_75 : vector<1x4096xf32>
    %div3A_77 = vector.broadcast %sqrt3A_76 : vector<1x4096xf32> to vector<3x4096xf32>
    %div3A_78 = arith.divf %sub3A_64, %div3A_77 : vector<3x4096xf32>
    %sub3A_79 = arith.constant 1.000000e+00 : f32
    %sub3A_80 = vector.broadcast %sub3A_79 : f32 to vector<1x4096xf32>
    %sub3A_81 = arith.subf %sqrt3A_76, %sub3A_80 : vector<1x4096xf32>
    %mul3A_82 = arith.constant 5.000000e-01 : f32
    %mul3A_83 = vector.broadcast %mul3A_82 : f32 to vector<1x4096xf32>
    %mul3A_84 = arith.mulf %mul3A_83, %sub3A_81 : vector<1x4096xf32>
    %mul3A_85 = vector.broadcast %mul3A_84 : vector<1x4096xf32> to vector<3x4096xf32>
    %mul3A_86 = arith.mulf %mul3A_85, %div3A_78 : vector<3x4096xf32>
    %add3A_87 = arith.addf %add3A_56, %mul3A_86 : vector<3x4096xf32>
    %swap3A = arith.constant 0 : index
    %swap3A_88 = arith.constant 0 : index
    %swap3A_89 = arith.constant 0 : index
    %swap3A_90 = vector.load %arg2[%swap3A, %swap3A_88, %swap3A_89] : memref<1x3x4096xf32, #tpu.memory_space<vmem>>, vector<1x3x4096xf32>
    %swap3A_91 = vector.shape_cast %swap3A_90 : vector<1x3x4096xf32> to vector<3x4096xf32>
    %swap3A_92 = vector.shape_cast %add3A_87 : vector<3x4096xf32> to vector<1x3x4096xf32>
    tpu.vector_store %arg2[%swap3A, %swap3A_88, %swap3A_89], %swap3A_92 {strides = array<i32>} : memref<1x3x4096xf32, #tpu.memory_space<vmem>>, vector<1x3x4096xf32>,
    return
  }
  func.func @transform_0(%arg0: i32) -> (i32, i32, i32) {
    %c0_i32 = arith.constant 0 : i32
    %c0_i32_0 = arith.constant 0 : i32
    %c0_i32_1 = arith.constant 0 : i32
    return %arg0, %c0_i32, %c0_i32_0 : i32, i32, i32
  }
  func.func @transform_1(%arg0: i32) -> (i32, i32, i32) {
    %c0_i32 = arith.constant 0 : i32
    %c0_i32_0 = arith.constant 0 : i32
    %c0_i32_1 = arith.constant 0 : i32
    return %arg0, %c0_i32, %c0_i32_0 : i32, i32, i32
  }
}

module attributes {stable_mosaic.version = 14 : i64} {
  func.func @_dens_body(%arg0: i32, %arg1: i32, %arg2: memref<1x256x16xf32, #tpu.memory_space<vmem>>, %arg3: memref<1x256x16xf32, #tpu.memory_space<vmem>>, %arg4: memref<1x256x16xf32, #tpu.memory_space<vmem>>, %arg5: memref<1x256x16xf32, #tpu.memory_space<vmem>>, %arg6: memref<1x256x16xf32, #tpu.memory_space<vmem>>, %arg7: memref<1x256x8xf32, #tpu.memory_space<vmem>>) attributes {dimension_semantics = [#tpu.dimension_semantics<parallel>, #tpu.dimension_semantics<arbitrary>], iteration_bounds = array<i64: 4, 16>, scalar_prefetch = 0 : i64, scratch_operands = 0 : i64, tpu.core_type = #tpu.core_type<tc>, window_params = [{transform_indices = @transform_0, window_bounds = array<i64: 1, 256, 16>}, {transform_indices = @transform_1, window_bounds = array<i64: 1, 256, 16>}, {transform_indices = @transform_2, window_bounds = array<i64: 1, 256, 16>}, {transform_indices = @transform_3, window_bounds = array<i64: 1, 256, 16>}, {transform_indices = @transform_4, window_bounds = array<i64: 1, 256, 16>}, {transform_indices = @transform_5, window_bounds = array<i64: 1, 256, 8>}]} {
    %get3A = arith.constant 0 : index
    %get3A_0 = arith.constant 0 : index
    %get3A_1 = arith.constant 0 : index
    %get3A_2 = vector.load %arg2[%get3A, %get3A_0, %get3A_1] : memref<1x256x16xf32, #tpu.memory_space<vmem>>, vector<1x256x16xf32>
    %get3A_3 = vector.shape_cast %get3A_2 : vector<1x256x16xf32> to vector<256x16xf32>
    %slice3A = vector.extract_strided_slice %get3A_3 {offsets = [0, 0], sizes = [256, 1], strides = [1, 1]} : vector<256x16xf32> to vector<256x1xf32>
    %slice3A_4 = vector.extract_strided_slice %get3A_3 {offsets = [0, 1], sizes = [256, 1], strides = [1, 1]} : vector<256x16xf32> to vector<256x1xf32>
    %slice3A_5 = vector.extract_strided_slice %get3A_3 {offsets = [0, 2], sizes = [256, 1], strides = [1, 1]} : vector<256x16xf32> to vector<256x1xf32>
    %get3A_6 = arith.constant 0 : index
    %get3A_7 = arith.constant 0 : index
    %get3A_8 = arith.constant 0 : index
    %get3A_9 = vector.load %arg3[%get3A_6, %get3A_7, %get3A_8] : memref<1x256x16xf32, #tpu.memory_space<vmem>>, vector<1x256x16xf32>
    %get3A_10 = vector.shape_cast %get3A_9 : vector<1x256x16xf32> to vector<256x16xf32>
    %slice3A_11 = vector.extract_strided_slice %get3A_10 {offsets = [0, 0], sizes = [256, 1], strides = [1, 1]} : vector<256x16xf32> to vector<256x1xf32>
    %slice3A_12 = vector.extract_strided_slice %get3A_10 {offsets = [0, 1], sizes = [256, 1], strides = [1, 1]} : vector<256x16xf32> to vector<256x1xf32>
    %slice3A_13 = vector.extract_strided_slice %get3A_10 {offsets = [0, 2], sizes = [256, 1], strides = [1, 1]} : vector<256x16xf32> to vector<256x1xf32>
    %get3A_14 = arith.constant 0 : index
    %get3A_15 = arith.constant 0 : index
    %get3A_16 = arith.constant 0 : index
    %get3A_17 = vector.load %arg4[%get3A_14, %get3A_15, %get3A_16] : memref<1x256x16xf32, #tpu.memory_space<vmem>>, vector<1x256x16xf32>
    %get3A_18 = vector.shape_cast %get3A_17 : vector<1x256x16xf32> to vector<256x16xf32>
    %slice3A_19 = vector.extract_strided_slice %get3A_18 {offsets = [0, 0], sizes = [256, 1], strides = [1, 1]} : vector<256x16xf32> to vector<256x1xf32>
    %slice3A_20 = vector.extract_strided_slice %get3A_18 {offsets = [0, 1], sizes = [256, 1], strides = [1, 1]} : vector<256x16xf32> to vector<256x1xf32>
    %slice3A_21 = vector.extract_strided_slice %get3A_18 {offsets = [0, 2], sizes = [256, 1], strides = [1, 1]} : vector<256x16xf32> to vector<256x1xf32>
    %get3A_22 = arith.constant 0 : index
    %get3A_23 = arith.constant 0 : index
    %get3A_24 = arith.constant 0 : index
    %get3A_25 = vector.load %arg5[%get3A_22, %get3A_23, %get3A_24] : memref<1x256x16xf32, #tpu.memory_space<vmem>>, vector<1x256x16xf32>
    %get3A_26 = vector.shape_cast %get3A_25 : vector<1x256x16xf32> to vector<256x16xf32>
    %slice3A_27 = vector.extract_strided_slice %get3A_26 {offsets = [0, 0], sizes = [256, 1], strides = [1, 1]} : vector<256x16xf32> to vector<256x1xf32>
    %slice3A_28 = vector.extract_strided_slice %get3A_26 {offsets = [0, 1], sizes = [256, 1], strides = [1, 1]} : vector<256x16xf32> to vector<256x1xf32>
    %slice3A_29 = vector.extract_strided_slice %get3A_26 {offsets = [0, 2], sizes = [256, 1], strides = [1, 1]} : vector<256x16xf32> to vector<256x1xf32>
    %get3A_30 = arith.constant 0 : index
    %get3A_31 = arith.constant 0 : index
    %get3A_32 = arith.constant 0 : index
    %get3A_33 = vector.load %arg6[%get3A_30, %get3A_31, %get3A_32] : memref<1x256x16xf32, #tpu.memory_space<vmem>>, vector<1x256x16xf32>
    %get3A_34 = vector.shape_cast %get3A_33 : vector<1x256x16xf32> to vector<256x16xf32>
    %slice3A_35 = vector.extract_strided_slice %get3A_34 {offsets = [0, 0], sizes = [256, 1], strides = [1, 1]} : vector<256x16xf32> to vector<256x1xf32>
    %slice3A_36 = vector.extract_strided_slice %get3A_34 {offsets = [0, 1], sizes = [256, 1], strides = [1, 1]} : vector<256x16xf32> to vector<256x1xf32>
    %slice3A_37 = vector.extract_strided_slice %get3A_34 {offsets = [0, 2], sizes = [256, 1], strides = [1, 1]} : vector<256x16xf32> to vector<256x1xf32>
    %sub3A = arith.subf %slice3A, %slice3A : vector<256x1xf32>
    %sub3A_38 = arith.subf %slice3A_4, %slice3A_4 : vector<256x1xf32>
    %sub3A_39 = arith.subf %slice3A_5, %slice3A_5 : vector<256x1xf32>
    %mul3A = arith.mulf %sub3A, %sub3A : vector<256x1xf32>
    %mul3A_40 = arith.mulf %sub3A_38, %sub3A_38 : vector<256x1xf32>
    %add3A = arith.addf %mul3A, %mul3A_40 : vector<256x1xf32>
    %mul3A_41 = arith.mulf %sub3A_39, %sub3A_39 : vector<256x1xf32>
    %add3A_42 = arith.addf %add3A, %mul3A_41 : vector<256x1xf32>
    %max3A = arith.constant 1.000000e-24 : f32
    %max3A_43 = vector.broadcast %max3A : f32 to vector<256x1xf32>
    %max3A_44 = arith.maximumf %add3A_42, %max3A_43 : vector<256x1xf32>
    %sqrt3A = math.sqrt %max3A_44 : vector<256x1xf32>
    %sub3A_45 = arith.subf %slice3A, %slice3A_11 : vector<256x1xf32>
    %sub3A_46 = arith.subf %slice3A_4, %slice3A_12 : vector<256x1xf32>
    %sub3A_47 = arith.subf %slice3A_5, %slice3A_13 : vector<256x1xf32>
    %mul3A_48 = arith.mulf %sub3A_45, %sub3A_45 : vector<256x1xf32>
    %mul3A_49 = arith.mulf %sub3A_46, %sub3A_46 : vector<256x1xf32>
    %add3A_50 = arith.addf %mul3A_48, %mul3A_49 : vector<256x1xf32>
    %mul3A_51 = arith.mulf %sub3A_47, %sub3A_47 : vector<256x1xf32>
    %add3A_52 = arith.addf %add3A_50, %mul3A_51 : vector<256x1xf32>
    %max3A_53 = arith.constant 1.000000e-24 : f32
    %max3A_54 = vector.broadcast %max3A_53 : f32 to vector<256x1xf32>
    %max3A_55 = arith.maximumf %add3A_52, %max3A_54 : vector<256x1xf32>
    %sqrt3A_56 = math.sqrt %max3A_55 : vector<256x1xf32>
    %add3A_57 = arith.addf %sqrt3A, %sqrt3A_56 : vector<256x1xf32>
    %sub3A_58 = arith.subf %slice3A, %slice3A_19 : vector<256x1xf32>
    %sub3A_59 = arith.subf %slice3A_4, %slice3A_20 : vector<256x1xf32>
    %sub3A_60 = arith.subf %slice3A_5, %slice3A_21 : vector<256x1xf32>
    %mul3A_61 = arith.mulf %sub3A_58, %sub3A_58 : vector<256x1xf32>
    %mul3A_62 = arith.mulf %sub3A_59, %sub3A_59 : vector<256x1xf32>
    %add3A_63 = arith.addf %mul3A_61, %mul3A_62 : vector<256x1xf32>
    %mul3A_64 = arith.mulf %sub3A_60, %sub3A_60 : vector<256x1xf32>
    %add3A_65 = arith.addf %add3A_63, %mul3A_64 : vector<256x1xf32>
    %max3A_66 = arith.constant 1.000000e-24 : f32
    %max3A_67 = vector.broadcast %max3A_66 : f32 to vector<256x1xf32>
    %max3A_68 = arith.maximumf %add3A_65, %max3A_67 : vector<256x1xf32>
    %sqrt3A_69 = math.sqrt %max3A_68 : vector<256x1xf32>
    %add3A_70 = arith.addf %add3A_57, %sqrt3A_69 : vector<256x1xf32>
    %sub3A_71 = arith.subf %slice3A, %slice3A_27 : vector<256x1xf32>
    %sub3A_72 = arith.subf %slice3A_4, %slice3A_28 : vector<256x1xf32>
    %sub3A_73 = arith.subf %slice3A_5, %slice3A_29 : vector<256x1xf32>
    %mul3A_74 = arith.mulf %sub3A_71, %sub3A_71 : vector<256x1xf32>
    %mul3A_75 = arith.mulf %sub3A_72, %sub3A_72 : vector<256x1xf32>
    %add3A_76 = arith.addf %mul3A_74, %mul3A_75 : vector<256x1xf32>
    %mul3A_77 = arith.mulf %sub3A_73, %sub3A_73 : vector<256x1xf32>
    %add3A_78 = arith.addf %add3A_76, %mul3A_77 : vector<256x1xf32>
    %max3A_79 = arith.constant 1.000000e-24 : f32
    %max3A_80 = vector.broadcast %max3A_79 : f32 to vector<256x1xf32>
    %max3A_81 = arith.maximumf %add3A_78, %max3A_80 : vector<256x1xf32>
    %sqrt3A_82 = math.sqrt %max3A_81 : vector<256x1xf32>
    %add3A_83 = arith.addf %add3A_70, %sqrt3A_82 : vector<256x1xf32>
    %sub3A_84 = arith.subf %slice3A, %slice3A_35 : vector<256x1xf32>
    %sub3A_85 = arith.subf %slice3A_4, %slice3A_36 : vector<256x1xf32>
    %sub3A_86 = arith.subf %slice3A_5, %slice3A_37 : vector<256x1xf32>
    %mul3A_87 = arith.mulf %sub3A_84, %sub3A_84 : vector<256x1xf32>
    %mul3A_88 = arith.mulf %sub3A_85, %sub3A_85 : vector<256x1xf32>
    %add3A_89 = arith.addf %mul3A_87, %mul3A_88 : vector<256x1xf32>
    %mul3A_90 = arith.mulf %sub3A_86, %sub3A_86 : vector<256x1xf32>
    %add3A_91 = arith.addf %add3A_89, %mul3A_90 : vector<256x1xf32>
    %max3A_92 = arith.constant 1.000000e-24 : f32
    %max3A_93 = vector.broadcast %max3A_92 : f32 to vector<256x1xf32>
    %max3A_94 = arith.maximumf %add3A_91, %max3A_93 : vector<256x1xf32>
    %sqrt3A_95 = math.sqrt %max3A_94 : vector<256x1xf32>
    %add3A_96 = arith.addf %add3A_83, %sqrt3A_95 : vector<256x1xf32>
    %sub3A_97 = arith.subf %slice3A_11, %slice3A : vector<256x1xf32>
    %sub3A_98 = arith.subf %slice3A_12, %slice3A_4 : vector<256x1xf32>
    %sub3A_99 = arith.subf %slice3A_13, %slice3A_5 : vector<256x1xf32>
    %mul3A_100 = arith.mulf %sub3A_97, %sub3A_97 : vector<256x1xf32>
    %mul3A_101 = arith.mulf %sub3A_98, %sub3A_98 : vector<256x1xf32>
    %add3A_102 = arith.addf %mul3A_100, %mul3A_101 : vector<256x1xf32>
    %mul3A_103 = arith.mulf %sub3A_99, %sub3A_99 : vector<256x1xf32>
    %add3A_104 = arith.addf %add3A_102, %mul3A_103 : vector<256x1xf32>
    %max3A_105 = arith.constant 1.000000e-24 : f32
    %max3A_106 = vector.broadcast %max3A_105 : f32 to vector<256x1xf32>
    %max3A_107 = arith.maximumf %add3A_104, %max3A_106 : vector<256x1xf32>
    %sqrt3A_108 = math.sqrt %max3A_107 : vector<256x1xf32>
    %add3A_109 = arith.addf %add3A_96, %sqrt3A_108 : vector<256x1xf32>
    %sub3A_110 = arith.subf %slice3A_11, %slice3A_11 : vector<256x1xf32>
    %sub3A_111 = arith.subf %slice3A_12, %slice3A_12 : vector<256x1xf32>
    %sub3A_112 = arith.subf %slice3A_13, %slice3A_13 : vector<256x1xf32>
    %mul3A_113 = arith.mulf %sub3A_110, %sub3A_110 : vector<256x1xf32>
    %mul3A_114 = arith.mulf %sub3A_111, %sub3A_111 : vector<256x1xf32>
    %add3A_115 = arith.addf %mul3A_113, %mul3A_114 : vector<256x1xf32>
    %mul3A_116 = arith.mulf %sub3A_112, %sub3A_112 : vector<256x1xf32>
    %add3A_117 = arith.addf %add3A_115, %mul3A_116 : vector<256x1xf32>
    %max3A_118 = arith.constant 1.000000e-24 : f32
    %max3A_119 = vector.broadcast %max3A_118 : f32 to vector<256x1xf32>
    %max3A_120 = arith.maximumf %add3A_117, %max3A_119 : vector<256x1xf32>
    %sqrt3A_121 = math.sqrt %max3A_120 : vector<256x1xf32>
    %add3A_122 = arith.addf %add3A_109, %sqrt3A_121 : vector<256x1xf32>
    %sub3A_123 = arith.subf %slice3A_11, %slice3A_19 : vector<256x1xf32>
    %sub3A_124 = arith.subf %slice3A_12, %slice3A_20 : vector<256x1xf32>
    %sub3A_125 = arith.subf %slice3A_13, %slice3A_21 : vector<256x1xf32>
    %mul3A_126 = arith.mulf %sub3A_123, %sub3A_123 : vector<256x1xf32>
    %mul3A_127 = arith.mulf %sub3A_124, %sub3A_124 : vector<256x1xf32>
    %add3A_128 = arith.addf %mul3A_126, %mul3A_127 : vector<256x1xf32>
    %mul3A_129 = arith.mulf %sub3A_125, %sub3A_125 : vector<256x1xf32>
    %add3A_130 = arith.addf %add3A_128, %mul3A_129 : vector<256x1xf32>
    %max3A_131 = arith.constant 1.000000e-24 : f32
    %max3A_132 = vector.broadcast %max3A_131 : f32 to vector<256x1xf32>
    %max3A_133 = arith.maximumf %add3A_130, %max3A_132 : vector<256x1xf32>
    %sqrt3A_134 = math.sqrt %max3A_133 : vector<256x1xf32>
    %add3A_135 = arith.addf %add3A_122, %sqrt3A_134 : vector<256x1xf32>
    %sub3A_136 = arith.subf %slice3A_11, %slice3A_27 : vector<256x1xf32>
    %sub3A_137 = arith.subf %slice3A_12, %slice3A_28 : vector<256x1xf32>
    %sub3A_138 = arith.subf %slice3A_13, %slice3A_29 : vector<256x1xf32>
    %mul3A_139 = arith.mulf %sub3A_136, %sub3A_136 : vector<256x1xf32>
    %mul3A_140 = arith.mulf %sub3A_137, %sub3A_137 : vector<256x1xf32>
    %add3A_141 = arith.addf %mul3A_139, %mul3A_140 : vector<256x1xf32>
    %mul3A_142 = arith.mulf %sub3A_138, %sub3A_138 : vector<256x1xf32>
    %add3A_143 = arith.addf %add3A_141, %mul3A_142 : vector<256x1xf32>
    %max3A_144 = arith.constant 1.000000e-24 : f32
    %max3A_145 = vector.broadcast %max3A_144 : f32 to vector<256x1xf32>
    %max3A_146 = arith.maximumf %add3A_143, %max3A_145 : vector<256x1xf32>
    %sqrt3A_147 = math.sqrt %max3A_146 : vector<256x1xf32>
    %add3A_148 = arith.addf %add3A_135, %sqrt3A_147 : vector<256x1xf32>
    %sub3A_149 = arith.subf %slice3A_11, %slice3A_35 : vector<256x1xf32>
    %sub3A_150 = arith.subf %slice3A_12, %slice3A_36 : vector<256x1xf32>
    %sub3A_151 = arith.subf %slice3A_13, %slice3A_37 : vector<256x1xf32>
    %mul3A_152 = arith.mulf %sub3A_149, %sub3A_149 : vector<256x1xf32>
    %mul3A_153 = arith.mulf %sub3A_150, %sub3A_150 : vector<256x1xf32>
    %add3A_154 = arith.addf %mul3A_152, %mul3A_153 : vector<256x1xf32>
    %mul3A_155 = arith.mulf %sub3A_151, %sub3A_151 : vector<256x1xf32>
    %add3A_156 = arith.addf %add3A_154, %mul3A_155 : vector<256x1xf32>
    %max3A_157 = arith.constant 1.000000e-24 : f32
    %max3A_158 = vector.broadcast %max3A_157 : f32 to vector<256x1xf32>
    %max3A_159 = arith.maximumf %add3A_156, %max3A_158 : vector<256x1xf32>
    %sqrt3A_160 = math.sqrt %max3A_159 : vector<256x1xf32>
    %add3A_161 = arith.addf %add3A_148, %sqrt3A_160 : vector<256x1xf32>
    %sub3A_162 = arith.subf %slice3A_19, %slice3A : vector<256x1xf32>
    %sub3A_163 = arith.subf %slice3A_20, %slice3A_4 : vector<256x1xf32>
    %sub3A_164 = arith.subf %slice3A_21, %slice3A_5 : vector<256x1xf32>
    %mul3A_165 = arith.mulf %sub3A_162, %sub3A_162 : vector<256x1xf32>
    %mul3A_166 = arith.mulf %sub3A_163, %sub3A_163 : vector<256x1xf32>
    %add3A_167 = arith.addf %mul3A_165, %mul3A_166 : vector<256x1xf32>
    %mul3A_168 = arith.mulf %sub3A_164, %sub3A_164 : vector<256x1xf32>
    %add3A_169 = arith.addf %add3A_167, %mul3A_168 : vector<256x1xf32>
    %max3A_170 = arith.constant 1.000000e-24 : f32
    %max3A_171 = vector.broadcast %max3A_170 : f32 to vector<256x1xf32>
    %max3A_172 = arith.maximumf %add3A_169, %max3A_171 : vector<256x1xf32>
    %sqrt3A_173 = math.sqrt %max3A_172 : vector<256x1xf32>
    %add3A_174 = arith.addf %add3A_161, %sqrt3A_173 : vector<256x1xf32>
    %sub3A_175 = arith.subf %slice3A_19, %slice3A_11 : vector<256x1xf32>
    %sub3A_176 = arith.subf %slice3A_20, %slice3A_12 : vector<256x1xf32>
    %sub3A_177 = arith.subf %slice3A_21, %slice3A_13 : vector<256x1xf32>
    %mul3A_178 = arith.mulf %sub3A_175, %sub3A_175 : vector<256x1xf32>
    %mul3A_179 = arith.mulf %sub3A_176, %sub3A_176 : vector<256x1xf32>
    %add3A_180 = arith.addf %mul3A_178, %mul3A_179 : vector<256x1xf32>
    %mul3A_181 = arith.mulf %sub3A_177, %sub3A_177 : vector<256x1xf32>
    %add3A_182 = arith.addf %add3A_180, %mul3A_181 : vector<256x1xf32>
    %max3A_183 = arith.constant 1.000000e-24 : f32
    %max3A_184 = vector.broadcast %max3A_183 : f32 to vector<256x1xf32>
    %max3A_185 = arith.maximumf %add3A_182, %max3A_184 : vector<256x1xf32>
    %sqrt3A_186 = math.sqrt %max3A_185 : vector<256x1xf32>
    %add3A_187 = arith.addf %add3A_174, %sqrt3A_186 : vector<256x1xf32>
    %sub3A_188 = arith.subf %slice3A_19, %slice3A_19 : vector<256x1xf32>
    %sub3A_189 = arith.subf %slice3A_20, %slice3A_20 : vector<256x1xf32>
    %sub3A_190 = arith.subf %slice3A_21, %slice3A_21 : vector<256x1xf32>
    %mul3A_191 = arith.mulf %sub3A_188, %sub3A_188 : vector<256x1xf32>
    %mul3A_192 = arith.mulf %sub3A_189, %sub3A_189 : vector<256x1xf32>
    %add3A_193 = arith.addf %mul3A_191, %mul3A_192 : vector<256x1xf32>
    %mul3A_194 = arith.mulf %sub3A_190, %sub3A_190 : vector<256x1xf32>
    %add3A_195 = arith.addf %add3A_193, %mul3A_194 : vector<256x1xf32>
    %max3A_196 = arith.constant 1.000000e-24 : f32
    %max3A_197 = vector.broadcast %max3A_196 : f32 to vector<256x1xf32>
    %max3A_198 = arith.maximumf %add3A_195, %max3A_197 : vector<256x1xf32>
    %sqrt3A_199 = math.sqrt %max3A_198 : vector<256x1xf32>
    %add3A_200 = arith.addf %add3A_187, %sqrt3A_199 : vector<256x1xf32>
    %sub3A_201 = arith.subf %slice3A_19, %slice3A_27 : vector<256x1xf32>
    %sub3A_202 = arith.subf %slice3A_20, %slice3A_28 : vector<256x1xf32>
    %sub3A_203 = arith.subf %slice3A_21, %slice3A_29 : vector<256x1xf32>
    %mul3A_204 = arith.mulf %sub3A_201, %sub3A_201 : vector<256x1xf32>
    %mul3A_205 = arith.mulf %sub3A_202, %sub3A_202 : vector<256x1xf32>
    %add3A_206 = arith.addf %mul3A_204, %mul3A_205 : vector<256x1xf32>
    %mul3A_207 = arith.mulf %sub3A_203, %sub3A_203 : vector<256x1xf32>
    %add3A_208 = arith.addf %add3A_206, %mul3A_207 : vector<256x1xf32>
    %max3A_209 = arith.constant 1.000000e-24 : f32
    %max3A_210 = vector.broadcast %max3A_209 : f32 to vector<256x1xf32>
    %max3A_211 = arith.maximumf %add3A_208, %max3A_210 : vector<256x1xf32>
    %sqrt3A_212 = math.sqrt %max3A_211 : vector<256x1xf32>
    %add3A_213 = arith.addf %add3A_200, %sqrt3A_212 : vector<256x1xf32>
    %sub3A_214 = arith.subf %slice3A_19, %slice3A_35 : vector<256x1xf32>
    %sub3A_215 = arith.subf %slice3A_20, %slice3A_36 : vector<256x1xf32>
    %sub3A_216 = arith.subf %slice3A_21, %slice3A_37 : vector<256x1xf32>
    %mul3A_217 = arith.mulf %sub3A_214, %sub3A_214 : vector<256x1xf32>
    %mul3A_218 = arith.mulf %sub3A_215, %sub3A_215 : vector<256x1xf32>
    %add3A_219 = arith.addf %mul3A_217, %mul3A_218 : vector<256x1xf32>
    %mul3A_220 = arith.mulf %sub3A_216, %sub3A_216 : vector<256x1xf32>
    %add3A_221 = arith.addf %add3A_219, %mul3A_220 : vector<256x1xf32>
    %max3A_222 = arith.constant 1.000000e-24 : f32
    %max3A_223 = vector.broadcast %max3A_222 : f32 to vector<256x1xf32>
    %max3A_224 = arith.maximumf %add3A_221, %max3A_223 : vector<256x1xf32>
    %sqrt3A_225 = math.sqrt %max3A_224 : vector<256x1xf32>
    %add3A_226 = arith.addf %add3A_213, %sqrt3A_225 : vector<256x1xf32>
    %sub3A_227 = arith.subf %slice3A_27, %slice3A : vector<256x1xf32>
    %sub3A_228 = arith.subf %slice3A_28, %slice3A_4 : vector<256x1xf32>
    %sub3A_229 = arith.subf %slice3A_29, %slice3A_5 : vector<256x1xf32>
    %mul3A_230 = arith.mulf %sub3A_227, %sub3A_227 : vector<256x1xf32>
    %mul3A_231 = arith.mulf %sub3A_228, %sub3A_228 : vector<256x1xf32>
    %add3A_232 = arith.addf %mul3A_230, %mul3A_231 : vector<256x1xf32>
    %mul3A_233 = arith.mulf %sub3A_229, %sub3A_229 : vector<256x1xf32>
    %add3A_234 = arith.addf %add3A_232, %mul3A_233 : vector<256x1xf32>
    %max3A_235 = arith.constant 1.000000e-24 : f32
    %max3A_236 = vector.broadcast %max3A_235 : f32 to vector<256x1xf32>
    %max3A_237 = arith.maximumf %add3A_234, %max3A_236 : vector<256x1xf32>
    %sqrt3A_238 = math.sqrt %max3A_237 : vector<256x1xf32>
    %add3A_239 = arith.addf %add3A_226, %sqrt3A_238 : vector<256x1xf32>
    %sub3A_240 = arith.subf %slice3A_27, %slice3A_11 : vector<256x1xf32>
    %sub3A_241 = arith.subf %slice3A_28, %slice3A_12 : vector<256x1xf32>
    %sub3A_242 = arith.subf %slice3A_29, %slice3A_13 : vector<256x1xf32>
    %mul3A_243 = arith.mulf %sub3A_240, %sub3A_240 : vector<256x1xf32>
    %mul3A_244 = arith.mulf %sub3A_241, %sub3A_241 : vector<256x1xf32>
    %add3A_245 = arith.addf %mul3A_243, %mul3A_244 : vector<256x1xf32>
    %mul3A_246 = arith.mulf %sub3A_242, %sub3A_242 : vector<256x1xf32>
    %add3A_247 = arith.addf %add3A_245, %mul3A_246 : vector<256x1xf32>
    %max3A_248 = arith.constant 1.000000e-24 : f32
    %max3A_249 = vector.broadcast %max3A_248 : f32 to vector<256x1xf32>
    %max3A_250 = arith.maximumf %add3A_247, %max3A_249 : vector<256x1xf32>
    %sqrt3A_251 = math.sqrt %max3A_250 : vector<256x1xf32>
    %add3A_252 = arith.addf %add3A_239, %sqrt3A_251 : vector<256x1xf32>
    %sub3A_253 = arith.subf %slice3A_27, %slice3A_19 : vector<256x1xf32>
    %sub3A_254 = arith.subf %slice3A_28, %slice3A_20 : vector<256x1xf32>
    %sub3A_255 = arith.subf %slice3A_29, %slice3A_21 : vector<256x1xf32>
    %mul3A_256 = arith.mulf %sub3A_253, %sub3A_253 : vector<256x1xf32>
    %mul3A_257 = arith.mulf %sub3A_254, %sub3A_254 : vector<256x1xf32>
    %add3A_258 = arith.addf %mul3A_256, %mul3A_257 : vector<256x1xf32>
    %mul3A_259 = arith.mulf %sub3A_255, %sub3A_255 : vector<256x1xf32>
    %add3A_260 = arith.addf %add3A_258, %mul3A_259 : vector<256x1xf32>
    %max3A_261 = arith.constant 1.000000e-24 : f32
    %max3A_262 = vector.broadcast %max3A_261 : f32 to vector<256x1xf32>
    %max3A_263 = arith.maximumf %add3A_260, %max3A_262 : vector<256x1xf32>
    %sqrt3A_264 = math.sqrt %max3A_263 : vector<256x1xf32>
    %add3A_265 = arith.addf %add3A_252, %sqrt3A_264 : vector<256x1xf32>
    %sub3A_266 = arith.subf %slice3A_27, %slice3A_27 : vector<256x1xf32>
    %sub3A_267 = arith.subf %slice3A_28, %slice3A_28 : vector<256x1xf32>
    %sub3A_268 = arith.subf %slice3A_29, %slice3A_29 : vector<256x1xf32>
    %mul3A_269 = arith.mulf %sub3A_266, %sub3A_266 : vector<256x1xf32>
    %mul3A_270 = arith.mulf %sub3A_267, %sub3A_267 : vector<256x1xf32>
    %add3A_271 = arith.addf %mul3A_269, %mul3A_270 : vector<256x1xf32>
    %mul3A_272 = arith.mulf %sub3A_268, %sub3A_268 : vector<256x1xf32>
    %add3A_273 = arith.addf %add3A_271, %mul3A_272 : vector<256x1xf32>
    %max3A_274 = arith.constant 1.000000e-24 : f32
    %max3A_275 = vector.broadcast %max3A_274 : f32 to vector<256x1xf32>
    %max3A_276 = arith.maximumf %add3A_273, %max3A_275 : vector<256x1xf32>
    %sqrt3A_277 = math.sqrt %max3A_276 : vector<256x1xf32>
    %add3A_278 = arith.addf %add3A_265, %sqrt3A_277 : vector<256x1xf32>
    %sub3A_279 = arith.subf %slice3A_27, %slice3A_35 : vector<256x1xf32>
    %sub3A_280 = arith.subf %slice3A_28, %slice3A_36 : vector<256x1xf32>
    %sub3A_281 = arith.subf %slice3A_29, %slice3A_37 : vector<256x1xf32>
    %mul3A_282 = arith.mulf %sub3A_279, %sub3A_279 : vector<256x1xf32>
    %mul3A_283 = arith.mulf %sub3A_280, %sub3A_280 : vector<256x1xf32>
    %add3A_284 = arith.addf %mul3A_282, %mul3A_283 : vector<256x1xf32>
    %mul3A_285 = arith.mulf %sub3A_281, %sub3A_281 : vector<256x1xf32>
    %add3A_286 = arith.addf %add3A_284, %mul3A_285 : vector<256x1xf32>
    %max3A_287 = arith.constant 1.000000e-24 : f32
    %max3A_288 = vector.broadcast %max3A_287 : f32 to vector<256x1xf32>
    %max3A_289 = arith.maximumf %add3A_286, %max3A_288 : vector<256x1xf32>
    %sqrt3A_290 = math.sqrt %max3A_289 : vector<256x1xf32>
    %add3A_291 = arith.addf %add3A_278, %sqrt3A_290 : vector<256x1xf32>
    %sub3A_292 = arith.subf %slice3A_35, %slice3A : vector<256x1xf32>
    %sub3A_293 = arith.subf %slice3A_36, %slice3A_4 : vector<256x1xf32>
    %sub3A_294 = arith.subf %slice3A_37, %slice3A_5 : vector<256x1xf32>
    %mul3A_295 = arith.mulf %sub3A_292, %sub3A_292 : vector<256x1xf32>
    %mul3A_296 = arith.mulf %sub3A_293, %sub3A_293 : vector<256x1xf32>
    %add3A_297 = arith.addf %mul3A_295, %mul3A_296 : vector<256x1xf32>
    %mul3A_298 = arith.mulf %sub3A_294, %sub3A_294 : vector<256x1xf32>
    %add3A_299 = arith.addf %add3A_297, %mul3A_298 : vector<256x1xf32>
    %max3A_300 = arith.constant 1.000000e-24 : f32
    %max3A_301 = vector.broadcast %max3A_300 : f32 to vector<256x1xf32>
    %max3A_302 = arith.maximumf %add3A_299, %max3A_301 : vector<256x1xf32>
    %sqrt3A_303 = math.sqrt %max3A_302 : vector<256x1xf32>
    %add3A_304 = arith.addf %add3A_291, %sqrt3A_303 : vector<256x1xf32>
    %sub3A_305 = arith.subf %slice3A_35, %slice3A_11 : vector<256x1xf32>
    %sub3A_306 = arith.subf %slice3A_36, %slice3A_12 : vector<256x1xf32>
    %sub3A_307 = arith.subf %slice3A_37, %slice3A_13 : vector<256x1xf32>
    %mul3A_308 = arith.mulf %sub3A_305, %sub3A_305 : vector<256x1xf32>
    %mul3A_309 = arith.mulf %sub3A_306, %sub3A_306 : vector<256x1xf32>
    %add3A_310 = arith.addf %mul3A_308, %mul3A_309 : vector<256x1xf32>
    %mul3A_311 = arith.mulf %sub3A_307, %sub3A_307 : vector<256x1xf32>
    %add3A_312 = arith.addf %add3A_310, %mul3A_311 : vector<256x1xf32>
    %max3A_313 = arith.constant 1.000000e-24 : f32
    %max3A_314 = vector.broadcast %max3A_313 : f32 to vector<256x1xf32>
    %max3A_315 = arith.maximumf %add3A_312, %max3A_314 : vector<256x1xf32>
    %sqrt3A_316 = math.sqrt %max3A_315 : vector<256x1xf32>
    %add3A_317 = arith.addf %add3A_304, %sqrt3A_316 : vector<256x1xf32>
    %sub3A_318 = arith.subf %slice3A_35, %slice3A_19 : vector<256x1xf32>
    %sub3A_319 = arith.subf %slice3A_36, %slice3A_20 : vector<256x1xf32>
    %sub3A_320 = arith.subf %slice3A_37, %slice3A_21 : vector<256x1xf32>
    %mul3A_321 = arith.mulf %sub3A_318, %sub3A_318 : vector<256x1xf32>
    %mul3A_322 = arith.mulf %sub3A_319, %sub3A_319 : vector<256x1xf32>
    %add3A_323 = arith.addf %mul3A_321, %mul3A_322 : vector<256x1xf32>
    %mul3A_324 = arith.mulf %sub3A_320, %sub3A_320 : vector<256x1xf32>
    %add3A_325 = arith.addf %add3A_323, %mul3A_324 : vector<256x1xf32>
    %max3A_326 = arith.constant 1.000000e-24 : f32
    %max3A_327 = vector.broadcast %max3A_326 : f32 to vector<256x1xf32>
    %max3A_328 = arith.maximumf %add3A_325, %max3A_327 : vector<256x1xf32>
    %sqrt3A_329 = math.sqrt %max3A_328 : vector<256x1xf32>
    %add3A_330 = arith.addf %add3A_317, %sqrt3A_329 : vector<256x1xf32>
    %sub3A_331 = arith.subf %slice3A_35, %slice3A_27 : vector<256x1xf32>
    %sub3A_332 = arith.subf %slice3A_36, %slice3A_28 : vector<256x1xf32>
    %sub3A_333 = arith.subf %slice3A_37, %slice3A_29 : vector<256x1xf32>
    %mul3A_334 = arith.mulf %sub3A_331, %sub3A_331 : vector<256x1xf32>
    %mul3A_335 = arith.mulf %sub3A_332, %sub3A_332 : vector<256x1xf32>
    %add3A_336 = arith.addf %mul3A_334, %mul3A_335 : vector<256x1xf32>
    %mul3A_337 = arith.mulf %sub3A_333, %sub3A_333 : vector<256x1xf32>
    %add3A_338 = arith.addf %add3A_336, %mul3A_337 : vector<256x1xf32>
    %max3A_339 = arith.constant 1.000000e-24 : f32
    %max3A_340 = vector.broadcast %max3A_339 : f32 to vector<256x1xf32>
    %max3A_341 = arith.maximumf %add3A_338, %max3A_340 : vector<256x1xf32>
    %sqrt3A_342 = math.sqrt %max3A_341 : vector<256x1xf32>
    %add3A_343 = arith.addf %add3A_330, %sqrt3A_342 : vector<256x1xf32>
    %sub3A_344 = arith.subf %slice3A_35, %slice3A_35 : vector<256x1xf32>
    %sub3A_345 = arith.subf %slice3A_36, %slice3A_36 : vector<256x1xf32>
    %sub3A_346 = arith.subf %slice3A_37, %slice3A_37 : vector<256x1xf32>
    %mul3A_347 = arith.mulf %sub3A_344, %sub3A_344 : vector<256x1xf32>
    %mul3A_348 = arith.mulf %sub3A_345, %sub3A_345 : vector<256x1xf32>
    %add3A_349 = arith.addf %mul3A_347, %mul3A_348 : vector<256x1xf32>
    %mul3A_350 = arith.mulf %sub3A_346, %sub3A_346 : vector<256x1xf32>
    %add3A_351 = arith.addf %add3A_349, %mul3A_350 : vector<256x1xf32>
    %max3A_352 = arith.constant 1.000000e-24 : f32
    %max3A_353 = vector.broadcast %max3A_352 : f32 to vector<256x1xf32>
    %max3A_354 = arith.maximumf %add3A_351, %max3A_353 : vector<256x1xf32>
    %sqrt3A_355 = math.sqrt %max3A_354 : vector<256x1xf32>
    %add3A_356 = arith.addf %add3A_343, %sqrt3A_355 : vector<256x1xf32>
    %swap3A = arith.constant 0 : index
    %swap3A_357 = arith.constant 0 : index
    %swap3A_358 = arith.constant 0 : index
    %swap3A_359 = vector.load %arg7[%swap3A, %swap3A_357, %swap3A_358] : memref<1x256x8xf32, #tpu.memory_space<vmem>>, vector<1x256x1xf32>
    %swap3A_360 = vector.shape_cast %swap3A_359 : vector<1x256x1xf32> to vector<256x1xf32>
    %swap3A_361 = vector.shape_cast %add3A_356 : vector<256x1xf32> to vector<1x256x1xf32>
    tpu.vector_store %arg7[%swap3A, %swap3A_357, %swap3A_358], %swap3A_361 {strides = array<i32>} : memref<1x256x8xf32, #tpu.memory_space<vmem>>, vector<1x256x1xf32>,
    return
  }
  func.func @transform_0(%arg0: i32, %arg1: i32) -> (i32, i32, i32) {
    %c0_i32 = arith.constant 0 : i32
    %c0_i32_0 = arith.constant 0 : i32
    return %arg0, %arg1, %c0_i32 : i32, i32, i32
  }
  func.func @transform_1(%arg0: i32, %arg1: i32) -> (i32, i32, i32) {
    %c0_i32 = arith.constant 0 : i32
    %c0_i32_0 = arith.constant 0 : i32
    return %arg0, %arg1, %c0_i32 : i32, i32, i32
  }
  func.func @transform_2(%arg0: i32, %arg1: i32) -> (i32, i32, i32) {
    %c0_i32 = arith.constant 0 : i32
    %c0_i32_0 = arith.constant 0 : i32
    return %arg0, %arg1, %c0_i32 : i32, i32, i32
  }
  func.func @transform_3(%arg0: i32, %arg1: i32) -> (i32, i32, i32) {
    %c0_i32 = arith.constant 0 : i32
    %c0_i32_0 = arith.constant 0 : i32
    return %arg0, %arg1, %c0_i32 : i32, i32, i32
  }
  func.func @transform_4(%arg0: i32, %arg1: i32) -> (i32, i32, i32) {
    %c0_i32 = arith.constant 0 : i32
    %c0_i32_0 = arith.constant 0 : i32
    return %arg0, %arg1, %c0_i32 : i32, i32, i32
  }
  func.func @transform_5(%arg0: i32, %arg1: i32) -> (i32, i32, i32) {
    %c0_i32 = arith.constant 0 : i32
    %c0_i32_0 = arith.constant 0 : i32
    return %arg0, %arg1, %c0_i32 : i32, i32, i32
  }
}

module attributes {stable_mosaic.version = 14 : i64} {
  func.func @_rank_body(%arg0: i32, %arg1: i32, %arg2: memref<1x256x8xf32, #tpu.memory_space<vmem>>, %arg3: memref<1x1x4096xf32, #tpu.memory_space<vmem>>, %arg4: memref<1x256x8xi32, #tpu.memory_space<vmem>>) attributes {dimension_semantics = [#tpu.dimension_semantics<parallel>, #tpu.dimension_semantics<arbitrary>], iteration_bounds = array<i64: 4, 16>, scalar_prefetch = 0 : i64, scratch_operands = 0 : i64, tpu.core_type = #tpu.core_type<tc>, window_params = [{transform_indices = @transform_0, window_bounds = array<i64: 1, 256, 8>}, {transform_indices = @transform_1, window_bounds = array<i64: 1, 1, 4096>}, {transform_indices = @transform_2, window_bounds = array<i64: 1, 256, 8>}]} {
    %get3A = arith.constant 0 : index
    %get3A_0 = arith.constant 0 : index
    %get3A_1 = arith.constant 0 : index
    %get3A_2 = vector.load %arg2[%get3A, %get3A_0, %get3A_1] : memref<1x256x8xf32, #tpu.memory_space<vmem>>, vector<1x256x1xf32>
    %get3A_3 = vector.shape_cast %get3A_2 : vector<1x256x1xf32> to vector<256x1xf32>
    %get3A_4 = arith.constant 0 : index
    %get3A_5 = arith.constant 0 : index
    %get3A_6 = arith.constant 0 : index
    %get3A_7 = vector.load %arg3[%get3A_4, %get3A_5, %get3A_6] : memref<1x1x4096xf32, #tpu.memory_space<vmem>>, vector<1x1x4096xf32>
    %get3A_8 = vector.shape_cast %get3A_7 : vector<1x1x4096xf32> to vector<1x4096xf32>
    %iota3A = tpu.iota {dimensions = array<i32: 1>} : vector<256x4096xi32>
    %iota3A_9 = tpu.iota {dimensions = array<i32: 0>} : vector<256x1xi32>
    %mul3A = arith.constant 256 : i32
    %mul3A_10 = arith.muli %arg1, %mul3A : i32
    %add3A = vector.broadcast %mul3A_10 : i32 to vector<256x1xi32>
    %add3A_11 = arith.addi %iota3A_9, %add3A : vector<256x1xi32>
    %lt3A = vector.broadcast %get3A_8 : vector<1x4096xf32> to vector<256x4096xf32>
    %lt3A_12 = vector.broadcast %get3A_3 : vector<256x1xf32> to vector<256x4096xf32>
    %lt3A_13 = arith.cmpf olt, %lt3A, %lt3A_12 : vector<256x4096xf32>
    %convert_element_type3A = arith.extui %lt3A_13 : vector<256x4096xi1> to vector<256x4096xi32>
    %eq3A = vector.broadcast %get3A_8 : vector<1x4096xf32> to vector<256x4096xf32>
    %eq3A_14 = vector.broadcast %get3A_3 : vector<256x1xf32> to vector<256x4096xf32>
    %eq3A_15 = arith.cmpf oeq, %eq3A, %eq3A_14 : vector<256x4096xf32>
    %lt3A_16 = vector.broadcast %add3A_11 : vector<256x1xi32> to vector<256x4096xi32>
    %lt3A_17 = arith.cmpi slt, %iota3A, %lt3A_16 : vector<256x4096xi32>
    %and3A = arith.andi %eq3A_15, %lt3A_17 : vector<256x4096xi1>
    %convert_element_type3A_18 = arith.extui %and3A : vector<256x4096xi1> to vector<256x4096xi32>
    %add3A_19 = arith.addi %convert_element_type3A, %convert_element_type3A_18 : vector<256x4096xi32>
    %reduce_sum3A = arith.constant dense<0> : vector<256xi32>
    %reduce_sum3A_20 = vector.multi_reduction <add>, %add3A_19, %reduce_sum3A [1] : vector<256x4096xi32> to vector<256xi32>
    %broadcast_in_dim3A = vector.shape_cast %reduce_sum3A_20 : vector<256xi32> to vector<256x1xi32>
    %swap3A = arith.constant 0 : index
    %swap3A_21 = arith.constant 0 : index
    %swap3A_22 = arith.constant 0 : index
    %swap3A_23 = vector.load %arg4[%swap3A, %swap3A_21, %swap3A_22] : memref<1x256x8xi32, #tpu.memory_space<vmem>>, vector<1x256x1xi32>
    %swap3A_24 = vector.shape_cast %swap3A_23 : vector<1x256x1xi32> to vector<256x1xi32>
    %swap3A_25 = vector.shape_cast %broadcast_in_dim3A : vector<256x1xi32> to vector<1x256x1xi32>
    tpu.vector_store %arg4[%swap3A, %swap3A_21, %swap3A_22], %swap3A_25 {strides = array<i32>} : memref<1x256x8xi32, #tpu.memory_space<vmem>>, vector<1x256x1xi32>,
    return
  }
  func.func @transform_0(%arg0: i32, %arg1: i32) -> (i32, i32, i32) {
    %c0_i32 = arith.constant 0 : i32
    %c0_i32_0 = arith.constant 0 : i32
    return %arg0, %arg1, %c0_i32 : i32, i32, i32
  }
  func.func @transform_1(%arg0: i32, %arg1: i32) -> (i32, i32, i32) {
    %c0_i32 = arith.constant 0 : i32
    %c0_i32_0 = arith.constant 0 : i32
    %c0_i32_1 = arith.constant 0 : i32
    return %arg0, %c0_i32, %c0_i32_0 : i32, i32, i32
  }
  func.func @transform_2(%arg0: i32, %arg1: i32) -> (i32, i32, i32) {
    %c0_i32 = arith.constant 0 : i32
    %c0_i32_0 = arith.constant 0 : i32
    return %arg0, %arg1, %c0_i32 : i32, i32, i32
  }
}

module attributes {stable_mosaic.version = 14 : i64} {
  func.func @_order_body(%arg0: i32, %arg1: i32, %arg2: memref<1x1x4096xi32, #tpu.memory_space<vmem>>, %arg3: memref<1x8x4096xi32, #tpu.memory_space<vmem>>, %arg4: memref<1x3x4096xf32, #tpu.memory_space<vmem>>, %arg5: memref<1x256x8xi32, #tpu.memory_space<vmem>>, %arg6: memref<1x256x8xf32, #tpu.memory_space<vmem>>) attributes {dimension_semantics = [#tpu.dimension_semantics<parallel>, #tpu.dimension_semantics<arbitrary>], iteration_bounds = array<i64: 4, 8>, scalar_prefetch = 0 : i64, scratch_operands = 0 : i64, tpu.core_type = #tpu.core_type<tc>, window_params = [{transform_indices = @transform_0, window_bounds = array<i64: 1, 1, 4096>}, {transform_indices = @transform_1, window_bounds = array<i64: 1, 8, 4096>}, {transform_indices = @transform_2, window_bounds = array<i64: 1, 3, 4096>}, {transform_indices = @transform_3, window_bounds = array<i64: 1, 256, 8>}, {transform_indices = @transform_4, window_bounds = array<i64: 1, 256, 8>}]} {
    %get3A = arith.constant 0 : index
    %get3A_0 = arith.constant 0 : index
    %get3A_1 = arith.constant 0 : index
    %get3A_2 = vector.load %arg2[%get3A, %get3A_0, %get3A_1] : memref<1x1x4096xi32, #tpu.memory_space<vmem>>, vector<1x1x4096xi32>
    %get3A_3 = vector.shape_cast %get3A_2 : vector<1x1x4096xi32> to vector<1x4096xi32>
    %iota3A = tpu.iota {dimensions = array<i32: 0>} : vector<256x1xi32>
    %mul3A = arith.constant 256 : i32
    %mul3A_4 = arith.muli %arg1, %mul3A : i32
    %add3A = vector.broadcast %mul3A_4 : i32 to vector<256x1xi32>
    %add3A_5 = arith.addi %iota3A, %add3A : vector<256x1xi32>
    %eq3A = vector.broadcast %get3A_3 : vector<1x4096xi32> to vector<256x4096xi32>
    %eq3A_6 = vector.broadcast %add3A_5 : vector<256x1xi32> to vector<256x4096xi32>
    %eq3A_7 = arith.cmpi eq, %eq3A, %eq3A_6 : vector<256x4096xi32>
    %get3A_8 = arith.constant 0 : index
    %get3A_9 = arith.constant 0 : index
    %get3A_10 = arith.constant 0 : index
    %get3A_11 = vector.load %arg3[%get3A_8, %get3A_9, %get3A_10] : memref<1x8x4096xi32, #tpu.memory_space<vmem>>, vector<1x1x4096xi32>
    %get3A_12 = vector.shape_cast %get3A_11 : vector<1x1x4096xi32> to vector<1x4096xi32>
    %jit3A = arith.constant 0 : i32
    %broadcast_in_dim3A = vector.shape_cast %get3A_12 : vector<1x4096xi32> to vector<1x4096xi32>
    %broadcast_in_dim3A_13 = vector.broadcast %broadcast_in_dim3A : vector<1x4096xi32> to vector<256x4096xi32>
    %broadcast_in_dim3A_14 = vector.broadcast %jit3A : i32 to vector<256x4096xi32>
    %select_n3A = arith.select %eq3A_7, %broadcast_in_dim3A_13, %broadcast_in_dim3A_14 : vector<256x4096xi1>, vector<256x4096xi32>
    %reduce_sum3A = arith.constant dense<0> : vector<256xi32>
    %reduce_sum3A_15 = vector.multi_reduction <add>, %select_n3A, %reduce_sum3A [1] : vector<256x4096xi32> to vector<256xi32>
    %broadcast_in_dim3A_16 = vector.shape_cast %reduce_sum3A_15 : vector<256xi32> to vector<256x1xi32>
    %swap3A = arith.constant 0 : index
    %swap3A_17 = arith.constant 0 : index
    %swap3A_18 = arith.constant 0 : index
    %swap3A_19 = vector.load %arg5[%swap3A, %swap3A_17, %swap3A_18] : memref<1x256x8xi32, #tpu.memory_space<vmem>>, vector<1x256x1xi32>
    %swap3A_20 = vector.shape_cast %swap3A_19 : vector<1x256x1xi32> to vector<256x1xi32>
    %swap3A_21 = vector.shape_cast %broadcast_in_dim3A_16 : vector<256x1xi32> to vector<1x256x1xi32>
    tpu.vector_store %arg5[%swap3A, %swap3A_17, %swap3A_18], %swap3A_21 {strides = array<i32>} : memref<1x256x8xi32, #tpu.memory_space<vmem>>, vector<1x256x1xi32>,
    %get3A_22 = arith.constant 0 : index
    %get3A_23 = arith.constant 1 : index
    %get3A_24 = arith.constant 0 : index
    %get3A_25 = vector.load %arg3[%get3A_22, %get3A_23, %get3A_24] : memref<1x8x4096xi32, #tpu.memory_space<vmem>>, vector<1x1x4096xi32>
    %get3A_26 = vector.shape_cast %get3A_25 : vector<1x1x4096xi32> to vector<1x4096xi32>
    %jit3A_27 = arith.constant 0 : i32
    %broadcast_in_dim3A_28 = vector.shape_cast %get3A_26 : vector<1x4096xi32> to vector<1x4096xi32>
    %broadcast_in_dim3A_29 = vector.broadcast %broadcast_in_dim3A_28 : vector<1x4096xi32> to vector<256x4096xi32>
    %broadcast_in_dim3A_30 = vector.broadcast %jit3A_27 : i32 to vector<256x4096xi32>
    %select_n3A_31 = arith.select %eq3A_7, %broadcast_in_dim3A_29, %broadcast_in_dim3A_30 : vector<256x4096xi1>, vector<256x4096xi32>
    %reduce_sum3A_32 = arith.constant dense<0> : vector<256xi32>
    %reduce_sum3A_33 = vector.multi_reduction <add>, %select_n3A_31, %reduce_sum3A_32 [1] : vector<256x4096xi32> to vector<256xi32>
    %broadcast_in_dim3A_34 = vector.shape_cast %reduce_sum3A_33 : vector<256xi32> to vector<256x1xi32>
    %swap3A_35 = arith.constant 0 : index
    %swap3A_36 = arith.constant 0 : index
    %swap3A_37 = arith.constant 1 : index
    %swap3A_38 = vector.load %arg5[%swap3A_35, %swap3A_36, %swap3A_37] : memref<1x256x8xi32, #tpu.memory_space<vmem>>, vector<1x256x1xi32>
    %swap3A_39 = vector.shape_cast %swap3A_38 : vector<1x256x1xi32> to vector<256x1xi32>
    %swap3A_40 = vector.shape_cast %broadcast_in_dim3A_34 : vector<256x1xi32> to vector<1x256x1xi32>
    tpu.vector_store %arg5[%swap3A_35, %swap3A_36, %swap3A_37], %swap3A_40 {strides = array<i32>} : memref<1x256x8xi32, #tpu.memory_space<vmem>>, vector<1x256x1xi32>,
    %get3A_41 = arith.constant 0 : index
    %get3A_42 = arith.constant 2 : index
    %get3A_43 = arith.constant 0 : index
    %get3A_44 = vector.load %arg3[%get3A_41, %get3A_42, %get3A_43] : memref<1x8x4096xi32, #tpu.memory_space<vmem>>, vector<1x1x4096xi32>
    %get3A_45 = vector.shape_cast %get3A_44 : vector<1x1x4096xi32> to vector<1x4096xi32>
    %jit3A_46 = arith.constant 0 : i32
    %broadcast_in_dim3A_47 = vector.shape_cast %get3A_45 : vector<1x4096xi32> to vector<1x4096xi32>
    %broadcast_in_dim3A_48 = vector.broadcast %broadcast_in_dim3A_47 : vector<1x4096xi32> to vector<256x4096xi32>
    %broadcast_in_dim3A_49 = vector.broadcast %jit3A_46 : i32 to vector<256x4096xi32>
    %select_n3A_50 = arith.select %eq3A_7, %broadcast_in_dim3A_48, %broadcast_in_dim3A_49 : vector<256x4096xi1>, vector<256x4096xi32>
    %reduce_sum3A_51 = arith.constant dense<0> : vector<256xi32>
    %reduce_sum3A_52 = vector.multi_reduction <add>, %select_n3A_50, %reduce_sum3A_51 [1] : vector<256x4096xi32> to vector<256xi32>
    %broadcast_in_dim3A_53 = vector.shape_cast %reduce_sum3A_52 : vector<256xi32> to vector<256x1xi32>
    %swap3A_54 = arith.constant 0 : index
    %swap3A_55 = arith.constant 0 : index
    %swap3A_56 = arith.constant 2 : index
    %swap3A_57 = vector.load %arg5[%swap3A_54, %swap3A_55, %swap3A_56] : memref<1x256x8xi32, #tpu.memory_space<vmem>>, vector<1x256x1xi32>
    %swap3A_58 = vector.shape_cast %swap3A_57 : vector<1x256x1xi32> to vector<256x1xi32>
    %swap3A_59 = vector.shape_cast %broadcast_in_dim3A_53 : vector<256x1xi32> to vector<1x256x1xi32>
    tpu.vector_store %arg5[%swap3A_54, %swap3A_55, %swap3A_56], %swap3A_59 {strides = array<i32>} : memref<1x256x8xi32, #tpu.memory_space<vmem>>, vector<1x256x1xi32>,
    %get3A_60 = arith.constant 0 : index
    %get3A_61 = arith.constant 3 : index
    %get3A_62 = arith.constant 0 : index
    %get3A_63 = vector.load %arg3[%get3A_60, %get3A_61, %get3A_62] : memref<1x8x4096xi32, #tpu.memory_space<vmem>>, vector<1x1x4096xi32>
    %get3A_64 = vector.shape_cast %get3A_63 : vector<1x1x4096xi32> to vector<1x4096xi32>
    %jit3A_65 = arith.constant 0 : i32
    %broadcast_in_dim3A_66 = vector.shape_cast %get3A_64 : vector<1x4096xi32> to vector<1x4096xi32>
    %broadcast_in_dim3A_67 = vector.broadcast %broadcast_in_dim3A_66 : vector<1x4096xi32> to vector<256x4096xi32>
    %broadcast_in_dim3A_68 = vector.broadcast %jit3A_65 : i32 to vector<256x4096xi32>
    %select_n3A_69 = arith.select %eq3A_7, %broadcast_in_dim3A_67, %broadcast_in_dim3A_68 : vector<256x4096xi1>, vector<256x4096xi32>
    %reduce_sum3A_70 = arith.constant dense<0> : vector<256xi32>
    %reduce_sum3A_71 = vector.multi_reduction <add>, %select_n3A_69, %reduce_sum3A_70 [1] : vector<256x4096xi32> to vector<256xi32>
    %broadcast_in_dim3A_72 = vector.shape_cast %reduce_sum3A_71 : vector<256xi32> to vector<256x1xi32>
    %swap3A_73 = arith.constant 0 : index
    %swap3A_74 = arith.constant 0 : index
    %swap3A_75 = arith.constant 3 : index
    %swap3A_76 = vector.load %arg5[%swap3A_73, %swap3A_74, %swap3A_75] : memref<1x256x8xi32, #tpu.memory_space<vmem>>, vector<1x256x1xi32>
    %swap3A_77 = vector.shape_cast %swap3A_76 : vector<1x256x1xi32> to vector<256x1xi32>
    %swap3A_78 = vector.shape_cast %broadcast_in_dim3A_72 : vector<256x1xi32> to vector<1x256x1xi32>
    tpu.vector_store %arg5[%swap3A_73, %swap3A_74, %swap3A_75], %swap3A_78 {strides = array<i32>} : memref<1x256x8xi32, #tpu.memory_space<vmem>>, vector<1x256x1xi32>,
    %get3A_79 = arith.constant 0 : index
    %get3A_80 = arith.constant 4 : index
    %get3A_81 = arith.constant 0 : index
    %get3A_82 = vector.load %arg3[%get3A_79, %get3A_80, %get3A_81] : memref<1x8x4096xi32, #tpu.memory_space<vmem>>, vector<1x1x4096xi32>
    %get3A_83 = vector.shape_cast %get3A_82 : vector<1x1x4096xi32> to vector<1x4096xi32>
    %jit3A_84 = arith.constant 0 : i32
    %broadcast_in_dim3A_85 = vector.shape_cast %get3A_83 : vector<1x4096xi32> to vector<1x4096xi32>
    %broadcast_in_dim3A_86 = vector.broadcast %broadcast_in_dim3A_85 : vector<1x4096xi32> to vector<256x4096xi32>
    %broadcast_in_dim3A_87 = vector.broadcast %jit3A_84 : i32 to vector<256x4096xi32>
    %select_n3A_88 = arith.select %eq3A_7, %broadcast_in_dim3A_86, %broadcast_in_dim3A_87 : vector<256x4096xi1>, vector<256x4096xi32>
    %reduce_sum3A_89 = arith.constant dense<0> : vector<256xi32>
    %reduce_sum3A_90 = vector.multi_reduction <add>, %select_n3A_88, %reduce_sum3A_89 [1] : vector<256x4096xi32> to vector<256xi32>
    %broadcast_in_dim3A_91 = vector.shape_cast %reduce_sum3A_90 : vector<256xi32> to vector<256x1xi32>
    %swap3A_92 = arith.constant 0 : index
    %swap3A_93 = arith.constant 0 : index
    %swap3A_94 = arith.constant 4 : index
    %swap3A_95 = vector.load %arg5[%swap3A_92, %swap3A_93, %swap3A_94] : memref<1x256x8xi32, #tpu.memory_space<vmem>>, vector<1x256x1xi32>
    %swap3A_96 = vector.shape_cast %swap3A_95 : vector<1x256x1xi32> to vector<256x1xi32>
    %swap3A_97 = vector.shape_cast %broadcast_in_dim3A_91 : vector<256x1xi32> to vector<1x256x1xi32>
    tpu.vector_store %arg5[%swap3A_92, %swap3A_93, %swap3A_94], %swap3A_97 {strides = array<i32>} : memref<1x256x8xi32, #tpu.memory_space<vmem>>, vector<1x256x1xi32>,
    %get3A_98 = arith.constant 0 : index
    %get3A_99 = arith.constant 0 : index
    %get3A_100 = arith.constant 0 : index
    %get3A_101 = vector.load %arg4[%get3A_98, %get3A_99, %get3A_100] : memref<1x3x4096xf32, #tpu.memory_space<vmem>>, vector<1x1x4096xf32>
    %get3A_102 = vector.shape_cast %get3A_101 : vector<1x1x4096xf32> to vector<1x4096xf32>
    %jit3A_103 = arith.constant 0.000000e+00 : f32
    %broadcast_in_dim3A_104 = vector.shape_cast %get3A_102 : vector<1x4096xf32> to vector<1x4096xf32>
    %broadcast_in_dim3A_105 = vector.broadcast %broadcast_in_dim3A_104 : vector<1x4096xf32> to vector<256x4096xf32>
    %broadcast_in_dim3A_106 = vector.broadcast %jit3A_103 : f32 to vector<256x4096xf32>
    %select_n3A_107 = arith.select %eq3A_7, %broadcast_in_dim3A_105, %broadcast_in_dim3A_106 : vector<256x4096xi1>, vector<256x4096xf32>
    %reduce_sum3A_108 = arith.constant dense<0.000000e+00> : vector<256xf32>
    %reduce_sum3A_109 = vector.multi_reduction <add>, %select_n3A_107, %reduce_sum3A_108 [1] : vector<256x4096xf32> to vector<256xf32>
    %broadcast_in_dim3A_110 = vector.shape_cast %reduce_sum3A_109 : vector<256xf32> to vector<256x1xf32>
    %swap3A_111 = arith.constant 0 : index
    %swap3A_112 = arith.constant 0 : index
    %swap3A_113 = arith.constant 0 : index
    %swap3A_114 = vector.load %arg6[%swap3A_111, %swap3A_112, %swap3A_113] : memref<1x256x8xf32, #tpu.memory_space<vmem>>, vector<1x256x1xf32>
    %swap3A_115 = vector.shape_cast %swap3A_114 : vector<1x256x1xf32> to vector<256x1xf32>
    %swap3A_116 = vector.shape_cast %broadcast_in_dim3A_110 : vector<256x1xf32> to vector<1x256x1xf32>
    tpu.vector_store %arg6[%swap3A_111, %swap3A_112, %swap3A_113], %swap3A_116 {strides = array<i32>} : memref<1x256x8xf32, #tpu.memory_space<vmem>>, vector<1x256x1xf32>,
    %get3A_117 = arith.constant 0 : index
    %get3A_118 = arith.constant 1 : index
    %get3A_119 = arith.constant 0 : index
    %get3A_120 = vector.load %arg4[%get3A_117, %get3A_118, %get3A_119] : memref<1x3x4096xf32, #tpu.memory_space<vmem>>, vector<1x1x4096xf32>
    %get3A_121 = vector.shape_cast %get3A_120 : vector<1x1x4096xf32> to vector<1x4096xf32>
    %jit3A_122 = arith.constant 0.000000e+00 : f32
    %broadcast_in_dim3A_123 = vector.shape_cast %get3A_121 : vector<1x4096xf32> to vector<1x4096xf32>
    %broadcast_in_dim3A_124 = vector.broadcast %broadcast_in_dim3A_123 : vector<1x4096xf32> to vector<256x4096xf32>
    %broadcast_in_dim3A_125 = vector.broadcast %jit3A_122 : f32 to vector<256x4096xf32>
    %select_n3A_126 = arith.select %eq3A_7, %broadcast_in_dim3A_124, %broadcast_in_dim3A_125 : vector<256x4096xi1>, vector<256x4096xf32>
    %reduce_sum3A_127 = arith.constant dense<0.000000e+00> : vector<256xf32>
    %reduce_sum3A_128 = vector.multi_reduction <add>, %select_n3A_126, %reduce_sum3A_127 [1] : vector<256x4096xf32> to vector<256xf32>
    %broadcast_in_dim3A_129 = vector.shape_cast %reduce_sum3A_128 : vector<256xf32> to vector<256x1xf32>
    %swap3A_130 = arith.constant 0 : index
    %swap3A_131 = arith.constant 0 : index
    %swap3A_132 = arith.constant 1 : index
    %swap3A_133 = vector.load %arg6[%swap3A_130, %swap3A_131, %swap3A_132] : memref<1x256x8xf32, #tpu.memory_space<vmem>>, vector<1x256x1xf32>
    %swap3A_134 = vector.shape_cast %swap3A_133 : vector<1x256x1xf32> to vector<256x1xf32>
    %swap3A_135 = vector.shape_cast %broadcast_in_dim3A_129 : vector<256x1xf32> to vector<1x256x1xf32>
    tpu.vector_store %arg6[%swap3A_130, %swap3A_131, %swap3A_132], %swap3A_135 {strides = array<i32>} : memref<1x256x8xf32, #tpu.memory_space<vmem>>, vector<1x256x1xf32>,
    %get3A_136 = arith.constant 0 : index
    %get3A_137 = arith.constant 2 : index
    %get3A_138 = arith.constant 0 : index
    %get3A_139 = vector.load %arg4[%get3A_136, %get3A_137, %get3A_138] : memref<1x3x4096xf32, #tpu.memory_space<vmem>>, vector<1x1x4096xf32>
    %get3A_140 = vector.shape_cast %get3A_139 : vector<1x1x4096xf32> to vector<1x4096xf32>
    %jit3A_141 = arith.constant 0.000000e+00 : f32
    %broadcast_in_dim3A_142 = vector.shape_cast %get3A_140 : vector<1x4096xf32> to vector<1x4096xf32>
    %broadcast_in_dim3A_143 = vector.broadcast %broadcast_in_dim3A_142 : vector<1x4096xf32> to vector<256x4096xf32>
    %broadcast_in_dim3A_144 = vector.broadcast %jit3A_141 : f32 to vector<256x4096xf32>
    %select_n3A_145 = arith.select %eq3A_7, %broadcast_in_dim3A_143, %broadcast_in_dim3A_144 : vector<256x4096xi1>, vector<256x4096xf32>
    %reduce_sum3A_146 = arith.constant dense<0.000000e+00> : vector<256xf32>
    %reduce_sum3A_147 = vector.multi_reduction <add>, %select_n3A_145, %reduce_sum3A_146 [1] : vector<256x4096xf32> to vector<256xf32>
    %broadcast_in_dim3A_148 = vector.shape_cast %reduce_sum3A_147 : vector<256xf32> to vector<256x1xf32>
    %swap3A_149 = arith.constant 0 : index
    %swap3A_150 = arith.constant 0 : index
    %swap3A_151 = arith.constant 2 : index
    %swap3A_152 = vector.load %arg6[%swap3A_149, %swap3A_150, %swap3A_151] : memref<1x256x8xf32, #tpu.memory_space<vmem>>, vector<1x256x1xf32>
    %swap3A_153 = vector.shape_cast %swap3A_152 : vector<1x256x1xf32> to vector<256x1xf32>
    %swap3A_154 = vector.shape_cast %broadcast_in_dim3A_148 : vector<256x1xf32> to vector<1x256x1xf32>
    tpu.vector_store %arg6[%swap3A_149, %swap3A_150, %swap3A_151], %swap3A_154 {strides = array<i32>} : memref<1x256x8xf32, #tpu.memory_space<vmem>>, vector<1x256x1xf32>,
    return
  }
  func.func @transform_0(%arg0: i32, %arg1: i32) -> (i32, i32, i32) {
    %c0_i32 = arith.constant 0 : i32
    %c0_i32_0 = arith.constant 0 : i32
    %c0_i32_1 = arith.constant 0 : i32
    return %arg0, %c0_i32, %c0_i32_0 : i32, i32, i32
  }
  func.func @transform_1(%arg0: i32, %arg1: i32) -> (i32, i32, i32) {
    %c0_i32 = arith.constant 0 : i32
    %c0_i32_0 = arith.constant 0 : i32
    %c0_i32_1 = arith.constant 0 : i32
    return %arg0, %c0_i32, %c0_i32_0 : i32, i32, i32
  }
  func.func @transform_2(%arg0: i32, %arg1: i32) -> (i32, i32, i32) {
    %c0_i32 = arith.constant 0 : i32
    %c0_i32_0 = arith.constant 0 : i32
    %c0_i32_1 = arith.constant 0 : i32
    return %arg0, %c0_i32, %c0_i32_0 : i32, i32, i32
  }
  func.func @transform_3(%arg0: i32, %arg1: i32) -> (i32, i32, i32) {
    %c0_i32 = arith.constant 0 : i32
    %c0_i32_0 = arith.constant 0 : i32
    return %arg0, %arg1, %c0_i32 : i32, i32, i32
  }
  func.func @transform_4(%arg0: i32, %arg1: i32) -> (i32, i32, i32) {
    %c0_i32 = arith.constant 0 : i32
    %c0_i32_0 = arith.constant 0 : i32
    return %arg0, %arg1, %c0_i32 : i32, i32, i32
  }
}

</mosaic_0001>

<sc_bundles>
// kernel: kernel.12.cloned.1.call-start
scs
__scs_entry_jumppad:
0x0: {  	(pc) =	sbr.rel $0x88, $3  }
0x1: {  	(tag) =	ssettag $0x0;
	lr =	simm.s32 $0x1  }
0x2: {  	[smem:$0x3F9F] =	sst lr;
	_ =	strace $0xD0000000  }
0x3: {  	_ = 	snop  }
0x4: {  	_ = 	snop  }
0x5: {  	_ = 	snop  }
0x6: {  	_ = 	snop  }
0x7: {  	_ = 	snop  }
__scs_overlays_trampoline_lowered:
0x8: {  	[smem:$0x3FAE] =	sst s0  }
0x9: {  	[smem:$0x3FAF] =	sst s1  }
0xa: {  	[smem:$0x3FB0] =	sst s2  }
0xb: {  	[smem:$0x3FB1] =	sst s3  }
0xc: {  	[smem:$0x3FB2] =	sst s4  }
0xd: {  	[smem:$0x3FB3] =	sst s5  }
0xe: {  	[smem:$0x3FB4] =	sst s6  }
0xf: {  	[smem:$0x3FB5] =	sst s7  }
0x10: {  	[smem:$0x3FB6] =	sst s8  }
0x11: {  	[smem:$0x3FB7] =	sst s9;
	s0 =	simm.s32 @!p0 $0x0  }
0x12: {  	s1 =	sld [smem:$0x3F9D];
	s0 =	simm.s32 @p0 $0x1  }
0x13: {  	[smem:$0x3FB8] =	sst s0;
	s0 =	simm.s32 @!p1 $0x0  }
0x14: {  	s2 =	sld [smem:$0x3F9C];
	s0 =	simm.s32 @p1 $0x1  }
0x15: {  	[smem:$0x3FB9] =	sst s0;
	s0 =	simm.s32 @!p2 $0x0  }
0x16: {  	s3 =	sld [smem:$0x3FDB];
	s0 =	simm.s32 @p2 $0x1  }
0x17: {  	s4 =	simm.s32 $0x1BF5;
	[smem:$0x3FBB] =	sst s0  }
0x18: {  	s0 =	sld [smem:$0x3F9E];
	_ =	swait.ge [sflag:s4], $0x0  }
0x19: {  	s7 =	sld [smem:$0x3F9F]  }
0x1a: {  	s8 =	sadd.s32 $0xFFFFE003, lr  }
0x1b: {  	s9 =	sadd.s32 $0xFFFFFEF7, lr;
	s5 =	simm.s32 $0xFFFFFFFF;
	p2 =	slt.u32 s8, $0xFFFFF086  }
0x1c: {  	p1 =	slt.u32 s9, $0xF7A;
	s5 =	simm.s32 @!p2 $0x0  }
0x1d: {  	s5 =	simm.s32 @p1 $0x1;
	p0 =	seq.s32 s7, s2  }
0x1e: {  	s7 =	smul.u32 @!p0 $0xF7A, s2;
	p2 =	seq.s32 @!p0 s5, $0x0  }
0x1f: {  	s9 =	smul.u32 $0xF7A, s1;
	s8 =	simm.s32 @!p0 $0x1BF5;
	p2 =	por !p2, p0  }
0x20: {  	[sflag:s8] =	ssyncset.s32 @!p0 $0xFFFFF086;
	s6 =	sadd.s32 @!p0 s3, s7;
	s7 =	simm.s32 @!p0 $0x108  }
0x21: {  	s3 =	sadd.s32 s3, s9;
	s6 =	sadd.s32 @!p0 $0x88, s6;
	s7 =	simm.s32 @p2 $0x1082  }
0x22: {  	[simem:s7], [sflag:s8] =	dma.local @!p0 [hbm:s6], $0xF7A  }
0x23: {  	s9 =	sor.u32 $0xD0000000, s2;
	s6 =	simm.s32 $0x108;
	_ =	swait.ge @!p0 [sflag:s8], $0x0  }
0x24: {  	s3 =	sadd.s32 $0x88, s3;
	s6 =	simm.s32 @!p1 $0x1082;
	[sflag:s4] =	ssyncset.s32 $0xFFFFF086  }
0x25: {  	[simem:s6], [sflag:s4] =	dma.local [hbm:s3], $0xF7A  }
0x26: {  	[smem:$0x3F9F] =	sst s1;
	(tag) =	ssettag s2;
	_ =	strace s9  }
0x27: {  	s1 =	sld [smem:$0x3FAF]  }
0x28: {  	s2 =	sld [smem:$0x3FB0]  }
0x29: {  	s4 =	sld [smem:$0x3FB2]  }
0x2a: {  	p0 =	seq.s32 s5, $0x0;
	s5 =	sld [smem:$0x3FB3]  }
0x2b: {  	s6 =	sld [smem:$0x3FB4]  }
0x2c: {  	s7 =	sld [smem:$0x3FB5]  }
0x2d: {  	s3 =	simm.s32 $0x108;
	s8 =	sld [smem:$0x3FB6]  }
0x2e: {  	s3 =	simm.s32 @!p0 $0x1082;
	s9 =	sld [smem:$0x3FB7]  }
0x2f: {  	lr =	sadd.s32 s0, s3;
	s0 =	sld [smem:$0x3FAE]  }
0x30: {  	s3 =	sld [smem:$0x3FB1]  }
0x31: {  	[smem:$0x3FBA] =	sst s10  }
0x32: {  	s10 =	sld [smem:$0x3FB8];
	_ =	sdelay $0x3  }
0x33: {  	p0 =	seq.s32 s10, $0x1;
	s10 =	sld [smem:$0x3FBA];
	_ =	sdelay $0x3  }
0x34: {  	[smem:$0x3FBA] =	sst s10  }
0x35: {  	s10 =	sld [smem:$0x3FB9];
	_ =	sdelay $0x3  }
0x36: {  	p1 =	seq.s32 s10, $0x1;
	s10 =	sld [smem:$0x3FBA];
	_ =	sdelay $0x3  }
0x37: {  	[smem:$0x3FBA] =	sst s10  }
0x38: {  	s10 =	sld [smem:$0x3FBB]  }
0x39: {  	_ = 	snop;
	(pc) =	sbr.ind lr, $3  }
0x3a: {  	_ = 	snop  }
0x3b: {  	_ = 	snop  }
0x3c: {  	p2 =	seq.s32 s10, $0x1;
	s10 =	sld [smem:$0x3FBA]  }
0x3d: {  	_ =	shalt  }
0x3e: {  	_ =	shalt  }
0x3f: {  	_ =	shalt  }
0x40: {  	_ =	shalt  }
0x41: {  	_ =	shalt  }
0x42: {  	_ =	shalt  }
0x43: {  	_ =	shalt  }
0x44: {  	_ =	shalt  }
0x45: {  	_ =	shalt  }
0x46: {  	_ =	shalt  }
0x47: {  	_ =	shalt  }
0x48: {  	_ =	shalt  }
0x49: {  	_ =	shalt  }
0x4a: {  	_ =	shalt  }
0x4b: {  	_ =	shalt  }
0x4c: {  	_ =	shalt  }
0x4d: {  	_ =	shalt  }
0x4e: {  	_ =	shalt  }
0x4f: {  	_ =	shalt  }
0x50: {  	_ =	shalt  }
0x51: {  	_ =	shalt  }
0x52: {  	_ =	shalt  }
0x53: {  	_ =	shalt  }
0x54: {  	_ =	shalt  }
0x55: {  	_ =	shalt  }
0x56: {  	_ =	shalt  }
0x57: {  	_ =	shalt  }
0x58: {  	_ =	shalt  }
0x59: {  	_ =	shalt  }
0x5a: {  	_ =	shalt  }
0x5b: {  	_ =	shalt  }
0x5c: {  	_ =	shalt  }
0x5d: {  	_ =	shalt  }
0x5e: {  	_ =	shalt  }
0x5f: {  	_ =	shalt  }
0x60: {  	_ =	shalt  }
0x61: {  	_ =	shalt  }
0x62: {  	_ =	shalt  }
0x63: {  	_ =	shalt  }
0x64: {  	_ =	shalt  }
0x65: {  	_ =	shalt  }
0x66: {  	_ =	shalt  }
0x67: {  	_ =	shalt  }
0x68: {  	_ =	shalt  }
0x69: {  	_ =	shalt  }
0x6a: {  	_ =	shalt  }
0x6b: {  	_ =	shalt  }
0x6c: {  	_ =	shalt  }
0x6d: {  	_ =	shalt  }
0x6e: {  	_ =	shalt  }
0x6f: {  	_ =	shalt  }
0x70: {  	_ =	shalt  }
0x71: {  	_ =	shalt  }
0x72: {  	_ =	shalt  }
0x73: {  	_ =	shalt  }
0x74: {  	_ =	shalt  }
0x75: {  	_ =	shalt  }
0x76: {  	_ =	shalt  }
0x77: {  	_ =	shalt  }
0x78: {  	_ =	shalt  }
0x79: {  	_ =	shalt  }
0x7a: {  	_ =	shalt  }
0x7b: {  	_ =	shalt  }
0x7c: {  	_ =	shalt  }
0x7d: {  	_ =	shalt  }
0x7e: {  	_ =	shalt  }
0x7f: {  	_ =	shalt  }
0x80: {  	_ =	shalt  }
0x81: {  	_ =	shalt  }
0x82: {  	_ =	shalt  }
0x83: {  	_ =	shalt  }
0x84: {  	_ =	shalt  }
0x85: {  	_ =	shalt  }
0x86: {  	_ =	shalt  }
0x87: {  	_ =	shalt  }
.Lfunc_end0:
.L_simem_size_0:
called_computation.1_lowered:
.L_overlay_start_0:
0x88: {  	s2 =	sld [smem:$0x3FD9]  }
0x89: {  	s3 =	sld [smem:$0x3FFE];
	_ =	sdelay $0x1  }
0x8a: {  	s1 =	srdreg.scid  }
0x8b: {  	s0 =	sand.u32 $0x1, s1  }
0x8c: {  	s14 =	sshll.u32 s0, $0xA;
	s2 =	sadd.s32 s3, s2  }
0x8d: {  	s2 =	sadd.s32 s2, s14  }
0x8e: {  	[smem:$0x3FC6] =	sst s2  }
0x8f: {  	_ = 	snop  }
0x90: {  	s2 =	sld [smem:$0x3FD0];
	_ =	sdelay $0x2  }
0x91: {  	s15 =	simm.s32 $0xA;
	s4 =	simm.s32 $0x10  }
0x92: {  	[smem:s4], [sflag:s15] =	dma.local [hbm:s2], $0x1  }
0x93: {  	_ =	swait.eq [sflag:s15], $0x1  }
0x94: {  	[sflag:s15] =	ssyncset.done $0x0  }
0x95: {  	[sflag:s15] =	ssyncadd.s32 $0xFFFFFFFF  }
0x96: {  	s16 =	sld [smem:$0x11];
	(tm) =	ssettm $0x1  }
0x97: {  	s17 =	sld [smem:$0x3FFB];
	_ =	sdelay $0x3  }
0x98: {  	_ =	strace s17  }
0x99: {  	s3 =	sld [smem:$0x3FFC];
	_ =	sdelay $0x3  }
0x9a: {  	_ =	strace s3  }
0x9b: {  	s3 =	sld [smem:$0x3FFD];
	_ =	sdelay $0x3  }
0x9c: {  	_ =	strace s3  }
0x9d: {  	_ =	strace $0x8FFFFFFF  }
0x9e: {  	s18 =	sld [smem:$0x3FDB];
	_ =	sdelay $0x1  }
0x9f: {  	s19 =	simm.s32 $_scs_section_size  }
0xa0: {  	s5 =	simm.s32 $_size__tile_overlayer_lowered;
	s6 =	simm.s32 $_tile_overlayer_lowered  }
0xa1: {  	s22 =	simm.s32 $0x1BFF;
	s21 =	sshll.u32 s6, $0x1;
	s3 =	sadd.s32 s19, s18  }
0xa2: {  	s7 =	simm.s32 $0x0;
	s20 =	sshll.u32 s5, $0x1;
	s5 =	sadd.s32 s21, s3  }
0xa3: {  	[timem:s7], [sflag:s22] =	dma.local [hbm:s5], s20  }
0xa4: {  	_ =	swait.ge [sflag:s22], s20  }
0xa5: {  	s4 =	ssub.s32 $0x0, s20;
	[sflag:s22] =	ssyncset.done $0x0  }
0xa6: {  	[sflag:s22] =	ssyncadd.s32 s4;
	_ =	sdelay $0x1  }
0xa7: {  	s23 =	simm.s32 $0x1B8B  }
0xa8: {  	_ =	swait.ge [sflag:s23], $0x1  }
0xa9: {  	[sflag:s23] =	ssyncset.done $0x0  }
0xaa: {  	s25 =	simm.s32 $0x1B8E;
	s24 =	sld [smem:$0x3FFE];
	[sflag:s23] =	ssyncadd.s32 $0xFFFFFFFF  }
0xab: {  	s26 =	simm.s32 $execute0_lowered;
	[smem:$0x3FD2] =	sst s25  }
0xac: {  	s5 =	sshll.u32 s26, $0x1;
	_ =	strace $0x80000049;
	[dreg:$0x1] =	wrdreg $0xFFFFFFFF  }
0xad: {  	s28 =	simm.s32 $_size_execute0_lowered;
	s3 =	sadd.s32 s3, s5;
	[dreg:$0x0] =	wrdreg $0x0  }
0xae: {  	s5 =	sshll.u32 s28, $0x1;
	[dreg:$0x2] =	wrdreg s3  }
0xaf: {  	[dreg:$0x3] =	wrdreg s5  }
0xb0: {  	[dreg:$0x4] =	wrdreg $0xC0  }
0xb1: {  	_ =	task [dreg:s7], $0x5FFFF  }
0xb2: {  	[dreg:$0x1] =	wrdreg $0xFFFFFFFF  }
0xb3: {  	[dreg:$0x0] =	wrdreg $0x60  }
0xb4: {  	[dreg:$0x2] =	wrdreg s24  }
0xb5: {  	[dreg:$0x3] =	wrdreg s16  }
0xb6: {  	[dreg:$0x4] =	wrdreg $0x9  }
0xb7: {  	_ =	task.clear_ibuf [dreg:s7], $0x5FFFF;
	_ =	strace $0x90000049  }
0xb8: {  	s29 =	simm.s32 $0x9;
	_ =	strace $0x8000004B  }
0xb9: {  	_ =	swait.ge [sflag:s29], $0x1  }
0xba: {  	[sflag:s29] =	ssyncadd.s32 $0xFFFFFFFF  }
0xbb: {  	_ =	strace $0x9000004B  }
0xbc: {  	_ =	sfence  }
0xbd: {  	s30 =	sld [smem:$0x0];
	_ =	sdelay $0x2  }
0xbe: {  	s31 =	sshll.u32 s1, $0xD;
	s1 =	sshrl.u32 s1, $0x2  }
0xbf: {  	s3 =	sand.u32 $0x4000, s31;
	s1 =	sadd.s32 s1, s30  }
0xc0: {  	s0 =	sor.u32 s3, s0;
	s1 =	sshll.u32 s1, $0x11  }
0xc1: {  	s0 =	sor.u32 s1, s0  }
0xc2: {  	s0 =	sadd.s32 $0x8F2B, s0  }
0xc3: {  	[sflag:s0] =	ssyncadd.remote.s32 $0x1  }
0xc4: {  	_ =	sfence.sel $0xFFFF  }
0xc5: {  	[dreg:$0x0] =	wrdreg $0xFFFFFFFF;
	(pc) =	sbr.abs _section_cstart, $3  }
0xc6: {  	[dreg:$0x1] =	wrdreg $0xFFFFFFFF  }
0xc7: {  	_ =	task.clear_ibuf [dreg:s7], $0x2FFFF;
	_ =	strace $0x9FFFFFFF  }
0xc8: {  	(tm) =	ssettm $0x7FFFFFFF  }
0xc9: {  	_ =	shalt  }
tec
execute0_lowered:
.L_overlay_start_1:
0x0: {  	(tag) =	ssettag $0x1  }
0x1: {  	s3 =	rddreg [dreg:$0x0]  }
0x2: {  	s10 =	rddreg [dreg:$0x1]  }
0x3: {  	s0 =	rddreg [dreg:$0x2]  }
0x4: {  	s4 =	srdreg.scid;
	s2 =	simm.s32 $0x0;
	s1 =	stileid.u32  }
0x5: {  	s13 =	simm.s32 $0x200;
	s14 =	simm.s32 $0x300;
	[smem:$0x7FF] =	sst s2  }
0x6: {  	v0 =	vimm.f32 $5.000000000e+00;
	s15 =	simm.s32 $0x400;
	s16 =	simm.s32 $0x10;
	_ =	strace $0x8000004A  }
0x7: {  	s17 =	simm.s32 $0x500;
	s18 =	simm.s32 $0x900;
	s19 =	simm.s32 $0xD00;
	(erf) = vrcp.f32 v0  }
0x8: {  	s20 =	simm.s32 $0x1100;
	s21 =	simm.s32 $0x1500;
	s22 =	simm.s32 $0x1  }
0x9: {  	s23 =	simm.s32 $0x1900;
	s24 =	simm.s32 $0x0;
	s11 =	sand.u32 $0x1, s4  }
0xa: {  	s30 =	sshll.u32 s1, $0x9;
	s12 =	sshll.u32 s1, $0xC;
	s5 =	sshll.u32 s11, $0x8  }
0xb: {  	s31 =	ssub.s32 $0x2, s11;
	s10 =	sadd.s32 s12, s10;
	s11 =	sshll.u32 s11, $0xB  }
0xc: {  	s12 =	simm.s32 $0x100;
	s4 =	sor.u32 s5, s30;
	s6 =	sshrl.u32 s31, $0x1  }
0xd: {  	s10 =	sadd.s32 s11, s10;
	s11 =	simm.s32 $0x2;
	s4 =	sshrl.u32 s4, $0x3  }
0xe: {  	s9 =	ssub.s32 s31, s6;
	s8 =	sadd.s32 s4, s3;
	s3 =	sadd.s32 $0x2B600, s3  }
0xf: {  	s9 =	smax.u32 s9, $0x1;
	s4 =	sadd.s32 $0xE00, s8;
	s5 =	sadd.s32 $0x1200, s8  }
0x10: {  	s6 =	sadd.s32 $0x1600, s8;
	s7 =	sadd.s32 $0x1A00, s8;
	s8 =	sadd.s32 $0x1E00, s8;
	v0 =	vpop (erf)  }
.LBB2_1:
0x11: {  	[tilespmem:s2], [sflag:$0x2] =	stream.linear.gather [hbm4b:s4+s2], $0x100, $0x38;
	[tilespmem:$0x1D00] =	vst v63  }
0x12: {  	_ =	swait.ge [sflag:s11], $0x100  }
0x13: {  	[sflag:s11] =	ssyncset.done $0x0  }
0x14: {  	[sflag:s11] =	ssyncadd.s32 $0xFFFFFF00  }
0x15: {  	[tilespmem:s12], [sflag:$0x2] =	stream.linear.gather [hbm4b:s5+s2], $0x100, $0x38;
	[tilespmem:$0x1D00] =	vst v63  }
0x16: {  	_ =	swait.ge [sflag:s11], $0x100  }
0x17: {  	[sflag:s11] =	ssyncset.done $0x0  }
0x18: {  	[sflag:s11] =	ssyncadd.s32 $0xFFFFFF00  }
0x19: {  	[tilespmem:s13], [sflag:$0x2] =	stream.linear.gather [hbm4b:s6+s2], $0x100, $0x38;
	[tilespmem:$0x1D00] =	vst v63  }
0x1a: {  	_ =	swait.ge [sflag:s11], $0x100  }
0x1b: {  	[sflag:s11] =	ssyncset.done $0x0  }
0x1c: {  	[sflag:s11] =	ssyncadd.s32 $0xFFFFFF00  }
0x1d: {  	[tilespmem:s14], [sflag:$0x2] =	stream.linear.gather [hbm4b:s7+s2], $0x100, $0x38;
	[tilespmem:$0x1D00] =	vst v63  }
0x1e: {  	_ =	swait.ge [sflag:s11], $0x100  }
0x1f: {  	[sflag:s11] =	ssyncset.done $0x0  }
0x20: {  	[sflag:s11] =	ssyncadd.s32 $0xFFFFFF00  }
0x21: {  	[tilespmem:s15], [sflag:$0x2] =	stream.linear.gather [hbm4b:s8+s2], $0x100, $0x38;
	[tilespmem:$0x1D00] =	vst v63  }
0x22: {  	_ =	swait.ge [sflag:s11], $0x100  }
0x23: {  	[sflag:s11] =	ssyncset.done $0x0  }
0x24: {  	s25 =	smov.u32 s10;
	s26 =	simm.s32 $0x0;
	[sflag:s11] =	ssyncadd.s32 $0xFFFFFF00  }
.LBB2_2:
0x25: {  	s28 =	sshra.s32 s26, $0x2  }
0x26: {  	[tilespmem:s17], [sflag:$0x1] =	stream.indirect.gather [hbm4b:s3+s16], $0x40, s28, s16, $0xb8;
	[tilespmem:$0x1D00] =	vst v63  }
0x27: {  	s29 =	sadd.s32 $0x100, s28  }
0x28: {  	[tilespmem:s18], [sflag:$0x1] =	stream.indirect.gather [hbm4b:s3+s16], $0x40, s29, s16, $0xb8;
	[tilespmem:$0x1D00] =	vst v63  }
0x29: {  	s30 =	sadd.s32 $0x200, s28  }
0x2a: {  	[tilespmem:s19], [sflag:$0x1] =	stream.indirect.gather [hbm4b:s3+s16], $0x40, s30, s16, $0xb8;
	[tilespmem:$0x1D00] =	vst v63  }
0x2b: {  	s31 =	sadd.s32 $0x300, s28  }
0x2c: {  	[tilespmem:s20], [sflag:$0x1] =	stream.indirect.gather [hbm4b:s3+s16], $0x40, s31, s16, $0xb8;
	[tilespmem:$0x1D00] =	vst v63  }
0x2d: {  	s28 =	sadd.s32 $0x400, s28  }
0x2e: {  	[tilespmem:s21], [sflag:$0x1] =	stream.indirect.gather [hbm4b:s3+s16], $0x40, s28, s16, $0xb8;
	[tilespmem:$0x1D00] =	vst v63  }
0x2f: {  	_ =	swait.ge [sflag:s22], $0x400  }
0x30: {  	[sflag:s22] =	ssyncset.done $0x0  }
0x31: {  	[sflag:s22] =	ssyncadd.s32 $0xFFFFFC00  }
0x32: {  	_ =	swait.ge [sflag:s22], $0x400  }
0x33: {  	[sflag:s22] =	ssyncset.done $0x0  }
0x34: {  	[sflag:s22] =	ssyncadd.s32 $0xFFFFFC00  }
0x35: {  	_ =	swait.ge [sflag:s22], $0x400  }
0x36: {  	[sflag:s22] =	ssyncset.done $0x0  }
0x37: {  	[sflag:s22] =	ssyncadd.s32 $0xFFFFFC00  }
0x38: {  	_ =	swait.ge [sflag:s22], $0x400  }
0x39: {  	[sflag:s22] =	ssyncset.done $0x0  }
0x3a: {  	[sflag:s22] =	ssyncadd.s32 $0xFFFFFC00  }
0x3b: {  	_ =	swait.ge [sflag:s22], $0x400  }
0x3c: {  	[sflag:s22] =	ssyncset.done $0x0  }
0x3d: {  	[sflag:s22] =	ssyncadd.s32 $0xFFFFFC00  }
0x3e: {  	v60 =	vld [tilespmem:$0x11C0];
	_ =	sdelay $0x4  }
0x3f: {  	[tilespmem:$0x1F540] =	vst v60;
	v60 =	vld [tilespmem:$0xA00];
	_ =	sdelay $0x4  }
0x40: {  	[tilespmem:$0x1F5C0] =	vst v60;
	v60 =	vld [tilespmem:$0x1600];
	_ =	sdelay $0x4  }
0x41: {  	[tilespmem:$0x1F670] =	vst v60;
	v60 =	vld [tilespmem:$0xE10];
	_ =	sdelay $0x4  }
0x42: {  	[tilespmem:$0x1F620] =	vst v60;
	v60 =	vld [tilespmem:$0x620];
	_ =	sdelay $0x4  }
0x43: {  	[tilespmem:$0x1F610] =	vst v60;
	v60 =	vld [tilespmem:$0x1220];
	_ =	sdelay $0x4  }
0x44: {  	[tilespmem:$0x1F680] =	vst v60;
	v60 =	vld [tilespmem:$0xE30];
	_ =	sdelay $0x4  }
0x45: {  	[tilespmem:$0x1F660] =	vst v60;
	v60 =	vld [tilespmem:$0x1230];
	_ =	sdelay $0x4  }
0x46: {  	[tilespmem:$0x1F6A0] =	vst v60;
	v60 =	vld [tilespmem:$0x1630];
	_ =	sdelay $0x4  }
0x47: {  	[tilespmem:$0x1F6E0] =	vst v60;
	v60 =	vld [tilespmem:$0x640];
	_ =	sdelay $0x4  }
0x48: {  	[tilespmem:$0x1F6C0] =	vst v60;
	v60 =	vld [tilespmem:$0xA40];
	_ =	sdelay $0x4  }
0x49: {  	[tilespmem:$0x1F6D0] =	vst v60;
	v60 =	vld [tilespmem:$0xE40];
	_ =	sdelay $0x4  }
0x4a: {  	[tilespmem:$0x1F710] =	vst v60;
	v60 =	vld [tilespmem:$0x1240];
	_ =	sdelay $0x4  }
0x4b: {  	[tilespmem:$0x1F770] =	vst v60;
	v60 =	vld [tilespmem:$0x1640];
	_ =	sdelay $0x4  }
0x4c: {  	[tilespmem:$0x1F7B0] =	vst v60;
	v60 =	vld [tilespmem:$0x650];
	_ =	sdelay $0x4  }
0x4d: {  	[tilespmem:$0x1F6F0] =	vst v60;
	v60 =	vld [tilespmem:$0xA50];
	_ =	sdelay $0x4  }
0x4e: {  	[tilespmem:$0x1F700] =	vst v60;
	v60 =	vld [tilespmem:$0xE50];
	_ =	sdelay $0x4  }
0x4f: {  	[tilespmem:$0x1F740] =	vst v60;
	v60 =	vld [tilespmem:$0x1250];
	_ =	sdelay $0x4  }
0x50: {  	[tilespmem:$0x1F790] =	vst v60;
	v60 =	vld [tilespmem:$0x1650];
	_ =	sdelay $0x4  }
0x51: {  	[tilespmem:$0x1F7D0] =	vst v60;
	v60 =	vld [tilespmem:$0x660];
	_ =	sdelay $0x4  }
0x52: {  	[tilespmem:$0x1F720] =	vst v60;
	v60 =	vld [tilespmem:$0xA60];
	_ =	sdelay $0x4  }
0x53: {  	[tilespmem:$0x1F730] =	vst v60;
	v60 =	vld [tilespmem:$0xE60];
	_ =	sdelay $0x4  }
0x54: {  	[tilespmem:$0x1F780] =	vst v60;
	v60 =	vld [tilespmem:$0x1260];
	_ =	sdelay $0x4  }
0x55: {  	[tilespmem:$0x1F7C0] =	vst v60;
	v60 =	vld [tilespmem:$0x1660];
	_ =	sdelay $0x4  }
0x56: {  	[tilespmem:$0x1F7F0] =	vst v60;
	v60 =	vld [tilespmem:$0x670];
	_ =	sdelay $0x4  }
0x57: {  	[tilespmem:$0x1F750] =	vst v60;
	v60 =	vld [tilespmem:$0xA70];
	_ =	sdelay $0x4  }
0x58: {  	[tilespmem:$0x1F760] =	vst v60;
	v60 =	vld [tilespmem:$0xE70];
	_ =	sdelay $0x4  }
0x59: {  	[tilespmem:$0x1F7A0] =	vst v60;
	v60 =	vld [tilespmem:$0x1270];
	_ =	sdelay $0x4  }
0x5a: {  	[tilespmem:$0x1F7E0] =	vst v60;
	v60 =	vld [tilespmem:$0x1670];
	_ =	sdelay $0x4  }
0x5b: {  	[tilespmem:$0x1F820] =	vst v60;
	v60 =	vld [tilespmem:$0x680];
	_ =	sdelay $0x4  }
0x5c: {  	[tilespmem:$0x1F800] =	vst v60;
	v60 =	vld [tilespmem:$0xA80];
	_ =	sdelay $0x4  }
0x5d: {  	[tilespmem:$0x1F810] =	vst v60;
	v60 =	vld [tilespmem:$0xE80];
	_ =	sdelay $0x4  }
0x5e: {  	[tilespmem:$0x1F850] =	vst v60;
	v60 =	vld [tilespmem:$0x1280];
	_ =	sdelay $0x4  }
0x5f: {  	[tilespmem:$0x1F8B0] =	vst v60;
	v60 =	vld [tilespmem:$0x1680];
	_ =	sdelay $0x4  }
0x60: {  	[tilespmem:$0x1F8F0] =	vst v60;
	v60 =	vld [tilespmem:$0x690];
	_ =	sdelay $0x4  }
0x61: {  	[tilespmem:$0x1F830] =	vst v60;
	v60 =	vld [tilespmem:$0xA90];
	_ =	sdelay $0x4  }
0x62: {  	[tilespmem:$0x1F840] =	vst v60;
	v60 =	vld [tilespmem:$0xE90];
	_ =	sdelay $0x4  }
0x63: {  	[tilespmem:$0x1F880] =	vst v60;
	v60 =	vld [tilespmem:$0x1290];
	_ =	sdelay $0x4  }
0x64: {  	[tilespmem:$0x1F8D0] =	vst v60;
	v60 =	vld [tilespmem:$0x1690];
	_ =	sdelay $0x4  }
0x65: {  	[tilespmem:$0x1F910] =	vst v60;
	v60 =	vld [tilespmem:$0x6A0];
	_ =	sdelay $0x4  }
0x66: {  	[tilespmem:$0x1F860] =	vst v60;
	v60 =	vld [tilespmem:$0xAA0];
	_ =	sdelay $0x4  }
0x67: {  	[tilespmem:$0x1F870] =	vst v60;
	v60 =	vld [tilespmem:$0xEA0];
	_ =	sdelay $0x4  }
0x68: {  	[tilespmem:$0x1F8C0] =	vst v60;
	v60 =	vld [tilespmem:$0x12A0];
	_ =	sdelay $0x4  }
0x69: {  	[tilespmem:$0x1F900] =	vst v60;
	v60 =	vld [tilespmem:$0x16A0];
	_ =	sdelay $0x4  }
0x6a: {  	[tilespmem:$0x1F930] =	vst v60;
	v60 =	vld [tilespmem:$0x6B0];
	_ =	sdelay $0x4  }
0x6b: {  	[tilespmem:$0x1F890] =	vst v60;
	v60 =	vld [tilespmem:$0xAB0];
	_ =	sdelay $0x4  }
0x6c: {  	[tilespmem:$0x1F8A0] =	vst v60;
	v60 =	vld [tilespmem:$0xEB0];
	_ =	sdelay $0x2  }
0x6d: {  	v17 =	vld [tilespmem:$0x500]  }
0x6e: {  	v13 =	vld [tilespmem:$0x900]  }
0x6f: {  	[tilespmem:$0x1F8E0] =	vst v60;
	v60 =	vld [tilespmem:$0x12B0]  }
0x70: {  	v21 =	vld [tilespmem:$0xD00]  }
0x71: {  	v40 =	vld [tilespmem:$0x1100]  }
0x72: {  	v1 =	vld [tilespmem:$0x1500]  }
0x73: {  	v7 =	vld [tilespmem:$0x510]  }
0x74: {  	[tilespmem:$0x1F920] =	vst v60;
	v60 =	vld [tilespmem:$0x16B0]  }
0x75: {  	v5 =	vld [tilespmem:$0x910]  }
0x76: {  	v14 =	vld [tilespmem:$0xD10]  }
0x77: {  	v10 =	vld [tilespmem:$0x1110]  }
0x78: {  	v55 =	vld [tilespmem:$0x1510]  }
0x79: {  	[tilespmem:$0x1F960] =	vst v60;
	v60 =	vld [tilespmem:$0x6C0]  }
0x7a: {  	v4 =	vld [tilespmem:$0x520]  }
0x7b: {  	v3 =	vld [tilespmem:$0x920]  }
0x7c: {  	v11 =	vld [tilespmem:$0xD20]  }
0x7d: {  	v29 =	vld [tilespmem:$0x1120]  }
0x7e: {  	[tilespmem:$0x1F940] =	vst v60;
	v60 =	vld [tilespmem:$0xAC0]  }
0x7f: {  	v42 =	vld [tilespmem:$0x1520]  }
0x80: {  	v2 =	vld [tilespmem:$0x530]  }
0x81: {  	v8 =	vld [tilespmem:$0xD30]  }
0x82: {  	v22 =	vld [tilespmem:$0x1130]  }
0x83: {  	[tilespmem:$0x1F950] =	vst v60;
	v60 =	vld [tilespmem:$0xEC0]  }
0x84: {  	v36 =	vld [tilespmem:$0x1530]  }
0x85: {  	v25 =	vld [tilespmem:$0x540]  }
0x86: {  	v23 =	vld [tilespmem:$0x940]  }
0x87: {  	v37 =	vld [tilespmem:$0xD40]  }
0x88: {  	[tilespmem:$0x1F990] =	vst v60;
	v60 =	vld [tilespmem:$0x12C0]  }
0x89: {  	v61 =	vld [tilespmem:$0x1140]  }
0x8a: {  	v6 =	vld [tilespmem:$0x1540]  }
0x8b: {  	v19 =	vld [tilespmem:$0x550]  }
0x8c: {  	v15 =	vld [tilespmem:$0x950]  }
0x8d: {  	[tilespmem:$0x1F9F0] =	vst v60;
	v60 =	vld [tilespmem:$0x16C0]  }
0x8e: {  	v30 =	vld [tilespmem:$0xD50]  }
0x8f: {  	v53 =	vld [tilespmem:$0x1150]  }
0x90: {  	v46 =	vld [tilespmem:$0x1550]  }
0x91: {  	v12 =	vld [tilespmem:$0x560]  }
0x92: {  	[tilespmem:$0x1FA30] =	vst v60;
	v60 =	vld [tilespmem:$0x6D0]  }
0x93: {  	v33 =	vld [tilespmem:$0x960]  }
0x94: {  	v26 =	vld [tilespmem:$0xD60]  }
0x95: {  	v47 =	vld [tilespmem:$0x1560]  }
0x96: {  	v9 =	vld [tilespmem:$0x570]  }
0x97: {  	[tilespmem:$0x1F970] =	vst v60;
	v60 =	vld [tilespmem:$0xAD0]  }
0x98: {  	v20 =	vld [tilespmem:$0xD70]  }
0x99: {  	v38 =	vld [tilespmem:$0x1170]  }
0x9a: {  	v56 =	vld [tilespmem:$0x1570]  }
0x9b: {  	v43 =	vld [tilespmem:$0x580]  }
0x9c: {  	[tilespmem:$0x1F980] =	vst v60;
	v60 =	vld [tilespmem:$0xED0]  }
0x9d: {  	v39 =	vld [tilespmem:$0x980]  }
0x9e: {  	v57 =	vld [tilespmem:$0xD80]  }
0x9f: {  	v16 =	vld [tilespmem:$0x1180]  }
0xa0: {  	v48 =	vld [tilespmem:$0x1580]  }
0xa1: {  	[tilespmem:$0x1F9C0] =	vst v60;
	v60 =	vld [tilespmem:$0x12D0]  }
0xa2: {  	v34 =	vld [tilespmem:$0x590]  }
0xa3: {  	v31 =	vld [tilespmem:$0x990]  }
0xa4: {  	v49 =	vld [tilespmem:$0x1190]  }
0xa5: {  	v50 =	vld [tilespmem:$0x1590]  }
0xa6: {  	[tilespmem:$0x1FA10] =	vst v60;
	v60 =	vld [tilespmem:$0x16D0]  }
0xa7: {  	v27 =	vld [tilespmem:$0x5A0]  }
0xa8: {  	v24 =	vld [tilespmem:$0x9A0]  }
0xa9: {  	v44 =	vld [tilespmem:$0xDA0]  }
0xaa: {  	v51 =	vld [tilespmem:$0x11A0]  }
0xab: {  	[tilespmem:$0x1FA50] =	vst v60;
	v60 =	vld [tilespmem:$0x6E0]  }
0xac: {  	v52 =	vld [tilespmem:$0x15A0]  }
0xad: {  	v18 =	vld [tilespmem:$0x5B0]  }
0xae: {  	v35 =	vld [tilespmem:$0xDB0]  }
0xaf: {  	v58 =	vld [tilespmem:$0x11B0]  }
0xb0: {  	[tilespmem:$0x1F9A0] =	vst v60;
	v60 =	vld [tilespmem:$0xAE0]  }
0xb1: {  	v28 =	vld [tilespmem:$0x15B0]  }
0xb2: {  	v62 =	vld [tilespmem:$0x5C0]  }
0xb3: {  	v59 =	vld [tilespmem:$0x9C0]  }
0xb4: {  	v54 =	vld [tilespmem:$0xDC0]  }
0xb5: {  	[tilespmem:$0x1F9B0] =	vst v60;
	v60 =	vld [tilespmem:$0xEE0]  }
0xb6: {  	v63 =	vld [tilespmem:$0x15C0]  }
0xb7: {  	v32 =	vld [tilespmem:$0xDD0]  }
0xb8: {  	v41 =	vld [tilespmem:$0x11D0]  }
0xb9: {  	v45 =	vld [tilespmem:$0x15D0];
	[tilespmem:$0x1F470] =	vst v1  }
0xba: {  	[tilespmem:$0x1FA00] =	vst v60;
	v60 =	vld [tilespmem:$0x12E0]  }
0xbb: {  	v1 =	vld [tilespmem:$0x930];
	[tilespmem:$0x1F480] =	vst v6  }
0xbc: {  	[tilespmem:$0x1F490] =	vst v46;
	v46 =	vld [tilespmem:$0x1160]  }
0xbd: {  	[tilespmem:$0x1F4A0] =	vst v47;
	v6 =	vld [tilespmem:$0x970]  }
0xbe: {  	[tilespmem:$0x1F500] =	vst v52;
	v52 =	vld [tilespmem:$0x15F0]  }
0xbf: {  	[tilespmem:$0x1FA40] =	vst v60;
	v60 =	vld [tilespmem:$0x16E0]  }
0xc0: {  	[tilespmem:$0x1F4B0] =	vst v16;
	v47 =	vld [tilespmem:$0xD90]  }
0xc1: {  	[tilespmem:$0x1F4D0] =	vst v48;
	v16 =	vld [tilespmem:$0x9B0]  }
0xc2: {  	[tilespmem:$0x1F4F0] =	vst v50;
	v50 =	vld [tilespmem:$0x5D0]  }
0xc3: {  	[tilespmem:$0x1F5D0] =	vst v52;
	v52 =	vld [tilespmem:$0xE00]  }
0xc4: {  	[tilespmem:$0x1FA70] =	vst v60;
	v60 =	vld [tilespmem:$0x6F0]  }
0xc5: {  	[tilespmem:$0x1F4C0] =	vst v49;
	v48 =	vld [tilespmem:$0x9D0]  }
0xc6: {  	[tilespmem:$0x1F580] =	vst v45;
	v45 =	vld [tilespmem:$0x5E0]  }
0xc7: {  	[tilespmem:$0x1F520] =	vst v54;
	v54 =	vld [tilespmem:$0x600]  }
0xc8: {  	[tilespmem:$0x1F600] =	vst v52;
	v52 =	vld [tilespmem:$0x610]  }
0xc9: {  	[tilespmem:$0x1F9D0] =	vst v60;
	v60 =	vld [tilespmem:$0xAF0]  }
0xca: {  	[tilespmem:$0x1F550] =	vst v41;
	v41 =	vld [tilespmem:$0x9E0]  }
0xcb: {  	[tilespmem:$0x1F560] =	vst v63;
	v63 =	vld [tilespmem:$0xDE0]  }
0xcc: {  	[tilespmem:$0x1F5B0] =	vst v54;
	v54 =	vld [tilespmem:$0x1200]  }
0xcd: {  	[tilespmem:$0x1F5E0] =	vst v52;
	v52 =	vld [tilespmem:$0x1210]  }
0xce: {  	[tilespmem:$0x1F9E0] =	vst v60;
	v60 =	vld [tilespmem:$0xEF0]  }
0xcf: {  	[tilespmem:$0x1F4E0] =	vst v51;
	v49 =	vld [tilespmem:$0x11E0]  }
0xd0: {  	[tilespmem:$0x1F510] =	vst v28;
	v51 =	vld [tilespmem:$0x15E0]  }
0xd1: {  	[tilespmem:$0x1F630] =	vst v54;
	v54 =	vld [tilespmem:$0xA10]  }
0xd2: {  	[tilespmem:$0x1F650] =	vst v52;
	v52 =	vld [tilespmem:$0xE20]  }
0xd3: {  	[tilespmem:$0x1FA20] =	vst v60;
	v60 =	vld [tilespmem:$0x12F0]  }
0xd4: {  	[tilespmem:$0x1F530] =	vst v32;
	v32 =	vld [tilespmem:$0x5F0]  }
0xd5: {  	[tilespmem:$0x1F570] =	vst v49;
	v49 =	vld [tilespmem:$0x11F0]  }
0xd6: {  	[tilespmem:$0x1F5F0] =	vst v54;
	v54 =	vld [tilespmem:$0x1610]  }
0xd7: {  	[tilespmem:$0x1F640] =	vst v52;
	v52 =	vld [tilespmem:$0x1620]  }
0xd8: {  	[tilespmem:$0x1FA60] =	vst v60;
	v60 =	vld [tilespmem:$0x16F0]  }
0xd9: {  	v28 =	vld [tilespmem:$0x9F0];
	[tilespmem:$0x1F5A0] =	vst v51  }
0xda: {  	v51 =	vld [tilespmem:$0xDF0];
	[tilespmem:$0x1F590] =	vst v49  }
0xdb: {  	v49 =	vld [tilespmem:$0xA30];
	[tilespmem:$0x1F690] =	vst v54  }
0xdc: {  	v54 =	vld [tilespmem:$0xA20];
	[tilespmem:$0x1F6B0] =	vst v52  }
0xdd: {  	v52 =	vld [tilespmem:$0x630];
	[tilespmem:$0x1FAA0] =	vst v60  }
0xde: {  	v60 =	vld [tilespmem:$0x700];
	_ =	sdelay $0x4  }
0xdf: {  	[tilespmem:$0x1FA80] =	vst v60;
	v60 =	vld [tilespmem:$0xB00];
	_ =	sdelay $0x4  }
0xe0: {  	[tilespmem:$0x1FA90] =	vst v60;
	v60 =	vld [tilespmem:$0xF00];
	_ =	sdelay $0x4  }
0xe1: {  	[tilespmem:$0x1FAD0] =	vst v60;
	v60 =	vld [tilespmem:$0x1300];
	_ =	sdelay $0x4  }
0xe2: {  	[tilespmem:$0x1FB30] =	vst v60;
	v60 =	vld [tilespmem:$0x1700];
	_ =	sdelay $0x4  }
0xe3: {  	[tilespmem:$0x1FB70] =	vst v60;
	v60 =	vld [tilespmem:$0x710];
	_ =	sdelay $0x4  }
0xe4: {  	[tilespmem:$0x1FAB0] =	vst v60;
	v60 =	vld [tilespmem:$0xB10];
	_ =	sdelay $0x4  }
0xe5: {  	[tilespmem:$0x1FAC0] =	vst v60;
	v60 =	vld [tilespmem:$0xF10];
	_ =	sdelay $0x4  }
0xe6: {  	[tilespmem:$0x1FB00] =	vst v60;
	v60 =	vld [tilespmem:$0x1310];
	_ =	sdelay $0x4  }
0xe7: {  	[tilespmem:$0x1FB50] =	vst v60;
	v60 =	vld [tilespmem:$0x1710];
	_ =	sdelay $0x4  }
0xe8: {  	[tilespmem:$0x1FB90] =	vst v60;
	v60 =	vld [tilespmem:$0x720];
	_ =	sdelay $0x4  }
0xe9: {  	[tilespmem:$0x1FAE0] =	vst v60;
	v60 =	vld [tilespmem:$0xB20];
	_ =	sdelay $0x4  }
0xea: {  	[tilespmem:$0x1FAF0] =	vst v60;
	v60 =	vld [tilespmem:$0xF20];
	_ =	sdelay $0x4  }
0xeb: {  	[tilespmem:$0x1FB40] =	vst v60;
	v60 =	vld [tilespmem:$0x1320];
	_ =	sdelay $0x4  }
0xec: {  	[tilespmem:$0x1FB80] =	vst v60;
	v60 =	vld [tilespmem:$0x1720];
	_ =	sdelay $0x4  }
0xed: {  	[tilespmem:$0x1FBB0] =	vst v60;
	v60 =	vld [tilespmem:$0x730];
	_ =	sdelay $0x4  }
0xee: {  	[tilespmem:$0x1FB10] =	vst v60;
	v60 =	vld [tilespmem:$0xB30];
	_ =	sdelay $0x4  }
0xef: {  	[tilespmem:$0x1FB20] =	vst v60;
	v60 =	vld [tilespmem:$0xF30];
	_ =	sdelay $0x4  }
0xf0: {  	[tilespmem:$0x1FB60] =	vst v60;
	v60 =	vld [tilespmem:$0x1330];
	_ =	sdelay $0x4  }
0xf1: {  	[tilespmem:$0x1FBA0] =	vst v60;
	v60 =	vld [tilespmem:$0x1730];
	_ =	sdelay $0x4  }
0xf2: {  	[tilespmem:$0x1FBE0] =	vst v60;
	v60 =	vld [tilespmem:$0x740];
	_ =	sdelay $0x4  }
0xf3: {  	[tilespmem:$0x1FBC0] =	vst v60;
	v60 =	vld [tilespmem:$0xB40];
	_ =	sdelay $0x4  }
0xf4: {  	[tilespmem:$0x1FBD0] =	vst v60;
	v60 =	vld [tilespmem:$0xF40];
	_ =	sdelay $0x4  }
0xf5: {  	[tilespmem:$0x1FC10] =	vst v60;
	v60 =	vld [tilespmem:$0x1340];
	_ =	sdelay $0x4  }
0xf6: {  	[tilespmem:$0x1FC70] =	vst v60;
	v60 =	vld [tilespmem:$0x1740];
	_ =	sdelay $0x4  }
0xf7: {  	[tilespmem:$0x1FCB0] =	vst v60;
	v60 =	vld [tilespmem:$0x750];
	_ =	sdelay $0x4  }
0xf8: {  	[tilespmem:$0x1FBF0] =	vst v60;
	v60 =	vld [tilespmem:$0xB50];
	_ =	sdelay $0x4  }
0xf9: {  	[tilespmem:$0x1FC00] =	vst v60;
	v60 =	vld [tilespmem:$0xF50];
	_ =	sdelay $0x4  }
0xfa: {  	[tilespmem:$0x1FC40] =	vst v60;
	v60 =	vld [tilespmem:$0x1350];
	_ =	sdelay $0x4  }
0xfb: {  	[tilespmem:$0x1FC90] =	vst v60;
	v60 =	vld [tilespmem:$0x1750];
	_ =	sdelay $0x4  }
0xfc: {  	[tilespmem:$0x1FCD0] =	vst v60;
	v60 =	vld [tilespmem:$0x760];
	_ =	sdelay $0x4  }
0xfd: {  	[tilespmem:$0x1FC20] =	vst v60;
	v60 =	vld [tilespmem:$0xB60];
	_ =	sdelay $0x4  }
0xfe: {  	[tilespmem:$0x1FC30] =	vst v60;
	v60 =	vld [tilespmem:$0xF60];
	_ =	sdelay $0x4  }
0xff: {  	[tilespmem:$0x1FC80] =	vst v60;
	v60 =	vld [tilespmem:$0x1360];
	_ =	sdelay $0x4  }
0x100: {  	[tilespmem:$0x1FCC0] =	vst v60;
	v60 =	vld [tilespmem:$0x1760];
	_ =	sdelay $0x1  }
0x101: {  	v5 =	vadd.f32 v5, v7;
	v3 =	vadd.f32 v3, v4  }
0x102: {  	v13 =	vadd.f32 v13, v17;
	v17 =	vld [tilespmem:$0xB70]  }
0x103: {  	v14 =	vadd.f32 v14, v5;
	v3 =	vadd.f32 v11, v3;
	v11 =	vld [tilespmem:$0xBA0]  }
0x104: {  	[tilespmem:$0x1FCF0] =	vst v60;
	v60 =	vld [tilespmem:$0x770]  }
0x105: {  	v4 =	vadd.f32 v10, v14;
	v14 =	vld [tilespmem:$0x13A0]  }
0x106: {  	v1 =	vadd.f32 v1, v2;
	v2 =	vld [tilespmem:$0x1370]  }
0x107: {  	[tilespmem:$0x1FC60] =	vst v17;
	v17 =	vld [tilespmem:$0x1770]  }
0x108: {  	[tilespmem:$0x1FD70] =	vst v11;
	v11 =	vld [tilespmem:$0x1F5F0]  }
0x109: {  	[tilespmem:$0x1FC50] =	vst v60;
	v60 =	vadd.f32 v21, v13;
	v21 =	vadd.f32 v8, v1;
	v1 =	vld [tilespmem:$0x780]  }
0x10a: {  	[tilespmem:$0x1FDF0] =	vst v14;
	v14 =	vld [tilespmem:$0x1F610]  }
0x10b: {  	v13 =	vld [tilespmem:$0xF70]  }
0x10c: {  	[tilespmem:$0x1FD20] =	vst v17;
	v17 =	vld [tilespmem:$0x1F4B0]  }
0x10d: {  	v8 =	vld [tilespmem:$0x1F4A0]  }
0x10e: {  	[tilespmem:$0x1FD00] =	vst v1;
	v1 =	vld [tilespmem:$0x1F470]  }
0x10f: {  	[tilespmem:$0x1FCE0] =	vst v2;
	v2 =	vadd.f32 v40, v60;
	v40 =	vadd.f32 v55, v4;
	v55 =	vld [tilespmem:$0x1F480]  }
0x110: {  	[tilespmem:$0x1FCA0] =	vst v13;
	v13 =	vadd.f32 v24, v27;
	v24 =	vld [tilespmem:$0x13B0]  }
0x111: {  	v60 =	vld [tilespmem:$0x1F490]  }
0x112: {  	v27 =	vld [tilespmem:$0x1F510]  }
0x113: {  	v1 =	vadd.f32 v1, v2;
	v2 =	vadd.f32 v29, v3;
	v3 =	vld [tilespmem:$0xB80]  }
0x114: {  	v29 =	vld [tilespmem:$0x790]  }
0x115: {  	[tilespmem:$0x1FE00] =	vst v24;
	v24 =	vld [tilespmem:$0xFE0]  }
0x116: {  	v42 =	vadd.f32 v42, v2;
	v2 =	vadd.f32 v23, v25;
	v23 =	vld [tilespmem:$0x1380]  }
0x117: {  	v25 =	vadd.f32 v33, v12;
	v33 =	vld [tilespmem:$0xB90]  }
0x118: {  	v12 =	vld [tilespmem:$0xFA0]  }
0x119: {  	v2 =	vadd.f32 v37, v2;
	v37 =	vld [tilespmem:$0xF90]  }
0x11a: {  	v1 =	vmul.f32 v1, v0;
	v4 =	vadd.f32 v26, v25;
	v25 =	vld [tilespmem:$0x1F500]  }
0x11b: {  	v26 =	vld [tilespmem:$0x17B0]  }
0x11c: {  	[tilespmem:$0x1900] =	vst v1;
	v1 =	vld [tilespmem:$0x1FB70]  }
0x11d: {  	[tilespmem:$0x1FD10] =	vst v3;
	v3 =	vadd.f32 v22, v21;
	v22 =	vld [tilespmem:$0xF80]  }
0x11e: {  	v21 =	vld [tilespmem:$0x1F4D0]  }
0x11f: {  	[tilespmem:$0x1FD30] =	vst v29;
	v29 =	vld [tilespmem:$0x7C0]  }
0x120: {  	v2 =	vadd.f32 v61, v2;
	v61 =	vld [tilespmem:$0x7A0];
	v36 =	vadd.f32 v36, v3  }
0x121: {  	v3 =	vadd.f32 v15, v19;
	v15 =	vadd.f32 v16, v18;
	v16 =	vld [tilespmem:$0x17A0]  }
0x122: {  	v18 =	vld [tilespmem:$0x7B0]  }
0x123: {  	v19 =	vld [tilespmem:$0x1F4C0]  }
0x124: {  	[tilespmem:$0x1FDB0] =	vst v23;
	v23 =	vld [tilespmem:$0x1F4F0]  }
0x125: {  	[tilespmem:$0x1FD40] =	vst v33;
	v33 =	vld [tilespmem:$0xBC0]  }
0x126: {  	[tilespmem:$0x1FDC0] =	vst v12;
	v12 =	vld [tilespmem:$0x13D0];
	v55 =	vadd.f32 v55, v2  }
0x127: {  	v2 =	vadd.f32 v46, v4;
	v4 =	vadd.f32 v44, v13;
	v13 =	vld [tilespmem:$0x1F600]  }
0x128: {  	[tilespmem:$0x1FE40] =	vst v26;
	v26 =	vld [tilespmem:$0x13E0]  }
0x129: {  	[tilespmem:$0x1FD50] =	vst v22;
	v22 =	vld [tilespmem:$0xFB0]  }
0x12a: {  	v46 =	vadd.f32 v8, v2;
	v2 =	vadd.f32 v39, v43;
	v39 =	vld [tilespmem:$0x1F540]  }
0x12b: {  	v43 =	vld [tilespmem:$0x1F550]  }
0x12c: {  	v3 =	vadd.f32 v30, v3;
	v8 =	vld [tilespmem:$0x1F5D0]  }
0x12d: {  	v30 =	vadd.f32 v6, v9;
	[tilespmem:$0x1FE20] =	vst v29;
	v29 =	vld [tilespmem:$0x1F6B0]  }
0x12e: {  	v3 =	vadd.f32 v53, v3;
	v53 =	vld [tilespmem:$0x1390]  }
0x12f: {  	v5 =	vadd.f32 v20, v30;
	v20 =	vld [tilespmem:$0xBB0]  }
0x130: {  	v30 =	vld [tilespmem:$0x1F520]  }
0x131: {  	[tilespmem:$0x1FE10] =	vst v16;
	v16 =	vld [tilespmem:$0x1F620]  }
0x132: {  	[tilespmem:$0x1FD90] =	vst v18;
	v18 =	vld [tilespmem:$0x7E0]  }
0x133: {  	v2 =	vadd.f32 v57, v2;
	[tilespmem:$0x1FE30] =	vst v33;
	v33 =	vld [tilespmem:$0x1F710]  }
0x134: {  	[tilespmem:$0x1FED0] =	vst v12;
	v12 =	vld [tilespmem:$0x800]  }
0x135: {  	v2 =	vadd.f32 v17, v2;
	v17 =	vadd.f32 v49, v52;
	v52 =	vld [tilespmem:$0x1F780]  }
0x136: {  	[tilespmem:$0x1FF00] =	vst v26;
	v26 =	vld [tilespmem:$0x1F860]  }
0x137: {  	[tilespmem:$0x1FDE0] =	vst v22;
	v22 =	vld [tilespmem:$0x1F650]  }
0x138: {  	[tilespmem:$0x1FD60] =	vst v61;
	v61 =	vadd.f32 v21, v2;
	v2 =	vld [tilespmem:$0x1F4E0]  }
0x139: {  	[tilespmem:$0x1FDD0] =	vst v53;
	v53 =	vadd.f32 v60, v3;
	v3 =	vadd.f32 v38, v5;
	v38 =	vld [tilespmem:$0xFC0]  }
0x13a: {  	v60 =	vld [tilespmem:$0x1F5A0]  }
0x13b: {  	v5 =	vadd.f32 v35, v15;
	v15 =	vld [tilespmem:$0x17D0]  }
0x13c: {  	[tilespmem:$0x1FDA0] =	vst v20;
	v20 =	vld [tilespmem:$0x1F640]  }
0x13d: {  	[tilespmem:$0x1FD80] =	vst v37;
	v21 =	vld [tilespmem:$0xBE0];
	v37 =	vadd.f32 v56, v3;
	v3 =	vadd.f32 v31, v34  }
0x13e: {  	v35 =	vadd.f32 v28, v32;
	v28 =	vld [tilespmem:$0x17E0]  }
0x13f: {  	v32 =	vld [tilespmem:$0x1F700];
	v3 =	vadd.f32 v47, v3  }
0x140: {  	[tilespmem:$0x1FE80] =	vst v18;
	v18 =	vld [tilespmem:$0x1F7F0];
	v2 =	vadd.f32 v2, v4  }
0x141: {  	[tilespmem:$0x1FF40] =	vst v12;
	v12 =	vld [tilespmem:$0x1F960];
	v3 =	vadd.f32 v19, v3  }
0x142: {  	v34 =	vld [tilespmem:$0x1F530];
	v56 =	vadd.f32 v25, v2;
	v2 =	vadd.f32 v59, v62  }
0x143: {  	v47 =	vld [tilespmem:$0x1F560];
	v57 =	vadd.f32 v23, v3;
	v3 =	vadd.f32 v58, v5  }
0x144: {  	v31 =	vadd.f32 v41, v45;
	v41 =	vld [tilespmem:$0x13C0];
	v2 =	vadd.f32 v30, v2  }
0x145: {  	v45 =	vld [tilespmem:$0x17C0];
	v44 =	vadd.f32 v27, v3;
	v3 =	vadd.f32 v48, v50  }
0x146: {  	v50 =	vld [tilespmem:$0x1F580];
	v2 =	vadd.f32 v39, v2  }
0x147: {  	v4 =	vadd.f32 v63, v31;
	v63 =	vld [tilespmem:$0xFD0];
	v3 =	vadd.f32 v34, v3  }
0x148: {  	v59 =	vadd.f32 v47, v2;
	v2 =	vld [tilespmem:$0x1F570]  }
0x149: {  	v31 =	vld [tilespmem:$0x1F6E0];
	v3 =	vadd.f32 v43, v3  }
0x14a: {  	v5 =	vadd.f32 v51, v35;
	v51 =	vld [tilespmem:$0xBD0]  }
0x14b: {  	v58 =	vadd.f32 v50, v3;
	v3 =	vld [tilespmem:$0x1F590]  }
0x14c: {  	[tilespmem:$0x1FE70] =	vst v38;
	v38 =	vld [tilespmem:$0x1F730]  }
0x14d: {  	[tilespmem:$0x1FF10] =	vst v15;
	v15 =	vld [tilespmem:$0x1F7D0];
	v2 =	vadd.f32 v2, v4  }
0x14e: {  	v62 =	vld [tilespmem:$0x1F5C0]  }
0x14f: {  	[tilespmem:$0x1FE60] =	vst v51;
	v51 =	vadd.f32 v60, v2;
	v2 =	vld [tilespmem:$0x1F5B0]  }
0x150: {  	[tilespmem:$0x1FE90] =	vst v21;
	v21 =	vld [tilespmem:$0x1F820];
	v3 =	vadd.f32 v3, v5  }
0x151: {  	[tilespmem:$0x1FF30] =	vst v28;
	v28 =	vld [tilespmem:$0x1F870]  }
0x152: {  	v50 =	vadd.f32 v8, v3;
	v3 =	vld [tilespmem:$0x1F5E0]  }
0x153: {  	v19 =	vld [tilespmem:$0x1F630]  }
0x154: {  	v25 =	vld [tilespmem:$0x1F670];
	v2 =	vadd.f32 v62, v2  }
0x155: {  	v23 =	vld [tilespmem:$0x1F660]  }
0x156: {  	[tilespmem:$0x1FEB0] =	vst v41;
	v41 =	vld [tilespmem:$0x1F740];
	v2 =	vadd.f32 v13, v2  }
0x157: {  	[tilespmem:$0x1FEF0] =	vst v45;
	v45 =	vld [tilespmem:$0x1F760];
	v3 =	vadd.f32 v11, v3  }
0x158: {  	v27 =	vld [tilespmem:$0x1F690];
	v2 =	vadd.f32 v19, v2  }
0x159: {  	v35 =	vld [tilespmem:$0x1F720];
	v3 =	vadd.f32 v16, v3  }
0x15a: {  	v5 =	vadd.f32 v23, v17;
	v17 =	vadd.f32 v25, v2;
	v2 =	vld [tilespmem:$0x1F680]  }
0x15b: {  	v30 =	vld [tilespmem:$0x1F6D0];
	v4 =	vadd.f32 v54, v14;
	v3 =	vadd.f32 v22, v3  }
0x15c: {  	v48 =	vld [tilespmem:$0x7D0]  }
0x15d: {  	v4 =	vadd.f32 v20, v4;
	v62 =	vadd.f32 v27, v3;
	v3 =	vld [tilespmem:$0x1F6A0]  }
0x15e: {  	[tilespmem:$0x1FEA0] =	vst v63;
	v63 =	vld [tilespmem:$0x1F790]  }
0x15f: {  	v47 =	vld [tilespmem:$0x13F0];
	v2 =	vadd.f32 v2, v4  }
0x160: {  	v43 =	vld [tilespmem:$0x1F750]  }
0x161: {  	v54 =	vadd.f32 v29, v2;
	v2 =	vld [tilespmem:$0x1F6C0]  }
0x162: {  	[tilespmem:$0x1FE50] =	vst v48;
	v48 =	vld [tilespmem:$0x1F770];
	v3 =	vadd.f32 v3, v5  }
0x163: {  	v14 =	vld [tilespmem:$0xC00]  }
0x164: {  	v49 =	vadd.f32 v31, v3;
	v3 =	vld [tilespmem:$0x1F6F0]  }
0x165: {  	[tilespmem:$0x1FF20] =	vst v47;
	v47 =	vld [tilespmem:$0x1F8F0]  }
0x166: {  	v13 =	vld [tilespmem:$0x1F7B0];
	v2 =	vadd.f32 v30, v2  }
0x167: {  	v11 =	vld [tilespmem:$0x1F7A0]  }
0x168: {  	v60 =	vld [tilespmem:$0x17F0];
	v2 =	vadd.f32 v33, v2  }
0x169: {  	v20 =	vld [tilespmem:$0x1400];
	v3 =	vadd.f32 v32, v3  }
0x16a: {  	v23 =	vld [tilespmem:$0x1800];
	v5 =	vadd.f32 v45, v43;
	v2 =	vadd.f32 v48, v2  }
0x16b: {  	v8 =	vld [tilespmem:$0x1F950];
	v3 =	vadd.f32 v41, v3  }
0x16c: {  	v5 =	vadd.f32 v11, v5;
	v11 =	vadd.f32 v13, v2;
	v2 =	vld [tilespmem:$0x1F7C0]  }
0x16d: {  	[tilespmem:$0x1FF50] =	vst v14;
	v14 =	vld [tilespmem:$0x1F990];
	v4 =	vadd.f32 v38, v35;
	v3 =	vadd.f32 v63, v3  }
0x16e: {  	[tilespmem:$0x1FF60] =	vst v60;
	v60 =	vld [tilespmem:$0x1F930]  }
0x16f: {  	[tilespmem:$0x1FEC0] =	vst v24;
	v4 =	vadd.f32 v52, v4;
	v24 =	vadd.f32 v15, v3;
	v3 =	vld [tilespmem:$0x1F7E0]  }
0x170: {  	v19 =	vld [tilespmem:$0x1F810]  }
0x171: {  	v16 =	vld [tilespmem:$0x1000];
	v2 =	vadd.f32 v2, v4  }
0x172: {  	v25 =	vld [tilespmem:$0x1F850]  }
0x173: {  	v27 =	vadd.f32 v18, v2;
	v2 =	vld [tilespmem:$0x1F800]  }
0x174: {  	v22 =	vld [tilespmem:$0x1F840];
	v3 =	vadd.f32 v3, v5  }
0x175: {  	v35 =	vld [tilespmem:$0x1F8C0]  }
0x176: {  	v63 =	vadd.f32 v21, v3;
	v3 =	vld [tilespmem:$0x1F830]  }
0x177: {  	v33 =	vld [tilespmem:$0x1F8B0]  }
0x178: {  	v30 =	vld [tilespmem:$0x1F880];
	v2 =	vadd.f32 v19, v2  }
0x179: {  	v38 =	vld [tilespmem:$0x1010]  }
0x17a: {  	v41 =	vld [tilespmem:$0x1F8D0];
	v2 =	vadd.f32 v25, v2  }
0x17b: {  	v52 =	vld [tilespmem:$0x1F910];
	v3 =	vadd.f32 v22, v3  }
0x17c: {  	v31 =	vld [tilespmem:$0x1F890];
	v2 =	vadd.f32 v33, v2  }
0x17d: {  	v32 =	vld [tilespmem:$0x1F8A0];
	v3 =	vadd.f32 v30, v3  }
0x17e: {  	v21 =	vadd.f32 v47, v2;
	v2 =	vld [tilespmem:$0x1F900]  }
0x17f: {  	v43 =	vld [tilespmem:$0x1F8E0];
	v4 =	vadd.f32 v28, v26;
	v3 =	vadd.f32 v41, v3  }
0x180: {  	[tilespmem:$0x1FF90] =	vst v20;
	v20 =	vld [tilespmem:$0x1F9D0]  }
0x181: {  	[tilespmem:$0x1FFB0] =	vst v23;
	v4 =	vadd.f32 v35, v4;
	v23 =	vadd.f32 v52, v3;
	v3 =	vld [tilespmem:$0x1F920]  }
0x182: {  	[tilespmem:$0x1FF70] =	vst v16;
	v16 =	vld [tilespmem:$0x1F9B0];
	v5 =	vadd.f32 v32, v31  }
0x183: {  	v45 =	vld [tilespmem:$0x1410];
	v2 =	vadd.f32 v2, v4  }
0x184: {  	[tilespmem:$0x1FF80] =	vst v38;
	v38 =	vld [tilespmem:$0x1FA20];
	v5 =	vadd.f32 v43, v5  }
0x185: {  	v25 =	vadd.f32 v60, v2;
	v2 =	vld [tilespmem:$0x1F940]  }
0x186: {  	v13 =	vld [tilespmem:$0x1F980];
	v3 =	vadd.f32 v3, v5  }
0x187: {  	v15 =	vld [tilespmem:$0x1F9A0]  }
0x188: {  	v28 =	vadd.f32 v12, v3;
	v3 =	vld [tilespmem:$0x1F970]  }
0x189: {  	v30 =	vld [tilespmem:$0x1F9F0]  }
0x18a: {  	v19 =	vld [tilespmem:$0x1F9C0];
	v2 =	vadd.f32 v8, v2  }
0x18b: {  	v41 =	vld [tilespmem:$0x1FA30]  }
0x18c: {  	v35 =	vld [tilespmem:$0x1FA10];
	v2 =	vadd.f32 v14, v2  }
0x18d: {  	[tilespmem:$0x1FFA0] =	vst v45;
	v45 =	vld [tilespmem:$0x1FA50];
	v3 =	vadd.f32 v13, v3  }
0x18e: {  	v33 =	vld [tilespmem:$0x1FA00];
	v2 =	vadd.f32 v30, v2  }
0x18f: {  	v22 =	vld [tilespmem:$0x1F9E0];
	v3 =	vadd.f32 v19, v3  }
0x190: {  	v4 =	vadd.f32 v16, v15;
	v16 =	vadd.f32 v41, v2;
	v2 =	vld [tilespmem:$0x1FA40]  }
0x191: {  	v26 =	vld [tilespmem:$0x1820];
	v3 =	vadd.f32 v35, v3  }
0x192: {  	v8 =	vld [tilespmem:$0x1FA70]  }
0x193: {  	v4 =	vadd.f32 v33, v4;
	v19 =	vadd.f32 v45, v3;
	v3 =	vld [tilespmem:$0x1FA60]  }
0x194: {  	v18 =	vld [tilespmem:$0x1420];
	v5 =	vadd.f32 v22, v20  }
0x195: {  	v13 =	vld [tilespmem:$0x1FAA0];
	v2 =	vadd.f32 v2, v4  }
0x196: {  	v5 =	vadd.f32 v38, v5;
	v12 =	vld [tilespmem:$0x1FA90]  }
0x197: {  	v20 =	vadd.f32 v8, v2;
	v2 =	vld [tilespmem:$0x1FA80]  }
0x198: {  	v15 =	vld [tilespmem:$0x1FAD0];
	v3 =	vadd.f32 v3, v5  }
0x199: {  	v14 =	vld [tilespmem:$0x1FAC0]  }
0x19a: {  	v22 =	vadd.f32 v13, v3;
	v3 =	vld [tilespmem:$0x1FAB0]  }
0x19b: {  	v30 =	vld [tilespmem:$0x1FB00]  }
0x19c: {  	v13 =	vld [tilespmem:$0x1FB30];
	v2 =	vadd.f32 v12, v2  }
0x19d: {  	[tilespmem:$0x1FFE0] =	vst v26;
	v26 =	vld [tilespmem:$0x1FAF0]  }
0x19e: {  	v2 =	vadd.f32 v15, v2;
	v15 =	vld [tilespmem:$0x1FB50]  }
0x19f: {  	[tilespmem:$0x1FFC0] =	vst v18;
	v18 =	vld [tilespmem:$0x1FAE0];
	v3 =	vadd.f32 v14, v3;
	_ =	sdelay $0x1  }
0x1a0: {  	v14 =	vld [tilespmem:$0x1FB40];
	v2 =	vadd.f32 v13, v2;
	v3 =	vadd.f32 v30, v3  }
0x1a1: {  	v35 =	vld [tilespmem:$0x1FB10]  }
0x1a2: {  	v3 =	vadd.f32 v15, v3;
	v15 =	vadd.f32 v1, v2;
	v1 =	vld [tilespmem:$0x1FB80];
	v2 =	vmul.f32 v42, v0  }
0x1a3: {  	v4 =	vadd.f32 v26, v18;
	v12 =	vld [tilespmem:$0x1FB20]  }
0x1a4: {  	[tilespmem:$0x1920] =	vst v2;
	v2 =	vld [tilespmem:$0x1FBB0]  }
0x1a5: {  	v4 =	vadd.f32 v14, v4  }
0x1a6: {  	v26 =	vmul.f32 v40, v0  }
0x1a7: {  	v1 =	vadd.f32 v1, v4  }
0x1a8: {  	[tilespmem:$0x1910] =	vst v26;
	v26 =	vld [tilespmem:$0x1FB90]  }
0x1a9: {  	v5 =	vadd.f32 v12, v35;
	v12 =	vadd.f32 v2, v1;
	v1 =	vld [tilespmem:$0x1FBC0]  }
0x1aa: {  	v2 =	vld [tilespmem:$0x1FBD0];
	_ =	sdelay $0x1  }
0x1ab: {  	v18 =	vld [tilespmem:$0x1FB60];
	_ =	sdelay $0x1  }
0x1ac: {  	v14 =	vadd.f32 v26, v3;
	v3 =	vld [tilespmem:$0x1FBA0]  }
0x1ad: {  	v1 =	vadd.f32 v2, v1;
	v2 =	vmul.f32 v55, v0  }
0x1ae: {  	v55 =	vld [tilespmem:$0x1FBE0]  }
0x1af: {  	v5 =	vadd.f32 v18, v5;
	[tilespmem:$0x1940] =	vst v2;
	v2 =	vld [tilespmem:$0x1FC10];
	_ =	sdelay $0x1  }
0x1b0: {  	v8 =	vld [tilespmem:$0x1FC00];
	v3 =	vadd.f32 v3, v5  }
0x1b1: {  	v18 =	vld [tilespmem:$0x1840]  }
0x1b2: {  	v13 =	vadd.f32 v55, v3;
	v3 =	vld [tilespmem:$0x1FBF0]  }
0x1b3: {  	v4 =	vadd.f32 v2, v1;
	v1 =	vld [tilespmem:$0x1FC20]  }
0x1b4: {  	v2 =	vld [tilespmem:$0x1FC30];
	_ =	sdelay $0x1  }
0x1b5: {  	[tilespmem:$0x1FFF0] =	vst v18;
	v18 =	vld [tilespmem:$0x1FC40];
	_ =	sdelay $0x2  }
0x1b6: {  	v3 =	vadd.f32 v8, v3;
	v2 =	vadd.f32 v2, v1;
	v1 =	vmul.f32 v46, v0;
	_ =	sdelay $0x1  }
0x1b7: {  	v3 =	vadd.f32 v18, v3;
	v18 =	vmul.f32 v61, v0;
	[tilespmem:$0x1960] =	vst v1;
	v1 =	vld [tilespmem:$0x1FC70];
	_ =	sdelay $0x1  }
0x1b8: {  	[tilespmem:$0x1980] =	vst v18;
	v18 =	vld [tilespmem:$0x1FCB0];
	_ =	sdelay $0x2  }
0x1b9: {  	v8 =	vld [tilespmem:$0x1FC80];
	v1 =	vadd.f32 v1, v4  }
0x1ba: {  	v53 =	vmul.f32 v53, v0  }
0x1bb: {  	v37 =	vmul.f32 v37, v0;
	v7 =	vadd.f32 v18, v1;
	v1 =	vld [tilespmem:$0x1FCC0]  }
0x1bc: {  	[tilespmem:$0x1950] =	vst v53;
	v53 =	vld [tilespmem:$0x1FC50]  }
0x1bd: {  	[tilespmem:$0x1970] =	vst v37;
	v37 =	vld [tilespmem:$0x1FC90]  }
0x1be: {  	v55 =	vld [tilespmem:$0x1FC60];
	v2 =	vadd.f32 v8, v2  }
0x1bf: {  	v8 =	vld [tilespmem:$0x1FCA0]  }
0x1c0: {  	v1 =	vadd.f32 v1, v2;
	v2 =	vld [tilespmem:$0x1FCD0];
	_ =	sdelay $0x2  }
0x1c1: {  	v53 =	vadd.f32 v55, v53;
	v3 =	vadd.f32 v37, v3;
	_ =	sdelay $0x1  }
0x1c2: {  	v37 =	vadd.f32 v8, v53;
	v8 =	vadd.f32 v2, v3;
	v2 =	vld [tilespmem:$0x1FCE0];
	_ =	sdelay $0x2  }
0x1c3: {  	v53 =	vmul.f32 v57, v0;
	_ =	sdelay $0x1  }
0x1c4: {  	[tilespmem:$0x1990] =	vst v53;
	v53 =	vadd.f32 v2, v37;
	v2 =	vld [tilespmem:$0x1FCF0];
	_ =	sdelay $0x4  }
0x1c5: {  	v6 =	vadd.f32 v2, v1;
	v1 =	vld [tilespmem:$0x1FD00]  }
0x1c6: {  	v2 =	vld [tilespmem:$0x1FD10];
	_ =	sdelay $0x4  }
0x1c7: {  	v2 =	vadd.f32 v2, v1;
	v1 =	vld [tilespmem:$0x1FD20];
	_ =	sdelay $0x3  }
0x1c8: {  	v3 =	vld [tilespmem:$0x1FD40]  }
0x1c9: {  	v53 =	vadd.f32 v1, v53;
	v1 =	vld [tilespmem:$0x1FD30];
	_ =	sdelay $0x2  }
0x1ca: {  	v44 =	vmul.f32 v44, v0;
	_ =	sdelay $0x1  }
0x1cb: {  	[tilespmem:$0x19B0] =	vst v44;
	v44 =	vadd.f32 v3, v1;
	v3 =	vld [tilespmem:$0x1FD50];
	_ =	sdelay $0x1  }
0x1cc: {  	v59 =	vmul.f32 v59, v0;
	_ =	sdelay $0x1  }
0x1cd: {  	[tilespmem:$0x19C0] =	vst v59;
	v59 =	vld [tilespmem:$0x1FD70]  }
0x1ce: {  	v3 =	vadd.f32 v3, v2;
	v2 =	vld [tilespmem:$0x1FD60];
	_ =	sdelay $0x3  }
0x1cf: {  	v1 =	vmul.f32 v58, v0  }
0x1d0: {  	v59 =	vadd.f32 v59, v2;
	v2 =	vmul.f32 v51, v0  }
0x1d1: {  	[tilespmem:$0x19D0] =	vst v1;
	v1 =	vld [tilespmem:$0x1FD80]  }
0x1d2: {  	v50 =	vmul.f32 v50, v0;
	[tilespmem:$0x19E0] =	vst v2;
	v2 =	vld [tilespmem:$0x1FDB0]  }
0x1d3: {  	v9 =	vld [tilespmem:$0x1790]  }
0x1d4: {  	[tilespmem:$0x19F0] =	vst v50;
	v50 =	vld [tilespmem:$0x1FDD0]  }
0x1d5: {  	v4 =	vld [tilespmem:$0x1FD90]  }
0x1d6: {  	v1 =	vadd.f32 v1, v44;
	v44 =	vld [tilespmem:$0x1FDA0]  }
0x1d7: {  	v2 =	vadd.f32 v2, v3;
	v3 =	vld [tilespmem:$0x1FDC0]  }
0x1d8: {  	v10 =	vld [tilespmem:$0x1780]  }
0x1d9: {  	v62 =	vmul.f32 v62, v0;
	v1 =	vadd.f32 v50, v1;
	v50 =	vld [tilespmem:$0x1FDE0];
	_ =	sdelay $0x1  }
0x1da: {  	[tilespmem:$0x1A10] =	vst v62;
	v62 =	vadd.f32 v9, v1;
	v1 =	vld [tilespmem:$0x1FE00]  }
0x1db: {  	v4 =	vadd.f32 v44, v4;
	v3 =	vadd.f32 v3, v59;
	v59 =	vmul.f32 v17, v0;
	_ =	sdelay $0x1  }
0x1dc: {  	v4 =	vadd.f32 v50, v4;
	[tilespmem:$0x1A00] =	vst v59;
	v59 =	vadd.f32 v10, v2;
	v2 =	vld [tilespmem:$0x1FDF0];
	_ =	sdelay $0x1  }
0x1dd: {  	v4 =	vadd.f32 v1, v4;
	v1 =	vld [tilespmem:$0x1FE10]  }
0x1de: {  	v36 =	vmul.f32 v36, v0;
	_ =	sdelay $0x1  }
0x1df: {  	[tilespmem:$0x1930] =	vst v36;
	v36 =	vld [tilespmem:$0x1450];
	v54 =	vmul.f32 v54, v0;
	v3 =	vadd.f32 v2, v3  }
0x1e0: {  	v2 =	vld [tilespmem:$0x1FE30]  }
0x1e1: {  	v56 =	vmul.f32 v56, v0;
	[tilespmem:$0x1A20] =	vst v54;
	v54 =	vadd.f32 v1, v3;
	v1 =	vld [tilespmem:$0x1FE20]  }
0x1e2: {  	v39 =	vld [tilespmem:$0xFF0]  }
0x1e3: {  	[tilespmem:$0x19A0] =	vst v56;
	v56 =	vld [tilespmem:$0x870]  }
0x1e4: {  	v48 =	vld [tilespmem:$0x1810]  }
0x1e5: {  	v34 =	vld [tilespmem:$0x7F0]  }
0x1e6: {  	v2 =	vadd.f32 v2, v1;
	v1 =	vld [tilespmem:$0x1FE40]  }
0x1e7: {  	[tilespmem:$0x1FEE0] =	vst v39;
	v39 =	vld [tilespmem:$0x810]  }
0x1e8: {  	v29 =	vld [tilespmem:$0xBF0]  }
0x1e9: {  	v49 =	vmul.f32 v49, v0;
	[tilespmem:$0x1FFD0] =	vst v48;
	v48 =	vld [tilespmem:$0x1030]  }
0x1ea: {  	v11 =	vmul.f32 v11, v0;
	v3 =	vld [tilespmem:$0x1FE60]  }
0x1eb: {  	[tilespmem:$0x1A30] =	vst v49;
	v49 =	vadd.f32 v1, v4;
	v1 =	vld [tilespmem:$0x1FE50]  }
0x1ec: {  	[tilespmem:$0x1A40] =	vst v11;
	v11 =	vld [tilespmem:$0x1FE90]  }
0x1ed: {  	v32 =	vld [tilespmem:$0xC10]  }
0x1ee: {  	v31 =	vld [tilespmem:$0x1020];
	v27 =	vmul.f32 v27, v0  }
0x1ef: {  	v43 =	vld [tilespmem:$0x820]  }
0x1f0: {  	[tilespmem:$0x1A60] =	vst v27;
	v27 =	vld [tilespmem:$0x1090];
	v4 =	vadd.f32 v3, v1;
	v1 =	vmul.f32 v24, v0  }
0x1f1: {  	v47 =	vld [tilespmem:$0xC20]  }
0x1f2: {  	[tilespmem:$0x1A50] =	vst v1;
	v1 =	vld [tilespmem:$0x1FEA0]  }
0x1f3: {  	v52 =	vld [tilespmem:$0x830]  }
0x1f4: {  	v60 =	vld [tilespmem:$0xC30]  }
0x1f5: {  	v3 =	vld [tilespmem:$0x1FE70]  }
0x1f6: {  	v21 =	vmul.f32 v21, v0;
	v33 =	vld [tilespmem:$0x1830]  }
0x1f7: {  	v1 =	vadd.f32 v1, v4;
	v4 =	vadd.f32 v29, v34;
	v29 =	vmul.f32 v63, v0;
	v63 =	vld [tilespmem:$0x1FEB0]  }
0x1f8: {  	[tilespmem:$0x1A80] =	vst v21;
	v21 =	vmul.f32 v25, v0;
	v25 =	vld [tilespmem:$0x1890]  }
0x1f9: {  	v38 =	vld [tilespmem:$0x1430]  }
0x1fa: {  	v2 =	vadd.f32 v3, v2;
	v3 =	vld [tilespmem:$0x1FE80]  }
0x1fb: {  	v23 =	vmul.f32 v23, v0;
	[tilespmem:$0x1AA0] =	vst v21;
	v21 =	vld [tilespmem:$0x1FF40]  }
0x1fc: {  	v2 =	vadd.f32 v63, v2;
	v63 =	vld [tilespmem:$0x1FEC0]  }
0x1fd: {  	[tilespmem:$0x1A90] =	vst v23;
	v23 =	vmul.f32 v28, v0;
	v28 =	vld [tilespmem:$0x8A0]  }
0x1fe: {  	v52 =	vadd.f32 v60, v52;
	v60 =	vld [tilespmem:$0x1FF90]  }
0x1ff: {  	[tilespmem:$0x1AB0] =	vst v23;
	v23 =	vld [tilespmem:$0x1FF60];
	v11 =	vadd.f32 v11, v3  }
0x200: {  	v48 =	vadd.f32 v48, v52;
	v52 =	vld [tilespmem:$0x1FFB0]  }
0x201: {  	v11 =	vadd.f32 v63, v11;
	v63 =	vld [tilespmem:$0x1FED0]  }
0x202: {  	v41 =	vld [tilespmem:$0x840]  }
0x203: {  	v45 =	vld [tilespmem:$0xC40];
	v20 =	vmul.f32 v20, v0  }
0x204: {  	v40 =	vld [tilespmem:$0x850]  }
0x205: {  	[tilespmem:$0x1AE0] =	vst v20;
	v20 =	vld [tilespmem:$0x10B0];
	v22 =	vmul.f32 v22, v0  }
0x206: {  	v1 =	vadd.f32 v63, v1;
	v63 =	vld [tilespmem:$0x1FEE0]  }
0x207: {  	[tilespmem:$0x1AF0] =	vst v22;
	v22 =	vld [tilespmem:$0x14B0]  }
0x208: {  	v35 =	vld [tilespmem:$0x1040]  }
0x209: {  	v30 =	vld [tilespmem:$0x1440]  }
0x20a: {  	v42 =	vld [tilespmem:$0x1050]  }
0x20b: {  	v4 =	vadd.f32 v63, v4;
	v63 =	vld [tilespmem:$0x1FEF0]  }
0x20c: {  	v38 =	vadd.f32 v38, v48;
	v26 =	vld [tilespmem:$0xC50];
	v13 =	vmul.f32 v13, v0  }
0x20d: {  	v5 =	vld [tilespmem:$0xC80]  }
0x20e: {  	[tilespmem:$0x1B30] =	vst v13;
	v13 =	vadd.f32 v33, v38;
	v33 =	vld [tilespmem:$0xCC0]  }
0x20f: {  	v38 =	vld [tilespmem:$0x10C0]  }
0x210: {  	v2 =	vadd.f32 v63, v2;
	v63 =	vld [tilespmem:$0x1FF00]  }
0x211: {  	v55 =	vld [tilespmem:$0x860]  }
0x212: {  	v46 =	vld [tilespmem:$0x1850]  }
0x213: {  	v61 =	vld [tilespmem:$0xC60]  }
0x214: {  	v57 =	vld [tilespmem:$0x1060]  }
0x215: {  	v11 =	vadd.f32 v63, v11;
	v63 =	vld [tilespmem:$0x1FF10]  }
0x216: {  	v18 =	vld [tilespmem:$0x1460]  }
0x217: {  	v37 =	vld [tilespmem:$0x1860]  }
0x218: {  	v58 =	vld [tilespmem:$0xC70]  }
0x219: {  	v51 =	vld [tilespmem:$0x1070]  }
0x21a: {  	v1 =	vadd.f32 v63, v1;
	v63 =	vld [tilespmem:$0x1FF20]  }
0x21b: {  	v9 =	vld [tilespmem:$0x1080]  }
0x21c: {  	v44 =	vld [tilespmem:$0x1470]  }
0x21d: {  	v50 =	vld [tilespmem:$0x880]  }
0x21e: {  	v17 =	vld [tilespmem:$0x1870]  }
0x21f: {  	v54 =	vmul.f32 v54, v0;
	v4 =	vadd.f32 v63, v4;
	v63 =	vld [tilespmem:$0x1FF30]  }
0x220: {  	v10 =	vld [tilespmem:$0x1480]  }
0x221: {  	[tilespmem:$0x1BA0] =	vst v54;
	v54 =	vld [tilespmem:$0x14F0]  }
0x222: {  	v34 =	vld [tilespmem:$0xC90]  }
0x223: {  	v3 =	vld [tilespmem:$0x890]  }
0x224: {  	v11 =	vadd.f32 v63, v11;
	v63 =	vld [tilespmem:$0x1FF50]  }
0x225: {  	v24 =	vld [tilespmem:$0x1880]  }
0x226: {  	v4 =	vadd.f32 v23, v4;
	v23 =	vadd.f32 v32, v39;
	v39 =	vld [tilespmem:$0x1FF70]  }
0x227: {  	[tilespmem:$0x1A70] =	vst v29;
	v29 =	vld [tilespmem:$0x1490]  }
0x228: {  	v3 =	vadd.f32 v34, v3;
	v34 =	vld [tilespmem:$0x8E0]  }
0x229: {  	v16 =	vmul.f32 v16, v0;
	v32 =	vld [tilespmem:$0x10A0];
	v21 =	vadd.f32 v63, v21  }
0x22a: {  	v63 =	vld [tilespmem:$0xCA0]  }
0x22b: {  	[tilespmem:$0x1AC0] =	vst v16;
	v16 =	vadd.f32 v39, v21;
	v39 =	vld [tilespmem:$0x14A0]  }
0x22c: {  	v21 =	vadd.f32 v47, v43;
	v47 =	vld [tilespmem:$0x1FF80]  }
0x22d: {  	v19 =	vmul.f32 v19, v0;
	v48 =	vadd.f32 v45, v41;
	v15 =	vmul.f32 v15, v0;
	v43 =	vld [tilespmem:$0x18A0]  }
0x22e: {  	v14 =	vmul.f32 v14, v0;
	v16 =	vadd.f32 v60, v16;
	v31 =	vadd.f32 v31, v21;
	v21 =	vld [tilespmem:$0x8B0]  }
0x22f: {  	[tilespmem:$0x1AD0] =	vst v19;
	v12 =	vmul.f32 v12, v0;
	v5 =	vadd.f32 v5, v50;
	v2 =	vmul.f32 v2, v0;
	v60 =	vld [tilespmem:$0x1FFC0]  }
0x230: {  	[tilespmem:$0x1B00] =	vst v15;
	v1 =	vmul.f32 v1, v0;
	v15 =	vadd.f32 v52, v16;
	v52 =	vadd.f32 v26, v40;
	v26 =	vld [tilespmem:$0x8C0]  }
0x231: {  	v7 =	vmul.f32 v7, v0;
	[tilespmem:$0x1BC0] =	vst v2;
	v2 =	vadd.f32 v9, v5;
	v19 =	vadd.f32 v47, v23;
	v47 =	vld [tilespmem:$0x1FFA0]  }
0x232: {  	v8 =	vmul.f32 v8, v0;
	[tilespmem:$0x1BD0] =	vst v1;
	v1 =	vadd.f32 v27, v3;
	v40 =	vadd.f32 v61, v55;
	v55 =	vld [tilespmem:$0x8D0]  }
0x233: {  	v6 =	vmul.f32 v6, v0;
	v45 =	vadd.f32 v58, v56;
	v2 =	vadd.f32 v10, v2;
	v23 =	vld [tilespmem:$0xCB0]  }
0x234: {  	[tilespmem:$0x1B10] =	vst v14;
	v1 =	vadd.f32 v29, v1;
	v41 =	vadd.f32 v42, v52;
	v42 =	vmul.f32 v53, v0;
	v53 =	vld [tilespmem:$0x1FFF0]  }
0x235: {  	[tilespmem:$0x1B20] =	vst v12;
	v2 =	vadd.f32 v24, v2;
	v52 =	vmul.f32 v62, v0;
	v62 =	vadd.f32 v63, v28;
	v63 =	vld [tilespmem:$0x18D0]  }
0x236: {  	[tilespmem:$0x1B40] =	vst v7;
	v56 =	vmul.f32 v49, v0;
	v1 =	vadd.f32 v25, v1;
	v19 =	vadd.f32 v47, v19;
	v47 =	vld [tilespmem:$0x1FFE0]  }
0x237: {  	[tilespmem:$0x1B50] =	vst v8;
	v2 =	vmul.f32 v2, v0;
	v16 =	vadd.f32 v60, v31;
	v31 =	vld [tilespmem:$0x1FFD0];
	v60 =	vadd.f32 v35, v48  }
0x238: {  	[tilespmem:$0x1B60] =	vst v6;
	v48 =	vmul.f32 v59, v0;
	v35 =	vadd.f32 v51, v45;
	v59 =	vld [tilespmem:$0x10D0];
	v8 =	vadd.f32 v36, v41  }
0x239: {  	[tilespmem:$0x1BB0] =	vst v56;
	v3 =	vmul.f32 v4, v0;
	v45 =	vld [tilespmem:$0x10E0];
	v9 =	vadd.f32 v32, v62  }
0x23a: {  	[tilespmem:$0x1C80] =	vst v2;
	v1 =	vmul.f32 v1, v0;
	v41 =	vld [tilespmem:$0x8F0];
	v35 =	vadd.f32 v44, v35;
	v8 =	vadd.f32 v46, v8  }
0x23b: {  	[tilespmem:$0x1BF0] =	vst v3;
	v44 =	vld [tilespmem:$0xCF0];
	v12 =	vadd.f32 v47, v16;
	v16 =	vadd.f32 v57, v40  }
0x23c: {  	[tilespmem:$0x1C90] =	vst v1;
	v61 =	vmul.f32 v11, v0;
	v28 =	vadd.f32 v23, v21;
	v9 =	vadd.f32 v39, v9;
	v57 =	vld [tilespmem:$0xCD0]  }
0x23d: {  	[tilespmem:$0x1B80] =	vst v48;
	v48 =	vld [tilespmem:$0x10F0];
	v14 =	vadd.f32 v31, v19;
	v16 =	vadd.f32 v18, v16  }
0x23e: {  	[tilespmem:$0x1BE0] =	vst v61;
	v17 =	vadd.f32 v17, v35;
	v35 =	vmul.f32 v15, v0;
	v31 =	vld [tilespmem:$0x18B0];
	v4 =	vadd.f32 v20, v28  }
0x23f: {  	[tilespmem:$0x1B70] =	vst v42;
	v3 =	vmul.f32 v14, v0;
	v47 =	vadd.f32 v30, v60;
	v58 =	vadd.f32 v37, v16;
	v37 =	vld [tilespmem:$0xCE0]  }
0x240: {  	[tilespmem:$0x1B90] =	vst v52;
	v46 =	vadd.f32 v43, v9;
	v49 =	vmul.f32 v8, v0;
	v4 =	vadd.f32 v22, v4;
	v60 =	vld [tilespmem:$0x14D0]  }
0x241: {  	v30 =	vld [tilespmem:$0x14C0];
	[tilespmem:$0x1C10] =	vst v3;
	v3 =	vmul.f32 v13, v0;
	v6 =	vadd.f32 v53, v47;
	v50 =	vadd.f32 v57, v55  }
0x242: {  	v51 =	vld [tilespmem:$0x14E0];
	[tilespmem:$0x1C00] =	vst v35;
	v42 =	vmul.f32 v12, v0;
	v47 =	vadd.f32 v33, v26;
	v12 =	vadd.f32 v44, v41  }
0x243: {  	v36 =	vld [tilespmem:$0x18C0];
	v56 =	vmul.f32 v17, v0;
	[tilespmem:$0x1C30] =	vst v3;
	v3 =	vadd.f32 v31, v4;
	v55 =	vadd.f32 v59, v50  }
0x244: {  	[tilespmem:$0x1C50] =	vst v49;
	v6 =	vmul.f32 v6, v0;
	v52 =	vadd.f32 v38, v47;
	v59 =	vld [tilespmem:$0x18F0];
	v53 =	vadd.f32 v37, v34  }
0x245: {  	v5 =	vmul.f32 v46, v0;
	[tilespmem:$0x1C70] =	vst v56;
	v57 =	vld [tilespmem:$0x18E0];
	v4 =	vadd.f32 v60, v55;
	v60 =	vadd.f32 v48, v12  }
0x246: {  	[tilespmem:$0x1C40] =	vst v6;
	v7 =	vmul.f32 v58, v0;
	v6 =	vadd.f32 v30, v52;
	v58 =	vadd.f32 v45, v53  }
0x247: {  	[tilespmem:$0x1CA0] =	vst v5;
	v3 =	vmul.f32 v3, v0;
	v1 =	vadd.f32 v63, v4;
	v62 =	vadd.f32 v54, v60  }
0x248: {  	[tilespmem:$0x1C20] =	vst v42;
	v2 =	vadd.f32 v36, v6;
	v61 =	vadd.f32 v51, v58  }
0x249: {  	[tilespmem:$0x1CB0] =	vst v3;
	v3 =	vadd.f32 v59, v62;
	v1 =	vmul.f32 v1, v0  }
0x24a: {  	[tilespmem:$0x1C60] =	vst v7;
	v2 =	vmul.f32 v2, v0;
	v63 =	vadd.f32 v57, v61  }
0x24b: {  	[tilespmem:$0x1CD0] =	vst v1;
	v1 =	vmul.f32 v3, v0  }
0x24c: {  	[tilespmem:$0x1CC0] =	vst v2;
	v2 =	vmul.f32 v63, v0  }
0x24d: {  	p0 =	sne.s32 s26, $0x3C0;
	[tilespmem:$0x1CF0] =	vst v1  }
.Ltmp0:
0x24e: {  	[tilespmem:$0x1CE0] =	vst v2;
	(pc) =	sbr.rel @p0 .LBB2_2-.Ltmp0, $4  }
0x24f: {  	[hbm4b:s25+s2] =	stream.linear.scatter [tilespmem:s23], [sflag:$0x2], $0x400, $0x38;
	[tilespmem:$0x1D00] =	vst v63  }
0x250: {  	_ =	swait.ge [sflag:s11], $0x400  }
0x251: {  	[sflag:s11] =	ssyncset.done $0x0  }
0x252: {  	s26 =	sadd.s32 $0x40, s26;
	s25 =	sadd.s32 $0x80, s25;
	[sflag:s11] =	ssyncadd.s32 $0xFFFFFC00  }
0x253: {  	s24 =	sadd.s32 $0x1, s24  }
0x254: {  	p0 =	sne.s32 s24, s9  }
.Ltmp1:
0x255: {  	_ = 	snop;
	(pc) =	sbr.rel @p0 .LBB2_1-.Ltmp1, $1  }
0x256: {  	_ =	sdelay $0x3  }
0x257: {  	_ =	sfence.sel $0x180000  }
0x258: {  	[bflag:$0x0] =	sbarrier.arrive $0xFFFF  }
0x259: {  	p0 =	sne.s32 s1, $0x0;
	_ =	strace $0x9000004A  }
0x25a: {  	s0 =	sadd.s32 @!p0 $0x100000, s0;
	[bflag:$0x2] =	sbarrier.arrive $0xFFFF  }
0x25b: {  	[sflag:s0] =	ssyncadd.tile.s32 @!p0 $0x1;
	_ =	shalt  }
.Lfunc_end2:
_tile_overlayer_lowered:
.L_overlay_start_2:
0x25c: {  	(tag) =	ssettag $0x2  }
0x25d: {  	s0 =	rddreg [dreg:$0x0];
	s2 =	stileid.u32  }
0x25e: {  	s1 =	rddreg [dreg:$0x1];
	p0 =	sne.s32 s2, $0x0  }
0x25f: {  	s3 =	rddreg [dreg:$0x2];
	[bflag:$0x3] =	sbarrier.arrive $0xFFFF;
	s2 =	simm.s32 @!p0 $0x1C02  }
0x260: {  	[timem:s3], [sflag:s2] =	dma.local @!p0 [hbm:s0], s1  }
0x261: {  	s0 =	simm.s32 @!p0 $0x2  }
0x262: {  	_ =	swait.ge @!p0 [sflag:s0], s1  }
0x263: {  	s1 =	ssub.s32 @!p0 $0x0, s1;
	[sflag:s0] =	ssyncset.done @!p0 $0x0  }
0x264: {  	[sflag:s0] =	ssyncadd.s32 @!p0 s1  }
0x265: {  	[bflag:$0x3] =	sbarrier.arrive $0xFFFF  }
0x266: {  	_ =	shalt  }

// kernel: kernel.9.cloned.1.call-start
scs
__scs_entry_jumppad:
0x0: {  	(pc) =	sbr.rel $0x88, $3  }
0x1: {  	(tag) =	ssettag $0x0;
	lr =	simm.s32 $0x1  }
0x2: {  	[smem:$0x3F9F] =	sst lr;
	_ =	strace $0xD0000000  }
0x3: {  	_ = 	snop  }
0x4: {  	_ = 	snop  }
0x5: {  	_ = 	snop  }
0x6: {  	_ = 	snop  }
0x7: {  	_ = 	snop  }
__scs_overlays_trampoline_lowered:
0x8: {  	[smem:$0x3FAE] =	sst s0  }
0x9: {  	[smem:$0x3FAF] =	sst s1  }
0xa: {  	[smem:$0x3FB0] =	sst s2  }
0xb: {  	[smem:$0x3FB1] =	sst s3  }
0xc: {  	[smem:$0x3FB2] =	sst s4  }
0xd: {  	[smem:$0x3FB3] =	sst s5  }
0xe: {  	[smem:$0x3FB4] =	sst s6  }
0xf: {  	[smem:$0x3FB5] =	sst s7  }
0x10: {  	[smem:$0x3FB6] =	sst s8  }
0x11: {  	[smem:$0x3FB7] =	sst s9;
	s0 =	simm.s32 @!p0 $0x0  }
0x12: {  	s1 =	sld [smem:$0x3F9D];
	s0 =	simm.s32 @p0 $0x1  }
0x13: {  	[smem:$0x3FB8] =	sst s0;
	s0 =	simm.s32 @!p1 $0x0  }
0x14: {  	s2 =	sld [smem:$0x3F9C];
	s0 =	simm.s32 @p1 $0x1  }
0x15: {  	[smem:$0x3FB9] =	sst s0;
	s0 =	simm.s32 @!p2 $0x0  }
0x16: {  	s3 =	sld [smem:$0x3FDB];
	s0 =	simm.s32 @p2 $0x1  }
0x17: {  	s4 =	simm.s32 $0x1BF5;
	[smem:$0x3FBB] =	sst s0  }
0x18: {  	s0 =	sld [smem:$0x3F9E];
	_ =	swait.ge [sflag:s4], $0x0  }
0x19: {  	s7 =	sld [smem:$0x3F9F]  }
0x1a: {  	s8 =	sadd.s32 $0xFFFFE003, lr  }
0x1b: {  	s9 =	sadd.s32 $0xFFFFFEF7, lr;
	s5 =	simm.s32 $0xFFFFFFFF;
	p2 =	slt.u32 s8, $0xFFFFF086  }
0x1c: {  	p1 =	slt.u32 s9, $0xF7A;
	s5 =	simm.s32 @!p2 $0x0  }
0x1d: {  	s5 =	simm.s32 @p1 $0x1;
	p0 =	seq.s32 s7, s2  }
0x1e: {  	s7 =	smul.u32 @!p0 $0xF7A, s2;
	p2 =	seq.s32 @!p0 s5, $0x0  }
0x1f: {  	s9 =	smul.u32 $0xF7A, s1;
	s8 =	simm.s32 @!p0 $0x1BF5;
	p2 =	por !p2, p0  }
0x20: {  	[sflag:s8] =	ssyncset.s32 @!p0 $0xFFFFF086;
	s6 =	sadd.s32 @!p0 s3, s7;
	s7 =	simm.s32 @!p0 $0x108  }
0x21: {  	s3 =	sadd.s32 s3, s9;
	s6 =	sadd.s32 @!p0 $0x88, s6;
	s7 =	simm.s32 @p2 $0x1082  }
0x22: {  	[simem:s7], [sflag:s8] =	dma.local @!p0 [hbm:s6], $0xF7A  }
0x23: {  	s9 =	sor.u32 $0xD0000000, s2;
	s6 =	simm.s32 $0x108;
	_ =	swait.ge @!p0 [sflag:s8], $0x0  }
0x24: {  	s3 =	sadd.s32 $0x88, s3;
	s6 =	simm.s32 @!p1 $0x1082;
	[sflag:s4] =	ssyncset.s32 $0xFFFFF086  }
0x25: {  	[simem:s6], [sflag:s4] =	dma.local [hbm:s3], $0xF7A  }
0x26: {  	[smem:$0x3F9F] =	sst s1;
	(tag) =	ssettag s2;
	_ =	strace s9  }
0x27: {  	s1 =	sld [smem:$0x3FAF]  }
0x28: {  	s2 =	sld [smem:$0x3FB0]  }
0x29: {  	s4 =	sld [smem:$0x3FB2]  }
0x2a: {  	p0 =	seq.s32 s5, $0x0;
	s5 =	sld [smem:$0x3FB3]  }
0x2b: {  	s6 =	sld [smem:$0x3FB4]  }
0x2c: {  	s7 =	sld [smem:$0x3FB5]  }
0x2d: {  	s3 =	simm.s32 $0x108;
	s8 =	sld [smem:$0x3FB6]  }
0x2e: {  	s3 =	simm.s32 @!p0 $0x1082;
	s9 =	sld [smem:$0x3FB7]  }
0x2f: {  	lr =	sadd.s32 s0, s3;
	s0 =	sld [smem:$0x3FAE]  }
0x30: {  	s3 =	sld [smem:$0x3FB1]  }
0x31: {  	[smem:$0x3FBA] =	sst s10  }
0x32: {  	s10 =	sld [smem:$0x3FB8];
	_ =	sdelay $0x3  }
0x33: {  	p0 =	seq.s32 s10, $0x1;
	s10 =	sld [smem:$0x3FBA];
	_ =	sdelay $0x3  }
0x34: {  	[smem:$0x3FBA] =	sst s10  }
0x35: {  	s10 =	sld [smem:$0x3FB9];
	_ =	sdelay $0x3  }
0x36: {  	p1 =	seq.s32 s10, $0x1;
	s10 =	sld [smem:$0x3FBA];
	_ =	sdelay $0x3  }
0x37: {  	[smem:$0x3FBA] =	sst s10  }
0x38: {  	s10 =	sld [smem:$0x3FBB]  }
0x39: {  	_ = 	snop;
	(pc) =	sbr.ind lr, $3  }
0x3a: {  	_ = 	snop  }
0x3b: {  	_ = 	snop  }
0x3c: {  	p2 =	seq.s32 s10, $0x1;
	s10 =	sld [smem:$0x3FBA]  }
0x3d: {  	_ =	shalt  }
0x3e: {  	_ =	shalt  }
0x3f: {  	_ =	shalt  }
0x40: {  	_ =	shalt  }
0x41: {  	_ =	shalt  }
0x42: {  	_ =	shalt  }
0x43: {  	_ =	shalt  }
0x44: {  	_ =	shalt  }
0x45: {  	_ =	shalt  }
0x46: {  	_ =	shalt  }
0x47: {  	_ =	shalt  }
0x48: {  	_ =	shalt  }
0x49: {  	_ =	shalt  }
0x4a: {  	_ =	shalt  }
0x4b: {  	_ =	shalt  }
0x4c: {  	_ =	shalt  }
0x4d: {  	_ =	shalt  }
0x4e: {  	_ =	shalt  }
0x4f: {  	_ =	shalt  }
0x50: {  	_ =	shalt  }
0x51: {  	_ =	shalt  }
0x52: {  	_ =	shalt  }
0x53: {  	_ =	shalt  }
0x54: {  	_ =	shalt  }
0x55: {  	_ =	shalt  }
0x56: {  	_ =	shalt  }
0x57: {  	_ =	shalt  }
0x58: {  	_ =	shalt  }
0x59: {  	_ =	shalt  }
0x5a: {  	_ =	shalt  }
0x5b: {  	_ =	shalt  }
0x5c: {  	_ =	shalt  }
0x5d: {  	_ =	shalt  }
0x5e: {  	_ =	shalt  }
0x5f: {  	_ =	shalt  }
0x60: {  	_ =	shalt  }
0x61: {  	_ =	shalt  }
0x62: {  	_ =	shalt  }
0x63: {  	_ =	shalt  }
0x64: {  	_ =	shalt  }
0x65: {  	_ =	shalt  }
0x66: {  	_ =	shalt  }
0x67: {  	_ =	shalt  }
0x68: {  	_ =	shalt  }
0x69: {  	_ =	shalt  }
0x6a: {  	_ =	shalt  }
0x6b: {  	_ =	shalt  }
0x6c: {  	_ =	shalt  }
0x6d: {  	_ =	shalt  }
0x6e: {  	_ =	shalt  }
0x6f: {  	_ =	shalt  }
0x70: {  	_ =	shalt  }
0x71: {  	_ =	shalt  }
0x72: {  	_ =	shalt  }
0x73: {  	_ =	shalt  }
0x74: {  	_ =	shalt  }
0x75: {  	_ =	shalt  }
0x76: {  	_ =	shalt  }
0x77: {  	_ =	shalt  }
0x78: {  	_ =	shalt  }
0x79: {  	_ =	shalt  }
0x7a: {  	_ =	shalt  }
0x7b: {  	_ =	shalt  }
0x7c: {  	_ =	shalt  }
0x7d: {  	_ =	shalt  }
0x7e: {  	_ =	shalt  }
0x7f: {  	_ =	shalt  }
0x80: {  	_ =	shalt  }
0x81: {  	_ =	shalt  }
0x82: {  	_ =	shalt  }
0x83: {  	_ =	shalt  }
0x84: {  	_ =	shalt  }
0x85: {  	_ =	shalt  }
0x86: {  	_ =	shalt  }
0x87: {  	_ =	shalt  }
.Lfunc_end0:
.L_simem_size_0:
called_computation_lowered:
.L_overlay_start_0:
0x88: {  	s2 =	sld [smem:$0x3FD9]  }
0x89: {  	s3 =	sld [smem:$0x3FFE];
	_ =	sdelay $0x1  }
0x8a: {  	s1 =	srdreg.scid  }
0x8b: {  	s0 =	sand.u32 $0x1, s1  }
0x8c: {  	s14 =	sshll.u32 s0, $0xA;
	s2 =	sadd.s32 s3, s2  }
0x8d: {  	s2 =	sadd.s32 s2, s14  }
0x8e: {  	[smem:$0x3FC6] =	sst s2  }
0x8f: {  	_ = 	snop  }
0x90: {  	s2 =	sld [smem:$0x3FD0];
	_ =	sdelay $0x2  }
0x91: {  	s15 =	simm.s32 $0xA;
	s4 =	simm.s32 $0x10  }
0x92: {  	[smem:s4], [sflag:s15] =	dma.local [hbm:s2], $0x1  }
0x93: {  	_ =	swait.eq [sflag:s15], $0x1  }
0x94: {  	[sflag:s15] =	ssyncset.done $0x0  }
0x95: {  	[sflag:s15] =	ssyncadd.s32 $0xFFFFFFFF  }
0x96: {  	s16 =	sld [smem:$0x11];
	(tm) =	ssettm $0x1  }
0x97: {  	s17 =	sld [smem:$0x3FFB];
	_ =	sdelay $0x3  }
0x98: {  	_ =	strace s17  }
0x99: {  	s3 =	sld [smem:$0x3FFC];
	_ =	sdelay $0x3  }
0x9a: {  	_ =	strace s3  }
0x9b: {  	s3 =	sld [smem:$0x3FFD];
	_ =	sdelay $0x3  }
0x9c: {  	_ =	strace s3  }
0x9d: {  	_ =	strace $0x8FFFFFFF  }
0x9e: {  	s18 =	sld [smem:$0x3FDB];
	_ =	sdelay $0x1  }
0x9f: {  	s19 =	simm.s32 $_scs_section_size  }
0xa0: {  	s5 =	simm.s32 $_size__tile_overlayer_lowered;
	s6 =	simm.s32 $_tile_overlayer_lowered  }
0xa1: {  	s22 =	simm.s32 $0x1BFF;
	s21 =	sshll.u32 s6, $0x1;
	s3 =	sadd.s32 s19, s18  }
0xa2: {  	s7 =	simm.s32 $0x0;
	s20 =	sshll.u32 s5, $0x1;
	s5 =	sadd.s32 s21, s3  }
0xa3: {  	[timem:s7], [sflag:s22] =	dma.local [hbm:s5], s20  }
0xa4: {  	_ =	swait.ge [sflag:s22], s20  }
0xa5: {  	s4 =	ssub.s32 $0x0, s20;
	[sflag:s22] =	ssyncset.done $0x0  }
0xa6: {  	[sflag:s22] =	ssyncadd.s32 s4;
	_ =	sdelay $0x1  }
0xa7: {  	s23 =	simm.s32 $0x1B8B  }
0xa8: {  	_ =	swait.ge [sflag:s23], $0x1  }
0xa9: {  	[sflag:s23] =	ssyncset.done $0x0  }
0xaa: {  	s25 =	simm.s32 $0x1B8E;
	s24 =	sld [smem:$0x3FFE];
	[sflag:s23] =	ssyncadd.s32 $0xFFFFFFFF  }
0xab: {  	s26 =	simm.s32 $execute0_lowered;
	[smem:$0x3FD2] =	sst s25  }
0xac: {  	s5 =	sshll.u32 s26, $0x1;
	_ =	strace $0x80000046;
	[dreg:$0x1] =	wrdreg $0xFFFFFFFF  }
0xad: {  	s28 =	simm.s32 $_size_execute0_lowered;
	s3 =	sadd.s32 s3, s5;
	[dreg:$0x0] =	wrdreg $0x0  }
0xae: {  	s5 =	sshll.u32 s28, $0x1;
	[dreg:$0x2] =	wrdreg s3  }
0xaf: {  	[dreg:$0x3] =	wrdreg s5  }
0xb0: {  	[dreg:$0x4] =	wrdreg $0xC0  }
0xb1: {  	_ =	task [dreg:s7], $0x5FFFF  }
0xb2: {  	[dreg:$0x1] =	wrdreg $0xFFFFFFFF  }
0xb3: {  	[dreg:$0x0] =	wrdreg $0x60  }
0xb4: {  	[dreg:$0x2] =	wrdreg s24  }
0xb5: {  	[dreg:$0x3] =	wrdreg s16  }
0xb6: {  	[dreg:$0x4] =	wrdreg $0x9  }
0xb7: {  	_ =	task.clear_ibuf [dreg:s7], $0x5FFFF;
	_ =	strace $0x90000046  }
0xb8: {  	s29 =	simm.s32 $0x9;
	_ =	strace $0x80000048  }
0xb9: {  	_ =	swait.ge [sflag:s29], $0x1  }
0xba: {  	[sflag:s29] =	ssyncadd.s32 $0xFFFFFFFF  }
0xbb: {  	_ =	strace $0x90000048  }
0xbc: {  	_ =	sfence  }
0xbd: {  	s30 =	sld [smem:$0x0];
	_ =	sdelay $0x2  }
0xbe: {  	s31 =	sshll.u32 s1, $0xD;
	s1 =	sshrl.u32 s1, $0x2  }
0xbf: {  	s3 =	sand.u32 $0x4000, s31;
	s1 =	sadd.s32 s1, s30  }
0xc0: {  	s0 =	sor.u32 s3, s0;
	s1 =	sshll.u32 s1, $0x11  }
0xc1: {  	s0 =	sor.u32 s1, s0  }
0xc2: {  	s0 =	sadd.s32 $0x8F2B, s0  }
0xc3: {  	[sflag:s0] =	ssyncadd.remote.s32 $0x1  }
0xc4: {  	_ =	sfence.sel $0xFFFF  }
0xc5: {  	[dreg:$0x0] =	wrdreg $0xFFFFFFFF;
	(pc) =	sbr.abs _section_cstart, $3  }
0xc6: {  	[dreg:$0x1] =	wrdreg $0xFFFFFFFF  }
0xc7: {  	_ =	task.clear_ibuf [dreg:s7], $0x2FFFF;
	_ =	strace $0x9FFFFFFF  }
0xc8: {  	(tm) =	ssettm $0x7FFFFFFF  }
0xc9: {  	_ =	shalt  }
tec
execute0_lowered:
.L_overlay_start_1:
0x0: {  	(tag) =	ssettag $0x1  }
0x1: {  	s1 =	srdreg.scid  }
0x2: {  	s16 =	rddreg [dreg:$0x0];
	s0 =	stileid.u32;
	s20 =	sand.u32 $0x1, s1  }
0x3: {  	s2 =	rddreg [dreg:$0x1];
	s4 =	sshll.u32 s0, $0xA;
	s5 =	sshll.u32 s20, $0x9  }
0x4: {  	s3 =	simm.s32 $0x0;
	s1 =	rddreg [dreg:$0x2];
	s17 =	sor.u32 s5, s4  }
0x5: {  	[smem:$0x7FF] =	sst s3;
	s12 =	sadd.s32 $0xE00, s16;
	s4 =	sshrl.u32 s17, $0x3  }
0x6: {  	_ =	strace $0x80000047;
	s5 =	sadd.s32 s12, s4;
	s4 =	simm.s32 $0x2  }
0x7: {  	[tilespmem:s3], [sflag:$0x2] =	stream.linear.gather [hbm4b:s5+s3], $0x200, $0x38;
	[tilespmem:$0x2A00] =	vst v63  }
0x8: {  	s18 =	sor.u32 $0x4000, s17;
	_ =	swait.ge [sflag:s4], $0x200  }
0x9: {  	s6 =	sshrl.u32 s18, $0x3;
	[sflag:s4] =	ssyncset.done $0x0  }
0xa: {  	s7 =	simm.s32 $0x200;
	s6 =	sadd.s32 s12, s6;
	[sflag:s4] =	ssyncadd.s32 $0xFFFFFE00  }
0xb: {  	[tilespmem:s7], [sflag:$0x2] =	stream.linear.gather [hbm4b:s6+s3], $0x200, $0x38;
	[tilespmem:$0x2A00] =	vst v63  }
0xc: {  	s19 =	sor.u32 $0x8000, s17;
	_ =	swait.ge [sflag:s4], $0x200  }
0xd: {  	s8 =	sshrl.u32 s19, $0x3;
	[sflag:s4] =	ssyncset.done $0x0  }
0xe: {  	s9 =	simm.s32 $0x400;
	s8 =	sadd.s32 s12, s8;
	[sflag:s4] =	ssyncadd.s32 $0xFFFFFE00  }
0xf: {  	[tilespmem:s9], [sflag:$0x2] =	stream.linear.gather [hbm4b:s8+s3], $0x200, $0x38;
	[tilespmem:$0x2A00] =	vst v63  }
0x10: {  	s21 =	sor.u32 $0xC000, s17;
	_ =	swait.ge [sflag:s4], $0x200  }
0x11: {  	s10 =	sshrl.u32 s21, $0x3;
	[sflag:s4] =	ssyncset.done $0x0  }
0x12: {  	s11 =	simm.s32 $0x600;
	s10 =	sadd.s32 s12, s10;
	[sflag:s4] =	ssyncadd.s32 $0xFFFFFE00  }
0x13: {  	[tilespmem:s11], [sflag:$0x2] =	stream.linear.gather [hbm4b:s10+s3], $0x200, $0x38;
	[tilespmem:$0x2A00] =	vst v63  }
0x14: {  	s22 =	sor.u32 $0x10000, s17;
	_ =	swait.ge [sflag:s4], $0x200  }
0x15: {  	s13 =	sshrl.u32 s22, $0x3;
	[sflag:s4] =	ssyncset.done $0x0  }
0x16: {  	s12 =	sadd.s32 s12, s13;
	s13 =	simm.s32 $0x800;
	[sflag:s4] =	ssyncadd.s32 $0xFFFFFE00  }
0x17: {  	[tilespmem:s13], [sflag:$0x2] =	stream.linear.gather [hbm4b:s12+s3], $0x200, $0x38;
	[tilespmem:$0x2A00] =	vst v63  }
0x18: {  	_ =	swait.ge [sflag:s4], $0x200  }
0x19: {  	[sflag:s4] =	ssyncset.done $0x0  }
0x1a: {  	s14 =	simm.s32 $0xA00;
	s15 =	simm.s32 $0x1;
	[sflag:s4] =	ssyncadd.s32 $0xFFFFFE00  }
0x1b: {  	[tilespmem:s14], [sflag:$0x1] =	stream.indirect.gather [hbm4b:s2+s7], $0x10, s3, s7, $0xb8;
	[tilespmem:$0x2A00] =	vst v63  }
0x1c: {  	_ =	swait.ge [sflag:s15], $0x2000  }
0x1d: {  	s23 =	sadd.s32 $0x3600, s16;
	s25 =	sshll.u32 s17, $0x1;
	[sflag:s15] =	ssyncset.done $0x0  }
0x1e: {  	s16 =	sadd.s32 s23, s25;
	[sflag:s15] =	ssyncadd.s32 $0xFFFFE000  }
0x1f: {  	[hbm4b:s16+s3] =	stream.linear.scatter [tilespmem:s14], [sflag:$0x2], $0x2000, $0x38;
	[tilespmem:$0x2A00] =	vst v63  }
0x20: {  	_ =	swait.ge [sflag:s4], $0x2000  }
0x21: {  	[sflag:s4] =	ssyncset.done $0x0  }
0x22: {  	[sflag:s4] =	ssyncadd.s32 $0xFFFFE000  }
0x23: {  	[tilespmem:s14], [sflag:$0x1] =	stream.indirect.gather [hbm4b:s2+s7], $0x10, s7, s7, $0xb8;
	[tilespmem:$0x2A00] =	vst v63  }
0x24: {  	_ =	swait.ge [sflag:s15], $0x2000  }
0x25: {  	s26 =	sshll.u32 s18, $0x1;
	[sflag:s15] =	ssyncset.done $0x0  }
0x26: {  	s17 =	sadd.s32 s23, s26;
	[sflag:s15] =	ssyncadd.s32 $0xFFFFE000  }
0x27: {  	[hbm4b:s17+s3] =	stream.linear.scatter [tilespmem:s14], [sflag:$0x2], $0x2000, $0x38;
	[tilespmem:$0x2A00] =	vst v63  }
0x28: {  	_ =	swait.ge [sflag:s4], $0x2000  }
0x29: {  	[sflag:s4] =	ssyncset.done $0x0  }
0x2a: {  	[sflag:s4] =	ssyncadd.s32 $0xFFFFE000  }
0x2b: {  	[tilespmem:s14], [sflag:$0x1] =	stream.indirect.gather [hbm4b:s2+s7], $0x10, s9, s7, $0xb8;
	[tilespmem:$0x2A00] =	vst v63  }
0x2c: {  	_ =	swait.ge [sflag:s15], $0x2000  }
0x2d: {  	s28 =	sshll.u32 s19, $0x1;
	[sflag:s15] =	ssyncset.done $0x0  }
0x2e: {  	s18 =	sadd.s32 s23, s28;
	[sflag:s15] =	ssyncadd.s32 $0xFFFFE000  }
0x2f: {  	[hbm4b:s18+s3] =	stream.linear.scatter [tilespmem:s14], [sflag:$0x2], $0x2000, $0x38;
	[tilespmem:$0x2A00] =	vst v63  }
0x30: {  	_ =	swait.ge [sflag:s4], $0x2000  }
0x31: {  	[sflag:s4] =	ssyncset.done $0x0  }
0x32: {  	[sflag:s4] =	ssyncadd.s32 $0xFFFFE000  }
0x33: {  	[tilespmem:s14], [sflag:$0x1] =	stream.indirect.gather [hbm4b:s2+s7], $0x10, s11, s7, $0xb8;
	[tilespmem:$0x2A00] =	vst v63  }
0x34: {  	_ =	swait.ge [sflag:s15], $0x2000  }
0x35: {  	s29 =	sshll.u32 s21, $0x1;
	[sflag:s15] =	ssyncset.done $0x0  }
0x36: {  	s20 =	ssub.s32 $0x2, s20;
	s19 =	sadd.s32 s23, s29;
	[sflag:s15] =	ssyncadd.s32 $0xFFFFE000  }
0x37: {  	[hbm4b:s19+s3] =	stream.linear.scatter [tilespmem:s14], [sflag:$0x2], $0x2000, $0x38;
	[tilespmem:$0x2A00] =	vst v63  }
0x38: {  	s30 =	sshrl.u32 s20, $0x1;
	_ =	swait.ge [sflag:s4], $0x2000  }
0x39: {  	s21 =	ssub.s32 s20, s30;
	[sflag:s4] =	ssyncset.done $0x0  }
0x3a: {  	s21 =	smax.u32 s21, $0x1;
	[sflag:s4] =	ssyncadd.s32 $0xFFFFE000  }
0x3b: {  	[tilespmem:s14], [sflag:$0x1] =	stream.indirect.gather [hbm4b:s2+s7], $0x10, s13, s7, $0xb8;
	[tilespmem:$0x2A00] =	vst v63  }
0x3c: {  	p0 =	sne.s32 s21, $0x1;
	_ =	swait.ge [sflag:s15], $0x2000  }
.Ltmp0:
0x3d: {  	s31 =	sshll.u32 s22, $0x1;
	[sflag:s15] =	ssyncset.done $0x0;
	(pc) =	sbr.rel @!p0 .LBB2_2-.Ltmp0, $4  }
0x3e: {  	s20 =	sadd.s32 s23, s31;
	[sflag:s15] =	ssyncadd.s32 $0xFFFFE000  }
0x3f: {  	[hbm4b:s20+s3] =	stream.linear.scatter [tilespmem:s14], [sflag:$0x2], $0x2000, $0x38;
	[tilespmem:$0x2A00] =	vst v63  }
0x40: {  	_ =	swait.ge [sflag:s4], $0x2000  }
0x41: {  	s21 =	sadd.s32 $0xFFFFFFFF, s21;
	[sflag:s4] =	ssyncset.done $0x0  }
.LBB2_1:
0x42: {  	p0 =	sne.s32 s21, $0x1;
	s21 =	sadd.s32 $0xFFFFFFFF, s21;
	[sflag:s4] =	ssyncadd.s32 $0xFFFFE000  }
0x43: {  	[tilespmem:s3], [sflag:$0x2] =	stream.linear.gather [hbm4b:s5+s3], $0x200, $0x38;
	[tilespmem:$0x2A00] =	vst v63  }
0x44: {  	_ =	swait.ge [sflag:s4], $0x200  }
0x45: {  	[sflag:s4] =	ssyncset.done $0x0  }
0x46: {  	[sflag:s4] =	ssyncadd.s32 $0xFFFFFE00  }
0x47: {  	[tilespmem:s7], [sflag:$0x2] =	stream.linear.gather [hbm4b:s6+s3], $0x200, $0x38;
	[tilespmem:$0x2A00] =	vst v63  }
0x48: {  	_ =	swait.ge [sflag:s4], $0x200  }
0x49: {  	[sflag:s4] =	ssyncset.done $0x0  }
0x4a: {  	[sflag:s4] =	ssyncadd.s32 $0xFFFFFE00  }
0x4b: {  	[tilespmem:s9], [sflag:$0x2] =	stream.linear.gather [hbm4b:s8+s3], $0x200, $0x38;
	[tilespmem:$0x2A00] =	vst v63  }
0x4c: {  	_ =	swait.ge [sflag:s4], $0x200  }
0x4d: {  	[sflag:s4] =	ssyncset.done $0x0  }
0x4e: {  	[sflag:s4] =	ssyncadd.s32 $0xFFFFFE00  }
0x4f: {  	[tilespmem:s11], [sflag:$0x2] =	stream.linear.gather [hbm4b:s10+s3], $0x200, $0x38;
	[tilespmem:$0x2A00] =	vst v63  }
0x50: {  	_ =	swait.ge [sflag:s4], $0x200  }
0x51: {  	[sflag:s4] =	ssyncset.done $0x0  }
0x52: {  	[sflag:s4] =	ssyncadd.s32 $0xFFFFFE00  }
0x53: {  	[tilespmem:s13], [sflag:$0x2] =	stream.linear.gather [hbm4b:s12+s3], $0x200, $0x38;
	[tilespmem:$0x2A00] =	vst v63  }
0x54: {  	_ =	swait.ge [sflag:s4], $0x200  }
0x55: {  	[sflag:s4] =	ssyncset.done $0x0  }
0x56: {  	[sflag:s4] =	ssyncadd.s32 $0xFFFFFE00  }
0x57: {  	[tilespmem:s14], [sflag:$0x1] =	stream.indirect.gather [hbm4b:s2+s7], $0x10, s3, s7, $0xb8;
	[tilespmem:$0x2A00] =	vst v63  }
0x58: {  	_ =	swait.ge [sflag:s15], $0x2000  }
0x59: {  	[sflag:s15] =	ssyncset.done $0x0  }
0x5a: {  	[sflag:s15] =	ssyncadd.s32 $0xFFFFE000  }
0x5b: {  	[hbm4b:s16+s3] =	stream.linear.scatter [tilespmem:s14], [sflag:$0x2], $0x2000, $0x38;
	[tilespmem:$0x2A00] =	vst v63  }
0x5c: {  	_ =	swait.ge [sflag:s4], $0x2000  }
0x5d: {  	[sflag:s4] =	ssyncset.done $0x0  }
0x5e: {  	[sflag:s4] =	ssyncadd.s32 $0xFFFFE000  }
0x5f: {  	[tilespmem:s14], [sflag:$0x1] =	stream.indirect.gather [hbm4b:s2+s7], $0x10, s7, s7, $0xb8;
	[tilespmem:$0x2A00] =	vst v63  }
0x60: {  	_ =	swait.ge [sflag:s15], $0x2000  }
0x61: {  	[sflag:s15] =	ssyncset.done $0x0  }
0x62: {  	[sflag:s15] =	ssyncadd.s32 $0xFFFFE000  }
0x63: {  	[hbm4b:s17+s3] =	stream.linear.scatter [tilespmem:s14], [sflag:$0x2], $0x2000, $0x38;
	[tilespmem:$0x2A00] =	vst v63  }
0x64: {  	_ =	swait.ge [sflag:s4], $0x2000  }
0x65: {  	[sflag:s4] =	ssyncset.done $0x0  }
0x66: {  	[sflag:s4] =	ssyncadd.s32 $0xFFFFE000  }
0x67: {  	[tilespmem:s14], [sflag:$0x1] =	stream.indirect.gather [hbm4b:s2+s7], $0x10, s9, s7, $0xb8;
	[tilespmem:$0x2A00] =	vst v63  }
0x68: {  	_ =	swait.ge [sflag:s15], $0x2000  }
0x69: {  	[sflag:s15] =	ssyncset.done $0x0  }
0x6a: {  	[sflag:s15] =	ssyncadd.s32 $0xFFFFE000  }
0x6b: {  	[hbm4b:s18+s3] =	stream.linear.scatter [tilespmem:s14], [sflag:$0x2], $0x2000, $0x38;
	[tilespmem:$0x2A00] =	vst v63  }
0x6c: {  	_ =	swait.ge [sflag:s4], $0x2000  }
0x6d: {  	[sflag:s4] =	ssyncset.done $0x0  }
0x6e: {  	[sflag:s4] =	ssyncadd.s32 $0xFFFFE000  }
0x6f: {  	[tilespmem:s14], [sflag:$0x1] =	stream.indirect.gather [hbm4b:s2+s7], $0x10, s11, s7, $0xb8;
	[tilespmem:$0x2A00] =	vst v63  }
0x70: {  	_ =	swait.ge [sflag:s15], $0x2000  }
0x71: {  	[sflag:s15] =	ssyncset.done $0x0  }
0x72: {  	[sflag:s15] =	ssyncadd.s32 $0xFFFFE000  }
0x73: {  	[hbm4b:s19+s3] =	stream.linear.scatter [tilespmem:s14], [sflag:$0x2], $0x2000, $0x38;
	[tilespmem:$0x2A00] =	vst v63  }
0x74: {  	_ =	swait.ge [sflag:s4], $0x2000  }
0x75: {  	[sflag:s4] =	ssyncset.done $0x0  }
0x76: {  	[sflag:s4] =	ssyncadd.s32 $0xFFFFE000  }
0x77: {  	[tilespmem:s14], [sflag:$0x1] =	stream.indirect.gather [hbm4b:s2+s7], $0x10, s13, s7, $0xb8;
	[tilespmem:$0x2A00] =	vst v63  }
0x78: {  	_ =	swait.ge [sflag:s15], $0x2000  }
.Ltmp1:
0x79: {  	[sflag:s15] =	ssyncset.done $0x0;
	(pc) =	sbr.rel @p0 .LBB2_1-.Ltmp1, $4  }
0x7a: {  	[sflag:s15] =	ssyncadd.s32 $0xFFFFE000  }
0x7b: {  	[hbm4b:s20+s3] =	stream.linear.scatter [tilespmem:s14], [sflag:$0x2], $0x2000, $0x38;
	[tilespmem:$0x2A00] =	vst v63  }
0x7c: {  	_ =	swait.ge [sflag:s4], $0x2000  }
0x7d: {  	[sflag:s4] =	ssyncset.done $0x0  }
.LBB2_2:
0x7e: {  	[sflag:s4] =	ssyncadd.s32 $0xFFFFE000  }
0x7f: {  	_ =	sfence.sel $0x180000  }
0x80: {  	[bflag:$0x0] =	sbarrier.arrive $0xFFFF  }
0x81: {  	p0 =	sne.s32 s0, $0x0;
	_ =	strace $0x90000047  }
0x82: {  	s0 =	sadd.s32 @!p0 $0x100000, s1;
	[bflag:$0x2] =	sbarrier.arrive $0xFFFF  }
0x83: {  	[sflag:s0] =	ssyncadd.tile.s32 @!p0 $0x1;
	_ =	shalt  }
.Lfunc_end2:
_tile_overlayer_lowered:
.L_overlay_start_2:
0x84: {  	(tag) =	ssettag $0x2  }
0x85: {  	s0 =	rddreg [dreg:$0x0];
	s2 =	stileid.u32  }
0x86: {  	s1 =	rddreg [dreg:$0x1];
	p0 =	sne.s32 s2, $0x0  }
0x87: {  	s3 =	rddreg [dreg:$0x2];
	[bflag:$0x3] =	sbarrier.arrive $0xFFFF;
	s2 =	simm.s32 @!p0 $0x1C02  }
0x88: {  	[timem:s3], [sflag:s2] =	dma.local @!p0 [hbm:s0], s1  }
0x89: {  	s0 =	simm.s32 @!p0 $0x2  }
0x8a: {  	_ =	swait.ge @!p0 [sflag:s0], s1  }
0x8b: {  	s1 =	ssub.s32 @!p0 $0x0, s1;
	[sflag:s0] =	ssyncset.done @!p0 $0x0  }
0x8c: {  	[sflag:s0] =	ssyncadd.s32 @!p0 s1  }
0x8d: {  	[bflag:$0x3] =	sbarrier.arrive $0xFFFF  }
0x8e: {  	_ =	shalt  }

</sc_bundles>
